<compile_context>
chip_gen: v7x
topology: tpu7x:2x2x1
jax: 0.10.2.dev20260603
libtpu: 0.0.44.dev20260713+nightly
codegen_flags: <defaults>
</compile_context>

<pallas_src>
import functools

import jax
import jax.numpy as jnp
from jax import lax
from jax.experimental import pallas as pl
from jax.experimental.pallas import tpu as pltpu
from jax.experimental.pallas import tpu_sc as plsc

B, S, H = 4, 2048, 768
D, U = 50, 32
N = B * S
INNER = 4 * H

NC, NS = 2, 16
NW = NC * NS

WG = 64
XCH = 128
XG = 5 * XCH


def _sc_words_body(wtab, wids, words_out, widx_v, wbuf, sem_w, sem_o):
    c = lax.axis_index("c")
    s = lax.axis_index("s")
    wid = s * NC + c
    tpw = wids.shape[0] // NW
    wbase = wid * tpw
    ng = tpw // WG

    def li(g, slot):
        pltpu.sync_copy(wids.at[pl.ds(wbase + g * WG, WG)], widx_v.at[slot])

    def fire(slot):
        return pltpu.async_copy(wtab.at[widx_v.at[slot]], wbuf.at[slot], sem_w)

    def put(g, slot):
        return pltpu.async_copy(wbuf.at[slot],
                                words_out.at[pl.ds(wbase + g * WG, WG)], sem_o)

    li(0, 0)
    h = [fire(0), None]
    li(1, 1)
    h[1] = fire(1)
    tail = []
    for g in range(ng):
        slot = g % 2
        h[slot].wait()
        p = put(g, slot)
        if g + 2 < ng:
            li(g + 2, slot)
            p.wait()
            h[slot] = fire(slot)
        else:
            tail.append(p)
    for p in tail:
        p.wait()


def _sc_words(word_emb, wids):
    mesh = plsc.VectorSubcoreMesh(core_axis_name="c", subcore_axis_name="s")
    f = pl.kernel(
        _sc_words_body,
        out_type=jax.ShapeDtypeStruct((wids.shape[0], H), jnp.float32),
        mesh=mesh,
        scratch_types=[
            pltpu.VMEM((2, WG), jnp.int32),
            pltpu.VMEM((2, WG, H), jnp.float32),
            pltpu.SemaphoreType.DMA,
            pltpu.SemaphoreType.DMA,
        ],
    )
    return f(word_emb, wids)


def _sc_xpath_body(tag_t, tag_i, sub_t, sub_i, xp_out,
                   tix, six, tbuf, sbuf, sem_t, sem_s, sem_o):
    c = lax.axis_index("c")
    s = lax.axis_index("s")
    wid = s * NC + c
    ipw = tag_i.shape[0] // NW
    xbase = wid * ipw
    ng = ipw // XG
    npair = ng // 2

    def li(g, slot):
        o0 = xbase + g * XG
        pltpu.sync_copy(tag_i.at[pl.ds(o0, XG)], tix.at[slot])
        pltpu.sync_copy(sub_i.at[pl.ds(o0, XG)], six.at[slot])

    def fire(slot):
        for k in range(XG // XCH):
            sl = pl.ds(k * XCH, XCH)
            pltpu.async_copy(tag_t.at[tix.at[slot, sl]], tbuf.at[slot, sl], sem_t)
            pltpu.async_copy(sub_t.at[six.at[slot, sl]], sbuf.at[slot, sl], sem_s)

    def drain_gathers(slot):
        for k in range(XG // XCH):
            sl = pl.ds(k * XCH, XCH)
            pltpu.make_async_copy(tag_t.at[tix.at[slot, sl]], tbuf.at[slot, sl], sem_t).wait()
            pltpu.make_async_copy(sub_t.at[six.at[slot, sl]], sbuf.at[slot, sl], sem_s).wait()

    def adds(slot):
        @plsc.parallel_loop(0, XG, step=1, unroll=8)
        def add_body(i):
            tbuf[slot, i, pl.ds(0, 16)] = (tbuf[slot, i, pl.ds(0, 16)]
                                           + sbuf[slot, i, pl.ds(0, 16)])
            tbuf[slot, i, pl.ds(16, 16)] = (tbuf[slot, i, pl.ds(16, 16)]
                                            + sbuf[slot, i, pl.ds(16, 16)])

    def put(g, slot):
        pltpu.async_copy(tbuf.at[slot], xp_out.at[pl.ds(xbase + g * XG, XG)], sem_o)

    def drain_put(g, slot):
        pltpu.make_async_copy(tbuf.at[slot],
                              xp_out.at[pl.ds(xbase + g * XG, XG)], sem_o).wait()

    li(0, 0)
    fire(0)
    li(1, 1)
    fire(1)

    def pair(p, carry):
        g0 = 2 * p
        for slot in range(2):
            g = g0 + slot
            drain_gathers(slot)
            adds(slot)
            put(g, slot)
            li(g + 2, slot)
            drain_put(g, slot)
            fire(slot)
        return carry

    lax.fori_loop(0, npair - 1, pair, 0)

    for slot in range(2):
        g = ng - 2 + slot
        drain_gathers(slot)
        adds(slot)
        put(g, slot)
    for slot in range(2):
        drain_put(ng - 2 + slot, slot)


def _sc_xpath(tag_t, tag_i, sub_t, sub_i):
    mesh = plsc.VectorSubcoreMesh(core_axis_name="c", subcore_axis_name="s")
    f = pl.kernel(
        _sc_xpath_body,
        out_type=jax.ShapeDtypeStruct((tag_i.shape[0], U), jnp.float32),
        mesh=mesh,
        scratch_types=[
            pltpu.VMEM((2, XG), jnp.int32),
            pltpu.VMEM((2, XG), jnp.int32),
            pltpu.VMEM((2, XG, U), jnp.float32),
            pltpu.VMEM((2, XG, U), jnp.float32),
            pltpu.SemaphoreType.DMA,
            pltpu.SemaphoreType.DMA,
            pltpu.SemaphoreType.DMA,
        ],
        compiler_params=pltpu.CompilerParams(use_tc_tiling_on_sc=False),
    )
    return f(tag_t, tag_i, sub_t, sub_i)


def _tc_body(xp, words, pos, te, wi, bi, wie, bie, w1, b1, w2, b2,
             g, bb, out):
    x = xp[...]
    h = jnp.dot(x, wi[...], preferred_element_type=jnp.float32) + bi[...]
    h = jnp.maximum(h, 0.0).astype(jnp.bfloat16)
    xe = jnp.dot(h, wie[...], preferred_element_type=jnp.float32) + bie[...]
    t = jnp.maximum(jnp.dot(xe.astype(jnp.bfloat16), w1[...],
                            preferred_element_type=jnp.float32) + b1[...], 0.0)
    t = jnp.dot(t.astype(jnp.bfloat16), w2[...],
                preferred_element_type=jnp.float32) + b2[...]
    e = words[...] + pos[...] + te[0:1, :] + t
    m = jnp.mean(e, axis=-1, keepdims=True)
    v = jnp.mean((e - m) ** 2, axis=-1, keepdims=True)
    out[...] = (e - m) / jnp.sqrt(v + 1e-12) * g[...] + bb[...]


def _tc_fused(xp, words, pos_emb, type_emb, wi, bi, wie, bie,
              w1, b1, w2, b2, g, bb):
    TB = 512
    ntok = xp.shape[0]
    grid = (ntok // TB,)
    im_tok = lambda i: (i, 0)
    im_pos = lambda i: (i % (S // TB), 0)
    im0 = lambda i: (0, 0)
    return pl.pallas_call(
        _tc_body,
        grid=grid,
        in_specs=[
            pl.BlockSpec((TB, D * U), im_tok),
            pl.BlockSpec((TB, H), im_tok),
            pl.BlockSpec((TB, H), im_pos),
            pl.BlockSpec((2, H), im0),
            pl.BlockSpec((D * U, INNER), im0),
            pl.BlockSpec((1, INNER), im0),
            pl.BlockSpec((INNER, H), im0),
            pl.BlockSpec((1, H), im0),
            pl.BlockSpec((H, H), im0),
            pl.BlockSpec((1, H), im0),
            pl.BlockSpec((H, H), im0),
            pl.BlockSpec((1, H), im0),
            pl.BlockSpec((1, H), im0),
            pl.BlockSpec((1, H), im0),
        ],
        out_specs=pl.BlockSpec((TB, H), im_tok),
        out_shape=jax.ShapeDtypeStruct((ntok, H), jnp.float32),
        compiler_params=pltpu.CompilerParams(
            dimension_semantics=("arbitrary",),
        ),
    )(xp, words, pos_emb, type_emb, wi, bi, wie, bie,
      w1, b1, w2, b2, g, bb)


def kernel(input_ids, xpath_tags_seq, xpath_subs_seq, word_emb, pos_emb,
           type_emb, tag_tables, subs_tables, W_inner, b_inner, W_i2e, b_i2e,
           W_wl1, b_wl1, W_wl2, b_wl2, ln_g, ln_b):
    tagv = tag_tables.shape[1]
    subv = subs_tables.shape[1]
    wids = input_ids.reshape(-1).astype(jnp.int32)
    tag_i = (xpath_tags_seq.astype(jnp.int32)
             + jnp.arange(D, dtype=jnp.int32) * tagv).reshape(-1)
    sub_i = (xpath_subs_seq.astype(jnp.int32)
             + jnp.arange(D, dtype=jnp.int32) * subv).reshape(-1)
    tag_t = tag_tables.reshape(D * tagv, U)
    sub_t = subs_tables.reshape(D * subv, U)

    words = _sc_words(word_emb, wids)
    xp = _sc_xpath(tag_t, tag_i, sub_t, sub_i)

    out = _tc_fused(
        xp.reshape(N, D * U), words, pos_emb,
        type_emb, W_inner.astype(jnp.bfloat16), b_inner.reshape(1, INNER),
        W_i2e.astype(jnp.bfloat16), b_i2e.reshape(1, H),
        W_wl1.astype(jnp.bfloat16), b_wl1.reshape(1, H),
        W_wl2.astype(jnp.bfloat16), b_wl2.reshape(1, H),
        ln_g.reshape(1, H), ln_b.reshape(1, H))
    return out.reshape(B, S, H)

# --- scband reference (transcript-rebuilt; emitter-appended) ---
"""Pipeline reference for scband-layoutlmv1-embeddings-55095840473197 (READ-ONLY COPY).

The authoritative reference and input builder live on the scoring server;
editing this copy changes nothing except your own understanding.
"""

import jax, jax.numpy as jnp
import numpy as np

B, S, H = 4, 2048, 768
D, U = 50, 32
VOCAB, MAXPOS, TYPES = 30522, 2048, 2
TAGV, SUBV = 256, 1024
INNER = 4 * H


def setup_inputs(seed: int = 0) -> dict:
    key = jax.random.key(seed)
    k = lambda i: jax.random.fold_in(key, i)
    s = 0.02
    inp = {}
    inp["input_ids"] = jax.random.randint(k(0), (B, S), 0, VOCAB, dtype=jnp.int32)
    inp["xpath_tags_seq"] = jax.random.randint(k(1), (B, S, D), 0, TAGV, dtype=jnp.int32)
    inp["xpath_subs_seq"] = jax.random.randint(k(2), (B, S, D), 0, SUBV, dtype=jnp.int32)
    inp["word_emb"] = jax.random.normal(k(3), (VOCAB, H), dtype=jnp.float32) * s
    inp["pos_emb"] = jax.random.normal(k(4), (MAXPOS, H), dtype=jnp.float32) * s
    inp["type_emb"] = jax.random.normal(k(5), (TYPES, H), dtype=jnp.float32) * s
    inp["tag_tables"] = jax.random.normal(k(6), (D, TAGV, U), dtype=jnp.float32) * s
    inp["subs_tables"] = jax.random.normal(k(7), (D, SUBV, U), dtype=jnp.float32) * s
    inp["W_inner"] = jax.random.normal(k(8), (D * U, INNER), dtype=jnp.float32) * s
    inp["b_inner"] = jnp.zeros((INNER,), dtype=jnp.float32)
    inp["W_i2e"] = jax.random.normal(k(9), (INNER, H), dtype=jnp.float32) * s
    inp["b_i2e"] = jnp.zeros((H,), dtype=jnp.float32)
    inp["W_wl1"] = jax.random.normal(k(10), (H, H), dtype=jnp.float32) * s
    inp["b_wl1"] = jnp.zeros((H,), dtype=jnp.float32)
    inp["W_wl2"] = jax.random.normal(k(11), (H, H), dtype=jnp.float32) * s
    inp["b_wl2"] = jnp.zeros((H,), dtype=jnp.float32)
    inp["ln_g"] = jnp.ones((H,), dtype=jnp.float32)
    inp["ln_b"] = jnp.zeros((H,), dtype=jnp.float32)
    return inp


def _layer_norm(x, g, b, eps=1e-12):
    m = jnp.mean(x, axis=-1, keepdims=True)
    v = jnp.mean((x - m) ** 2, axis=-1, keepdims=True)
    return (x - m) / jnp.sqrt(v + eps) * g + b


def reference(input_ids, xpath_tags_seq, xpath_subs_seq, word_emb, pos_emb, type_emb,
              tag_tables, subs_tables, W_inner, b_inner, W_i2e, b_i2e,
              W_wl1, b_wl1, W_wl2, b_wl2, ln_g, ln_b):
    Bc, Sc = input_ids.shape
    position_ids = jnp.broadcast_to(jnp.arange(Sc, dtype=jnp.int32)[None, :], (Bc, Sc))
    token_type_ids = jnp.zeros_like(input_ids)
    words = jnp.take(word_emb, input_ids, axis=0)
    pos = jnp.take(pos_emb, position_ids, axis=0)
    ttype = jnp.take(type_emb, token_type_ids, axis=0)
    depth = jnp.arange(D)[None, None, :]
    tag_e = tag_tables[depth, xpath_tags_seq]   # [B, S, D, U]
    sub_e = subs_tables[depth, xpath_subs_seq]  # [B, S, D, U]
    xp = (tag_e + sub_e).reshape(Bc, Sc, D * U)
    xp = jnp.maximum(xp @ W_inner + b_inner, 0.0) @ W_i2e + b_i2e
    temp = jnp.maximum(xp @ W_wl1 + b_wl1, 0.0) @ W_wl2 + b_wl2
    emb = words + pos + ttype + temp
    return _layer_norm(emb, ln_g, ln_b)

if __name__ == "__main__":
    import jax
    _d = setup_inputs()
    print(jax.jit(kernel)(*tuple(_d.values())))

</pallas_src>

<mosaic_0001>
#map = affine_map<(d0, d1) -> (0, 0)>
#map1 = affine_map<(d0, d1) -> (0)>
module attributes {stable_mosaic.version = 14 : i64} {
  func.func @_sc_words_body(%arg0: i32, %arg1: i32, %arg2: memref<30522x768xf32, #tpu.memory_space<hbm>>, %arg3: memref<8192xi32, #tpu.memory_space<hbm>>, %arg4: memref<8192x768xf32, #tpu.memory_space<hbm>>, %arg5: memref<2x64xi32, #tpu.memory_space<vmem>>, %arg6: memref<2x64x768xf32, #tpu.memory_space<vmem>>, %arg7: memref<!tpu.dma_semaphore, #tpu.memory_space<semaphore_mem>>, %arg8: memref<!tpu.dma_semaphore, #tpu.memory_space<semaphore_mem>>) attributes {dimension_semantics = [#tpu.dimension_semantics<core_parallel>, #tpu.dimension_semantics<subcore_parallel>], iteration_bounds = array<i64: 2, 16>, scalar_prefetch = 0 : i64, scratch_operands = 4 : i64, tpu.core_type = #tpu.core_type<sc_vector_subcore>, window_params = [{transform_indices = #map}, {transform_indices = #map1}, {transform_indices = #map}]} {
    %mul3A = arith.constant 2 : i32
    %mul3A_0 = arith.muli %arg1, %mul3A : i32
    %add3A = arith.addi %mul3A_0, %arg0 : i32
    %mul3A_1 = arith.constant 256 : i32
    %mul3A_2 = arith.muli %add3A, %mul3A_1 : i32
    %add3A_3 = arith.constant 0 : i32
    %add3A_4 = arith.addi %mul3A_2, %add3A_3 : i32
    %run_scoped3A = arith.constant 0 : i32
    "tpu.region"() ({
      %run_scoped3A_220 = tpu.sem_alloc : memref<!tpu.dma_semaphore, #tpu.memory_space<semaphore_mem>>
      %dma_start3A_221 = arith.constant 0 : i32
      %dma_start3A_222 = tpu.memref_slice %arg5[%run_scoped3A, %dma_start3A_221] : memref<2x64xi32, #tpu.memory_space<vmem>> -> memref<1x64xi32, #tpu.memory_space<vmem>>
      %dma_start3A_223 = tpu.memref_squeeze %dma_start3A_222 : memref<1x64xi32, #tpu.memory_space<vmem>> -> memref<64xi32, #tpu.memory_space<vmem>>
      %dma_start3A_224 = tpu.memref_slice %arg3[%add3A_4] : memref<8192xi32, #tpu.memory_space<hbm>> -> memref<64xi32, #tpu.memory_space<hbm>>
      %dma_start3A_225 = arith.constant 0 : i32
      %dma_start3A_226 = tpu.memref_slice %arg5[%run_scoped3A, %dma_start3A_225] : memref<2x64xi32, #tpu.memory_space<vmem>> -> memref<1x64xi32, #tpu.memory_space<vmem>>
      %dma_start3A_227 = tpu.memref_squeeze %dma_start3A_226 : memref<1x64xi32, #tpu.memory_space<vmem>> -> memref<64xi32, #tpu.memory_space<vmem>>
      %dma_start3A_228 = tpu.memref_slice %arg3[%add3A_4] : memref<8192xi32, #tpu.memory_space<hbm>> -> memref<64xi32, #tpu.memory_space<hbm>>
      tpu.enqueue_dma source(%dma_start3A_228 : memref<64xi32, #tpu.memory_space<hbm>>) target(%dma_start3A_227 : memref<64xi32, #tpu.memory_space<vmem>>) target_semaphore(%run_scoped3A_220 : memref<!tpu.dma_semaphore, #tpu.memory_space<semaphore_mem>>)
      %dma_wait3A_229 = arith.constant 0 : i32
      %dma_wait3A_230 = tpu.memref_slice %arg5[%run_scoped3A, %dma_wait3A_229] : memref<2x64xi32, #tpu.memory_space<vmem>> -> memref<1x64xi32, #tpu.memory_space<vmem>>
      %dma_wait3A_231 = tpu.memref_squeeze %dma_wait3A_230 : memref<1x64xi32, #tpu.memory_space<vmem>> -> memref<64xi32, #tpu.memory_space<vmem>>
      %dma_wait3A_232 = tpu.memref_slice %arg3[%add3A_4] : memref<8192xi32, #tpu.memory_space<hbm>> -> memref<64xi32, #tpu.memory_space<hbm>>
      %dma_wait3A_233 = arith.constant 0 : i32
      %dma_wait3A_234 = tpu.memref_slice %arg5[%run_scoped3A, %dma_wait3A_233] : memref<2x64xi32, #tpu.memory_space<vmem>> -> memref<1x64xi32, #tpu.memory_space<vmem>>
      %dma_wait3A_235 = tpu.memref_squeeze %dma_wait3A_234 : memref<1x64xi32, #tpu.memory_space<vmem>> -> memref<64xi32, #tpu.memory_space<vmem>>
      %dma_wait3A_236 = tpu.memref_slice %arg3[%add3A_4] : memref<8192xi32, #tpu.memory_space<hbm>> -> memref<64xi32, #tpu.memory_space<hbm>>
      tpu.wait_dma2 semaphore(%run_scoped3A_220 : memref<!tpu.dma_semaphore, #tpu.memory_space<semaphore_mem>>) src(%dma_wait3A_236 : memref<64xi32, #tpu.memory_space<hbm>>) dst(%dma_wait3A_235 : memref<64xi32, #tpu.memory_space<vmem>>)
      tpu.yield
    }) : () -> ()
    %dma_start3A = arith.constant 0 : i32
    %dma_start3A_5 = arith.constant 0 : i32
    %dma_start3A_6 = arith.constant 0 : i32
    %dma_start3A_7 = arith.constant 0 : i32
    %dma_start3A_8 = tpu.memref_slice %arg6[%dma_start3A_5, %dma_start3A_6, %dma_start3A_7] : memref<2x64x768xf32, #tpu.memory_space<vmem>> -> memref<1x64x768xf32, #tpu.memory_space<vmem>>
    %dma_start3A_9 = tpu.memref_squeeze %dma_start3A_8 : memref<1x64x768xf32, #tpu.memory_space<vmem>> -> memref<64x768xf32, #tpu.memory_space<vmem>>
    %dma_start3A_10 = arith.constant 0 : i32
    %dma_start3A_11 = tpu.memref_slice %arg5[%dma_start3A, %dma_start3A_10] : memref<2x64xi32, #tpu.memory_space<vmem>> -> memref<1x64xi32, #tpu.memory_space<vmem>>
    %dma_start3A_12 = tpu.memref_squeeze %dma_start3A_11 : memref<1x64xi32, #tpu.memory_space<vmem>> -> memref<64xi32, #tpu.memory_space<vmem>>
    %dma_start3A_13 = arith.constant 0 : i32
    %dma_start3A_14 = arith.constant 0 : i32
    %dma_start3A_15 = tpu.memref_slice %arg2[%dma_start3A_13, %dma_start3A_14] : memref<30522x768xf32, #tpu.memory_space<hbm>> -> memref<30522x768xf32, #tpu.memory_space<hbm>>
    tpu.enqueue_indirect_dma source(%dma_start3A_15 : memref<30522x768xf32, #tpu.memory_space<hbm>>) target(%dma_start3A_9 : memref<64x768xf32, #tpu.memory_space<vmem>>) offsets(%dma_start3A_12 : memref<64xi32, #tpu.memory_space<vmem>>) semaphore(%arg7 : memref<!tpu.dma_semaphore, #tpu.memory_space<semaphore_mem>>)
    %add3A_16 = arith.constant 64 : i32
    %add3A_17 = arith.addi %mul3A_2, %add3A_16 : i32
    %run_scoped3A_18 = arith.constant 1 : i32
    "tpu.region"() ({
      %run_scoped3A_220 = tpu.sem_alloc : memref<!tpu.dma_semaphore, #tpu.memory_space<semaphore_mem>>
      %dma_start3A_221 = arith.constant 0 : i32
      %dma_start3A_222 = tpu.memref_slice %arg5[%run_scoped3A_18, %dma_start3A_221] : memref<2x64xi32, #tpu.memory_space<vmem>> -> memref<1x64xi32, #tpu.memory_space<vmem>>
      %dma_start3A_223 = tpu.memref_squeeze %dma_start3A_222 : memref<1x64xi32, #tpu.memory_space<vmem>> -> memref<64xi32, #tpu.memory_space<vmem>>
      %dma_start3A_224 = tpu.memref_slice %arg3[%add3A_17] : memref<8192xi32, #tpu.memory_space<hbm>> -> memref<64xi32, #tpu.memory_space<hbm>>
      %dma_start3A_225 = arith.constant 0 : i32
      %dma_start3A_226 = tpu.memref_slice %arg5[%run_scoped3A_18, %dma_start3A_225] : memref<2x64xi32, #tpu.memory_space<vmem>> -> memref<1x64xi32, #tpu.memory_space<vmem>>
      %dma_start3A_227 = tpu.memref_squeeze %dma_start3A_226 : memref<1x64xi32, #tpu.memory_space<vmem>> -> memref<64xi32, #tpu.memory_space<vmem>>
      %dma_start3A_228 = tpu.memref_slice %arg3[%add3A_17] : memref<8192xi32, #tpu.memory_space<hbm>> -> memref<64xi32, #tpu.memory_space<hbm>>
      tpu.enqueue_dma source(%dma_start3A_228 : memref<64xi32, #tpu.memory_space<hbm>>) target(%dma_start3A_227 : memref<64xi32, #tpu.memory_space<vmem>>) target_semaphore(%run_scoped3A_220 : memref<!tpu.dma_semaphore, #tpu.memory_space<semaphore_mem>>)
      %dma_wait3A_229 = arith.constant 0 : i32
      %dma_wait3A_230 = tpu.memref_slice %arg5[%run_scoped3A_18, %dma_wait3A_229] : memref<2x64xi32, #tpu.memory_space<vmem>> -> memref<1x64xi32, #tpu.memory_space<vmem>>
      %dma_wait3A_231 = tpu.memref_squeeze %dma_wait3A_230 : memref<1x64xi32, #tpu.memory_space<vmem>> -> memref<64xi32, #tpu.memory_space<vmem>>
      %dma_wait3A_232 = tpu.memref_slice %arg3[%add3A_17] : memref<8192xi32, #tpu.memory_space<hbm>> -> memref<64xi32, #tpu.memory_space<hbm>>
      %dma_wait3A_233 = arith.constant 0 : i32
      %dma_wait3A_234 = tpu.memref_slice %arg5[%run_scoped3A_18, %dma_wait3A_233] : memref<2x64xi32, #tpu.memory_space<vmem>> -> memref<1x64xi32, #tpu.memory_space<vmem>>
      %dma_wait3A_235 = tpu.memref_squeeze %dma_wait3A_234 : memref<1x64xi32, #tpu.memory_space<vmem>> -> memref<64xi32, #tpu.memory_space<vmem>>
      %dma_wait3A_236 = tpu.memref_slice %arg3[%add3A_17] : memref<8192xi32, #tpu.memory_space<hbm>> -> memref<64xi32, #tpu.memory_space<hbm>>
      tpu.wait_dma2 semaphore(%run_scoped3A_220 : memref<!tpu.dma_semaphore, #tpu.memory_space<semaphore_mem>>) src(%dma_wait3A_236 : memref<64xi32, #tpu.memory_space<hbm>>) dst(%dma_wait3A_235 : memref<64xi32, #tpu.memory_space<vmem>>)
      tpu.yield
    }) : () -> ()
    %dma_start3A_19 = arith.constant 1 : i32
    %dma_start3A_20 = arith.constant 1 : i32
    %dma_start3A_21 = arith.constant 0 : i32
    %dma_start3A_22 = arith.constant 0 : i32
    %dma_start3A_23 = tpu.memref_slice %arg6[%dma_start3A_20, %dma_start3A_21, %dma_start3A_22] : memref<2x64x768xf32, #tpu.memory_space<vmem>> -> memref<1x64x768xf32, #tpu.memory_space<vmem>>
    %dma_start3A_24 = tpu.memref_squeeze %dma_start3A_23 : memref<1x64x768xf32, #tpu.memory_space<vmem>> -> memref<64x768xf32, #tpu.memory_space<vmem>>
    %dma_start3A_25 = arith.constant 0 : i32
    %dma_start3A_26 = tpu.memref_slice %arg5[%dma_start3A_19, %dma_start3A_25] : memref<2x64xi32, #tpu.memory_space<vmem>> -> memref<1x64xi32, #tpu.memory_space<vmem>>
    %dma_start3A_27 = tpu.memref_squeeze %dma_start3A_26 : memref<1x64xi32, #tpu.memory_space<vmem>> -> memref<64xi32, #tpu.memory_space<vmem>>
    %dma_start3A_28 = arith.constant 0 : i32
    %dma_start3A_29 = arith.constant 0 : i32
    %dma_start3A_30 = tpu.memref_slice %arg2[%dma_start3A_28, %dma_start3A_29] : memref<30522x768xf32, #tpu.memory_space<hbm>> -> memref<30522x768xf32, #tpu.memory_space<hbm>>
    tpu.enqueue_indirect_dma source(%dma_start3A_30 : memref<30522x768xf32, #tpu.memory_space<hbm>>) target(%dma_start3A_24 : memref<64x768xf32, #tpu.memory_space<vmem>>) offsets(%dma_start3A_27 : memref<64xi32, #tpu.memory_space<vmem>>) semaphore(%arg7 : memref<!tpu.dma_semaphore, #tpu.memory_space<semaphore_mem>>)
    %dma_wait3A = arith.constant 0 : i32
    %dma_wait3A_31 = arith.constant 0 : i32
    %dma_wait3A_32 = arith.constant 0 : i32
    %dma_wait3A_33 = arith.constant 0 : i32
    %dma_wait3A_34 = tpu.memref_slice %arg6[%dma_wait3A_31, %dma_wait3A_32, %dma_wait3A_33] : memref<2x64x768xf32, #tpu.memory_space<vmem>> -> memref<1x64x768xf32, #tpu.memory_space<vmem>>
    %dma_wait3A_35 = tpu.memref_squeeze %dma_wait3A_34 : memref<1x64x768xf32, #tpu.memory_space<vmem>> -> memref<64x768xf32, #tpu.memory_space<vmem>>
    %dma_wait3A_36 = arith.constant 0 : i32
    %dma_wait3A_37 = tpu.memref_slice %arg5[%dma_wait3A, %dma_wait3A_36] : memref<2x64xi32, #tpu.memory_space<vmem>> -> memref<1x64xi32, #tpu.memory_space<vmem>>
    %dma_wait3A_38 = tpu.memref_squeeze %dma_wait3A_37 : memref<1x64xi32, #tpu.memory_space<vmem>> -> memref<64xi32, #tpu.memory_space<vmem>>
    %dma_wait3A_39 = arith.constant 0 : i32
    %dma_wait3A_40 = arith.constant 0 : i32
    %dma_wait3A_41 = tpu.memref_slice %arg2[%dma_wait3A_39, %dma_wait3A_40] : memref<30522x768xf32, #tpu.memory_space<hbm>> -> memref<30522x768xf32, #tpu.memory_space<hbm>>
    tpu.wait_indirect_dma semaphore(%arg7 : memref<!tpu.dma_semaphore, #tpu.memory_space<semaphore_mem>>) src(%dma_wait3A_41 : memref<30522x768xf32, #tpu.memory_space<hbm>>) dst(%dma_wait3A_35 : memref<64x768xf32, #tpu.memory_space<vmem>>)
    %add3A_42 = arith.constant 0 : i32
    %add3A_43 = arith.addi %mul3A_2, %add3A_42 : i32
    %dma_start3A_44 = arith.constant 0 : i32
    %dma_start3A_45 = arith.constant 0 : i32
    %dma_start3A_46 = arith.constant 0 : i32
    %dma_start3A_47 = tpu.memref_slice %arg6[%dma_start3A_44, %dma_start3A_45, %dma_start3A_46] : memref<2x64x768xf32, #tpu.memory_space<vmem>> -> memref<1x64x768xf32, #tpu.memory_space<vmem>>
    %dma_start3A_48 = tpu.memref_squeeze %dma_start3A_47 : memref<1x64x768xf32, #tpu.memory_space<vmem>> -> memref<64x768xf32, #tpu.memory_space<vmem>>
    %dma_start3A_49 = arith.constant 0 : i32
    %dma_start3A_50 = tpu.memref_slice %arg4[%add3A_43, %dma_start3A_49] : memref<8192x768xf32, #tpu.memory_space<hbm>> -> memref<64x768xf32, #tpu.memory_space<hbm>>
    %dma_start3A_51 = arith.constant 0 : i32
    %dma_start3A_52 = tpu.memref_slice %arg4[%add3A_43, %dma_start3A_51] : memref<8192x768xf32, #tpu.memory_space<hbm>> -> memref<64x768xf32, #tpu.memory_space<hbm>>
    %dma_start3A_53 = arith.constant 0 : i32
    %dma_start3A_54 = arith.constant 0 : i32
    %dma_start3A_55 = tpu.memref_slice %arg6[%dma_start3A_44, %dma_start3A_53, %dma_start3A_54] : memref<2x64x768xf32, #tpu.memory_space<vmem>> -> memref<1x64x768xf32, #tpu.memory_space<vmem>>
    %dma_start3A_56 = tpu.memref_squeeze %dma_start3A_55 : memref<1x64x768xf32, #tpu.memory_space<vmem>> -> memref<64x768xf32, #tpu.memory_space<vmem>>
    tpu.enqueue_dma source(%dma_start3A_56 : memref<64x768xf32, #tpu.memory_space<vmem>>) target(%dma_start3A_52 : memref<64x768xf32, #tpu.memory_space<hbm>>) target_semaphore(%arg8 : memref<!tpu.dma_semaphore, #tpu.memory_space<semaphore_mem>>)
    %add3A_57 = arith.constant 128 : i32
    %add3A_58 = arith.addi %mul3A_2, %add3A_57 : i32
    %run_scoped3A_59 = arith.constant 0 : i32
    "tpu.region"() ({
      %run_scoped3A_220 = tpu.sem_alloc : memref<!tpu.dma_semaphore, #tpu.memory_space<semaphore_mem>>
      %dma_start3A_221 = arith.constant 0 : i32
      %dma_start3A_222 = tpu.memref_slice %arg5[%run_scoped3A_59, %dma_start3A_221] : memref<2x64xi32, #tpu.memory_space<vmem>> -> memref<1x64xi32, #tpu.memory_space<vmem>>
      %dma_start3A_223 = tpu.memref_squeeze %dma_start3A_222 : memref<1x64xi32, #tpu.memory_space<vmem>> -> memref<64xi32, #tpu.memory_space<vmem>>
      %dma_start3A_224 = tpu.memref_slice %arg3[%add3A_58] : memref<8192xi32, #tpu.memory_space<hbm>> -> memref<64xi32, #tpu.memory_space<hbm>>
      %dma_start3A_225 = arith.constant 0 : i32
      %dma_start3A_226 = tpu.memref_slice %arg5[%run_scoped3A_59, %dma_start3A_225] : memref<2x64xi32, #tpu.memory_space<vmem>> -> memref<1x64xi32, #tpu.memory_space<vmem>>
      %dma_start3A_227 = tpu.memref_squeeze %dma_start3A_226 : memref<1x64xi32, #tpu.memory_space<vmem>> -> memref<64xi32, #tpu.memory_space<vmem>>
      %dma_start3A_228 = tpu.memref_slice %arg3[%add3A_58] : memref<8192xi32, #tpu.memory_space<hbm>> -> memref<64xi32, #tpu.memory_space<hbm>>
      tpu.enqueue_dma source(%dma_start3A_228 : memref<64xi32, #tpu.memory_space<hbm>>) target(%dma_start3A_227 : memref<64xi32, #tpu.memory_space<vmem>>) target_semaphore(%run_scoped3A_220 : memref<!tpu.dma_semaphore, #tpu.memory_space<semaphore_mem>>)
      %dma_wait3A_229 = arith.constant 0 : i32
      %dma_wait3A_230 = tpu.memref_slice %arg5[%run_scoped3A_59, %dma_wait3A_229] : memref<2x64xi32, #tpu.memory_space<vmem>> -> memref<1x64xi32, #tpu.memory_space<vmem>>
      %dma_wait3A_231 = tpu.memref_squeeze %dma_wait3A_230 : memref<1x64xi32, #tpu.memory_space<vmem>> -> memref<64xi32, #tpu.memory_space<vmem>>
      %dma_wait3A_232 = tpu.memref_slice %arg3[%add3A_58] : memref<8192xi32, #tpu.memory_space<hbm>> -> memref<64xi32, #tpu.memory_space<hbm>>
      %dma_wait3A_233 = arith.constant 0 : i32
      %dma_wait3A_234 = tpu.memref_slice %arg5[%run_scoped3A_59, %dma_wait3A_233] : memref<2x64xi32, #tpu.memory_space<vmem>> -> memref<1x64xi32, #tpu.memory_space<vmem>>
      %dma_wait3A_235 = tpu.memref_squeeze %dma_wait3A_234 : memref<1x64xi32, #tpu.memory_space<vmem>> -> memref<64xi32, #tpu.memory_space<vmem>>
      %dma_wait3A_236 = tpu.memref_slice %arg3[%add3A_58] : memref<8192xi32, #tpu.memory_space<hbm>> -> memref<64xi32, #tpu.memory_space<hbm>>
      tpu.wait_dma2 semaphore(%run_scoped3A_220 : memref<!tpu.dma_semaphore, #tpu.memory_space<semaphore_mem>>) src(%dma_wait3A_236 : memref<64xi32, #tpu.memory_space<hbm>>) dst(%dma_wait3A_235 : memref<64xi32, #tpu.memory_space<vmem>>)
      tpu.yield
    }) : () -> ()
    %dma_wait3A_60 = arith.constant 0 : i32
    %dma_wait3A_61 = arith.constant 0 : i32
    %dma_wait3A_62 = arith.constant 0 : i32
    %dma_wait3A_63 = tpu.memref_slice %arg6[%dma_wait3A_60, %dma_wait3A_61, %dma_wait3A_62] : memref<2x64x768xf32, #tpu.memory_space<vmem>> -> memref<1x64x768xf32, #tpu.memory_space<vmem>>
    %dma_wait3A_64 = tpu.memref_squeeze %dma_wait3A_63 : memref<1x64x768xf32, #tpu.memory_space<vmem>> -> memref<64x768xf32, #tpu.memory_space<vmem>>
    %dma_wait3A_65 = arith.constant 0 : i32
    %dma_wait3A_66 = tpu.memref_slice %arg4[%add3A_43, %dma_wait3A_65] : memref<8192x768xf32, #tpu.memory_space<hbm>> -> memref<64x768xf32, #tpu.memory_space<hbm>>
    %dma_wait3A_67 = arith.constant 0 : i32
    %dma_wait3A_68 = tpu.memref_slice %arg4[%add3A_43, %dma_wait3A_67] : memref<8192x768xf32, #tpu.memory_space<hbm>> -> memref<64x768xf32, #tpu.memory_space<hbm>>
    %dma_wait3A_69 = arith.constant 0 : i32
    %dma_wait3A_70 = arith.constant 0 : i32
    %dma_wait3A_71 = tpu.memref_slice %arg6[%dma_wait3A_60, %dma_wait3A_69, %dma_wait3A_70] : memref<2x64x768xf32, #tpu.memory_space<vmem>> -> memref<1x64x768xf32, #tpu.memory_space<vmem>>
    %dma_wait3A_72 = tpu.memref_squeeze %dma_wait3A_71 : memref<1x64x768xf32, #tpu.memory_space<vmem>> -> memref<64x768xf32, #tpu.memory_space<vmem>>
    tpu.wait_dma2 semaphore(%arg8 : memref<!tpu.dma_semaphore, #tpu.memory_space<semaphore_mem>>) src(%dma_wait3A_72 : memref<64x768xf32, #tpu.memory_space<vmem>>) dst(%dma_wait3A_68 : memref<64x768xf32, #tpu.memory_space<hbm>>)
    %dma_start3A_73 = arith.constant 0 : i32
    %dma_start3A_74 = arith.constant 0 : i32
    %dma_start3A_75 = arith.constant 0 : i32
    %dma_start3A_76 = arith.constant 0 : i32
    %dma_start3A_77 = tpu.memref_slice %arg6[%dma_start3A_74, %dma_start3A_75, %dma_start3A_76] : memref<2x64x768xf32, #tpu.memory_space<vmem>> -> memref<1x64x768xf32, #tpu.memory_space<vmem>>
    %dma_start3A_78 = tpu.memref_squeeze %dma_start3A_77 : memref<1x64x768xf32, #tpu.memory_space<vmem>> -> memref<64x768xf32, #tpu.memory_space<vmem>>
    %dma_start3A_79 = arith.constant 0 : i32
    %dma_start3A_80 = tpu.memref_slice %arg5[%dma_start3A_73, %dma_start3A_79] : memref<2x64xi32, #tpu.memory_space<vmem>> -> memref<1x64xi32, #tpu.memory_space<vmem>>
    %dma_start3A_81 = tpu.memref_squeeze %dma_start3A_80 : memref<1x64xi32, #tpu.memory_space<vmem>> -> memref<64xi32, #tpu.memory_space<vmem>>
    %dma_start3A_82 = arith.constant 0 : i32
    %dma_start3A_83 = arith.constant 0 : i32
    %dma_start3A_84 = tpu.memref_slice %arg2[%dma_start3A_82, %dma_start3A_83] : memref<30522x768xf32, #tpu.memory_space<hbm>> -> memref<30522x768xf32, #tpu.memory_space<hbm>>
    tpu.enqueue_indirect_dma source(%dma_start3A_84 : memref<30522x768xf32, #tpu.memory_space<hbm>>) target(%dma_start3A_78 : memref<64x768xf32, #tpu.memory_space<vmem>>) offsets(%dma_start3A_81 : memref<64xi32, #tpu.memory_space<vmem>>) semaphore(%arg7 : memref<!tpu.dma_semaphore, #tpu.memory_space<semaphore_mem>>)
    %dma_wait3A_85 = arith.constant 1 : i32
    %dma_wait3A_86 = arith.constant 1 : i32
    %dma_wait3A_87 = arith.constant 0 : i32
    %dma_wait3A_88 = arith.constant 0 : i32
    %dma_wait3A_89 = tpu.memref_slice %arg6[%dma_wait3A_86, %dma_wait3A_87, %dma_wait3A_88] : memref<2x64x768xf32, #tpu.memory_space<vmem>> -> memref<1x64x768xf32, #tpu.memory_space<vmem>>
    %dma_wait3A_90 = tpu.memref_squeeze %dma_wait3A_89 : memref<1x64x768xf32, #tpu.memory_space<vmem>> -> memref<64x768xf32, #tpu.memory_space<vmem>>
    %dma_wait3A_91 = arith.constant 0 : i32
    %dma_wait3A_92 = tpu.memref_slice %arg5[%dma_wait3A_85, %dma_wait3A_91] : memref<2x64xi32, #tpu.memory_space<vmem>> -> memref<1x64xi32, #tpu.memory_space<vmem>>
    %dma_wait3A_93 = tpu.memref_squeeze %dma_wait3A_92 : memref<1x64xi32, #tpu.memory_space<vmem>> -> memref<64xi32, #tpu.memory_space<vmem>>
    %dma_wait3A_94 = arith.constant 0 : i32
    %dma_wait3A_95 = arith.constant 0 : i32
    %dma_wait3A_96 = tpu.memref_slice %arg2[%dma_wait3A_94, %dma_wait3A_95] : memref<30522x768xf32, #tpu.memory_space<hbm>> -> memref<30522x768xf32, #tpu.memory_space<hbm>>
    tpu.wait_indirect_dma semaphore(%arg7 : memref<!tpu.dma_semaphore, #tpu.memory_space<semaphore_mem>>) src(%dma_wait3A_96 : memref<30522x768xf32, #tpu.memory_space<hbm>>) dst(%dma_wait3A_90 : memref<64x768xf32, #tpu.memory_space<vmem>>)
    %add3A_97 = arith.constant 64 : i32
    %add3A_98 = arith.addi %mul3A_2, %add3A_97 : i32
    %dma_start3A_99 = arith.constant 1 : i32
    %dma_start3A_100 = arith.constant 0 : i32
    %dma_start3A_101 = arith.constant 0 : i32
    %dma_start3A_102 = tpu.memref_slice %arg6[%dma_start3A_99, %dma_start3A_100, %dma_start3A_101] : memref<2x64x768xf32, #tpu.memory_space<vmem>> -> memref<1x64x768xf32, #tpu.memory_space<vmem>>
    %dma_start3A_103 = tpu.memref_squeeze %dma_start3A_102 : memref<1x64x768xf32, #tpu.memory_space<vmem>> -> memref<64x768xf32, #tpu.memory_space<vmem>>
    %dma_start3A_104 = arith.constant 0 : i32
    %dma_start3A_105 = tpu.memref_slice %arg4[%add3A_98, %dma_start3A_104] : memref<8192x768xf32, #tpu.memory_space<hbm>> -> memref<64x768xf32, #tpu.memory_space<hbm>>
    %dma_start3A_106 = arith.constant 0 : i32
    %dma_start3A_107 = tpu.memref_slice %arg4[%add3A_98, %dma_start3A_106] : memref<8192x768xf32, #tpu.memory_space<hbm>> -> memref<64x768xf32, #tpu.memory_space<hbm>>
    %dma_start3A_108 = arith.constant 0 : i32
    %dma_start3A_109 = arith.constant 0 : i32
    %dma_start3A_110 = tpu.memref_slice %arg6[%dma_start3A_99, %dma_start3A_108, %dma_start3A_109] : memref<2x64x768xf32, #tpu.memory_space<vmem>> -> memref<1x64x768xf32, #tpu.memory_space<vmem>>
    %dma_start3A_111 = tpu.memref_squeeze %dma_start3A_110 : memref<1x64x768xf32, #tpu.memory_space<vmem>> -> memref<64x768xf32, #tpu.memory_space<vmem>>
    tpu.enqueue_dma source(%dma_start3A_111 : memref<64x768xf32, #tpu.memory_space<vmem>>) target(%dma_start3A_107 : memref<64x768xf32, #tpu.memory_space<hbm>>) target_semaphore(%arg8 : memref<!tpu.dma_semaphore, #tpu.memory_space<semaphore_mem>>)
    %add3A_112 = arith.constant 192 : i32
    %add3A_113 = arith.addi %mul3A_2, %add3A_112 : i32
    %run_scoped3A_114 = arith.constant 1 : i32
    "tpu.region"() ({
      %run_scoped3A_220 = tpu.sem_alloc : memref<!tpu.dma_semaphore, #tpu.memory_space<semaphore_mem>>
      %dma_start3A_221 = arith.constant 0 : i32
      %dma_start3A_222 = tpu.memref_slice %arg5[%run_scoped3A_114, %dma_start3A_221] : memref<2x64xi32, #tpu.memory_space<vmem>> -> memref<1x64xi32, #tpu.memory_space<vmem>>
      %dma_start3A_223 = tpu.memref_squeeze %dma_start3A_222 : memref<1x64xi32, #tpu.memory_space<vmem>> -> memref<64xi32, #tpu.memory_space<vmem>>
      %dma_start3A_224 = tpu.memref_slice %arg3[%add3A_113] : memref<8192xi32, #tpu.memory_space<hbm>> -> memref<64xi32, #tpu.memory_space<hbm>>
      %dma_start3A_225 = arith.constant 0 : i32
      %dma_start3A_226 = tpu.memref_slice %arg5[%run_scoped3A_114, %dma_start3A_225] : memref<2x64xi32, #tpu.memory_space<vmem>> -> memref<1x64xi32, #tpu.memory_space<vmem>>
      %dma_start3A_227 = tpu.memref_squeeze %dma_start3A_226 : memref<1x64xi32, #tpu.memory_space<vmem>> -> memref<64xi32, #tpu.memory_space<vmem>>
      %dma_start3A_228 = tpu.memref_slice %arg3[%add3A_113] : memref<8192xi32, #tpu.memory_space<hbm>> -> memref<64xi32, #tpu.memory_space<hbm>>
      tpu.enqueue_dma source(%dma_start3A_228 : memref<64xi32, #tpu.memory_space<hbm>>) target(%dma_start3A_227 : memref<64xi32, #tpu.memory_space<vmem>>) target_semaphore(%run_scoped3A_220 : memref<!tpu.dma_semaphore, #tpu.memory_space<semaphore_mem>>)
      %dma_wait3A_229 = arith.constant 0 : i32
      %dma_wait3A_230 = tpu.memref_slice %arg5[%run_scoped3A_114, %dma_wait3A_229] : memref<2x64xi32, #tpu.memory_space<vmem>> -> memref<1x64xi32, #tpu.memory_space<vmem>>
      %dma_wait3A_231 = tpu.memref_squeeze %dma_wait3A_230 : memref<1x64xi32, #tpu.memory_space<vmem>> -> memref<64xi32, #tpu.memory_space<vmem>>
      %dma_wait3A_232 = tpu.memref_slice %arg3[%add3A_113] : memref<8192xi32, #tpu.memory_space<hbm>> -> memref<64xi32, #tpu.memory_space<hbm>>
      %dma_wait3A_233 = arith.constant 0 : i32
      %dma_wait3A_234 = tpu.memref_slice %arg5[%run_scoped3A_114, %dma_wait3A_233] : memref<2x64xi32, #tpu.memory_space<vmem>> -> memref<1x64xi32, #tpu.memory_space<vmem>>
      %dma_wait3A_235 = tpu.memref_squeeze %dma_wait3A_234 : memref<1x64xi32, #tpu.memory_space<vmem>> -> memref<64xi32, #tpu.memory_space<vmem>>
      %dma_wait3A_236 = tpu.memref_slice %arg3[%add3A_113] : memref<8192xi32, #tpu.memory_space<hbm>> -> memref<64xi32, #tpu.memory_space<hbm>>
      tpu.wait_dma2 semaphore(%run_scoped3A_220 : memref<!tpu.dma_semaphore, #tpu.memory_space<semaphore_mem>>) src(%dma_wait3A_236 : memref<64xi32, #tpu.memory_space<hbm>>) dst(%dma_wait3A_235 : memref<64xi32, #tpu.memory_space<vmem>>)
      tpu.yield
    }) : () -> ()
    %dma_wait3A_115 = arith.constant 1 : i32
    %dma_wait3A_116 = arith.constant 0 : i32
    %dma_wait3A_117 = arith.constant 0 : i32
    %dma_wait3A_118 = tpu.memref_slice %arg6[%dma_wait3A_115, %dma_wait3A_116, %dma_wait3A_117] : memref<2x64x768xf32, #tpu.memory_space<vmem>> -> memref<1x64x768xf32, #tpu.memory_space<vmem>>
    %dma_wait3A_119 = tpu.memref_squeeze %dma_wait3A_118 : memref<1x64x768xf32, #tpu.memory_space<vmem>> -> memref<64x768xf32, #tpu.memory_space<vmem>>
    %dma_wait3A_120 = arith.constant 0 : i32
    %dma_wait3A_121 = tpu.memref_slice %arg4[%add3A_98, %dma_wait3A_120] : memref<8192x768xf32, #tpu.memory_space<hbm>> -> memref<64x768xf32, #tpu.memory_space<hbm>>
    %dma_wait3A_122 = arith.constant 0 : i32
    %dma_wait3A_123 = tpu.memref_slice %arg4[%add3A_98, %dma_wait3A_122] : memref<8192x768xf32, #tpu.memory_space<hbm>> -> memref<64x768xf32, #tpu.memory_space<hbm>>
    %dma_wait3A_124 = arith.constant 0 : i32
    %dma_wait3A_125 = arith.constant 0 : i32
    %dma_wait3A_126 = tpu.memref_slice %arg6[%dma_wait3A_115, %dma_wait3A_124, %dma_wait3A_125] : memref<2x64x768xf32, #tpu.memory_space<vmem>> -> memref<1x64x768xf32, #tpu.memory_space<vmem>>
    %dma_wait3A_127 = tpu.memref_squeeze %dma_wait3A_126 : memref<1x64x768xf32, #tpu.memory_space<vmem>> -> memref<64x768xf32, #tpu.memory_space<vmem>>
    tpu.wait_dma2 semaphore(%arg8 : memref<!tpu.dma_semaphore, #tpu.memory_space<semaphore_mem>>) src(%dma_wait3A_127 : memref<64x768xf32, #tpu.memory_space<vmem>>) dst(%dma_wait3A_123 : memref<64x768xf32, #tpu.memory_space<hbm>>)
    %dma_start3A_128 = arith.constant 1 : i32
    %dma_start3A_129 = arith.constant 1 : i32
    %dma_start3A_130 = arith.constant 0 : i32
    %dma_start3A_131 = arith.constant 0 : i32
    %dma_start3A_132 = tpu.memref_slice %arg6[%dma_start3A_129, %dma_start3A_130, %dma_start3A_131] : memref<2x64x768xf32, #tpu.memory_space<vmem>> -> memref<1x64x768xf32, #tpu.memory_space<vmem>>
    %dma_start3A_133 = tpu.memref_squeeze %dma_start3A_132 : memref<1x64x768xf32, #tpu.memory_space<vmem>> -> memref<64x768xf32, #tpu.memory_space<vmem>>
    %dma_start3A_134 = arith.constant 0 : i32
    %dma_start3A_135 = tpu.memref_slice %arg5[%dma_start3A_128, %dma_start3A_134] : memref<2x64xi32, #tpu.memory_space<vmem>> -> memref<1x64xi32, #tpu.memory_space<vmem>>
    %dma_start3A_136 = tpu.memref_squeeze %dma_start3A_135 : memref<1x64xi32, #tpu.memory_space<vmem>> -> memref<64xi32, #tpu.memory_space<vmem>>
    %dma_start3A_137 = arith.constant 0 : i32
    %dma_start3A_138 = arith.constant 0 : i32
    %dma_start3A_139 = tpu.memref_slice %arg2[%dma_start3A_137, %dma_start3A_138] : memref<30522x768xf32, #tpu.memory_space<hbm>> -> memref<30522x768xf32, #tpu.memory_space<hbm>>
    tpu.enqueue_indirect_dma source(%dma_start3A_139 : memref<30522x768xf32, #tpu.memory_space<hbm>>) target(%dma_start3A_133 : memref<64x768xf32, #tpu.memory_space<vmem>>) offsets(%dma_start3A_136 : memref<64xi32, #tpu.memory_space<vmem>>) semaphore(%arg7 : memref<!tpu.dma_semaphore, #tpu.memory_space<semaphore_mem>>)
    %dma_wait3A_140 = arith.constant 0 : i32
    %dma_wait3A_141 = arith.constant 0 : i32
    %dma_wait3A_142 = arith.constant 0 : i32
    %dma_wait3A_143 = arith.constant 0 : i32
    %dma_wait3A_144 = tpu.memref_slice %arg6[%dma_wait3A_141, %dma_wait3A_142, %dma_wait3A_143] : memref<2x64x768xf32, #tpu.memory_space<vmem>> -> memref<1x64x768xf32, #tpu.memory_space<vmem>>
    %dma_wait3A_145 = tpu.memref_squeeze %dma_wait3A_144 : memref<1x64x768xf32, #tpu.memory_space<vmem>> -> memref<64x768xf32, #tpu.memory_space<vmem>>
    %dma_wait3A_146 = arith.constant 0 : i32
    %dma_wait3A_147 = tpu.memref_slice %arg5[%dma_wait3A_140, %dma_wait3A_146] : memref<2x64xi32, #tpu.memory_space<vmem>> -> memref<1x64xi32, #tpu.memory_space<vmem>>
    %dma_wait3A_148 = tpu.memref_squeeze %dma_wait3A_147 : memref<1x64xi32, #tpu.memory_space<vmem>> -> memref<64xi32, #tpu.memory_space<vmem>>
    %dma_wait3A_149 = arith.constant 0 : i32
    %dma_wait3A_150 = arith.constant 0 : i32
    %dma_wait3A_151 = tpu.memref_slice %arg2[%dma_wait3A_149, %dma_wait3A_150] : memref<30522x768xf32, #tpu.memory_space<hbm>> -> memref<30522x768xf32, #tpu.memory_space<hbm>>
    tpu.wait_indirect_dma semaphore(%arg7 : memref<!tpu.dma_semaphore, #tpu.memory_space<semaphore_mem>>) src(%dma_wait3A_151 : memref<30522x768xf32, #tpu.memory_space<hbm>>) dst(%dma_wait3A_145 : memref<64x768xf32, #tpu.memory_space<vmem>>)
    %add3A_152 = arith.constant 128 : i32
    %add3A_153 = arith.addi %mul3A_2, %add3A_152 : i32
    %dma_start3A_154 = arith.constant 0 : i32
    %dma_start3A_155 = arith.constant 0 : i32
    %dma_start3A_156 = arith.constant 0 : i32
    %dma_start3A_157 = tpu.memref_slice %arg6[%dma_start3A_154, %dma_start3A_155, %dma_start3A_156] : memref<2x64x768xf32, #tpu.memory_space<vmem>> -> memref<1x64x768xf32, #tpu.memory_space<vmem>>
    %dma_start3A_158 = tpu.memref_squeeze %dma_start3A_157 : memref<1x64x768xf32, #tpu.memory_space<vmem>> -> memref<64x768xf32, #tpu.memory_space<vmem>>
    %dma_start3A_159 = arith.constant 0 : i32
    %dma_start3A_160 = tpu.memref_slice %arg4[%add3A_153, %dma_start3A_159] : memref<8192x768xf32, #tpu.memory_space<hbm>> -> memref<64x768xf32, #tpu.memory_space<hbm>>
    %dma_start3A_161 = arith.constant 0 : i32
    %dma_start3A_162 = tpu.memref_slice %arg4[%add3A_153, %dma_start3A_161] : memref<8192x768xf32, #tpu.memory_space<hbm>> -> memref<64x768xf32, #tpu.memory_space<hbm>>
    %dma_start3A_163 = arith.constant 0 : i32
    %dma_start3A_164 = arith.constant 0 : i32
    %dma_start3A_165 = tpu.memref_slice %arg6[%dma_start3A_154, %dma_start3A_163, %dma_start3A_164] : memref<2x64x768xf32, #tpu.memory_space<vmem>> -> memref<1x64x768xf32, #tpu.memory_space<vmem>>
    %dma_start3A_166 = tpu.memref_squeeze %dma_start3A_165 : memref<1x64x768xf32, #tpu.memory_space<vmem>> -> memref<64x768xf32, #tpu.memory_space<vmem>>
    tpu.enqueue_dma source(%dma_start3A_166 : memref<64x768xf32, #tpu.memory_space<vmem>>) target(%dma_start3A_162 : memref<64x768xf32, #tpu.memory_space<hbm>>) target_semaphore(%arg8 : memref<!tpu.dma_semaphore, #tpu.memory_space<semaphore_mem>>)
    %dma_wait3A_167 = arith.constant 1 : i32
    %dma_wait3A_168 = arith.constant 1 : i32
    %dma_wait3A_169 = arith.constant 0 : i32
    %dma_wait3A_170 = arith.constant 0 : i32
    %dma_wait3A_171 = tpu.memref_slice %arg6[%dma_wait3A_168, %dma_wait3A_169, %dma_wait3A_170] : memref<2x64x768xf32, #tpu.memory_space<vmem>> -> memref<1x64x768xf32, #tpu.memory_space<vmem>>
    %dma_wait3A_172 = tpu.memref_squeeze %dma_wait3A_171 : memref<1x64x768xf32, #tpu.memory_space<vmem>> -> memref<64x768xf32, #tpu.memory_space<vmem>>
    %dma_wait3A_173 = arith.constant 0 : i32
    %dma_wait3A_174 = tpu.memref_slice %arg5[%dma_wait3A_167, %dma_wait3A_173] : memref<2x64xi32, #tpu.memory_space<vmem>> -> memref<1x64xi32, #tpu.memory_space<vmem>>
    %dma_wait3A_175 = tpu.memref_squeeze %dma_wait3A_174 : memref<1x64xi32, #tpu.memory_space<vmem>> -> memref<64xi32, #tpu.memory_space<vmem>>
    %dma_wait3A_176 = arith.constant 0 : i32
    %dma_wait3A_177 = arith.constant 0 : i32
    %dma_wait3A_178 = tpu.memref_slice %arg2[%dma_wait3A_176, %dma_wait3A_177] : memref<30522x768xf32, #tpu.memory_space<hbm>> -> memref<30522x768xf32, #tpu.memory_space<hbm>>
    tpu.wait_indirect_dma semaphore(%arg7 : memref<!tpu.dma_semaphore, #tpu.memory_space<semaphore_mem>>) src(%dma_wait3A_178 : memref<30522x768xf32, #tpu.memory_space<hbm>>) dst(%dma_wait3A_172 : memref<64x768xf32, #tpu.memory_space<vmem>>)
    %add3A_179 = arith.constant 192 : i32
    %add3A_180 = arith.addi %mul3A_2, %add3A_179 : i32
    %dma_start3A_181 = arith.constant 1 : i32
    %dma_start3A_182 = arith.constant 0 : i32
    %dma_start3A_183 = arith.constant 0 : i32
    %dma_start3A_184 = tpu.memref_slice %arg6[%dma_start3A_181, %dma_start3A_182, %dma_start3A_183] : memref<2x64x768xf32, #tpu.memory_space<vmem>> -> memref<1x64x768xf32, #tpu.memory_space<vmem>>
    %dma_start3A_185 = tpu.memref_squeeze %dma_start3A_184 : memref<1x64x768xf32, #tpu.memory_space<vmem>> -> memref<64x768xf32, #tpu.memory_space<vmem>>
    %dma_start3A_186 = arith.constant 0 : i32
    %dma_start3A_187 = tpu.memref_slice %arg4[%add3A_180, %dma_start3A_186] : memref<8192x768xf32, #tpu.memory_space<hbm>> -> memref<64x768xf32, #tpu.memory_space<hbm>>
    %dma_start3A_188 = arith.constant 0 : i32
    %dma_start3A_189 = tpu.memref_slice %arg4[%add3A_180, %dma_start3A_188] : memref<8192x768xf32, #tpu.memory_space<hbm>> -> memref<64x768xf32, #tpu.memory_space<hbm>>
    %dma_start3A_190 = arith.constant 0 : i32
    %dma_start3A_191 = arith.constant 0 : i32
    %dma_start3A_192 = tpu.memref_slice %arg6[%dma_start3A_181, %dma_start3A_190, %dma_start3A_191] : memref<2x64x768xf32, #tpu.memory_space<vmem>> -> memref<1x64x768xf32, #tpu.memory_space<vmem>>
    %dma_start3A_193 = tpu.memref_squeeze %dma_start3A_192 : memref<1x64x768xf32, #tpu.memory_space<vmem>> -> memref<64x768xf32, #tpu.memory_space<vmem>>
    tpu.enqueue_dma source(%dma_start3A_193 : memref<64x768xf32, #tpu.memory_space<vmem>>) target(%dma_start3A_189 : memref<64x768xf32, #tpu.memory_space<hbm>>) target_semaphore(%arg8 : memref<!tpu.dma_semaphore, #tpu.memory_space<semaphore_mem>>)
    %dma_wait3A_194 = arith.constant 0 : i32
    %dma_wait3A_195 = arith.constant 0 : i32
    %dma_wait3A_196 = arith.constant 0 : i32
    %dma_wait3A_197 = tpu.memref_slice %arg6[%dma_wait3A_194, %dma_wait3A_195, %dma_wait3A_196] : memref<2x64x768xf32, #tpu.memory_space<vmem>> -> memref<1x64x768xf32, #tpu.memory_space<vmem>>
    %dma_wait3A_198 = tpu.memref_squeeze %dma_wait3A_197 : memref<1x64x768xf32, #tpu.memory_space<vmem>> -> memref<64x768xf32, #tpu.memory_space<vmem>>
    %dma_wait3A_199 = arith.constant 0 : i32
    %dma_wait3A_200 = tpu.memref_slice %arg4[%add3A_153, %dma_wait3A_199] : memref<8192x768xf32, #tpu.memory_space<hbm>> -> memref<64x768xf32, #tpu.memory_space<hbm>>
    %dma_wait3A_201 = arith.constant 0 : i32
    %dma_wait3A_202 = tpu.memref_slice %arg4[%add3A_153, %dma_wait3A_201] : memref<8192x768xf32, #tpu.memory_space<hbm>> -> memref<64x768xf32, #tpu.memory_space<hbm>>
    %dma_wait3A_203 = arith.constant 0 : i32
    %dma_wait3A_204 = arith.constant 0 : i32
    %dma_wait3A_205 = tpu.memref_slice %arg6[%dma_wait3A_194, %dma_wait3A_203, %dma_wait3A_204] : memref<2x64x768xf32, #tpu.memory_space<vmem>> -> memref<1x64x768xf32, #tpu.memory_space<vmem>>
    %dma_wait3A_206 = tpu.memref_squeeze %dma_wait3A_205 : memref<1x64x768xf32, #tpu.memory_space<vmem>> -> memref<64x768xf32, #tpu.memory_space<vmem>>
    tpu.wait_dma2 semaphore(%arg8 : memref<!tpu.dma_semaphore, #tpu.memory_space<semaphore_mem>>) src(%dma_wait3A_206 : memref<64x768xf32, #tpu.memory_space<vmem>>) dst(%dma_wait3A_202 : memref<64x768xf32, #tpu.memory_space<hbm>>)
    %dma_wait3A_207 = arith.constant 1 : i32
    %dma_wait3A_208 = arith.constant 0 : i32
    %dma_wait3A_209 = arith.constant 0 : i32
    %dma_wait3A_210 = tpu.memref_slice %arg6[%dma_wait3A_207, %dma_wait3A_208, %dma_wait3A_209] : memref<2x64x768xf32, #tpu.memory_space<vmem>> -> memref<1x64x768xf32, #tpu.memory_space<vmem>>
    %dma_wait3A_211 = tpu.memref_squeeze %dma_wait3A_210 : memref<1x64x768xf32, #tpu.memory_space<vmem>> -> memref<64x768xf32, #tpu.memory_space<vmem>>
    %dma_wait3A_212 = arith.constant 0 : i32
    %dma_wait3A_213 = tpu.memref_slice %arg4[%add3A_180, %dma_wait3A_212] : memref<8192x768xf32, #tpu.memory_space<hbm>> -> memref<64x768xf32, #tpu.memory_space<hbm>>
    %dma_wait3A_214 = arith.constant 0 : i32
    %dma_wait3A_215 = tpu.memref_slice %arg4[%add3A_180, %dma_wait3A_214] : memref<8192x768xf32, #tpu.memory_space<hbm>> -> memref<64x768xf32, #tpu.memory_space<hbm>>
    %dma_wait3A_216 = arith.constant 0 : i32
    %dma_wait3A_217 = arith.constant 0 : i32
    %dma_wait3A_218 = tpu.memref_slice %arg6[%dma_wait3A_207, %dma_wait3A_216, %dma_wait3A_217] : memref<2x64x768xf32, #tpu.memory_space<vmem>> -> memref<1x64x768xf32, #tpu.memory_space<vmem>>
    %dma_wait3A_219 = tpu.memref_squeeze %dma_wait3A_218 : memref<1x64x768xf32, #tpu.memory_space<vmem>> -> memref<64x768xf32, #tpu.memory_space<vmem>>
    tpu.wait_dma2 semaphore(%arg8 : memref<!tpu.dma_semaphore, #tpu.memory_space<semaphore_mem>>) src(%dma_wait3A_219 : memref<64x768xf32, #tpu.memory_space<vmem>>) dst(%dma_wait3A_215 : memref<64x768xf32, #tpu.memory_space<hbm>>)
    return
  }
}

#map = affine_map<(d0, d1) -> (0, 0)>
#map1 = affine_map<(d0, d1) -> (0)>
module attributes {stable_mosaic.version = 14 : i64} {
  func.func @_sc_xpath_body(%arg0: i32, %arg1: i32, %arg2: memref<12800x32xf32, #tpu.memory_space<hbm>>, %arg3: memref<409600xi32, #tpu.memory_space<hbm>>, %arg4: memref<51200x32xf32, #tpu.memory_space<hbm>>, %arg5: memref<409600xi32, #tpu.memory_space<hbm>>, %arg6: memref<409600x32xf32, #tpu.memory_space<hbm>>, %arg7: memref<2x640xi32, #tpu.memory_space<vmem>>, %arg8: memref<2x640xi32, #tpu.memory_space<vmem>>, %arg9: memref<2x640x32xf32, #tpu.memory_space<vmem>>, %arg10: memref<2x640x32xf32, #tpu.memory_space<vmem>>, %arg11: memref<!tpu.dma_semaphore, #tpu.memory_space<semaphore_mem>>, %arg12: memref<!tpu.dma_semaphore, #tpu.memory_space<semaphore_mem>>, %arg13: memref<!tpu.dma_semaphore, #tpu.memory_space<semaphore_mem>>) attributes {dimension_semantics = [#tpu.dimension_semantics<core_parallel>, #tpu.dimension_semantics<subcore_parallel>], iteration_bounds = array<i64: 2, 16>, scalar_prefetch = 0 : i64, scratch_operands = 7 : i64, tpu.core_type = #tpu.core_type<sc_vector_subcore>, window_params = [{transform_indices = #map}, {transform_indices = #map1}, {transform_indices = #map}, {transform_indices = #map1}, {transform_indices = #map}]} {
    %mul3A = arith.constant 2 : i32
    %mul3A_0 = arith.muli %arg1, %mul3A : i32
    %add3A = arith.addi %mul3A_0, %arg0 : i32
    %mul3A_1 = arith.constant 12800 : i32
    %mul3A_2 = arith.muli %add3A, %mul3A_1 : i32
    %add3A_3 = arith.constant 0 : i32
    %add3A_4 = arith.addi %mul3A_2, %add3A_3 : i32
    %run_scoped3A = arith.constant 0 : i32
    "tpu.region"() ({
      %run_scoped3A_558 = tpu.sem_alloc : memref<!tpu.dma_semaphore, #tpu.memory_space<semaphore_mem>>
      %dma_start3A_559 = arith.constant 0 : i32
      %dma_start3A_560 = tpu.memref_slice %arg7[%run_scoped3A, %dma_start3A_559] : memref<2x640xi32, #tpu.memory_space<vmem>> -> memref<1x640xi32, #tpu.memory_space<vmem>>
      %dma_start3A_561 = tpu.memref_squeeze %dma_start3A_560 : memref<1x640xi32, #tpu.memory_space<vmem>> -> memref<640xi32, #tpu.memory_space<vmem>>
      %dma_start3A_562 = tpu.memref_slice %arg3[%add3A_4] : memref<409600xi32, #tpu.memory_space<hbm>> -> memref<640xi32, #tpu.memory_space<hbm>>
      %dma_start3A_563 = arith.constant 0 : i32
      %dma_start3A_564 = tpu.memref_slice %arg7[%run_scoped3A, %dma_start3A_563] : memref<2x640xi32, #tpu.memory_space<vmem>> -> memref<1x640xi32, #tpu.memory_space<vmem>>
      %dma_start3A_565 = tpu.memref_squeeze %dma_start3A_564 : memref<1x640xi32, #tpu.memory_space<vmem>> -> memref<640xi32, #tpu.memory_space<vmem>>
      %dma_start3A_566 = tpu.memref_slice %arg3[%add3A_4] : memref<409600xi32, #tpu.memory_space<hbm>> -> memref<640xi32, #tpu.memory_space<hbm>>
      tpu.enqueue_dma source(%dma_start3A_566 : memref<640xi32, #tpu.memory_space<hbm>>) target(%dma_start3A_565 : memref<640xi32, #tpu.memory_space<vmem>>) target_semaphore(%run_scoped3A_558 : memref<!tpu.dma_semaphore, #tpu.memory_space<semaphore_mem>>)
      %dma_wait3A_567 = arith.constant 0 : i32
      %dma_wait3A_568 = tpu.memref_slice %arg7[%run_scoped3A, %dma_wait3A_567] : memref<2x640xi32, #tpu.memory_space<vmem>> -> memref<1x640xi32, #tpu.memory_space<vmem>>
      %dma_wait3A_569 = tpu.memref_squeeze %dma_wait3A_568 : memref<1x640xi32, #tpu.memory_space<vmem>> -> memref<640xi32, #tpu.memory_space<vmem>>
      %dma_wait3A_570 = tpu.memref_slice %arg3[%add3A_4] : memref<409600xi32, #tpu.memory_space<hbm>> -> memref<640xi32, #tpu.memory_space<hbm>>
      %dma_wait3A_571 = arith.constant 0 : i32
      %dma_wait3A_572 = tpu.memref_slice %arg7[%run_scoped3A, %dma_wait3A_571] : memref<2x640xi32, #tpu.memory_space<vmem>> -> memref<1x640xi32, #tpu.memory_space<vmem>>
      %dma_wait3A_573 = tpu.memref_squeeze %dma_wait3A_572 : memref<1x640xi32, #tpu.memory_space<vmem>> -> memref<640xi32, #tpu.memory_space<vmem>>
      %dma_wait3A_574 = tpu.memref_slice %arg3[%add3A_4] : memref<409600xi32, #tpu.memory_space<hbm>> -> memref<640xi32, #tpu.memory_space<hbm>>
      tpu.wait_dma2 semaphore(%run_scoped3A_558 : memref<!tpu.dma_semaphore, #tpu.memory_space<semaphore_mem>>) src(%dma_wait3A_574 : memref<640xi32, #tpu.memory_space<hbm>>) dst(%dma_wait3A_573 : memref<640xi32, #tpu.memory_space<vmem>>)
      tpu.yield
    }) : () -> ()
    %run_scoped3A_5 = arith.constant 0 : i32
    "tpu.region"() ({
      %run_scoped3A_558 = tpu.sem_alloc : memref<!tpu.dma_semaphore, #tpu.memory_space<semaphore_mem>>
      %dma_start3A_559 = arith.constant 0 : i32
      %dma_start3A_560 = tpu.memref_slice %arg8[%run_scoped3A_5, %dma_start3A_559] : memref<2x640xi32, #tpu.memory_space<vmem>> -> memref<1x640xi32, #tpu.memory_space<vmem>>
      %dma_start3A_561 = tpu.memref_squeeze %dma_start3A_560 : memref<1x640xi32, #tpu.memory_space<vmem>> -> memref<640xi32, #tpu.memory_space<vmem>>
      %dma_start3A_562 = tpu.memref_slice %arg5[%add3A_4] : memref<409600xi32, #tpu.memory_space<hbm>> -> memref<640xi32, #tpu.memory_space<hbm>>
      %dma_start3A_563 = arith.constant 0 : i32
      %dma_start3A_564 = tpu.memref_slice %arg8[%run_scoped3A_5, %dma_start3A_563] : memref<2x640xi32, #tpu.memory_space<vmem>> -> memref<1x640xi32, #tpu.memory_space<vmem>>
      %dma_start3A_565 = tpu.memref_squeeze %dma_start3A_564 : memref<1x640xi32, #tpu.memory_space<vmem>> -> memref<640xi32, #tpu.memory_space<vmem>>
      %dma_start3A_566 = tpu.memref_slice %arg5[%add3A_4] : memref<409600xi32, #tpu.memory_space<hbm>> -> memref<640xi32, #tpu.memory_space<hbm>>
      tpu.enqueue_dma source(%dma_start3A_566 : memref<640xi32, #tpu.memory_space<hbm>>) target(%dma_start3A_565 : memref<640xi32, #tpu.memory_space<vmem>>) target_semaphore(%run_scoped3A_558 : memref<!tpu.dma_semaphore, #tpu.memory_space<semaphore_mem>>)
      %dma_wait3A_567 = arith.constant 0 : i32
      %dma_wait3A_568 = tpu.memref_slice %arg8[%run_scoped3A_5, %dma_wait3A_567] : memref<2x640xi32, #tpu.memory_space<vmem>> -> memref<1x640xi32, #tpu.memory_space<vmem>>
      %dma_wait3A_569 = tpu.memref_squeeze %dma_wait3A_568 : memref<1x640xi32, #tpu.memory_space<vmem>> -> memref<640xi32, #tpu.memory_space<vmem>>
      %dma_wait3A_570 = tpu.memref_slice %arg5[%add3A_4] : memref<409600xi32, #tpu.memory_space<hbm>> -> memref<640xi32, #tpu.memory_space<hbm>>
      %dma_wait3A_571 = arith.constant 0 : i32
      %dma_wait3A_572 = tpu.memref_slice %arg8[%run_scoped3A_5, %dma_wait3A_571] : memref<2x640xi32, #tpu.memory_space<vmem>> -> memref<1x640xi32, #tpu.memory_space<vmem>>
      %dma_wait3A_573 = tpu.memref_squeeze %dma_wait3A_572 : memref<1x640xi32, #tpu.memory_space<vmem>> -> memref<640xi32, #tpu.memory_space<vmem>>
      %dma_wait3A_574 = tpu.memref_slice %arg5[%add3A_4] : memref<409600xi32, #tpu.memory_space<hbm>> -> memref<640xi32, #tpu.memory_space<hbm>>
      tpu.wait_dma2 semaphore(%run_scoped3A_558 : memref<!tpu.dma_semaphore, #tpu.memory_space<semaphore_mem>>) src(%dma_wait3A_574 : memref<640xi32, #tpu.memory_space<hbm>>) dst(%dma_wait3A_573 : memref<640xi32, #tpu.memory_space<vmem>>)
      tpu.yield
    }) : () -> ()
    %dma_start3A = arith.constant 0 : i32
    %dma_start3A_6 = arith.constant 0 : i32
    %dma_start3A_7 = arith.constant 0 : i32
    %dma_start3A_8 = arith.constant 0 : i32
    %dma_start3A_9 = tpu.memref_slice %arg9[%dma_start3A_6, %dma_start3A_7, %dma_start3A_8] : memref<2x640x32xf32, #tpu.memory_space<vmem>> -> memref<1x128x32xf32, #tpu.memory_space<vmem>>
    %dma_start3A_10 = tpu.memref_squeeze %dma_start3A_9 : memref<1x128x32xf32, #tpu.memory_space<vmem>> -> memref<128x32xf32, #tpu.memory_space<vmem>>
    %dma_start3A_11 = arith.constant 0 : i32
    %dma_start3A_12 = tpu.memref_slice %arg7[%dma_start3A, %dma_start3A_11] : memref<2x640xi32, #tpu.memory_space<vmem>> -> memref<1x128xi32, #tpu.memory_space<vmem>>
    %dma_start3A_13 = tpu.memref_squeeze %dma_start3A_12 : memref<1x128xi32, #tpu.memory_space<vmem>> -> memref<128xi32, #tpu.memory_space<vmem>>
    %dma_start3A_14 = arith.constant 0 : i32
    %dma_start3A_15 = arith.constant 0 : i32
    %dma_start3A_16 = tpu.memref_slice %arg2[%dma_start3A_14, %dma_start3A_15] : memref<12800x32xf32, #tpu.memory_space<hbm>> -> memref<12800x32xf32, #tpu.memory_space<hbm>>
    tpu.enqueue_indirect_dma source(%dma_start3A_16 : memref<12800x32xf32, #tpu.memory_space<hbm>>) target(%dma_start3A_10 : memref<128x32xf32, #tpu.memory_space<vmem>>) offsets(%dma_start3A_13 : memref<128xi32, #tpu.memory_space<vmem>>) semaphore(%arg11 : memref<!tpu.dma_semaphore, #tpu.memory_space<semaphore_mem>>)
    %dma_start3A_17 = arith.constant 0 : i32
    %dma_start3A_18 = arith.constant 0 : i32
    %dma_start3A_19 = arith.constant 0 : i32
    %dma_start3A_20 = arith.constant 0 : i32
    %dma_start3A_21 = tpu.memref_slice %arg10[%dma_start3A_18, %dma_start3A_19, %dma_start3A_20] : memref<2x640x32xf32, #tpu.memory_space<vmem>> -> memref<1x128x32xf32, #tpu.memory_space<vmem>>
    %dma_start3A_22 = tpu.memref_squeeze %dma_start3A_21 : memref<1x128x32xf32, #tpu.memory_space<vmem>> -> memref<128x32xf32, #tpu.memory_space<vmem>>
    %dma_start3A_23 = arith.constant 0 : i32
    %dma_start3A_24 = tpu.memref_slice %arg8[%dma_start3A_17, %dma_start3A_23] : memref<2x640xi32, #tpu.memory_space<vmem>> -> memref<1x128xi32, #tpu.memory_space<vmem>>
    %dma_start3A_25 = tpu.memref_squeeze %dma_start3A_24 : memref<1x128xi32, #tpu.memory_space<vmem>> -> memref<128xi32, #tpu.memory_space<vmem>>
    %dma_start3A_26 = arith.constant 0 : i32
    %dma_start3A_27 = arith.constant 0 : i32
    %dma_start3A_28 = tpu.memref_slice %arg4[%dma_start3A_26, %dma_start3A_27] : memref<51200x32xf32, #tpu.memory_space<hbm>> -> memref<51200x32xf32, #tpu.memory_space<hbm>>
    tpu.enqueue_indirect_dma source(%dma_start3A_28 : memref<51200x32xf32, #tpu.memory_space<hbm>>) target(%dma_start3A_22 : memref<128x32xf32, #tpu.memory_space<vmem>>) offsets(%dma_start3A_25 : memref<128xi32, #tpu.memory_space<vmem>>) semaphore(%arg12 : memref<!tpu.dma_semaphore, #tpu.memory_space<semaphore_mem>>)
    %dma_start3A_29 = arith.constant 0 : i32
    %dma_start3A_30 = arith.constant 0 : i32
    %dma_start3A_31 = arith.constant 128 : i32
    %dma_start3A_32 = arith.constant 0 : i32
    %dma_start3A_33 = tpu.memref_slice %arg9[%dma_start3A_30, %dma_start3A_31, %dma_start3A_32] : memref<2x640x32xf32, #tpu.memory_space<vmem>> -> memref<1x128x32xf32, #tpu.memory_space<vmem>>
    %dma_start3A_34 = tpu.memref_squeeze %dma_start3A_33 : memref<1x128x32xf32, #tpu.memory_space<vmem>> -> memref<128x32xf32, #tpu.memory_space<vmem>>
    %dma_start3A_35 = arith.constant 128 : i32
    %dma_start3A_36 = tpu.memref_slice %arg7[%dma_start3A_29, %dma_start3A_35] : memref<2x640xi32, #tpu.memory_space<vmem>> -> memref<1x128xi32, #tpu.memory_space<vmem>>
    %dma_start3A_37 = tpu.memref_squeeze %dma_start3A_36 : memref<1x128xi32, #tpu.memory_space<vmem>> -> memref<128xi32, #tpu.memory_space<vmem>>
    %dma_start3A_38 = arith.constant 0 : i32
    %dma_start3A_39 = arith.constant 0 : i32
    %dma_start3A_40 = tpu.memref_slice %arg2[%dma_start3A_38, %dma_start3A_39] : memref<12800x32xf32, #tpu.memory_space<hbm>> -> memref<12800x32xf32, #tpu.memory_space<hbm>>
    tpu.enqueue_indirect_dma source(%dma_start3A_40 : memref<12800x32xf32, #tpu.memory_space<hbm>>) target(%dma_start3A_34 : memref<128x32xf32, #tpu.memory_space<vmem>>) offsets(%dma_start3A_37 : memref<128xi32, #tpu.memory_space<vmem>>) semaphore(%arg11 : memref<!tpu.dma_semaphore, #tpu.memory_space<semaphore_mem>>)
    %dma_start3A_41 = arith.constant 0 : i32
    %dma_start3A_42 = arith.constant 0 : i32
    %dma_start3A_43 = arith.constant 128 : i32
    %dma_start3A_44 = arith.constant 0 : i32
    %dma_start3A_45 = tpu.memref_slice %arg10[%dma_start3A_42, %dma_start3A_43, %dma_start3A_44] : memref<2x640x32xf32, #tpu.memory_space<vmem>> -> memref<1x128x32xf32, #tpu.memory_space<vmem>>
    %dma_start3A_46 = tpu.memref_squeeze %dma_start3A_45 : memref<1x128x32xf32, #tpu.memory_space<vmem>> -> memref<128x32xf32, #tpu.memory_space<vmem>>
    %dma_start3A_47 = arith.constant 128 : i32
    %dma_start3A_48 = tpu.memref_slice %arg8[%dma_start3A_41, %dma_start3A_47] : memref<2x640xi32, #tpu.memory_space<vmem>> -> memref<1x128xi32, #tpu.memory_space<vmem>>
    %dma_start3A_49 = tpu.memref_squeeze %dma_start3A_48 : memref<1x128xi32, #tpu.memory_space<vmem>> -> memref<128xi32, #tpu.memory_space<vmem>>
    %dma_start3A_50 = arith.constant 0 : i32
    %dma_start3A_51 = arith.constant 0 : i32
    %dma_start3A_52 = tpu.memref_slice %arg4[%dma_start3A_50, %dma_start3A_51] : memref<51200x32xf32, #tpu.memory_space<hbm>> -> memref<51200x32xf32, #tpu.memory_space<hbm>>
    tpu.enqueue_indirect_dma source(%dma_start3A_52 : memref<51200x32xf32, #tpu.memory_space<hbm>>) target(%dma_start3A_46 : memref<128x32xf32, #tpu.memory_space<vmem>>) offsets(%dma_start3A_49 : memref<128xi32, #tpu.memory_space<vmem>>) semaphore(%arg12 : memref<!tpu.dma_semaphore, #tpu.memory_space<semaphore_mem>>)
    %dma_start3A_53 = arith.constant 0 : i32
    %dma_start3A_54 = arith.constant 0 : i32
    %dma_start3A_55 = arith.constant 256 : i32
    %dma_start3A_56 = arith.constant 0 : i32
    %dma_start3A_57 = tpu.memref_slice %arg9[%dma_start3A_54, %dma_start3A_55, %dma_start3A_56] : memref<2x640x32xf32, #tpu.memory_space<vmem>> -> memref<1x128x32xf32, #tpu.memory_space<vmem>>
    %dma_start3A_58 = tpu.memref_squeeze %dma_start3A_57 : memref<1x128x32xf32, #tpu.memory_space<vmem>> -> memref<128x32xf32, #tpu.memory_space<vmem>>
    %dma_start3A_59 = arith.constant 256 : i32
    %dma_start3A_60 = tpu.memref_slice %arg7[%dma_start3A_53, %dma_start3A_59] : memref<2x640xi32, #tpu.memory_space<vmem>> -> memref<1x128xi32, #tpu.memory_space<vmem>>
    %dma_start3A_61 = tpu.memref_squeeze %dma_start3A_60 : memref<1x128xi32, #tpu.memory_space<vmem>> -> memref<128xi32, #tpu.memory_space<vmem>>
    %dma_start3A_62 = arith.constant 0 : i32
    %dma_start3A_63 = arith.constant 0 : i32
    %dma_start3A_64 = tpu.memref_slice %arg2[%dma_start3A_62, %dma_start3A_63] : memref<12800x32xf32, #tpu.memory_space<hbm>> -> memref<12800x32xf32, #tpu.memory_space<hbm>>
    tpu.enqueue_indirect_dma source(%dma_start3A_64 : memref<12800x32xf32, #tpu.memory_space<hbm>>) target(%dma_start3A_58 : memref<128x32xf32, #tpu.memory_space<vmem>>) offsets(%dma_start3A_61 : memref<128xi32, #tpu.memory_space<vmem>>) semaphore(%arg11 : memref<!tpu.dma_semaphore, #tpu.memory_space<semaphore_mem>>)
    %dma_start3A_65 = arith.constant 0 : i32
    %dma_start3A_66 = arith.constant 0 : i32
    %dma_start3A_67 = arith.constant 256 : i32
    %dma_start3A_68 = arith.constant 0 : i32
    %dma_start3A_69 = tpu.memref_slice %arg10[%dma_start3A_66, %dma_start3A_67, %dma_start3A_68] : memref<2x640x32xf32, #tpu.memory_space<vmem>> -> memref<1x128x32xf32, #tpu.memory_space<vmem>>
    %dma_start3A_70 = tpu.memref_squeeze %dma_start3A_69 : memref<1x128x32xf32, #tpu.memory_space<vmem>> -> memref<128x32xf32, #tpu.memory_space<vmem>>
    %dma_start3A_71 = arith.constant 256 : i32
    %dma_start3A_72 = tpu.memref_slice %arg8[%dma_start3A_65, %dma_start3A_71] : memref<2x640xi32, #tpu.memory_space<vmem>> -> memref<1x128xi32, #tpu.memory_space<vmem>>
    %dma_start3A_73 = tpu.memref_squeeze %dma_start3A_72 : memref<1x128xi32, #tpu.memory_space<vmem>> -> memref<128xi32, #tpu.memory_space<vmem>>
    %dma_start3A_74 = arith.constant 0 : i32
    %dma_start3A_75 = arith.constant 0 : i32
    %dma_start3A_76 = tpu.memref_slice %arg4[%dma_start3A_74, %dma_start3A_75] : memref<51200x32xf32, #tpu.memory_space<hbm>> -> memref<51200x32xf32, #tpu.memory_space<hbm>>
    tpu.enqueue_indirect_dma source(%dma_start3A_76 : memref<51200x32xf32, #tpu.memory_space<hbm>>) target(%dma_start3A_70 : memref<128x32xf32, #tpu.memory_space<vmem>>) offsets(%dma_start3A_73 : memref<128xi32, #tpu.memory_space<vmem>>) semaphore(%arg12 : memref<!tpu.dma_semaphore, #tpu.memory_space<semaphore_mem>>)
    %dma_start3A_77 = arith.constant 0 : i32
    %dma_start3A_78 = arith.constant 0 : i32
    %dma_start3A_79 = arith.constant 384 : i32
    %dma_start3A_80 = arith.constant 0 : i32
    %dma_start3A_81 = tpu.memref_slice %arg9[%dma_start3A_78, %dma_start3A_79, %dma_start3A_80] : memref<2x640x32xf32, #tpu.memory_space<vmem>> -> memref<1x128x32xf32, #tpu.memory_space<vmem>>
    %dma_start3A_82 = tpu.memref_squeeze %dma_start3A_81 : memref<1x128x32xf32, #tpu.memory_space<vmem>> -> memref<128x32xf32, #tpu.memory_space<vmem>>
    %dma_start3A_83 = arith.constant 384 : i32
    %dma_start3A_84 = tpu.memref_slice %arg7[%dma_start3A_77, %dma_start3A_83] : memref<2x640xi32, #tpu.memory_space<vmem>> -> memref<1x128xi32, #tpu.memory_space<vmem>>
    %dma_start3A_85 = tpu.memref_squeeze %dma_start3A_84 : memref<1x128xi32, #tpu.memory_space<vmem>> -> memref<128xi32, #tpu.memory_space<vmem>>
    %dma_start3A_86 = arith.constant 0 : i32
    %dma_start3A_87 = arith.constant 0 : i32
    %dma_start3A_88 = tpu.memref_slice %arg2[%dma_start3A_86, %dma_start3A_87] : memref<12800x32xf32, #tpu.memory_space<hbm>> -> memref<12800x32xf32, #tpu.memory_space<hbm>>
    tpu.enqueue_indirect_dma source(%dma_start3A_88 : memref<12800x32xf32, #tpu.memory_space<hbm>>) target(%dma_start3A_82 : memref<128x32xf32, #tpu.memory_space<vmem>>) offsets(%dma_start3A_85 : memref<128xi32, #tpu.memory_space<vmem>>) semaphore(%arg11 : memref<!tpu.dma_semaphore, #tpu.memory_space<semaphore_mem>>)
    %dma_start3A_89 = arith.constant 0 : i32
    %dma_start3A_90 = arith.constant 0 : i32
    %dma_start3A_91 = arith.constant 384 : i32
    %dma_start3A_92 = arith.constant 0 : i32
    %dma_start3A_93 = tpu.memref_slice %arg10[%dma_start3A_90, %dma_start3A_91, %dma_start3A_92] : memref<2x640x32xf32, #tpu.memory_space<vmem>> -> memref<1x128x32xf32, #tpu.memory_space<vmem>>
    %dma_start3A_94 = tpu.memref_squeeze %dma_start3A_93 : memref<1x128x32xf32, #tpu.memory_space<vmem>> -> memref<128x32xf32, #tpu.memory_space<vmem>>
    %dma_start3A_95 = arith.constant 384 : i32
    %dma_start3A_96 = tpu.memref_slice %arg8[%dma_start3A_89, %dma_start3A_95] : memref<2x640xi32, #tpu.memory_space<vmem>> -> memref<1x128xi32, #tpu.memory_space<vmem>>
    %dma_start3A_97 = tpu.memref_squeeze %dma_start3A_96 : memref<1x128xi32, #tpu.memory_space<vmem>> -> memref<128xi32, #tpu.memory_space<vmem>>
    %dma_start3A_98 = arith.constant 0 : i32
    %dma_start3A_99 = arith.constant 0 : i32
    %dma_start3A_100 = tpu.memref_slice %arg4[%dma_start3A_98, %dma_start3A_99] : memref<51200x32xf32, #tpu.memory_space<hbm>> -> memref<51200x32xf32, #tpu.memory_space<hbm>>
    tpu.enqueue_indirect_dma source(%dma_start3A_100 : memref<51200x32xf32, #tpu.memory_space<hbm>>) target(%dma_start3A_94 : memref<128x32xf32, #tpu.memory_space<vmem>>) offsets(%dma_start3A_97 : memref<128xi32, #tpu.memory_space<vmem>>) semaphore(%arg12 : memref<!tpu.dma_semaphore, #tpu.memory_space<semaphore_mem>>)
    %dma_start3A_101 = arith.constant 0 : i32
    %dma_start3A_102 = arith.constant 0 : i32
    %dma_start3A_103 = arith.constant 512 : i32
    %dma_start3A_104 = arith.constant 0 : i32
    %dma_start3A_105 = tpu.memref_slice %arg9[%dma_start3A_102, %dma_start3A_103, %dma_start3A_104] : memref<2x640x32xf32, #tpu.memory_space<vmem>> -> memref<1x128x32xf32, #tpu.memory_space<vmem>>
    %dma_start3A_106 = tpu.memref_squeeze %dma_start3A_105 : memref<1x128x32xf32, #tpu.memory_space<vmem>> -> memref<128x32xf32, #tpu.memory_space<vmem>>
    %dma_start3A_107 = arith.constant 512 : i32
    %dma_start3A_108 = tpu.memref_slice %arg7[%dma_start3A_101, %dma_start3A_107] : memref<2x640xi32, #tpu.memory_space<vmem>> -> memref<1x128xi32, #tpu.memory_space<vmem>>
    %dma_start3A_109 = tpu.memref_squeeze %dma_start3A_108 : memref<1x128xi32, #tpu.memory_space<vmem>> -> memref<128xi32, #tpu.memory_space<vmem>>
    %dma_start3A_110 = arith.constant 0 : i32
    %dma_start3A_111 = arith.constant 0 : i32
    %dma_start3A_112 = tpu.memref_slice %arg2[%dma_start3A_110, %dma_start3A_111] : memref<12800x32xf32, #tpu.memory_space<hbm>> -> memref<12800x32xf32, #tpu.memory_space<hbm>>
    tpu.enqueue_indirect_dma source(%dma_start3A_112 : memref<12800x32xf32, #tpu.memory_space<hbm>>) target(%dma_start3A_106 : memref<128x32xf32, #tpu.memory_space<vmem>>) offsets(%dma_start3A_109 : memref<128xi32, #tpu.memory_space<vmem>>) semaphore(%arg11 : memref<!tpu.dma_semaphore, #tpu.memory_space<semaphore_mem>>)
    %dma_start3A_113 = arith.constant 0 : i32
    %dma_start3A_114 = arith.constant 0 : i32
    %dma_start3A_115 = arith.constant 512 : i32
    %dma_start3A_116 = arith.constant 0 : i32
    %dma_start3A_117 = tpu.memref_slice %arg10[%dma_start3A_114, %dma_start3A_115, %dma_start3A_116] : memref<2x640x32xf32, #tpu.memory_space<vmem>> -> memref<1x128x32xf32, #tpu.memory_space<vmem>>
    %dma_start3A_118 = tpu.memref_squeeze %dma_start3A_117 : memref<1x128x32xf32, #tpu.memory_space<vmem>> -> memref<128x32xf32, #tpu.memory_space<vmem>>
    %dma_start3A_119 = arith.constant 512 : i32
    %dma_start3A_120 = tpu.memref_slice %arg8[%dma_start3A_113, %dma_start3A_119] : memref<2x640xi32, #tpu.memory_space<vmem>> -> memref<1x128xi32, #tpu.memory_space<vmem>>
    %dma_start3A_121 = tpu.memref_squeeze %dma_start3A_120 : memref<1x128xi32, #tpu.memory_space<vmem>> -> memref<128xi32, #tpu.memory_space<vmem>>
    %dma_start3A_122 = arith.constant 0 : i32
    %dma_start3A_123 = arith.constant 0 : i32
    %dma_start3A_124 = tpu.memref_slice %arg4[%dma_start3A_122, %dma_start3A_123] : memref<51200x32xf32, #tpu.memory_space<hbm>> -> memref<51200x32xf32, #tpu.memory_space<hbm>>
    tpu.enqueue_indirect_dma source(%dma_start3A_124 : memref<51200x32xf32, #tpu.memory_space<hbm>>) target(%dma_start3A_118 : memref<128x32xf32, #tpu.memory_space<vmem>>) offsets(%dma_start3A_121 : memref<128xi32, #tpu.memory_space<vmem>>) semaphore(%arg12 : memref<!tpu.dma_semaphore, #tpu.memory_space<semaphore_mem>>)
    %add3A_125 = arith.constant 640 : i32
    %add3A_126 = arith.addi %mul3A_2, %add3A_125 : i32
    %run_scoped3A_127 = arith.constant 1 : i32
    "tpu.region"() ({
      %run_scoped3A_558 = tpu.sem_alloc : memref<!tpu.dma_semaphore, #tpu.memory_space<semaphore_mem>>
      %dma_start3A_559 = arith.constant 0 : i32
      %dma_start3A_560 = tpu.memref_slice %arg7[%run_scoped3A_127, %dma_start3A_559] : memref<2x640xi32, #tpu.memory_space<vmem>> -> memref<1x640xi32, #tpu.memory_space<vmem>>
      %dma_start3A_561 = tpu.memref_squeeze %dma_start3A_560 : memref<1x640xi32, #tpu.memory_space<vmem>> -> memref<640xi32, #tpu.memory_space<vmem>>
      %dma_start3A_562 = tpu.memref_slice %arg3[%add3A_126] : memref<409600xi32, #tpu.memory_space<hbm>> -> memref<640xi32, #tpu.memory_space<hbm>>
      %dma_start3A_563 = arith.constant 0 : i32
      %dma_start3A_564 = tpu.memref_slice %arg7[%run_scoped3A_127, %dma_start3A_563] : memref<2x640xi32, #tpu.memory_space<vmem>> -> memref<1x640xi32, #tpu.memory_space<vmem>>
      %dma_start3A_565 = tpu.memref_squeeze %dma_start3A_564 : memref<1x640xi32, #tpu.memory_space<vmem>> -> memref<640xi32, #tpu.memory_space<vmem>>
      %dma_start3A_566 = tpu.memref_slice %arg3[%add3A_126] : memref<409600xi32, #tpu.memory_space<hbm>> -> memref<640xi32, #tpu.memory_space<hbm>>
      tpu.enqueue_dma source(%dma_start3A_566 : memref<640xi32, #tpu.memory_space<hbm>>) target(%dma_start3A_565 : memref<640xi32, #tpu.memory_space<vmem>>) target_semaphore(%run_scoped3A_558 : memref<!tpu.dma_semaphore, #tpu.memory_space<semaphore_mem>>)
      %dma_wait3A_567 = arith.constant 0 : i32
      %dma_wait3A_568 = tpu.memref_slice %arg7[%run_scoped3A_127, %dma_wait3A_567] : memref<2x640xi32, #tpu.memory_space<vmem>> -> memref<1x640xi32, #tpu.memory_space<vmem>>
      %dma_wait3A_569 = tpu.memref_squeeze %dma_wait3A_568 : memref<1x640xi32, #tpu.memory_space<vmem>> -> memref<640xi32, #tpu.memory_space<vmem>>
      %dma_wait3A_570 = tpu.memref_slice %arg3[%add3A_126] : memref<409600xi32, #tpu.memory_space<hbm>> -> memref<640xi32, #tpu.memory_space<hbm>>
      %dma_wait3A_571 = arith.constant 0 : i32
      %dma_wait3A_572 = tpu.memref_slice %arg7[%run_scoped3A_127, %dma_wait3A_571] : memref<2x640xi32, #tpu.memory_space<vmem>> -> memref<1x640xi32, #tpu.memory_space<vmem>>
      %dma_wait3A_573 = tpu.memref_squeeze %dma_wait3A_572 : memref<1x640xi32, #tpu.memory_space<vmem>> -> memref<640xi32, #tpu.memory_space<vmem>>
      %dma_wait3A_574 = tpu.memref_slice %arg3[%add3A_126] : memref<409600xi32, #tpu.memory_space<hbm>> -> memref<640xi32, #tpu.memory_space<hbm>>
      tpu.wait_dma2 semaphore(%run_scoped3A_558 : memref<!tpu.dma_semaphore, #tpu.memory_space<semaphore_mem>>) src(%dma_wait3A_574 : memref<640xi32, #tpu.memory_space<hbm>>) dst(%dma_wait3A_573 : memref<640xi32, #tpu.memory_space<vmem>>)
      tpu.yield
    }) : () -> ()
    %run_scoped3A_128 = arith.constant 1 : i32
    "tpu.region"() ({
      %run_scoped3A_558 = tpu.sem_alloc : memref<!tpu.dma_semaphore, #tpu.memory_space<semaphore_mem>>
      %dma_start3A_559 = arith.constant 0 : i32
      %dma_start3A_560 = tpu.memref_slice %arg8[%run_scoped3A_128, %dma_start3A_559] : memref<2x640xi32, #tpu.memory_space<vmem>> -> memref<1x640xi32, #tpu.memory_space<vmem>>
      %dma_start3A_561 = tpu.memref_squeeze %dma_start3A_560 : memref<1x640xi32, #tpu.memory_space<vmem>> -> memref<640xi32, #tpu.memory_space<vmem>>
      %dma_start3A_562 = tpu.memref_slice %arg5[%add3A_126] : memref<409600xi32, #tpu.memory_space<hbm>> -> memref<640xi32, #tpu.memory_space<hbm>>
      %dma_start3A_563 = arith.constant 0 : i32
      %dma_start3A_564 = tpu.memref_slice %arg8[%run_scoped3A_128, %dma_start3A_563] : memref<2x640xi32, #tpu.memory_space<vmem>> -> memref<1x640xi32, #tpu.memory_space<vmem>>
      %dma_start3A_565 = tpu.memref_squeeze %dma_start3A_564 : memref<1x640xi32, #tpu.memory_space<vmem>> -> memref<640xi32, #tpu.memory_space<vmem>>
      %dma_start3A_566 = tpu.memref_slice %arg5[%add3A_126] : memref<409600xi32, #tpu.memory_space<hbm>> -> memref<640xi32, #tpu.memory_space<hbm>>
      tpu.enqueue_dma source(%dma_start3A_566 : memref<640xi32, #tpu.memory_space<hbm>>) target(%dma_start3A_565 : memref<640xi32, #tpu.memory_space<vmem>>) target_semaphore(%run_scoped3A_558 : memref<!tpu.dma_semaphore, #tpu.memory_space<semaphore_mem>>)
      %dma_wait3A_567 = arith.constant 0 : i32
      %dma_wait3A_568 = tpu.memref_slice %arg8[%run_scoped3A_128, %dma_wait3A_567] : memref<2x640xi32, #tpu.memory_space<vmem>> -> memref<1x640xi32, #tpu.memory_space<vmem>>
      %dma_wait3A_569 = tpu.memref_squeeze %dma_wait3A_568 : memref<1x640xi32, #tpu.memory_space<vmem>> -> memref<640xi32, #tpu.memory_space<vmem>>
      %dma_wait3A_570 = tpu.memref_slice %arg5[%add3A_126] : memref<409600xi32, #tpu.memory_space<hbm>> -> memref<640xi32, #tpu.memory_space<hbm>>
      %dma_wait3A_571 = arith.constant 0 : i32
      %dma_wait3A_572 = tpu.memref_slice %arg8[%run_scoped3A_128, %dma_wait3A_571] : memref<2x640xi32, #tpu.memory_space<vmem>> -> memref<1x640xi32, #tpu.memory_space<vmem>>
      %dma_wait3A_573 = tpu.memref_squeeze %dma_wait3A_572 : memref<1x640xi32, #tpu.memory_space<vmem>> -> memref<640xi32, #tpu.memory_space<vmem>>
      %dma_wait3A_574 = tpu.memref_slice %arg5[%add3A_126] : memref<409600xi32, #tpu.memory_space<hbm>> -> memref<640xi32, #tpu.memory_space<hbm>>
      tpu.wait_dma2 semaphore(%run_scoped3A_558 : memref<!tpu.dma_semaphore, #tpu.memory_space<semaphore_mem>>) src(%dma_wait3A_574 : memref<640xi32, #tpu.memory_space<hbm>>) dst(%dma_wait3A_573 : memref<640xi32, #tpu.memory_space<vmem>>)
      tpu.yield
    }) : () -> ()
    %dma_start3A_129 = arith.constant 1 : i32
    %dma_start3A_130 = arith.constant 1 : i32
    %dma_start3A_131 = arith.constant 0 : i32
    %dma_start3A_132 = arith.constant 0 : i32
    %dma_start3A_133 = tpu.memref_slice %arg9[%dma_start3A_130, %dma_start3A_131, %dma_start3A_132] : memref<2x640x32xf32, #tpu.memory_space<vmem>> -> memref<1x128x32xf32, #tpu.memory_space<vmem>>
    %dma_start3A_134 = tpu.memref_squeeze %dma_start3A_133 : memref<1x128x32xf32, #tpu.memory_space<vmem>> -> memref<128x32xf32, #tpu.memory_space<vmem>>
    %dma_start3A_135 = arith.constant 0 : i32
    %dma_start3A_136 = tpu.memref_slice %arg7[%dma_start3A_129, %dma_start3A_135] : memref<2x640xi32, #tpu.memory_space<vmem>> -> memref<1x128xi32, #tpu.memory_space<vmem>>
    %dma_start3A_137 = tpu.memref_squeeze %dma_start3A_136 : memref<1x128xi32, #tpu.memory_space<vmem>> -> memref<128xi32, #tpu.memory_space<vmem>>
    %dma_start3A_138 = arith.constant 0 : i32
    %dma_start3A_139 = arith.constant 0 : i32
    %dma_start3A_140 = tpu.memref_slice %arg2[%dma_start3A_138, %dma_start3A_139] : memref<12800x32xf32, #tpu.memory_space<hbm>> -> memref<12800x32xf32, #tpu.memory_space<hbm>>
    tpu.enqueue_indirect_dma source(%dma_start3A_140 : memref<12800x32xf32, #tpu.memory_space<hbm>>) target(%dma_start3A_134 : memref<128x32xf32, #tpu.memory_space<vmem>>) offsets(%dma_start3A_137 : memref<128xi32, #tpu.memory_space<vmem>>) semaphore(%arg11 : memref<!tpu.dma_semaphore, #tpu.memory_space<semaphore_mem>>)
    %dma_start3A_141 = arith.constant 1 : i32
    %dma_start3A_142 = arith.constant 1 : i32
    %dma_start3A_143 = arith.constant 0 : i32
    %dma_start3A_144 = arith.constant 0 : i32
    %dma_start3A_145 = tpu.memref_slice %arg10[%dma_start3A_142, %dma_start3A_143, %dma_start3A_144] : memref<2x640x32xf32, #tpu.memory_space<vmem>> -> memref<1x128x32xf32, #tpu.memory_space<vmem>>
    %dma_start3A_146 = tpu.memref_squeeze %dma_start3A_145 : memref<1x128x32xf32, #tpu.memory_space<vmem>> -> memref<128x32xf32, #tpu.memory_space<vmem>>
    %dma_start3A_147 = arith.constant 0 : i32
    %dma_start3A_148 = tpu.memref_slice %arg8[%dma_start3A_141, %dma_start3A_147] : memref<2x640xi32, #tpu.memory_space<vmem>> -> memref<1x128xi32, #tpu.memory_space<vmem>>
    %dma_start3A_149 = tpu.memref_squeeze %dma_start3A_148 : memref<1x128xi32, #tpu.memory_space<vmem>> -> memref<128xi32, #tpu.memory_space<vmem>>
    %dma_start3A_150 = arith.constant 0 : i32
    %dma_start3A_151 = arith.constant 0 : i32
    %dma_start3A_152 = tpu.memref_slice %arg4[%dma_start3A_150, %dma_start3A_151] : memref<51200x32xf32, #tpu.memory_space<hbm>> -> memref<51200x32xf32, #tpu.memory_space<hbm>>
    tpu.enqueue_indirect_dma source(%dma_start3A_152 : memref<51200x32xf32, #tpu.memory_space<hbm>>) target(%dma_start3A_146 : memref<128x32xf32, #tpu.memory_space<vmem>>) offsets(%dma_start3A_149 : memref<128xi32, #tpu.memory_space<vmem>>) semaphore(%arg12 : memref<!tpu.dma_semaphore, #tpu.memory_space<semaphore_mem>>)
    %dma_start3A_153 = arith.constant 1 : i32
    %dma_start3A_154 = arith.constant 1 : i32
    %dma_start3A_155 = arith.constant 128 : i32
    %dma_start3A_156 = arith.constant 0 : i32
    %dma_start3A_157 = tpu.memref_slice %arg9[%dma_start3A_154, %dma_start3A_155, %dma_start3A_156] : memref<2x640x32xf32, #tpu.memory_space<vmem>> -> memref<1x128x32xf32, #tpu.memory_space<vmem>>
    %dma_start3A_158 = tpu.memref_squeeze %dma_start3A_157 : memref<1x128x32xf32, #tpu.memory_space<vmem>> -> memref<128x32xf32, #tpu.memory_space<vmem>>
    %dma_start3A_159 = arith.constant 128 : i32
    %dma_start3A_160 = tpu.memref_slice %arg7[%dma_start3A_153, %dma_start3A_159] : memref<2x640xi32, #tpu.memory_space<vmem>> -> memref<1x128xi32, #tpu.memory_space<vmem>>
    %dma_start3A_161 = tpu.memref_squeeze %dma_start3A_160 : memref<1x128xi32, #tpu.memory_space<vmem>> -> memref<128xi32, #tpu.memory_space<vmem>>
    %dma_start3A_162 = arith.constant 0 : i32
    %dma_start3A_163 = arith.constant 0 : i32
    %dma_start3A_164 = tpu.memref_slice %arg2[%dma_start3A_162, %dma_start3A_163] : memref<12800x32xf32, #tpu.memory_space<hbm>> -> memref<12800x32xf32, #tpu.memory_space<hbm>>
    tpu.enqueue_indirect_dma source(%dma_start3A_164 : memref<12800x32xf32, #tpu.memory_space<hbm>>) target(%dma_start3A_158 : memref<128x32xf32, #tpu.memory_space<vmem>>) offsets(%dma_start3A_161 : memref<128xi32, #tpu.memory_space<vmem>>) semaphore(%arg11 : memref<!tpu.dma_semaphore, #tpu.memory_space<semaphore_mem>>)
    %dma_start3A_165 = arith.constant 1 : i32
    %dma_start3A_166 = arith.constant 1 : i32
    %dma_start3A_167 = arith.constant 128 : i32
    %dma_start3A_168 = arith.constant 0 : i32
    %dma_start3A_169 = tpu.memref_slice %arg10[%dma_start3A_166, %dma_start3A_167, %dma_start3A_168] : memref<2x640x32xf32, #tpu.memory_space<vmem>> -> memref<1x128x32xf32, #tpu.memory_space<vmem>>
    %dma_start3A_170 = tpu.memref_squeeze %dma_start3A_169 : memref<1x128x32xf32, #tpu.memory_space<vmem>> -> memref<128x32xf32, #tpu.memory_space<vmem>>
    %dma_start3A_171 = arith.constant 128 : i32
    %dma_start3A_172 = tpu.memref_slice %arg8[%dma_start3A_165, %dma_start3A_171] : memref<2x640xi32, #tpu.memory_space<vmem>> -> memref<1x128xi32, #tpu.memory_space<vmem>>
    %dma_start3A_173 = tpu.memref_squeeze %dma_start3A_172 : memref<1x128xi32, #tpu.memory_space<vmem>> -> memref<128xi32, #tpu.memory_space<vmem>>
    %dma_start3A_174 = arith.constant 0 : i32
    %dma_start3A_175 = arith.constant 0 : i32
    %dma_start3A_176 = tpu.memref_slice %arg4[%dma_start3A_174, %dma_start3A_175] : memref<51200x32xf32, #tpu.memory_space<hbm>> -> memref<51200x32xf32, #tpu.memory_space<hbm>>
    tpu.enqueue_indirect_dma source(%dma_start3A_176 : memref<51200x32xf32, #tpu.memory_space<hbm>>) target(%dma_start3A_170 : memref<128x32xf32, #tpu.memory_space<vmem>>) offsets(%dma_start3A_173 : memref<128xi32, #tpu.memory_space<vmem>>) semaphore(%arg12 : memref<!tpu.dma_semaphore, #tpu.memory_space<semaphore_mem>>)
    %dma_start3A_177 = arith.constant 1 : i32
    %dma_start3A_178 = arith.constant 1 : i32
    %dma_start3A_179 = arith.constant 256 : i32
    %dma_start3A_180 = arith.constant 0 : i32
    %dma_start3A_181 = tpu.memref_slice %arg9[%dma_start3A_178, %dma_start3A_179, %dma_start3A_180] : memref<2x640x32xf32, #tpu.memory_space<vmem>> -> memref<1x128x32xf32, #tpu.memory_space<vmem>>
    %dma_start3A_182 = tpu.memref_squeeze %dma_start3A_181 : memref<1x128x32xf32, #tpu.memory_space<vmem>> -> memref<128x32xf32, #tpu.memory_space<vmem>>
    %dma_start3A_183 = arith.constant 256 : i32
    %dma_start3A_184 = tpu.memref_slice %arg7[%dma_start3A_177, %dma_start3A_183] : memref<2x640xi32, #tpu.memory_space<vmem>> -> memref<1x128xi32, #tpu.memory_space<vmem>>
    %dma_start3A_185 = tpu.memref_squeeze %dma_start3A_184 : memref<1x128xi32, #tpu.memory_space<vmem>> -> memref<128xi32, #tpu.memory_space<vmem>>
    %dma_start3A_186 = arith.constant 0 : i32
    %dma_start3A_187 = arith.constant 0 : i32
    %dma_start3A_188 = tpu.memref_slice %arg2[%dma_start3A_186, %dma_start3A_187] : memref<12800x32xf32, #tpu.memory_space<hbm>> -> memref<12800x32xf32, #tpu.memory_space<hbm>>
    tpu.enqueue_indirect_dma source(%dma_start3A_188 : memref<12800x32xf32, #tpu.memory_space<hbm>>) target(%dma_start3A_182 : memref<128x32xf32, #tpu.memory_space<vmem>>) offsets(%dma_start3A_185 : memref<128xi32, #tpu.memory_space<vmem>>) semaphore(%arg11 : memref<!tpu.dma_semaphore, #tpu.memory_space<semaphore_mem>>)
    %dma_start3A_189 = arith.constant 1 : i32
    %dma_start3A_190 = arith.constant 1 : i32
    %dma_start3A_191 = arith.constant 256 : i32
    %dma_start3A_192 = arith.constant 0 : i32
    %dma_start3A_193 = tpu.memref_slice %arg10[%dma_start3A_190, %dma_start3A_191, %dma_start3A_192] : memref<2x640x32xf32, #tpu.memory_space<vmem>> -> memref<1x128x32xf32, #tpu.memory_space<vmem>>
    %dma_start3A_194 = tpu.memref_squeeze %dma_start3A_193 : memref<1x128x32xf32, #tpu.memory_space<vmem>> -> memref<128x32xf32, #tpu.memory_space<vmem>>
    %dma_start3A_195 = arith.constant 256 : i32
    %dma_start3A_196 = tpu.memref_slice %arg8[%dma_start3A_189, %dma_start3A_195] : memref<2x640xi32, #tpu.memory_space<vmem>> -> memref<1x128xi32, #tpu.memory_space<vmem>>
    %dma_start3A_197 = tpu.memref_squeeze %dma_start3A_196 : memref<1x128xi32, #tpu.memory_space<vmem>> -> memref<128xi32, #tpu.memory_space<vmem>>
    %dma_start3A_198 = arith.constant 0 : i32
    %dma_start3A_199 = arith.constant 0 : i32
    %dma_start3A_200 = tpu.memref_slice %arg4[%dma_start3A_198, %dma_start3A_199] : memref<51200x32xf32, #tpu.memory_space<hbm>> -> memref<51200x32xf32, #tpu.memory_space<hbm>>
    tpu.enqueue_indirect_dma source(%dma_start3A_200 : memref<51200x32xf32, #tpu.memory_space<hbm>>) target(%dma_start3A_194 : memref<128x32xf32, #tpu.memory_space<vmem>>) offsets(%dma_start3A_197 : memref<128xi32, #tpu.memory_space<vmem>>) semaphore(%arg12 : memref<!tpu.dma_semaphore, #tpu.memory_space<semaphore_mem>>)
    %dma_start3A_201 = arith.constant 1 : i32
    %dma_start3A_202 = arith.constant 1 : i32
    %dma_start3A_203 = arith.constant 384 : i32
    %dma_start3A_204 = arith.constant 0 : i32
    %dma_start3A_205 = tpu.memref_slice %arg9[%dma_start3A_202, %dma_start3A_203, %dma_start3A_204] : memref<2x640x32xf32, #tpu.memory_space<vmem>> -> memref<1x128x32xf32, #tpu.memory_space<vmem>>
    %dma_start3A_206 = tpu.memref_squeeze %dma_start3A_205 : memref<1x128x32xf32, #tpu.memory_space<vmem>> -> memref<128x32xf32, #tpu.memory_space<vmem>>
    %dma_start3A_207 = arith.constant 384 : i32
    %dma_start3A_208 = tpu.memref_slice %arg7[%dma_start3A_201, %dma_start3A_207] : memref<2x640xi32, #tpu.memory_space<vmem>> -> memref<1x128xi32, #tpu.memory_space<vmem>>
    %dma_start3A_209 = tpu.memref_squeeze %dma_start3A_208 : memref<1x128xi32, #tpu.memory_space<vmem>> -> memref<128xi32, #tpu.memory_space<vmem>>
    %dma_start3A_210 = arith.constant 0 : i32
    %dma_start3A_211 = arith.constant 0 : i32
    %dma_start3A_212 = tpu.memref_slice %arg2[%dma_start3A_210, %dma_start3A_211] : memref<12800x32xf32, #tpu.memory_space<hbm>> -> memref<12800x32xf32, #tpu.memory_space<hbm>>
    tpu.enqueue_indirect_dma source(%dma_start3A_212 : memref<12800x32xf32, #tpu.memory_space<hbm>>) target(%dma_start3A_206 : memref<128x32xf32, #tpu.memory_space<vmem>>) offsets(%dma_start3A_209 : memref<128xi32, #tpu.memory_space<vmem>>) semaphore(%arg11 : memref<!tpu.dma_semaphore, #tpu.memory_space<semaphore_mem>>)
    %dma_start3A_213 = arith.constant 1 : i32
    %dma_start3A_214 = arith.constant 1 : i32
    %dma_start3A_215 = arith.constant 384 : i32
    %dma_start3A_216 = arith.constant 0 : i32
    %dma_start3A_217 = tpu.memref_slice %arg10[%dma_start3A_214, %dma_start3A_215, %dma_start3A_216] : memref<2x640x32xf32, #tpu.memory_space<vmem>> -> memref<1x128x32xf32, #tpu.memory_space<vmem>>
    %dma_start3A_218 = tpu.memref_squeeze %dma_start3A_217 : memref<1x128x32xf32, #tpu.memory_space<vmem>> -> memref<128x32xf32, #tpu.memory_space<vmem>>
    %dma_start3A_219 = arith.constant 384 : i32
    %dma_start3A_220 = tpu.memref_slice %arg8[%dma_start3A_213, %dma_start3A_219] : memref<2x640xi32, #tpu.memory_space<vmem>> -> memref<1x128xi32, #tpu.memory_space<vmem>>
    %dma_start3A_221 = tpu.memref_squeeze %dma_start3A_220 : memref<1x128xi32, #tpu.memory_space<vmem>> -> memref<128xi32, #tpu.memory_space<vmem>>
    %dma_start3A_222 = arith.constant 0 : i32
    %dma_start3A_223 = arith.constant 0 : i32
    %dma_start3A_224 = tpu.memref_slice %arg4[%dma_start3A_222, %dma_start3A_223] : memref<51200x32xf32, #tpu.memory_space<hbm>> -> memref<51200x32xf32, #tpu.memory_space<hbm>>
    tpu.enqueue_indirect_dma source(%dma_start3A_224 : memref<51200x32xf32, #tpu.memory_space<hbm>>) target(%dma_start3A_218 : memref<128x32xf32, #tpu.memory_space<vmem>>) offsets(%dma_start3A_221 : memref<128xi32, #tpu.memory_space<vmem>>) semaphore(%arg12 : memref<!tpu.dma_semaphore, #tpu.memory_space<semaphore_mem>>)
    %dma_start3A_225 = arith.constant 1 : i32
    %dma_start3A_226 = arith.constant 1 : i32
    %dma_start3A_227 = arith.constant 512 : i32
    %dma_start3A_228 = arith.constant 0 : i32
    %dma_start3A_229 = tpu.memref_slice %arg9[%dma_start3A_226, %dma_start3A_227, %dma_start3A_228] : memref<2x640x32xf32, #tpu.memory_space<vmem>> -> memref<1x128x32xf32, #tpu.memory_space<vmem>>
    %dma_start3A_230 = tpu.memref_squeeze %dma_start3A_229 : memref<1x128x32xf32, #tpu.memory_space<vmem>> -> memref<128x32xf32, #tpu.memory_space<vmem>>
    %dma_start3A_231 = arith.constant 512 : i32
    %dma_start3A_232 = tpu.memref_slice %arg7[%dma_start3A_225, %dma_start3A_231] : memref<2x640xi32, #tpu.memory_space<vmem>> -> memref<1x128xi32, #tpu.memory_space<vmem>>
    %dma_start3A_233 = tpu.memref_squeeze %dma_start3A_232 : memref<1x128xi32, #tpu.memory_space<vmem>> -> memref<128xi32, #tpu.memory_space<vmem>>
    %dma_start3A_234 = arith.constant 0 : i32
    %dma_start3A_235 = arith.constant 0 : i32
    %dma_start3A_236 = tpu.memref_slice %arg2[%dma_start3A_234, %dma_start3A_235] : memref<12800x32xf32, #tpu.memory_space<hbm>> -> memref<12800x32xf32, #tpu.memory_space<hbm>>
    tpu.enqueue_indirect_dma source(%dma_start3A_236 : memref<12800x32xf32, #tpu.memory_space<hbm>>) target(%dma_start3A_230 : memref<128x32xf32, #tpu.memory_space<vmem>>) offsets(%dma_start3A_233 : memref<128xi32, #tpu.memory_space<vmem>>) semaphore(%arg11 : memref<!tpu.dma_semaphore, #tpu.memory_space<semaphore_mem>>)
    %dma_start3A_237 = arith.constant 1 : i32
    %dma_start3A_238 = arith.constant 1 : i32
    %dma_start3A_239 = arith.constant 512 : i32
    %dma_start3A_240 = arith.constant 0 : i32
    %dma_start3A_241 = tpu.memref_slice %arg10[%dma_start3A_238, %dma_start3A_239, %dma_start3A_240] : memref<2x640x32xf32, #tpu.memory_space<vmem>> -> memref<1x128x32xf32, #tpu.memory_space<vmem>>
    %dma_start3A_242 = tpu.memref_squeeze %dma_start3A_241 : memref<1x128x32xf32, #tpu.memory_space<vmem>> -> memref<128x32xf32, #tpu.memory_space<vmem>>
    %dma_start3A_243 = arith.constant 512 : i32
    %dma_start3A_244 = tpu.memref_slice %arg8[%dma_start3A_237, %dma_start3A_243] : memref<2x640xi32, #tpu.memory_space<vmem>> -> memref<1x128xi32, #tpu.memory_space<vmem>>
    %dma_start3A_245 = tpu.memref_squeeze %dma_start3A_244 : memref<1x128xi32, #tpu.memory_space<vmem>> -> memref<128xi32, #tpu.memory_space<vmem>>
    %dma_start3A_246 = arith.constant 0 : i32
    %dma_start3A_247 = arith.constant 0 : i32
    %dma_start3A_248 = tpu.memref_slice %arg4[%dma_start3A_246, %dma_start3A_247] : memref<51200x32xf32, #tpu.memory_space<hbm>> -> memref<51200x32xf32, #tpu.memory_space<hbm>>
    tpu.enqueue_indirect_dma source(%dma_start3A_248 : memref<51200x32xf32, #tpu.memory_space<hbm>>) target(%dma_start3A_242 : memref<128x32xf32, #tpu.memory_space<vmem>>) offsets(%dma_start3A_245 : memref<128xi32, #tpu.memory_space<vmem>>) semaphore(%arg12 : memref<!tpu.dma_semaphore, #tpu.memory_space<semaphore_mem>>)
    %scan3A = arith.constant 0 : i32
    %scan3A_249 = arith.constant 0 : i32
    %scan3A_250 = arith.constant 9 : i32
    %scan3A_251 = arith.addi %scan3A_249, %scan3A_250 : i32
    %scan3A_252 = arith.constant 1 : i32
    scf.for %scan3A_558 = %scan3A_249 to %scan3A_251 step %scan3A_252  : i32 {
      %mul3A_559 = arith.constant 2 : i32
      %mul3A_560 = arith.muli %mul3A_559, %scan3A_558 : i32
      %add3A_561 = arith.constant 0 : i32
      %add3A_562 = arith.addi %mul3A_560, %add3A_561 : i32
      %dma_wait3A_563 = arith.constant 0 : i32
      %dma_wait3A_564 = arith.constant 0 : i32
      %dma_wait3A_565 = arith.constant 0 : i32
      %dma_wait3A_566 = arith.constant 0 : i32
      %dma_wait3A_567 = tpu.memref_slice %arg9[%dma_wait3A_564, %dma_wait3A_565, %dma_wait3A_566] : memref<2x640x32xf32, #tpu.memory_space<vmem>> -> memref<1x128x32xf32, #tpu.memory_space<vmem>>
      %dma_wait3A_568 = tpu.memref_squeeze %dma_wait3A_567 : memref<1x128x32xf32, #tpu.memory_space<vmem>> -> memref<128x32xf32, #tpu.memory_space<vmem>>
      %dma_wait3A_569 = arith.constant 0 : i32
      %dma_wait3A_570 = tpu.memref_slice %arg7[%dma_wait3A_563, %dma_wait3A_569] : memref<2x640xi32, #tpu.memory_space<vmem>> -> memref<1x128xi32, #tpu.memory_space<vmem>>
      %dma_wait3A_571 = tpu.memref_squeeze %dma_wait3A_570 : memref<1x128xi32, #tpu.memory_space<vmem>> -> memref<128xi32, #tpu.memory_space<vmem>>
      %dma_wait3A_572 = arith.constant 0 : i32
      %dma_wait3A_573 = arith.constant 0 : i32
      %dma_wait3A_574 = tpu.memref_slice %arg2[%dma_wait3A_572, %dma_wait3A_573] : memref<12800x32xf32, #tpu.memory_space<hbm>> -> memref<12800x32xf32, #tpu.memory_space<hbm>>
      tpu.wait_indirect_dma semaphore(%arg11 : memref<!tpu.dma_semaphore, #tpu.memory_space<semaphore_mem>>) src(%dma_wait3A_574 : memref<12800x32xf32, #tpu.memory_space<hbm>>) dst(%dma_wait3A_568 : memref<128x32xf32, #tpu.memory_space<vmem>>)
      %dma_wait3A_575 = arith.constant 0 : i32
      %dma_wait3A_576 = arith.constant 0 : i32
      %dma_wait3A_577 = arith.constant 0 : i32
      %dma_wait3A_578 = arith.constant 0 : i32
      %dma_wait3A_579 = tpu.memref_slice %arg10[%dma_wait3A_576, %dma_wait3A_577, %dma_wait3A_578] : memref<2x640x32xf32, #tpu.memory_space<vmem>> -> memref<1x128x32xf32, #tpu.memory_space<vmem>>
      %dma_wait3A_580 = tpu.memref_squeeze %dma_wait3A_579 : memref<1x128x32xf32, #tpu.memory_space<vmem>> -> memref<128x32xf32, #tpu.memory_space<vmem>>
      %dma_wait3A_581 = arith.constant 0 : i32
      %dma_wait3A_582 = tpu.memref_slice %arg8[%dma_wait3A_575, %dma_wait3A_581] : memref<2x640xi32, #tpu.memory_space<vmem>> -> memref<1x128xi32, #tpu.memory_space<vmem>>
      %dma_wait3A_583 = tpu.memref_squeeze %dma_wait3A_582 : memref<1x128xi32, #tpu.memory_space<vmem>> -> memref<128xi32, #tpu.memory_space<vmem>>
      %dma_wait3A_584 = arith.constant 0 : i32
      %dma_wait3A_585 = arith.constant 0 : i32
      %dma_wait3A_586 = tpu.memref_slice %arg4[%dma_wait3A_584, %dma_wait3A_585] : memref<51200x32xf32, #tpu.memory_space<hbm>> -> memref<51200x32xf32, #tpu.memory_space<hbm>>
      tpu.wait_indirect_dma semaphore(%arg12 : memref<!tpu.dma_semaphore, #tpu.memory_space<semaphore_mem>>) src(%dma_wait3A_586 : memref<51200x32xf32, #tpu.memory_space<hbm>>) dst(%dma_wait3A_580 : memref<128x32xf32, #tpu.memory_space<vmem>>)
      %dma_wait3A_587 = arith.constant 0 : i32
      %dma_wait3A_588 = arith.constant 0 : i32
      %dma_wait3A_589 = arith.constant 128 : i32
      %dma_wait3A_590 = arith.constant 0 : i32
      %dma_wait3A_591 = tpu.memref_slice %arg9[%dma_wait3A_588, %dma_wait3A_589, %dma_wait3A_590] : memref<2x640x32xf32, #tpu.memory_space<vmem>> -> memref<1x128x32xf32, #tpu.memory_space<vmem>>
      %dma_wait3A_592 = tpu.memref_squeeze %dma_wait3A_591 : memref<1x128x32xf32, #tpu.memory_space<vmem>> -> memref<128x32xf32, #tpu.memory_space<vmem>>
      %dma_wait3A_593 = arith.constant 128 : i32
      %dma_wait3A_594 = tpu.memref_slice %arg7[%dma_wait3A_587, %dma_wait3A_593] : memref<2x640xi32, #tpu.memory_space<vmem>> -> memref<1x128xi32, #tpu.memory_space<vmem>>
      %dma_wait3A_595 = tpu.memref_squeeze %dma_wait3A_594 : memref<1x128xi32, #tpu.memory_space<vmem>> -> memref<128xi32, #tpu.memory_space<vmem>>
      %dma_wait3A_596 = arith.constant 0 : i32
      %dma_wait3A_597 = arith.constant 0 : i32
      %dma_wait3A_598 = tpu.memref_slice %arg2[%dma_wait3A_596, %dma_wait3A_597] : memref<12800x32xf32, #tpu.memory_space<hbm>> -> memref<12800x32xf32, #tpu.memory_space<hbm>>
      tpu.wait_indirect_dma semaphore(%arg11 : memref<!tpu.dma_semaphore, #tpu.memory_space<semaphore_mem>>) src(%dma_wait3A_598 : memref<12800x32xf32, #tpu.memory_space<hbm>>) dst(%dma_wait3A_592 : memref<128x32xf32, #tpu.memory_space<vmem>>)
      %dma_wait3A_599 = arith.constant 0 : i32
      %dma_wait3A_600 = arith.constant 0 : i32
      %dma_wait3A_601 = arith.constant 128 : i32
      %dma_wait3A_602 = arith.constant 0 : i32
      %dma_wait3A_603 = tpu.memref_slice %arg10[%dma_wait3A_600, %dma_wait3A_601, %dma_wait3A_602] : memref<2x640x32xf32, #tpu.memory_space<vmem>> -> memref<1x128x32xf32, #tpu.memory_space<vmem>>
      %dma_wait3A_604 = tpu.memref_squeeze %dma_wait3A_603 : memref<1x128x32xf32, #tpu.memory_space<vmem>> -> memref<128x32xf32, #tpu.memory_space<vmem>>
      %dma_wait3A_605 = arith.constant 128 : i32
      %dma_wait3A_606 = tpu.memref_slice %arg8[%dma_wait3A_599, %dma_wait3A_605] : memref<2x640xi32, #tpu.memory_space<vmem>> -> memref<1x128xi32, #tpu.memory_space<vmem>>
      %dma_wait3A_607 = tpu.memref_squeeze %dma_wait3A_606 : memref<1x128xi32, #tpu.memory_space<vmem>> -> memref<128xi32, #tpu.memory_space<vmem>>
      %dma_wait3A_608 = arith.constant 0 : i32
      %dma_wait3A_609 = arith.constant 0 : i32
      %dma_wait3A_610 = tpu.memref_slice %arg4[%dma_wait3A_608, %dma_wait3A_609] : memref<51200x32xf32, #tpu.memory_space<hbm>> -> memref<51200x32xf32, #tpu.memory_space<hbm>>
      tpu.wait_indirect_dma semaphore(%arg12 : memref<!tpu.dma_semaphore, #tpu.memory_space<semaphore_mem>>) src(%dma_wait3A_610 : memref<51200x32xf32, #tpu.memory_space<hbm>>) dst(%dma_wait3A_604 : memref<128x32xf32, #tpu.memory_space<vmem>>)
      %dma_wait3A_611 = arith.constant 0 : i32
      %dma_wait3A_612 = arith.constant 0 : i32
      %dma_wait3A_613 = arith.constant 256 : i32
      %dma_wait3A_614 = arith.constant 0 : i32
      %dma_wait3A_615 = tpu.memref_slice %arg9[%dma_wait3A_612, %dma_wait3A_613, %dma_wait3A_614] : memref<2x640x32xf32, #tpu.memory_space<vmem>> -> memref<1x128x32xf32, #tpu.memory_space<vmem>>
      %dma_wait3A_616 = tpu.memref_squeeze %dma_wait3A_615 : memref<1x128x32xf32, #tpu.memory_space<vmem>> -> memref<128x32xf32, #tpu.memory_space<vmem>>
      %dma_wait3A_617 = arith.constant 256 : i32
      %dma_wait3A_618 = tpu.memref_slice %arg7[%dma_wait3A_611, %dma_wait3A_617] : memref<2x640xi32, #tpu.memory_space<vmem>> -> memref<1x128xi32, #tpu.memory_space<vmem>>
      %dma_wait3A_619 = tpu.memref_squeeze %dma_wait3A_618 : memref<1x128xi32, #tpu.memory_space<vmem>> -> memref<128xi32, #tpu.memory_space<vmem>>
      %dma_wait3A_620 = arith.constant 0 : i32
      %dma_wait3A_621 = arith.constant 0 : i32
      %dma_wait3A_622 = tpu.memref_slice %arg2[%dma_wait3A_620, %dma_wait3A_621] : memref<12800x32xf32, #tpu.memory_space<hbm>> -> memref<12800x32xf32, #tpu.memory_space<hbm>>
      tpu.wait_indirect_dma semaphore(%arg11 : memref<!tpu.dma_semaphore, #tpu.memory_space<semaphore_mem>>) src(%dma_wait3A_622 : memref<12800x32xf32, #tpu.memory_space<hbm>>) dst(%dma_wait3A_616 : memref<128x32xf32, #tpu.memory_space<vmem>>)
      %dma_wait3A_623 = arith.constant 0 : i32
      %dma_wait3A_624 = arith.constant 0 : i32
      %dma_wait3A_625 = arith.constant 256 : i32
      %dma_wait3A_626 = arith.constant 0 : i32
      %dma_wait3A_627 = tpu.memref_slice %arg10[%dma_wait3A_624, %dma_wait3A_625, %dma_wait3A_626] : memref<2x640x32xf32, #tpu.memory_space<vmem>> -> memref<1x128x32xf32, #tpu.memory_space<vmem>>
      %dma_wait3A_628 = tpu.memref_squeeze %dma_wait3A_627 : memref<1x128x32xf32, #tpu.memory_space<vmem>> -> memref<128x32xf32, #tpu.memory_space<vmem>>
      %dma_wait3A_629 = arith.constant 256 : i32
      %dma_wait3A_630 = tpu.memref_slice %arg8[%dma_wait3A_623, %dma_wait3A_629] : memref<2x640xi32, #tpu.memory_space<vmem>> -> memref<1x128xi32, #tpu.memory_space<vmem>>
      %dma_wait3A_631 = tpu.memref_squeeze %dma_wait3A_630 : memref<1x128xi32, #tpu.memory_space<vmem>> -> memref<128xi32, #tpu.memory_space<vmem>>
      %dma_wait3A_632 = arith.constant 0 : i32
      %dma_wait3A_633 = arith.constant 0 : i32
      %dma_wait3A_634 = tpu.memref_slice %arg4[%dma_wait3A_632, %dma_wait3A_633] : memref<51200x32xf32, #tpu.memory_space<hbm>> -> memref<51200x32xf32, #tpu.memory_space<hbm>>
      tpu.wait_indirect_dma semaphore(%arg12 : memref<!tpu.dma_semaphore, #tpu.memory_space<semaphore_mem>>) src(%dma_wait3A_634 : memref<51200x32xf32, #tpu.memory_space<hbm>>) dst(%dma_wait3A_628 : memref<128x32xf32, #tpu.memory_space<vmem>>)
      %dma_wait3A_635 = arith.constant 0 : i32
      %dma_wait3A_636 = arith.constant 0 : i32
      %dma_wait3A_637 = arith.constant 384 : i32
      %dma_wait3A_638 = arith.constant 0 : i32
      %dma_wait3A_639 = tpu.memref_slice %arg9[%dma_wait3A_636, %dma_wait3A_637, %dma_wait3A_638] : memref<2x640x32xf32, #tpu.memory_space<vmem>> -> memref<1x128x32xf32, #tpu.memory_space<vmem>>
      %dma_wait3A_640 = tpu.memref_squeeze %dma_wait3A_639 : memref<1x128x32xf32, #tpu.memory_space<vmem>> -> memref<128x32xf32, #tpu.memory_space<vmem>>
      %dma_wait3A_641 = arith.constant 384 : i32
      %dma_wait3A_642 = tpu.memref_slice %arg7[%dma_wait3A_635, %dma_wait3A_641] : memref<2x640xi32, #tpu.memory_space<vmem>> -> memref<1x128xi32, #tpu.memory_space<vmem>>
      %dma_wait3A_643 = tpu.memref_squeeze %dma_wait3A_642 : memref<1x128xi32, #tpu.memory_space<vmem>> -> memref<128xi32, #tpu.memory_space<vmem>>
      %dma_wait3A_644 = arith.constant 0 : i32
      %dma_wait3A_645 = arith.constant 0 : i32
      %dma_wait3A_646 = tpu.memref_slice %arg2[%dma_wait3A_644, %dma_wait3A_645] : memref<12800x32xf32, #tpu.memory_space<hbm>> -> memref<12800x32xf32, #tpu.memory_space<hbm>>
      tpu.wait_indirect_dma semaphore(%arg11 : memref<!tpu.dma_semaphore, #tpu.memory_space<semaphore_mem>>) src(%dma_wait3A_646 : memref<12800x32xf32, #tpu.memory_space<hbm>>) dst(%dma_wait3A_640 : memref<128x32xf32, #tpu.memory_space<vmem>>)
      %dma_wait3A_647 = arith.constant 0 : i32
      %dma_wait3A_648 = arith.constant 0 : i32
      %dma_wait3A_649 = arith.constant 384 : i32
      %dma_wait3A_650 = arith.constant 0 : i32
      %dma_wait3A_651 = tpu.memref_slice %arg10[%dma_wait3A_648, %dma_wait3A_649, %dma_wait3A_650] : memref<2x640x32xf32, #tpu.memory_space<vmem>> -> memref<1x128x32xf32, #tpu.memory_space<vmem>>
      %dma_wait3A_652 = tpu.memref_squeeze %dma_wait3A_651 : memref<1x128x32xf32, #tpu.memory_space<vmem>> -> memref<128x32xf32, #tpu.memory_space<vmem>>
      %dma_wait3A_653 = arith.constant 384 : i32
      %dma_wait3A_654 = tpu.memref_slice %arg8[%dma_wait3A_647, %dma_wait3A_653] : memref<2x640xi32, #tpu.memory_space<vmem>> -> memref<1x128xi32, #tpu.memory_space<vmem>>
      %dma_wait3A_655 = tpu.memref_squeeze %dma_wait3A_654 : memref<1x128xi32, #tpu.memory_space<vmem>> -> memref<128xi32, #tpu.memory_space<vmem>>
      %dma_wait3A_656 = arith.constant 0 : i32
      %dma_wait3A_657 = arith.constant 0 : i32
      %dma_wait3A_658 = tpu.memref_slice %arg4[%dma_wait3A_656, %dma_wait3A_657] : memref<51200x32xf32, #tpu.memory_space<hbm>> -> memref<51200x32xf32, #tpu.memory_space<hbm>>
      tpu.wait_indirect_dma semaphore(%arg12 : memref<!tpu.dma_semaphore, #tpu.memory_space<semaphore_mem>>) src(%dma_wait3A_658 : memref<51200x32xf32, #tpu.memory_space<hbm>>) dst(%dma_wait3A_652 : memref<128x32xf32, #tpu.memory_space<vmem>>)
      %dma_wait3A_659 = arith.constant 0 : i32
      %dma_wait3A_660 = arith.constant 0 : i32
      %dma_wait3A_661 = arith.constant 512 : i32
      %dma_wait3A_662 = arith.constant 0 : i32
      %dma_wait3A_663 = tpu.memref_slice %arg9[%dma_wait3A_660, %dma_wait3A_661, %dma_wait3A_662] : memref<2x640x32xf32, #tpu.memory_space<vmem>> -> memref<1x128x32xf32, #tpu.memory_space<vmem>>
      %dma_wait3A_664 = tpu.memref_squeeze %dma_wait3A_663 : memref<1x128x32xf32, #tpu.memory_space<vmem>> -> memref<128x32xf32, #tpu.memory_space<vmem>>
      %dma_wait3A_665 = arith.constant 512 : i32
      %dma_wait3A_666 = tpu.memref_slice %arg7[%dma_wait3A_659, %dma_wait3A_665] : memref<2x640xi32, #tpu.memory_space<vmem>> -> memref<1x128xi32, #tpu.memory_space<vmem>>
      %dma_wait3A_667 = tpu.memref_squeeze %dma_wait3A_666 : memref<1x128xi32, #tpu.memory_space<vmem>> -> memref<128xi32, #tpu.memory_space<vmem>>
      %dma_wait3A_668 = arith.constant 0 : i32
      %dma_wait3A_669 = arith.constant 0 : i32
      %dma_wait3A_670 = tpu.memref_slice %arg2[%dma_wait3A_668, %dma_wait3A_669] : memref<12800x32xf32, #tpu.memory_space<hbm>> -> memref<12800x32xf32, #tpu.memory_space<hbm>>
      tpu.wait_indirect_dma semaphore(%arg11 : memref<!tpu.dma_semaphore, #tpu.memory_space<semaphore_mem>>) src(%dma_wait3A_670 : memref<12800x32xf32, #tpu.memory_space<hbm>>) dst(%dma_wait3A_664 : memref<128x32xf32, #tpu.memory_space<vmem>>)
      %dma_wait3A_671 = arith.constant 0 : i32
      %dma_wait3A_672 = arith.constant 0 : i32
      %dma_wait3A_673 = arith.constant 512 : i32
      %dma_wait3A_674 = arith.constant 0 : i32
      %dma_wait3A_675 = tpu.memref_slice %arg10[%dma_wait3A_672, %dma_wait3A_673, %dma_wait3A_674] : memref<2x640x32xf32, #tpu.memory_space<vmem>> -> memref<1x128x32xf32, #tpu.memory_space<vmem>>
      %dma_wait3A_676 = tpu.memref_squeeze %dma_wait3A_675 : memref<1x128x32xf32, #tpu.memory_space<vmem>> -> memref<128x32xf32, #tpu.memory_space<vmem>>
      %dma_wait3A_677 = arith.constant 512 : i32
      %dma_wait3A_678 = tpu.memref_slice %arg8[%dma_wait3A_671, %dma_wait3A_677] : memref<2x640xi32, #tpu.memory_space<vmem>> -> memref<1x128xi32, #tpu.memory_space<vmem>>
      %dma_wait3A_679 = tpu.memref_squeeze %dma_wait3A_678 : memref<1x128xi32, #tpu.memory_space<vmem>> -> memref<128xi32, #tpu.memory_space<vmem>>
      %dma_wait3A_680 = arith.constant 0 : i32
      %dma_wait3A_681 = arith.constant 0 : i32
      %dma_wait3A_682 = tpu.memref_slice %arg4[%dma_wait3A_680, %dma_wait3A_681] : memref<51200x32xf32, #tpu.memory_space<hbm>> -> memref<51200x32xf32, #tpu.memory_space<hbm>>
      tpu.wait_indirect_dma semaphore(%arg12 : memref<!tpu.dma_semaphore, #tpu.memory_space<semaphore_mem>>) src(%dma_wait3A_682 : memref<51200x32xf32, #tpu.memory_space<hbm>>) dst(%dma_wait3A_676 : memref<128x32xf32, #tpu.memory_space<vmem>>)
      %parallel_loop3A_683 = arith.constant 0 : i32
      %parallel_loop3A_684 = arith.constant 640 : i32
      %parallel_loop3A_685 = arith.constant 1 : i32
      scf.for %parallel_loop3A_1129 = %parallel_loop3A_683 to %parallel_loop3A_684 step %parallel_loop3A_685  : i32 {
        %parallel_loop3A_1130 = arith.constant 0 : i32
        %parallel_loop3A_1131 = arith.index_cast %parallel_loop3A_1130 : i32 to index
        %parallel_loop3A_1132 = arith.index_cast %parallel_loop3A_1129 : i32 to index
        %parallel_loop3A_1133 = arith.constant 0 : index
        %parallel_loop3A_1134 = tpu.vector_load %arg9[%parallel_loop3A_1131, %parallel_loop3A_1132, %parallel_loop3A_1133] {strides = array<i32>} : memref<2x640x32xf32, #tpu.memory_space<vmem>>, vector<1x1x16xf32>,
        %parallel_loop3A_1135 = vector.shape_cast %parallel_loop3A_1134 : vector<1x1x16xf32> to vector<16xf32>
        %parallel_loop3A_1136 = arith.constant 0 : i32
        %parallel_loop3A_1137 = arith.index_cast %parallel_loop3A_1136 : i32 to index
        %parallel_loop3A_1138 = arith.index_cast %parallel_loop3A_1129 : i32 to index
        %parallel_loop3A_1139 = arith.constant 0 : index
        %parallel_loop3A_1140 = tpu.vector_load %arg10[%parallel_loop3A_1137, %parallel_loop3A_1138, %parallel_loop3A_1139] {strides = array<i32>} : memref<2x640x32xf32, #tpu.memory_space<vmem>>, vector<1x1x16xf32>,
        %parallel_loop3A_1141 = vector.shape_cast %parallel_loop3A_1140 : vector<1x1x16xf32> to vector<16xf32>
        %parallel_loop3A_1142 = arith.addf %parallel_loop3A_1135, %parallel_loop3A_1141 : vector<16xf32>
        %parallel_loop3A_1143 = arith.constant 0 : i32
        %parallel_loop3A_1144 = arith.index_cast %parallel_loop3A_1143 : i32 to index
        %parallel_loop3A_1145 = arith.index_cast %parallel_loop3A_1129 : i32 to index
        %parallel_loop3A_1146 = arith.constant 0 : index
        %parallel_loop3A_1147 = tpu.vector_load %arg9[%parallel_loop3A_1144, %parallel_loop3A_1145, %parallel_loop3A_1146] {strides = array<i32>} : memref<2x640x32xf32, #tpu.memory_space<vmem>>, vector<1x1x16xf32>,
        %parallel_loop3A_1148 = vector.shape_cast %parallel_loop3A_1147 : vector<1x1x16xf32> to vector<16xf32>
        %parallel_loop3A_1149 = vector.shape_cast %parallel_loop3A_1142 : vector<16xf32> to vector<1x1x16xf32>
        tpu.vector_store %arg9[%parallel_loop3A_1144, %parallel_loop3A_1145, %parallel_loop3A_1146], %parallel_loop3A_1149 {strides = array<i32>} : memref<2x640x32xf32, #tpu.memory_space<vmem>>, vector<1x1x16xf32>,
        %parallel_loop3A_1150 = arith.constant 0 : i32
        %parallel_loop3A_1151 = arith.index_cast %parallel_loop3A_1150 : i32 to index
        %parallel_loop3A_1152 = arith.index_cast %parallel_loop3A_1129 : i32 to index
        %parallel_loop3A_1153 = arith.constant 16 : index
        %parallel_loop3A_1154 = tpu.vector_load %arg9[%parallel_loop3A_1151, %parallel_loop3A_1152, %parallel_loop3A_1153] {strides = array<i32>} : memref<2x640x32xf32, #tpu.memory_space<vmem>>, vector<1x1x16xf32>,
        %parallel_loop3A_1155 = vector.shape_cast %parallel_loop3A_1154 : vector<1x1x16xf32> to vector<16xf32>
        %parallel_loop3A_1156 = arith.constant 0 : i32
        %parallel_loop3A_1157 = arith.index_cast %parallel_loop3A_1156 : i32 to index
        %parallel_loop3A_1158 = arith.index_cast %parallel_loop3A_1129 : i32 to index
        %parallel_loop3A_1159 = arith.constant 16 : index
        %parallel_loop3A_1160 = tpu.vector_load %arg10[%parallel_loop3A_1157, %parallel_loop3A_1158, %parallel_loop3A_1159] {strides = array<i32>} : memref<2x640x32xf32, #tpu.memory_space<vmem>>, vector<1x1x16xf32>,
        %parallel_loop3A_1161 = vector.shape_cast %parallel_loop3A_1160 : vector<1x1x16xf32> to vector<16xf32>
        %parallel_loop3A_1162 = arith.addf %parallel_loop3A_1155, %parallel_loop3A_1161 : vector<16xf32>
        %parallel_loop3A_1163 = arith.constant 0 : i32
        %parallel_loop3A_1164 = arith.index_cast %parallel_loop3A_1163 : i32 to index
        %parallel_loop3A_1165 = arith.index_cast %parallel_loop3A_1129 : i32 to index
        %parallel_loop3A_1166 = arith.constant 16 : index
        %parallel_loop3A_1167 = tpu.vector_load %arg9[%parallel_loop3A_1164, %parallel_loop3A_1165, %parallel_loop3A_1166] {strides = array<i32>} : memref<2x640x32xf32, #tpu.memory_space<vmem>>, vector<1x1x16xf32>,
        %parallel_loop3A_1168 = vector.shape_cast %parallel_loop3A_1167 : vector<1x1x16xf32> to vector<16xf32>
        %parallel_loop3A_1169 = vector.shape_cast %parallel_loop3A_1162 : vector<16xf32> to vector<1x1x16xf32>
        tpu.vector_store %arg9[%parallel_loop3A_1164, %parallel_loop3A_1165, %parallel_loop3A_1166], %parallel_loop3A_1169 {strides = array<i32>} : memref<2x640x32xf32, #tpu.memory_space<vmem>>, vector<1x1x16xf32>,
      } {sc.loop_unroll_factor = 8 : i64, sc.parallel_access}
      %mul3A_686 = arith.constant 640 : i32
      %mul3A_687 = arith.muli %add3A_562, %mul3A_686 : i32
      %add3A_688 = arith.addi %mul3A_2, %mul3A_687 : i32
      %dma_start3A_689 = arith.constant 0 : i32
      %dma_start3A_690 = arith.constant 0 : i32
      %dma_start3A_691 = arith.constant 0 : i32
      %dma_start3A_692 = tpu.memref_slice %arg9[%dma_start3A_689, %dma_start3A_690, %dma_start3A_691] : memref<2x640x32xf32, #tpu.memory_space<vmem>> -> memref<1x640x32xf32, #tpu.memory_space<vmem>>
      %dma_start3A_693 = tpu.memref_squeeze %dma_start3A_692 : memref<1x640x32xf32, #tpu.memory_space<vmem>> -> memref<640x32xf32, #tpu.memory_space<vmem>>
      %dma_start3A_694 = arith.constant 0 : i32
      %dma_start3A_695 = tpu.memref_slice %arg6[%add3A_688, %dma_start3A_694] : memref<409600x32xf32, #tpu.memory_space<hbm>> -> memref<640x32xf32, #tpu.memory_space<hbm>>
      %dma_start3A_696 = arith.constant 0 : i32
      %dma_start3A_697 = tpu.memref_slice %arg6[%add3A_688, %dma_start3A_696] : memref<409600x32xf32, #tpu.memory_space<hbm>> -> memref<640x32xf32, #tpu.memory_space<hbm>>
      %dma_start3A_698 = arith.constant 0 : i32
      %dma_start3A_699 = arith.constant 0 : i32
      %dma_start3A_700 = tpu.memref_slice %arg9[%dma_start3A_689, %dma_start3A_698, %dma_start3A_699] : memref<2x640x32xf32, #tpu.memory_space<vmem>> -> memref<1x640x32xf32, #tpu.memory_space<vmem>>
      %dma_start3A_701 = tpu.memref_squeeze %dma_start3A_700 : memref<1x640x32xf32, #tpu.memory_space<vmem>> -> memref<640x32xf32, #tpu.memory_space<vmem>>
      tpu.enqueue_dma source(%dma_start3A_701 : memref<640x32xf32, #tpu.memory_space<vmem>>) target(%dma_start3A_697 : memref<640x32xf32, #tpu.memory_space<hbm>>) target_semaphore(%arg13 : memref<!tpu.dma_semaphore, #tpu.memory_space<semaphore_mem>>)
      %add3A_702 = arith.constant 2 : i32
      %add3A_703 = arith.addi %add3A_562, %add3A_702 : i32
      %mul3A_704 = arith.constant 640 : i32
      %mul3A_705 = arith.muli %add3A_703, %mul3A_704 : i32
      %add3A_706 = arith.addi %mul3A_2, %mul3A_705 : i32
      %run_scoped3A_707 = arith.constant 0 : i32
      "tpu.region"() ({
        %run_scoped3A_1129 = tpu.sem_alloc : memref<!tpu.dma_semaphore, #tpu.memory_space<semaphore_mem>>
        %dma_start3A_1130 = arith.constant 0 : i32
        %dma_start3A_1131 = tpu.memref_slice %arg7[%run_scoped3A_707, %dma_start3A_1130] : memref<2x640xi32, #tpu.memory_space<vmem>> -> memref<1x640xi32, #tpu.memory_space<vmem>>
        %dma_start3A_1132 = tpu.memref_squeeze %dma_start3A_1131 : memref<1x640xi32, #tpu.memory_space<vmem>> -> memref<640xi32, #tpu.memory_space<vmem>>
        %dma_start3A_1133 = tpu.memref_slice %arg3[%add3A_706] : memref<409600xi32, #tpu.memory_space<hbm>> -> memref<640xi32, #tpu.memory_space<hbm>>
        %dma_start3A_1134 = arith.constant 0 : i32
        %dma_start3A_1135 = tpu.memref_slice %arg7[%run_scoped3A_707, %dma_start3A_1134] : memref<2x640xi32, #tpu.memory_space<vmem>> -> memref<1x640xi32, #tpu.memory_space<vmem>>
        %dma_start3A_1136 = tpu.memref_squeeze %dma_start3A_1135 : memref<1x640xi32, #tpu.memory_space<vmem>> -> memref<640xi32, #tpu.memory_space<vmem>>
        %dma_start3A_1137 = tpu.memref_slice %arg3[%add3A_706] : memref<409600xi32, #tpu.memory_space<hbm>> -> memref<640xi32, #tpu.memory_space<hbm>>
        tpu.enqueue_dma source(%dma_start3A_1137 : memref<640xi32, #tpu.memory_space<hbm>>) target(%dma_start3A_1136 : memref<640xi32, #tpu.memory_space<vmem>>) target_semaphore(%run_scoped3A_1129 : memref<!tpu.dma_semaphore, #tpu.memory_space<semaphore_mem>>)
        %dma_wait3A_1138 = arith.constant 0 : i32
        %dma_wait3A_1139 = tpu.memref_slice %arg7[%run_scoped3A_707, %dma_wait3A_1138] : memref<2x640xi32, #tpu.memory_space<vmem>> -> memref<1x640xi32, #tpu.memory_space<vmem>>
        %dma_wait3A_1140 = tpu.memref_squeeze %dma_wait3A_1139 : memref<1x640xi32, #tpu.memory_space<vmem>> -> memref<640xi32, #tpu.memory_space<vmem>>
        %dma_wait3A_1141 = tpu.memref_slice %arg3[%add3A_706] : memref<409600xi32, #tpu.memory_space<hbm>> -> memref<640xi32, #tpu.memory_space<hbm>>
        %dma_wait3A_1142 = arith.constant 0 : i32
        %dma_wait3A_1143 = tpu.memref_slice %arg7[%run_scoped3A_707, %dma_wait3A_1142] : memref<2x640xi32, #tpu.memory_space<vmem>> -> memref<1x640xi32, #tpu.memory_space<vmem>>
        %dma_wait3A_1144 = tpu.memref_squeeze %dma_wait3A_1143 : memref<1x640xi32, #tpu.memory_space<vmem>> -> memref<640xi32, #tpu.memory_space<vmem>>
        %dma_wait3A_1145 = tpu.memref_slice %arg3[%add3A_706] : memref<409600xi32, #tpu.memory_space<hbm>> -> memref<640xi32, #tpu.memory_space<hbm>>
        tpu.wait_dma2 semaphore(%run_scoped3A_1129 : memref<!tpu.dma_semaphore, #tpu.memory_space<semaphore_mem>>) src(%dma_wait3A_1145 : memref<640xi32, #tpu.memory_space<hbm>>) dst(%dma_wait3A_1144 : memref<640xi32, #tpu.memory_space<vmem>>)
        tpu.yield
      }) : () -> ()
      %run_scoped3A_708 = arith.constant 0 : i32
      "tpu.region"() ({
        %run_scoped3A_1129 = tpu.sem_alloc : memref<!tpu.dma_semaphore, #tpu.memory_space<semaphore_mem>>
        %dma_start3A_1130 = arith.constant 0 : i32
        %dma_start3A_1131 = tpu.memref_slice %arg8[%run_scoped3A_708, %dma_start3A_1130] : memref<2x640xi32, #tpu.memory_space<vmem>> -> memref<1x640xi32, #tpu.memory_space<vmem>>
        %dma_start3A_1132 = tpu.memref_squeeze %dma_start3A_1131 : memref<1x640xi32, #tpu.memory_space<vmem>> -> memref<640xi32, #tpu.memory_space<vmem>>
        %dma_start3A_1133 = tpu.memref_slice %arg5[%add3A_706] : memref<409600xi32, #tpu.memory_space<hbm>> -> memref<640xi32, #tpu.memory_space<hbm>>
        %dma_start3A_1134 = arith.constant 0 : i32
        %dma_start3A_1135 = tpu.memref_slice %arg8[%run_scoped3A_708, %dma_start3A_1134] : memref<2x640xi32, #tpu.memory_space<vmem>> -> memref<1x640xi32, #tpu.memory_space<vmem>>
        %dma_start3A_1136 = tpu.memref_squeeze %dma_start3A_1135 : memref<1x640xi32, #tpu.memory_space<vmem>> -> memref<640xi32, #tpu.memory_space<vmem>>
        %dma_start3A_1137 = tpu.memref_slice %arg5[%add3A_706] : memref<409600xi32, #tpu.memory_space<hbm>> -> memref<640xi32, #tpu.memory_space<hbm>>
        tpu.enqueue_dma source(%dma_start3A_1137 : memref<640xi32, #tpu.memory_space<hbm>>) target(%dma_start3A_1136 : memref<640xi32, #tpu.memory_space<vmem>>) target_semaphore(%run_scoped3A_1129 : memref<!tpu.dma_semaphore, #tpu.memory_space<semaphore_mem>>)
        %dma_wait3A_1138 = arith.constant 0 : i32
        %dma_wait3A_1139 = tpu.memref_slice %arg8[%run_scoped3A_708, %dma_wait3A_1138] : memref<2x640xi32, #tpu.memory_space<vmem>> -> memref<1x640xi32, #tpu.memory_space<vmem>>
        %dma_wait3A_1140 = tpu.memref_squeeze %dma_wait3A_1139 : memref<1x640xi32, #tpu.memory_space<vmem>> -> memref<640xi32, #tpu.memory_space<vmem>>
        %dma_wait3A_1141 = tpu.memref_slice %arg5[%add3A_706] : memref<409600xi32, #tpu.memory_space<hbm>> -> memref<640xi32, #tpu.memory_space<hbm>>
        %dma_wait3A_1142 = arith.constant 0 : i32
        %dma_wait3A_1143 = tpu.memref_slice %arg8[%run_scoped3A_708, %dma_wait3A_1142] : memref<2x640xi32, #tpu.memory_space<vmem>> -> memref<1x640xi32, #tpu.memory_space<vmem>>
        %dma_wait3A_1144 = tpu.memref_squeeze %dma_wait3A_1143 : memref<1x640xi32, #tpu.memory_space<vmem>> -> memref<640xi32, #tpu.memory_space<vmem>>
        %dma_wait3A_1145 = tpu.memref_slice %arg5[%add3A_706] : memref<409600xi32, #tpu.memory_space<hbm>> -> memref<640xi32, #tpu.memory_space<hbm>>
        tpu.wait_dma2 semaphore(%run_scoped3A_1129 : memref<!tpu.dma_semaphore, #tpu.memory_space<semaphore_mem>>) src(%dma_wait3A_1145 : memref<640xi32, #tpu.memory_space<hbm>>) dst(%dma_wait3A_1144 : memref<640xi32, #tpu.memory_space<vmem>>)
        tpu.yield
      }) : () -> ()
      %mul3A_709 = arith.constant 640 : i32
      %mul3A_710 = arith.muli %add3A_562, %mul3A_709 : i32
      %add3A_711 = arith.addi %mul3A_2, %mul3A_710 : i32
      %dma_wait3A_712 = arith.constant 0 : i32
      %dma_wait3A_713 = arith.constant 0 : i32
      %dma_wait3A_714 = arith.constant 0 : i32
      %dma_wait3A_715 = tpu.memref_slice %arg9[%dma_wait3A_712, %dma_wait3A_713, %dma_wait3A_714] : memref<2x640x32xf32, #tpu.memory_space<vmem>> -> memref<1x640x32xf32, #tpu.memory_space<vmem>>
      %dma_wait3A_716 = tpu.memref_squeeze %dma_wait3A_715 : memref<1x640x32xf32, #tpu.memory_space<vmem>> -> memref<640x32xf32, #tpu.memory_space<vmem>>
      %dma_wait3A_717 = arith.constant 0 : i32
      %dma_wait3A_718 = tpu.memref_slice %arg6[%add3A_711, %dma_wait3A_717] : memref<409600x32xf32, #tpu.memory_space<hbm>> -> memref<640x32xf32, #tpu.memory_space<hbm>>
      %dma_wait3A_719 = arith.constant 0 : i32
      %dma_wait3A_720 = tpu.memref_slice %arg6[%add3A_711, %dma_wait3A_719] : memref<409600x32xf32, #tpu.memory_space<hbm>> -> memref<640x32xf32, #tpu.memory_space<hbm>>
      %dma_wait3A_721 = arith.constant 0 : i32
      %dma_wait3A_722 = arith.constant 0 : i32
      %dma_wait3A_723 = tpu.memref_slice %arg9[%dma_wait3A_712, %dma_wait3A_721, %dma_wait3A_722] : memref<2x640x32xf32, #tpu.memory_space<vmem>> -> memref<1x640x32xf32, #tpu.memory_space<vmem>>
      %dma_wait3A_724 = tpu.memref_squeeze %dma_wait3A_723 : memref<1x640x32xf32, #tpu.memory_space<vmem>> -> memref<640x32xf32, #tpu.memory_space<vmem>>
      tpu.wait_dma2 semaphore(%arg13 : memref<!tpu.dma_semaphore, #tpu.memory_space<semaphore_mem>>) src(%dma_wait3A_724 : memref<640x32xf32, #tpu.memory_space<vmem>>) dst(%dma_wait3A_720 : memref<640x32xf32, #tpu.memory_space<hbm>>)
      %dma_start3A_725 = arith.constant 0 : i32
      %dma_start3A_726 = arith.constant 0 : i32
      %dma_start3A_727 = arith.constant 0 : i32
      %dma_start3A_728 = arith.constant 0 : i32
      %dma_start3A_729 = tpu.memref_slice %arg9[%dma_start3A_726, %dma_start3A_727, %dma_start3A_728] : memref<2x640x32xf32, #tpu.memory_space<vmem>> -> memref<1x128x32xf32, #tpu.memory_space<vmem>>
      %dma_start3A_730 = tpu.memref_squeeze %dma_start3A_729 : memref<1x128x32xf32, #tpu.memory_space<vmem>> -> memref<128x32xf32, #tpu.memory_space<vmem>>
      %dma_start3A_731 = arith.constant 0 : i32
      %dma_start3A_732 = tpu.memref_slice %arg7[%dma_start3A_725, %dma_start3A_731] : memref<2x640xi32, #tpu.memory_space<vmem>> -> memref<1x128xi32, #tpu.memory_space<vmem>>
      %dma_start3A_733 = tpu.memref_squeeze %dma_start3A_732 : memref<1x128xi32, #tpu.memory_space<vmem>> -> memref<128xi32, #tpu.memory_space<vmem>>
      %dma_start3A_734 = arith.constant 0 : i32
      %dma_start3A_735 = arith.constant 0 : i32
      %dma_start3A_736 = tpu.memref_slice %arg2[%dma_start3A_734, %dma_start3A_735] : memref<12800x32xf32, #tpu.memory_space<hbm>> -> memref<12800x32xf32, #tpu.memory_space<hbm>>
      tpu.enqueue_indirect_dma source(%dma_start3A_736 : memref<12800x32xf32, #tpu.memory_space<hbm>>) target(%dma_start3A_730 : memref<128x32xf32, #tpu.memory_space<vmem>>) offsets(%dma_start3A_733 : memref<128xi32, #tpu.memory_space<vmem>>) semaphore(%arg11 : memref<!tpu.dma_semaphore, #tpu.memory_space<semaphore_mem>>)
      %dma_start3A_737 = arith.constant 0 : i32
      %dma_start3A_738 = arith.constant 0 : i32
      %dma_start3A_739 = arith.constant 0 : i32
      %dma_start3A_740 = arith.constant 0 : i32
      %dma_start3A_741 = tpu.memref_slice %arg10[%dma_start3A_738, %dma_start3A_739, %dma_start3A_740] : memref<2x640x32xf32, #tpu.memory_space<vmem>> -> memref<1x128x32xf32, #tpu.memory_space<vmem>>
      %dma_start3A_742 = tpu.memref_squeeze %dma_start3A_741 : memref<1x128x32xf32, #tpu.memory_space<vmem>> -> memref<128x32xf32, #tpu.memory_space<vmem>>
      %dma_start3A_743 = arith.constant 0 : i32
      %dma_start3A_744 = tpu.memref_slice %arg8[%dma_start3A_737, %dma_start3A_743] : memref<2x640xi32, #tpu.memory_space<vmem>> -> memref<1x128xi32, #tpu.memory_space<vmem>>
      %dma_start3A_745 = tpu.memref_squeeze %dma_start3A_744 : memref<1x128xi32, #tpu.memory_space<vmem>> -> memref<128xi32, #tpu.memory_space<vmem>>
      %dma_start3A_746 = arith.constant 0 : i32
      %dma_start3A_747 = arith.constant 0 : i32
      %dma_start3A_748 = tpu.memref_slice %arg4[%dma_start3A_746, %dma_start3A_747] : memref<51200x32xf32, #tpu.memory_space<hbm>> -> memref<51200x32xf32, #tpu.memory_space<hbm>>
      tpu.enqueue_indirect_dma source(%dma_start3A_748 : memref<51200x32xf32, #tpu.memory_space<hbm>>) target(%dma_start3A_742 : memref<128x32xf32, #tpu.memory_space<vmem>>) offsets(%dma_start3A_745 : memref<128xi32, #tpu.memory_space<vmem>>) semaphore(%arg12 : memref<!tpu.dma_semaphore, #tpu.memory_space<semaphore_mem>>)
      %dma_start3A_749 = arith.constant 0 : i32
      %dma_start3A_750 = arith.constant 0 : i32
      %dma_start3A_751 = arith.constant 128 : i32
      %dma_start3A_752 = arith.constant 0 : i32
      %dma_start3A_753 = tpu.memref_slice %arg9[%dma_start3A_750, %dma_start3A_751, %dma_start3A_752] : memref<2x640x32xf32, #tpu.memory_space<vmem>> -> memref<1x128x32xf32, #tpu.memory_space<vmem>>
      %dma_start3A_754 = tpu.memref_squeeze %dma_start3A_753 : memref<1x128x32xf32, #tpu.memory_space<vmem>> -> memref<128x32xf32, #tpu.memory_space<vmem>>
      %dma_start3A_755 = arith.constant 128 : i32
      %dma_start3A_756 = tpu.memref_slice %arg7[%dma_start3A_749, %dma_start3A_755] : memref<2x640xi32, #tpu.memory_space<vmem>> -> memref<1x128xi32, #tpu.memory_space<vmem>>
      %dma_start3A_757 = tpu.memref_squeeze %dma_start3A_756 : memref<1x128xi32, #tpu.memory_space<vmem>> -> memref<128xi32, #tpu.memory_space<vmem>>
      %dma_start3A_758 = arith.constant 0 : i32
      %dma_start3A_759 = arith.constant 0 : i32
      %dma_start3A_760 = tpu.memref_slice %arg2[%dma_start3A_758, %dma_start3A_759] : memref<12800x32xf32, #tpu.memory_space<hbm>> -> memref<12800x32xf32, #tpu.memory_space<hbm>>
      tpu.enqueue_indirect_dma source(%dma_start3A_760 : memref<12800x32xf32, #tpu.memory_space<hbm>>) target(%dma_start3A_754 : memref<128x32xf32, #tpu.memory_space<vmem>>) offsets(%dma_start3A_757 : memref<128xi32, #tpu.memory_space<vmem>>) semaphore(%arg11 : memref<!tpu.dma_semaphore, #tpu.memory_space<semaphore_mem>>)
      %dma_start3A_761 = arith.constant 0 : i32
      %dma_start3A_762 = arith.constant 0 : i32
      %dma_start3A_763 = arith.constant 128 : i32
      %dma_start3A_764 = arith.constant 0 : i32
      %dma_start3A_765 = tpu.memref_slice %arg10[%dma_start3A_762, %dma_start3A_763, %dma_start3A_764] : memref<2x640x32xf32, #tpu.memory_space<vmem>> -> memref<1x128x32xf32, #tpu.memory_space<vmem>>
      %dma_start3A_766 = tpu.memref_squeeze %dma_start3A_765 : memref<1x128x32xf32, #tpu.memory_space<vmem>> -> memref<128x32xf32, #tpu.memory_space<vmem>>
      %dma_start3A_767 = arith.constant 128 : i32
      %dma_start3A_768 = tpu.memref_slice %arg8[%dma_start3A_761, %dma_start3A_767] : memref<2x640xi32, #tpu.memory_space<vmem>> -> memref<1x128xi32, #tpu.memory_space<vmem>>
      %dma_start3A_769 = tpu.memref_squeeze %dma_start3A_768 : memref<1x128xi32, #tpu.memory_space<vmem>> -> memref<128xi32, #tpu.memory_space<vmem>>
      %dma_start3A_770 = arith.constant 0 : i32
      %dma_start3A_771 = arith.constant 0 : i32
      %dma_start3A_772 = tpu.memref_slice %arg4[%dma_start3A_770, %dma_start3A_771] : memref<51200x32xf32, #tpu.memory_space<hbm>> -> memref<51200x32xf32, #tpu.memory_space<hbm>>
      tpu.enqueue_indirect_dma source(%dma_start3A_772 : memref<51200x32xf32, #tpu.memory_space<hbm>>) target(%dma_start3A_766 : memref<128x32xf32, #tpu.memory_space<vmem>>) offsets(%dma_start3A_769 : memref<128xi32, #tpu.memory_space<vmem>>) semaphore(%arg12 : memref<!tpu.dma_semaphore, #tpu.memory_space<semaphore_mem>>)
      %dma_start3A_773 = arith.constant 0 : i32
      %dma_start3A_774 = arith.constant 0 : i32
      %dma_start3A_775 = arith.constant 256 : i32
      %dma_start3A_776 = arith.constant 0 : i32
      %dma_start3A_777 = tpu.memref_slice %arg9[%dma_start3A_774, %dma_start3A_775, %dma_start3A_776] : memref<2x640x32xf32, #tpu.memory_space<vmem>> -> memref<1x128x32xf32, #tpu.memory_space<vmem>>
      %dma_start3A_778 = tpu.memref_squeeze %dma_start3A_777 : memref<1x128x32xf32, #tpu.memory_space<vmem>> -> memref<128x32xf32, #tpu.memory_space<vmem>>
      %dma_start3A_779 = arith.constant 256 : i32
      %dma_start3A_780 = tpu.memref_slice %arg7[%dma_start3A_773, %dma_start3A_779] : memref<2x640xi32, #tpu.memory_space<vmem>> -> memref<1x128xi32, #tpu.memory_space<vmem>>
      %dma_start3A_781 = tpu.memref_squeeze %dma_start3A_780 : memref<1x128xi32, #tpu.memory_space<vmem>> -> memref<128xi32, #tpu.memory_space<vmem>>
      %dma_start3A_782 = arith.constant 0 : i32
      %dma_start3A_783 = arith.constant 0 : i32
      %dma_start3A_784 = tpu.memref_slice %arg2[%dma_start3A_782, %dma_start3A_783] : memref<12800x32xf32, #tpu.memory_space<hbm>> -> memref<12800x32xf32, #tpu.memory_space<hbm>>
      tpu.enqueue_indirect_dma source(%dma_start3A_784 : memref<12800x32xf32, #tpu.memory_space<hbm>>) target(%dma_start3A_778 : memref<128x32xf32, #tpu.memory_space<vmem>>) offsets(%dma_start3A_781 : memref<128xi32, #tpu.memory_space<vmem>>) semaphore(%arg11 : memref<!tpu.dma_semaphore, #tpu.memory_space<semaphore_mem>>)
      %dma_start3A_785 = arith.constant 0 : i32
      %dma_start3A_786 = arith.constant 0 : i32
      %dma_start3A_787 = arith.constant 256 : i32
      %dma_start3A_788 = arith.constant 0 : i32
      %dma_start3A_789 = tpu.memref_slice %arg10[%dma_start3A_786, %dma_start3A_787, %dma_start3A_788] : memref<2x640x32xf32, #tpu.memory_space<vmem>> -> memref<1x128x32xf32, #tpu.memory_space<vmem>>
      %dma_start3A_790 = tpu.memref_squeeze %dma_start3A_789 : memref<1x128x32xf32, #tpu.memory_space<vmem>> -> memref<128x32xf32, #tpu.memory_space<vmem>>
      %dma_start3A_791 = arith.constant 256 : i32
      %dma_start3A_792 = tpu.memref_slice %arg8[%dma_start3A_785, %dma_start3A_791] : memref<2x640xi32, #tpu.memory_space<vmem>> -> memref<1x128xi32, #tpu.memory_space<vmem>>
      %dma_start3A_793 = tpu.memref_squeeze %dma_start3A_792 : memref<1x128xi32, #tpu.memory_space<vmem>> -> memref<128xi32, #tpu.memory_space<vmem>>
      %dma_start3A_794 = arith.constant 0 : i32
      %dma_start3A_795 = arith.constant 0 : i32
      %dma_start3A_796 = tpu.memref_slice %arg4[%dma_start3A_794, %dma_start3A_795] : memref<51200x32xf32, #tpu.memory_space<hbm>> -> memref<51200x32xf32, #tpu.memory_space<hbm>>
      tpu.enqueue_indirect_dma source(%dma_start3A_796 : memref<51200x32xf32, #tpu.memory_space<hbm>>) target(%dma_start3A_790 : memref<128x32xf32, #tpu.memory_space<vmem>>) offsets(%dma_start3A_793 : memref<128xi32, #tpu.memory_space<vmem>>) semaphore(%arg12 : memref<!tpu.dma_semaphore, #tpu.memory_space<semaphore_mem>>)
      %dma_start3A_797 = arith.constant 0 : i32
      %dma_start3A_798 = arith.constant 0 : i32
      %dma_start3A_799 = arith.constant 384 : i32
      %dma_start3A_800 = arith.constant 0 : i32
      %dma_start3A_801 = tpu.memref_slice %arg9[%dma_start3A_798, %dma_start3A_799, %dma_start3A_800] : memref<2x640x32xf32, #tpu.memory_space<vmem>> -> memref<1x128x32xf32, #tpu.memory_space<vmem>>
      %dma_start3A_802 = tpu.memref_squeeze %dma_start3A_801 : memref<1x128x32xf32, #tpu.memory_space<vmem>> -> memref<128x32xf32, #tpu.memory_space<vmem>>
      %dma_start3A_803 = arith.constant 384 : i32
      %dma_start3A_804 = tpu.memref_slice %arg7[%dma_start3A_797, %dma_start3A_803] : memref<2x640xi32, #tpu.memory_space<vmem>> -> memref<1x128xi32, #tpu.memory_space<vmem>>
      %dma_start3A_805 = tpu.memref_squeeze %dma_start3A_804 : memref<1x128xi32, #tpu.memory_space<vmem>> -> memref<128xi32, #tpu.memory_space<vmem>>
      %dma_start3A_806 = arith.constant 0 : i32
      %dma_start3A_807 = arith.constant 0 : i32
      %dma_start3A_808 = tpu.memref_slice %arg2[%dma_start3A_806, %dma_start3A_807] : memref<12800x32xf32, #tpu.memory_space<hbm>> -> memref<12800x32xf32, #tpu.memory_space<hbm>>
      tpu.enqueue_indirect_dma source(%dma_start3A_808 : memref<12800x32xf32, #tpu.memory_space<hbm>>) target(%dma_start3A_802 : memref<128x32xf32, #tpu.memory_space<vmem>>) offsets(%dma_start3A_805 : memref<128xi32, #tpu.memory_space<vmem>>) semaphore(%arg11 : memref<!tpu.dma_semaphore, #tpu.memory_space<semaphore_mem>>)
      %dma_start3A_809 = arith.constant 0 : i32
      %dma_start3A_810 = arith.constant 0 : i32
      %dma_start3A_811 = arith.constant 384 : i32
      %dma_start3A_812 = arith.constant 0 : i32
      %dma_start3A_813 = tpu.memref_slice %arg10[%dma_start3A_810, %dma_start3A_811, %dma_start3A_812] : memref<2x640x32xf32, #tpu.memory_space<vmem>> -> memref<1x128x32xf32, #tpu.memory_space<vmem>>
      %dma_start3A_814 = tpu.memref_squeeze %dma_start3A_813 : memref<1x128x32xf32, #tpu.memory_space<vmem>> -> memref<128x32xf32, #tpu.memory_space<vmem>>
      %dma_start3A_815 = arith.constant 384 : i32
      %dma_start3A_816 = tpu.memref_slice %arg8[%dma_start3A_809, %dma_start3A_815] : memref<2x640xi32, #tpu.memory_space<vmem>> -> memref<1x128xi32, #tpu.memory_space<vmem>>
      %dma_start3A_817 = tpu.memref_squeeze %dma_start3A_816 : memref<1x128xi32, #tpu.memory_space<vmem>> -> memref<128xi32, #tpu.memory_space<vmem>>
      %dma_start3A_818 = arith.constant 0 : i32
      %dma_start3A_819 = arith.constant 0 : i32
      %dma_start3A_820 = tpu.memref_slice %arg4[%dma_start3A_818, %dma_start3A_819] : memref<51200x32xf32, #tpu.memory_space<hbm>> -> memref<51200x32xf32, #tpu.memory_space<hbm>>
      tpu.enqueue_indirect_dma source(%dma_start3A_820 : memref<51200x32xf32, #tpu.memory_space<hbm>>) target(%dma_start3A_814 : memref<128x32xf32, #tpu.memory_space<vmem>>) offsets(%dma_start3A_817 : memref<128xi32, #tpu.memory_space<vmem>>) semaphore(%arg12 : memref<!tpu.dma_semaphore, #tpu.memory_space<semaphore_mem>>)
      %dma_start3A_821 = arith.constant 0 : i32
      %dma_start3A_822 = arith.constant 0 : i32
      %dma_start3A_823 = arith.constant 512 : i32
      %dma_start3A_824 = arith.constant 0 : i32
      %dma_start3A_825 = tpu.memref_slice %arg9[%dma_start3A_822, %dma_start3A_823, %dma_start3A_824] : memref<2x640x32xf32, #tpu.memory_space<vmem>> -> memref<1x128x32xf32, #tpu.memory_space<vmem>>
      %dma_start3A_826 = tpu.memref_squeeze %dma_start3A_825 : memref<1x128x32xf32, #tpu.memory_space<vmem>> -> memref<128x32xf32, #tpu.memory_space<vmem>>
      %dma_start3A_827 = arith.constant 512 : i32
      %dma_start3A_828 = tpu.memref_slice %arg7[%dma_start3A_821, %dma_start3A_827] : memref<2x640xi32, #tpu.memory_space<vmem>> -> memref<1x128xi32, #tpu.memory_space<vmem>>
      %dma_start3A_829 = tpu.memref_squeeze %dma_start3A_828 : memref<1x128xi32, #tpu.memory_space<vmem>> -> memref<128xi32, #tpu.memory_space<vmem>>
      %dma_start3A_830 = arith.constant 0 : i32
      %dma_start3A_831 = arith.constant 0 : i32
      %dma_start3A_832 = tpu.memref_slice %arg2[%dma_start3A_830, %dma_start3A_831] : memref<12800x32xf32, #tpu.memory_space<hbm>> -> memref<12800x32xf32, #tpu.memory_space<hbm>>
      tpu.enqueue_indirect_dma source(%dma_start3A_832 : memref<12800x32xf32, #tpu.memory_space<hbm>>) target(%dma_start3A_826 : memref<128x32xf32, #tpu.memory_space<vmem>>) offsets(%dma_start3A_829 : memref<128xi32, #tpu.memory_space<vmem>>) semaphore(%arg11 : memref<!tpu.dma_semaphore, #tpu.memory_space<semaphore_mem>>)
      %dma_start3A_833 = arith.constant 0 : i32
      %dma_start3A_834 = arith.constant 0 : i32
      %dma_start3A_835 = arith.constant 512 : i32
      %dma_start3A_836 = arith.constant 0 : i32
      %dma_start3A_837 = tpu.memref_slice %arg10[%dma_start3A_834, %dma_start3A_835, %dma_start3A_836] : memref<2x640x32xf32, #tpu.memory_space<vmem>> -> memref<1x128x32xf32, #tpu.memory_space<vmem>>
      %dma_start3A_838 = tpu.memref_squeeze %dma_start3A_837 : memref<1x128x32xf32, #tpu.memory_space<vmem>> -> memref<128x32xf32, #tpu.memory_space<vmem>>
      %dma_start3A_839 = arith.constant 512 : i32
      %dma_start3A_840 = tpu.memref_slice %arg8[%dma_start3A_833, %dma_start3A_839] : memref<2x640xi32, #tpu.memory_space<vmem>> -> memref<1x128xi32, #tpu.memory_space<vmem>>
      %dma_start3A_841 = tpu.memref_squeeze %dma_start3A_840 : memref<1x128xi32, #tpu.memory_space<vmem>> -> memref<128xi32, #tpu.memory_space<vmem>>
      %dma_start3A_842 = arith.constant 0 : i32
      %dma_start3A_843 = arith.constant 0 : i32
      %dma_start3A_844 = tpu.memref_slice %arg4[%dma_start3A_842, %dma_start3A_843] : memref<51200x32xf32, #tpu.memory_space<hbm>> -> memref<51200x32xf32, #tpu.memory_space<hbm>>
      tpu.enqueue_indirect_dma source(%dma_start3A_844 : memref<51200x32xf32, #tpu.memory_space<hbm>>) target(%dma_start3A_838 : memref<128x32xf32, #tpu.memory_space<vmem>>) offsets(%dma_start3A_841 : memref<128xi32, #tpu.memory_space<vmem>>) semaphore(%arg12 : memref<!tpu.dma_semaphore, #tpu.memory_space<semaphore_mem>>)
      %add3A_845 = arith.constant 1 : i32
      %add3A_846 = arith.addi %mul3A_560, %add3A_845 : i32
      %dma_wait3A_847 = arith.constant 1 : i32
      %dma_wait3A_848 = arith.constant 1 : i32
      %dma_wait3A_849 = arith.constant 0 : i32
      %dma_wait3A_850 = arith.constant 0 : i32
      %dma_wait3A_851 = tpu.memref_slice %arg9[%dma_wait3A_848, %dma_wait3A_849, %dma_wait3A_850] : memref<2x640x32xf32, #tpu.memory_space<vmem>> -> memref<1x128x32xf32, #tpu.memory_space<vmem>>
      %dma_wait3A_852 = tpu.memref_squeeze %dma_wait3A_851 : memref<1x128x32xf32, #tpu.memory_space<vmem>> -> memref<128x32xf32, #tpu.memory_space<vmem>>
      %dma_wait3A_853 = arith.constant 0 : i32
      %dma_wait3A_854 = tpu.memref_slice %arg7[%dma_wait3A_847, %dma_wait3A_853] : memref<2x640xi32, #tpu.memory_space<vmem>> -> memref<1x128xi32, #tpu.memory_space<vmem>>
      %dma_wait3A_855 = tpu.memref_squeeze %dma_wait3A_854 : memref<1x128xi32, #tpu.memory_space<vmem>> -> memref<128xi32, #tpu.memory_space<vmem>>
      %dma_wait3A_856 = arith.constant 0 : i32
      %dma_wait3A_857 = arith.constant 0 : i32
      %dma_wait3A_858 = tpu.memref_slice %arg2[%dma_wait3A_856, %dma_wait3A_857] : memref<12800x32xf32, #tpu.memory_space<hbm>> -> memref<12800x32xf32, #tpu.memory_space<hbm>>
      tpu.wait_indirect_dma semaphore(%arg11 : memref<!tpu.dma_semaphore, #tpu.memory_space<semaphore_mem>>) src(%dma_wait3A_858 : memref<12800x32xf32, #tpu.memory_space<hbm>>) dst(%dma_wait3A_852 : memref<128x32xf32, #tpu.memory_space<vmem>>)
      %dma_wait3A_859 = arith.constant 1 : i32
      %dma_wait3A_860 = arith.constant 1 : i32
      %dma_wait3A_861 = arith.constant 0 : i32
      %dma_wait3A_862 = arith.constant 0 : i32
      %dma_wait3A_863 = tpu.memref_slice %arg10[%dma_wait3A_860, %dma_wait3A_861, %dma_wait3A_862] : memref<2x640x32xf32, #tpu.memory_space<vmem>> -> memref<1x128x32xf32, #tpu.memory_space<vmem>>
      %dma_wait3A_864 = tpu.memref_squeeze %dma_wait3A_863 : memref<1x128x32xf32, #tpu.memory_space<vmem>> -> memref<128x32xf32, #tpu.memory_space<vmem>>
      %dma_wait3A_865 = arith.constant 0 : i32
      %dma_wait3A_866 = tpu.memref_slice %arg8[%dma_wait3A_859, %dma_wait3A_865] : memref<2x640xi32, #tpu.memory_space<vmem>> -> memref<1x128xi32, #tpu.memory_space<vmem>>
      %dma_wait3A_867 = tpu.memref_squeeze %dma_wait3A_866 : memref<1x128xi32, #tpu.memory_space<vmem>> -> memref<128xi32, #tpu.memory_space<vmem>>
      %dma_wait3A_868 = arith.constant 0 : i32
      %dma_wait3A_869 = arith.constant 0 : i32
      %dma_wait3A_870 = tpu.memref_slice %arg4[%dma_wait3A_868, %dma_wait3A_869] : memref<51200x32xf32, #tpu.memory_space<hbm>> -> memref<51200x32xf32, #tpu.memory_space<hbm>>
      tpu.wait_indirect_dma semaphore(%arg12 : memref<!tpu.dma_semaphore, #tpu.memory_space<semaphore_mem>>) src(%dma_wait3A_870 : memref<51200x32xf32, #tpu.memory_space<hbm>>) dst(%dma_wait3A_864 : memref<128x32xf32, #tpu.memory_space<vmem>>)
      %dma_wait3A_871 = arith.constant 1 : i32
      %dma_wait3A_872 = arith.constant 1 : i32
      %dma_wait3A_873 = arith.constant 128 : i32
      %dma_wait3A_874 = arith.constant 0 : i32
      %dma_wait3A_875 = tpu.memref_slice %arg9[%dma_wait3A_872, %dma_wait3A_873, %dma_wait3A_874] : memref<2x640x32xf32, #tpu.memory_space<vmem>> -> memref<1x128x32xf32, #tpu.memory_space<vmem>>
      %dma_wait3A_876 = tpu.memref_squeeze %dma_wait3A_875 : memref<1x128x32xf32, #tpu.memory_space<vmem>> -> memref<128x32xf32, #tpu.memory_space<vmem>>
      %dma_wait3A_877 = arith.constant 128 : i32
      %dma_wait3A_878 = tpu.memref_slice %arg7[%dma_wait3A_871, %dma_wait3A_877] : memref<2x640xi32, #tpu.memory_space<vmem>> -> memref<1x128xi32, #tpu.memory_space<vmem>>
      %dma_wait3A_879 = tpu.memref_squeeze %dma_wait3A_878 : memref<1x128xi32, #tpu.memory_space<vmem>> -> memref<128xi32, #tpu.memory_space<vmem>>
      %dma_wait3A_880 = arith.constant 0 : i32
      %dma_wait3A_881 = arith.constant 0 : i32
      %dma_wait3A_882 = tpu.memref_slice %arg2[%dma_wait3A_880, %dma_wait3A_881] : memref<12800x32xf32, #tpu.memory_space<hbm>> -> memref<12800x32xf32, #tpu.memory_space<hbm>>
      tpu.wait_indirect_dma semaphore(%arg11 : memref<!tpu.dma_semaphore, #tpu.memory_space<semaphore_mem>>) src(%dma_wait3A_882 : memref<12800x32xf32, #tpu.memory_space<hbm>>) dst(%dma_wait3A_876 : memref<128x32xf32, #tpu.memory_space<vmem>>)
      %dma_wait3A_883 = arith.constant 1 : i32
      %dma_wait3A_884 = arith.constant 1 : i32
      %dma_wait3A_885 = arith.constant 128 : i32
      %dma_wait3A_886 = arith.constant 0 : i32
      %dma_wait3A_887 = tpu.memref_slice %arg10[%dma_wait3A_884, %dma_wait3A_885, %dma_wait3A_886] : memref<2x640x32xf32, #tpu.memory_space<vmem>> -> memref<1x128x32xf32, #tpu.memory_space<vmem>>
      %dma_wait3A_888 = tpu.memref_squeeze %dma_wait3A_887 : memref<1x128x32xf32, #tpu.memory_space<vmem>> -> memref<128x32xf32, #tpu.memory_space<vmem>>
      %dma_wait3A_889 = arith.constant 128 : i32
      %dma_wait3A_890 = tpu.memref_slice %arg8[%dma_wait3A_883, %dma_wait3A_889] : memref<2x640xi32, #tpu.memory_space<vmem>> -> memref<1x128xi32, #tpu.memory_space<vmem>>
      %dma_wait3A_891 = tpu.memref_squeeze %dma_wait3A_890 : memref<1x128xi32, #tpu.memory_space<vmem>> -> memref<128xi32, #tpu.memory_space<vmem>>
      %dma_wait3A_892 = arith.constant 0 : i32
      %dma_wait3A_893 = arith.constant 0 : i32
      %dma_wait3A_894 = tpu.memref_slice %arg4[%dma_wait3A_892, %dma_wait3A_893] : memref<51200x32xf32, #tpu.memory_space<hbm>> -> memref<51200x32xf32, #tpu.memory_space<hbm>>
      tpu.wait_indirect_dma semaphore(%arg12 : memref<!tpu.dma_semaphore, #tpu.memory_space<semaphore_mem>>) src(%dma_wait3A_894 : memref<51200x32xf32, #tpu.memory_space<hbm>>) dst(%dma_wait3A_888 : memref<128x32xf32, #tpu.memory_space<vmem>>)
      %dma_wait3A_895 = arith.constant 1 : i32
      %dma_wait3A_896 = arith.constant 1 : i32
      %dma_wait3A_897 = arith.constant 256 : i32
      %dma_wait3A_898 = arith.constant 0 : i32
      %dma_wait3A_899 = tpu.memref_slice %arg9[%dma_wait3A_896, %dma_wait3A_897, %dma_wait3A_898] : memref<2x640x32xf32, #tpu.memory_space<vmem>> -> memref<1x128x32xf32, #tpu.memory_space<vmem>>
      %dma_wait3A_900 = tpu.memref_squeeze %dma_wait3A_899 : memref<1x128x32xf32, #tpu.memory_space<vmem>> -> memref<128x32xf32, #tpu.memory_space<vmem>>
      %dma_wait3A_901 = arith.constant 256 : i32
      %dma_wait3A_902 = tpu.memref_slice %arg7[%dma_wait3A_895, %dma_wait3A_901] : memref<2x640xi32, #tpu.memory_space<vmem>> -> memref<1x128xi32, #tpu.memory_space<vmem>>
      %dma_wait3A_903 = tpu.memref_squeeze %dma_wait3A_902 : memref<1x128xi32, #tpu.memory_space<vmem>> -> memref<128xi32, #tpu.memory_space<vmem>>
      %dma_wait3A_904 = arith.constant 0 : i32
      %dma_wait3A_905 = arith.constant 0 : i32
      %dma_wait3A_906 = tpu.memref_slice %arg2[%dma_wait3A_904, %dma_wait3A_905] : memref<12800x32xf32, #tpu.memory_space<hbm>> -> memref<12800x32xf32, #tpu.memory_space<hbm>>
      tpu.wait_indirect_dma semaphore(%arg11 : memref<!tpu.dma_semaphore, #tpu.memory_space<semaphore_mem>>) src(%dma_wait3A_906 : memref<12800x32xf32, #tpu.memory_space<hbm>>) dst(%dma_wait3A_900 : memref<128x32xf32, #tpu.memory_space<vmem>>)
      %dma_wait3A_907 = arith.constant 1 : i32
      %dma_wait3A_908 = arith.constant 1 : i32
      %dma_wait3A_909 = arith.constant 256 : i32
      %dma_wait3A_910 = arith.constant 0 : i32
      %dma_wait3A_911 = tpu.memref_slice %arg10[%dma_wait3A_908, %dma_wait3A_909, %dma_wait3A_910] : memref<2x640x32xf32, #tpu.memory_space<vmem>> -> memref<1x128x32xf32, #tpu.memory_space<vmem>>
      %dma_wait3A_912 = tpu.memref_squeeze %dma_wait3A_911 : memref<1x128x32xf32, #tpu.memory_space<vmem>> -> memref<128x32xf32, #tpu.memory_space<vmem>>
      %dma_wait3A_913 = arith.constant 256 : i32
      %dma_wait3A_914 = tpu.memref_slice %arg8[%dma_wait3A_907, %dma_wait3A_913] : memref<2x640xi32, #tpu.memory_space<vmem>> -> memref<1x128xi32, #tpu.memory_space<vmem>>
      %dma_wait3A_915 = tpu.memref_squeeze %dma_wait3A_914 : memref<1x128xi32, #tpu.memory_space<vmem>> -> memref<128xi32, #tpu.memory_space<vmem>>
      %dma_wait3A_916 = arith.constant 0 : i32
      %dma_wait3A_917 = arith.constant 0 : i32
      %dma_wait3A_918 = tpu.memref_slice %arg4[%dma_wait3A_916, %dma_wait3A_917] : memref<51200x32xf32, #tpu.memory_space<hbm>> -> memref<51200x32xf32, #tpu.memory_space<hbm>>
      tpu.wait_indirect_dma semaphore(%arg12 : memref<!tpu.dma_semaphore, #tpu.memory_space<semaphore_mem>>) src(%dma_wait3A_918 : memref<51200x32xf32, #tpu.memory_space<hbm>>) dst(%dma_wait3A_912 : memref<128x32xf32, #tpu.memory_space<vmem>>)
      %dma_wait3A_919 = arith.constant 1 : i32
      %dma_wait3A_920 = arith.constant 1 : i32
      %dma_wait3A_921 = arith.constant 384 : i32
      %dma_wait3A_922 = arith.constant 0 : i32
      %dma_wait3A_923 = tpu.memref_slice %arg9[%dma_wait3A_920, %dma_wait3A_921, %dma_wait3A_922] : memref<2x640x32xf32, #tpu.memory_space<vmem>> -> memref<1x128x32xf32, #tpu.memory_space<vmem>>
      %dma_wait3A_924 = tpu.memref_squeeze %dma_wait3A_923 : memref<1x128x32xf32, #tpu.memory_space<vmem>> -> memref<128x32xf32, #tpu.memory_space<vmem>>
      %dma_wait3A_925 = arith.constant 384 : i32
      %dma_wait3A_926 = tpu.memref_slice %arg7[%dma_wait3A_919, %dma_wait3A_925] : memref<2x640xi32, #tpu.memory_space<vmem>> -> memref<1x128xi32, #tpu.memory_space<vmem>>
      %dma_wait3A_927 = tpu.memref_squeeze %dma_wait3A_926 : memref<1x128xi32, #tpu.memory_space<vmem>> -> memref<128xi32, #tpu.memory_space<vmem>>
      %dma_wait3A_928 = arith.constant 0 : i32
      %dma_wait3A_929 = arith.constant 0 : i32
      %dma_wait3A_930 = tpu.memref_slice %arg2[%dma_wait3A_928, %dma_wait3A_929] : memref<12800x32xf32, #tpu.memory_space<hbm>> -> memref<12800x32xf32, #tpu.memory_space<hbm>>
      tpu.wait_indirect_dma semaphore(%arg11 : memref<!tpu.dma_semaphore, #tpu.memory_space<semaphore_mem>>) src(%dma_wait3A_930 : memref<12800x32xf32, #tpu.memory_space<hbm>>) dst(%dma_wait3A_924 : memref<128x32xf32, #tpu.memory_space<vmem>>)
      %dma_wait3A_931 = arith.constant 1 : i32
      %dma_wait3A_932 = arith.constant 1 : i32
      %dma_wait3A_933 = arith.constant 384 : i32
      %dma_wait3A_934 = arith.constant 0 : i32
      %dma_wait3A_935 = tpu.memref_slice %arg10[%dma_wait3A_932, %dma_wait3A_933, %dma_wait3A_934] : memref<2x640x32xf32, #tpu.memory_space<vmem>> -> memref<1x128x32xf32, #tpu.memory_space<vmem>>
      %dma_wait3A_936 = tpu.memref_squeeze %dma_wait3A_935 : memref<1x128x32xf32, #tpu.memory_space<vmem>> -> memref<128x32xf32, #tpu.memory_space<vmem>>
      %dma_wait3A_937 = arith.constant 384 : i32
      %dma_wait3A_938 = tpu.memref_slice %arg8[%dma_wait3A_931, %dma_wait3A_937] : memref<2x640xi32, #tpu.memory_space<vmem>> -> memref<1x128xi32, #tpu.memory_space<vmem>>
      %dma_wait3A_939 = tpu.memref_squeeze %dma_wait3A_938 : memref<1x128xi32, #tpu.memory_space<vmem>> -> memref<128xi32, #tpu.memory_space<vmem>>
      %dma_wait3A_940 = arith.constant 0 : i32
      %dma_wait3A_941 = arith.constant 0 : i32
      %dma_wait3A_942 = tpu.memref_slice %arg4[%dma_wait3A_940, %dma_wait3A_941] : memref<51200x32xf32, #tpu.memory_space<hbm>> -> memref<51200x32xf32, #tpu.memory_space<hbm>>
      tpu.wait_indirect_dma semaphore(%arg12 : memref<!tpu.dma_semaphore, #tpu.memory_space<semaphore_mem>>) src(%dma_wait3A_942 : memref<51200x32xf32, #tpu.memory_space<hbm>>) dst(%dma_wait3A_936 : memref<128x32xf32, #tpu.memory_space<vmem>>)
      %dma_wait3A_943 = arith.constant 1 : i32
      %dma_wait3A_944 = arith.constant 1 : i32
      %dma_wait3A_945 = arith.constant 512 : i32
      %dma_wait3A_946 = arith.constant 0 : i32
      %dma_wait3A_947 = tpu.memref_slice %arg9[%dma_wait3A_944, %dma_wait3A_945, %dma_wait3A_946] : memref<2x640x32xf32, #tpu.memory_space<vmem>> -> memref<1x128x32xf32, #tpu.memory_space<vmem>>
      %dma_wait3A_948 = tpu.memref_squeeze %dma_wait3A_947 : memref<1x128x32xf32, #tpu.memory_space<vmem>> -> memref<128x32xf32, #tpu.memory_space<vmem>>
      %dma_wait3A_949 = arith.constant 512 : i32
      %dma_wait3A_950 = tpu.memref_slice %arg7[%dma_wait3A_943, %dma_wait3A_949] : memref<2x640xi32, #tpu.memory_space<vmem>> -> memref<1x128xi32, #tpu.memory_space<vmem>>
      %dma_wait3A_951 = tpu.memref_squeeze %dma_wait3A_950 : memref<1x128xi32, #tpu.memory_space<vmem>> -> memref<128xi32, #tpu.memory_space<vmem>>
      %dma_wait3A_952 = arith.constant 0 : i32
      %dma_wait3A_953 = arith.constant 0 : i32
      %dma_wait3A_954 = tpu.memref_slice %arg2[%dma_wait3A_952, %dma_wait3A_953] : memref<12800x32xf32, #tpu.memory_space<hbm>> -> memref<12800x32xf32, #tpu.memory_space<hbm>>
      tpu.wait_indirect_dma semaphore(%arg11 : memref<!tpu.dma_semaphore, #tpu.memory_space<semaphore_mem>>) src(%dma_wait3A_954 : memref<12800x32xf32, #tpu.memory_space<hbm>>) dst(%dma_wait3A_948 : memref<128x32xf32, #tpu.memory_space<vmem>>)
      %dma_wait3A_955 = arith.constant 1 : i32
      %dma_wait3A_956 = arith.constant 1 : i32
      %dma_wait3A_957 = arith.constant 512 : i32
      %dma_wait3A_958 = arith.constant 0 : i32
      %dma_wait3A_959 = tpu.memref_slice %arg10[%dma_wait3A_956, %dma_wait3A_957, %dma_wait3A_958] : memref<2x640x32xf32, #tpu.memory_space<vmem>> -> memref<1x128x32xf32, #tpu.memory_space<vmem>>
      %dma_wait3A_960 = tpu.memref_squeeze %dma_wait3A_959 : memref<1x128x32xf32, #tpu.memory_space<vmem>> -> memref<128x32xf32, #tpu.memory_space<vmem>>
      %dma_wait3A_961 = arith.constant 512 : i32
      %dma_wait3A_962 = tpu.memref_slice %arg8[%dma_wait3A_955, %dma_wait3A_961] : memref<2x640xi32, #tpu.memory_space<vmem>> -> memref<1x128xi32, #tpu.memory_space<vmem>>
      %dma_wait3A_963 = tpu.memref_squeeze %dma_wait3A_962 : memref<1x128xi32, #tpu.memory_space<vmem>> -> memref<128xi32, #tpu.memory_space<vmem>>
      %dma_wait3A_964 = arith.constant 0 : i32
      %dma_wait3A_965 = arith.constant 0 : i32
      %dma_wait3A_966 = tpu.memref_slice %arg4[%dma_wait3A_964, %dma_wait3A_965] : memref<51200x32xf32, #tpu.memory_space<hbm>> -> memref<51200x32xf32, #tpu.memory_space<hbm>>
      tpu.wait_indirect_dma semaphore(%arg12 : memref<!tpu.dma_semaphore, #tpu.memory_space<semaphore_mem>>) src(%dma_wait3A_966 : memref<51200x32xf32, #tpu.memory_space<hbm>>) dst(%dma_wait3A_960 : memref<128x32xf32, #tpu.memory_space<vmem>>)
      %parallel_loop3A_967 = arith.constant 0 : i32
      %parallel_loop3A_968 = arith.constant 640 : i32
      %parallel_loop3A_969 = arith.constant 1 : i32
      scf.for %parallel_loop3A_1129 = %parallel_loop3A_967 to %parallel_loop3A_968 step %parallel_loop3A_969  : i32 {
        %parallel_loop3A_1130 = arith.constant 1 : i32
        %parallel_loop3A_1131 = arith.index_cast %parallel_loop3A_1130 : i32 to index
        %parallel_loop3A_1132 = arith.index_cast %parallel_loop3A_1129 : i32 to index
        %parallel_loop3A_1133 = arith.constant 0 : index
        %parallel_loop3A_1134 = tpu.vector_load %arg9[%parallel_loop3A_1131, %parallel_loop3A_1132, %parallel_loop3A_1133] {strides = array<i32>} : memref<2x640x32xf32, #tpu.memory_space<vmem>>, vector<1x1x16xf32>,
        %parallel_loop3A_1135 = vector.shape_cast %parallel_loop3A_1134 : vector<1x1x16xf32> to vector<16xf32>
        %parallel_loop3A_1136 = arith.constant 1 : i32
        %parallel_loop3A_1137 = arith.index_cast %parallel_loop3A_1136 : i32 to index
        %parallel_loop3A_1138 = arith.index_cast %parallel_loop3A_1129 : i32 to index
        %parallel_loop3A_1139 = arith.constant 0 : index
        %parallel_loop3A_1140 = tpu.vector_load %arg10[%parallel_loop3A_1137, %parallel_loop3A_1138, %parallel_loop3A_1139] {strides = array<i32>} : memref<2x640x32xf32, #tpu.memory_space<vmem>>, vector<1x1x16xf32>,
        %parallel_loop3A_1141 = vector.shape_cast %parallel_loop3A_1140 : vector<1x1x16xf32> to vector<16xf32>
        %parallel_loop3A_1142 = arith.addf %parallel_loop3A_1135, %parallel_loop3A_1141 : vector<16xf32>
        %parallel_loop3A_1143 = arith.constant 1 : i32
        %parallel_loop3A_1144 = arith.index_cast %parallel_loop3A_1143 : i32 to index
        %parallel_loop3A_1145 = arith.index_cast %parallel_loop3A_1129 : i32 to index
        %parallel_loop3A_1146 = arith.constant 0 : index
        %parallel_loop3A_1147 = tpu.vector_load %arg9[%parallel_loop3A_1144, %parallel_loop3A_1145, %parallel_loop3A_1146] {strides = array<i32>} : memref<2x640x32xf32, #tpu.memory_space<vmem>>, vector<1x1x16xf32>,
        %parallel_loop3A_1148 = vector.shape_cast %parallel_loop3A_1147 : vector<1x1x16xf32> to vector<16xf32>
        %parallel_loop3A_1149 = vector.shape_cast %parallel_loop3A_1142 : vector<16xf32> to vector<1x1x16xf32>
        tpu.vector_store %arg9[%parallel_loop3A_1144, %parallel_loop3A_1145, %parallel_loop3A_1146], %parallel_loop3A_1149 {strides = array<i32>} : memref<2x640x32xf32, #tpu.memory_space<vmem>>, vector<1x1x16xf32>,
        %parallel_loop3A_1150 = arith.constant 1 : i32
        %parallel_loop3A_1151 = arith.index_cast %parallel_loop3A_1150 : i32 to index
        %parallel_loop3A_1152 = arith.index_cast %parallel_loop3A_1129 : i32 to index
        %parallel_loop3A_1153 = arith.constant 16 : index
        %parallel_loop3A_1154 = tpu.vector_load %arg9[%parallel_loop3A_1151, %parallel_loop3A_1152, %parallel_loop3A_1153] {strides = array<i32>} : memref<2x640x32xf32, #tpu.memory_space<vmem>>, vector<1x1x16xf32>,
        %parallel_loop3A_1155 = vector.shape_cast %parallel_loop3A_1154 : vector<1x1x16xf32> to vector<16xf32>
        %parallel_loop3A_1156 = arith.constant 1 : i32
        %parallel_loop3A_1157 = arith.index_cast %parallel_loop3A_1156 : i32 to index
        %parallel_loop3A_1158 = arith.index_cast %parallel_loop3A_1129 : i32 to index
        %parallel_loop3A_1159 = arith.constant 16 : index
        %parallel_loop3A_1160 = tpu.vector_load %arg10[%parallel_loop3A_1157, %parallel_loop3A_1158, %parallel_loop3A_1159] {strides = array<i32>} : memref<2x640x32xf32, #tpu.memory_space<vmem>>, vector<1x1x16xf32>,
        %parallel_loop3A_1161 = vector.shape_cast %parallel_loop3A_1160 : vector<1x1x16xf32> to vector<16xf32>
        %parallel_loop3A_1162 = arith.addf %parallel_loop3A_1155, %parallel_loop3A_1161 : vector<16xf32>
        %parallel_loop3A_1163 = arith.constant 1 : i32
        %parallel_loop3A_1164 = arith.index_cast %parallel_loop3A_1163 : i32 to index
        %parallel_loop3A_1165 = arith.index_cast %parallel_loop3A_1129 : i32 to index
        %parallel_loop3A_1166 = arith.constant 16 : index
        %parallel_loop3A_1167 = tpu.vector_load %arg9[%parallel_loop3A_1164, %parallel_loop3A_1165, %parallel_loop3A_1166] {strides = array<i32>} : memref<2x640x32xf32, #tpu.memory_space<vmem>>, vector<1x1x16xf32>,
        %parallel_loop3A_1168 = vector.shape_cast %parallel_loop3A_1167 : vector<1x1x16xf32> to vector<16xf32>
        %parallel_loop3A_1169 = vector.shape_cast %parallel_loop3A_1162 : vector<16xf32> to vector<1x1x16xf32>
        tpu.vector_store %arg9[%parallel_loop3A_1164, %parallel_loop3A_1165, %parallel_loop3A_1166], %parallel_loop3A_1169 {strides = array<i32>} : memref<2x640x32xf32, #tpu.memory_space<vmem>>, vector<1x1x16xf32>,
      } {sc.loop_unroll_factor = 8 : i64, sc.parallel_access}
      %mul3A_970 = arith.constant 640 : i32
      %mul3A_971 = arith.muli %add3A_846, %mul3A_970 : i32
      %add3A_972 = arith.addi %mul3A_2, %mul3A_971 : i32
      %dma_start3A_973 = arith.constant 1 : i32
      %dma_start3A_974 = arith.constant 0 : i32
      %dma_start3A_975 = arith.constant 0 : i32
      %dma_start3A_976 = tpu.memref_slice %arg9[%dma_start3A_973, %dma_start3A_974, %dma_start3A_975] : memref<2x640x32xf32, #tpu.memory_space<vmem>> -> memref<1x640x32xf32, #tpu.memory_space<vmem>>
      %dma_start3A_977 = tpu.memref_squeeze %dma_start3A_976 : memref<1x640x32xf32, #tpu.memory_space<vmem>> -> memref<640x32xf32, #tpu.memory_space<vmem>>
      %dma_start3A_978 = arith.constant 0 : i32
      %dma_start3A_979 = tpu.memref_slice %arg6[%add3A_972, %dma_start3A_978] : memref<409600x32xf32, #tpu.memory_space<hbm>> -> memref<640x32xf32, #tpu.memory_space<hbm>>
      %dma_start3A_980 = arith.constant 0 : i32
      %dma_start3A_981 = tpu.memref_slice %arg6[%add3A_972, %dma_start3A_980] : memref<409600x32xf32, #tpu.memory_space<hbm>> -> memref<640x32xf32, #tpu.memory_space<hbm>>
      %dma_start3A_982 = arith.constant 0 : i32
      %dma_start3A_983 = arith.constant 0 : i32
      %dma_start3A_984 = tpu.memref_slice %arg9[%dma_start3A_973, %dma_start3A_982, %dma_start3A_983] : memref<2x640x32xf32, #tpu.memory_space<vmem>> -> memref<1x640x32xf32, #tpu.memory_space<vmem>>
      %dma_start3A_985 = tpu.memref_squeeze %dma_start3A_984 : memref<1x640x32xf32, #tpu.memory_space<vmem>> -> memref<640x32xf32, #tpu.memory_space<vmem>>
      tpu.enqueue_dma source(%dma_start3A_985 : memref<640x32xf32, #tpu.memory_space<vmem>>) target(%dma_start3A_981 : memref<640x32xf32, #tpu.memory_space<hbm>>) target_semaphore(%arg13 : memref<!tpu.dma_semaphore, #tpu.memory_space<semaphore_mem>>)
      %add3A_986 = arith.constant 2 : i32
      %add3A_987 = arith.addi %add3A_846, %add3A_986 : i32
      %mul3A_988 = arith.constant 640 : i32
      %mul3A_989 = arith.muli %add3A_987, %mul3A_988 : i32
      %add3A_990 = arith.addi %mul3A_2, %mul3A_989 : i32
      %run_scoped3A_991 = arith.constant 1 : i32
      "tpu.region"() ({
        %run_scoped3A_1129 = tpu.sem_alloc : memref<!tpu.dma_semaphore, #tpu.memory_space<semaphore_mem>>
        %dma_start3A_1130 = arith.constant 0 : i32
        %dma_start3A_1131 = tpu.memref_slice %arg7[%run_scoped3A_991, %dma_start3A_1130] : memref<2x640xi32, #tpu.memory_space<vmem>> -> memref<1x640xi32, #tpu.memory_space<vmem>>
        %dma_start3A_1132 = tpu.memref_squeeze %dma_start3A_1131 : memref<1x640xi32, #tpu.memory_space<vmem>> -> memref<640xi32, #tpu.memory_space<vmem>>
        %dma_start3A_1133 = tpu.memref_slice %arg3[%add3A_990] : memref<409600xi32, #tpu.memory_space<hbm>> -> memref<640xi32, #tpu.memory_space<hbm>>
        %dma_start3A_1134 = arith.constant 0 : i32
        %dma_start3A_1135 = tpu.memref_slice %arg7[%run_scoped3A_991, %dma_start3A_1134] : memref<2x640xi32, #tpu.memory_space<vmem>> -> memref<1x640xi32, #tpu.memory_space<vmem>>
        %dma_start3A_1136 = tpu.memref_squeeze %dma_start3A_1135 : memref<1x640xi32, #tpu.memory_space<vmem>> -> memref<640xi32, #tpu.memory_space<vmem>>
        %dma_start3A_1137 = tpu.memref_slice %arg3[%add3A_990] : memref<409600xi32, #tpu.memory_space<hbm>> -> memref<640xi32, #tpu.memory_space<hbm>>
        tpu.enqueue_dma source(%dma_start3A_1137 : memref<640xi32, #tpu.memory_space<hbm>>) target(%dma_start3A_1136 : memref<640xi32, #tpu.memory_space<vmem>>) target_semaphore(%run_scoped3A_1129 : memref<!tpu.dma_semaphore, #tpu.memory_space<semaphore_mem>>)
        %dma_wait3A_1138 = arith.constant 0 : i32
        %dma_wait3A_1139 = tpu.memref_slice %arg7[%run_scoped3A_991, %dma_wait3A_1138] : memref<2x640xi32, #tpu.memory_space<vmem>> -> memref<1x640xi32, #tpu.memory_space<vmem>>
        %dma_wait3A_1140 = tpu.memref_squeeze %dma_wait3A_1139 : memref<1x640xi32, #tpu.memory_space<vmem>> -> memref<640xi32, #tpu.memory_space<vmem>>
        %dma_wait3A_1141 = tpu.memref_slice %arg3[%add3A_990] : memref<409600xi32, #tpu.memory_space<hbm>> -> memref<640xi32, #tpu.memory_space<hbm>>
        %dma_wait3A_1142 = arith.constant 0 : i32
        %dma_wait3A_1143 = tpu.memref_slice %arg7[%run_scoped3A_991, %dma_wait3A_1142] : memref<2x640xi32, #tpu.memory_space<vmem>> -> memref<1x640xi32, #tpu.memory_space<vmem>>
        %dma_wait3A_1144 = tpu.memref_squeeze %dma_wait3A_1143 : memref<1x640xi32, #tpu.memory_space<vmem>> -> memref<640xi32, #tpu.memory_space<vmem>>
        %dma_wait3A_1145 = tpu.memref_slice %arg3[%add3A_990] : memref<409600xi32, #tpu.memory_space<hbm>> -> memref<640xi32, #tpu.memory_space<hbm>>
        tpu.wait_dma2 semaphore(%run_scoped3A_1129 : memref<!tpu.dma_semaphore, #tpu.memory_space<semaphore_mem>>) src(%dma_wait3A_1145 : memref<640xi32, #tpu.memory_space<hbm>>) dst(%dma_wait3A_1144 : memref<640xi32, #tpu.memory_space<vmem>>)
        tpu.yield
      }) : () -> ()
      %run_scoped3A_992 = arith.constant 1 : i32
      "tpu.region"() ({
        %run_scoped3A_1129 = tpu.sem_alloc : memref<!tpu.dma_semaphore, #tpu.memory_space<semaphore_mem>>
        %dma_start3A_1130 = arith.constant 0 : i32
        %dma_start3A_1131 = tpu.memref_slice %arg8[%run_scoped3A_992, %dma_start3A_1130] : memref<2x640xi32, #tpu.memory_space<vmem>> -> memref<1x640xi32, #tpu.memory_space<vmem>>
        %dma_start3A_1132 = tpu.memref_squeeze %dma_start3A_1131 : memref<1x640xi32, #tpu.memory_space<vmem>> -> memref<640xi32, #tpu.memory_space<vmem>>
        %dma_start3A_1133 = tpu.memref_slice %arg5[%add3A_990] : memref<409600xi32, #tpu.memory_space<hbm>> -> memref<640xi32, #tpu.memory_space<hbm>>
        %dma_start3A_1134 = arith.constant 0 : i32
        %dma_start3A_1135 = tpu.memref_slice %arg8[%run_scoped3A_992, %dma_start3A_1134] : memref<2x640xi32, #tpu.memory_space<vmem>> -> memref<1x640xi32, #tpu.memory_space<vmem>>
        %dma_start3A_1136 = tpu.memref_squeeze %dma_start3A_1135 : memref<1x640xi32, #tpu.memory_space<vmem>> -> memref<640xi32, #tpu.memory_space<vmem>>
        %dma_start3A_1137 = tpu.memref_slice %arg5[%add3A_990] : memref<409600xi32, #tpu.memory_space<hbm>> -> memref<640xi32, #tpu.memory_space<hbm>>
        tpu.enqueue_dma source(%dma_start3A_1137 : memref<640xi32, #tpu.memory_space<hbm>>) target(%dma_start3A_1136 : memref<640xi32, #tpu.memory_space<vmem>>) target_semaphore(%run_scoped3A_1129 : memref<!tpu.dma_semaphore, #tpu.memory_space<semaphore_mem>>)
        %dma_wait3A_1138 = arith.constant 0 : i32
        %dma_wait3A_1139 = tpu.memref_slice %arg8[%run_scoped3A_992, %dma_wait3A_1138] : memref<2x640xi32, #tpu.memory_space<vmem>> -> memref<1x640xi32, #tpu.memory_space<vmem>>
        %dma_wait3A_1140 = tpu.memref_squeeze %dma_wait3A_1139 : memref<1x640xi32, #tpu.memory_space<vmem>> -> memref<640xi32, #tpu.memory_space<vmem>>
        %dma_wait3A_1141 = tpu.memref_slice %arg5[%add3A_990] : memref<409600xi32, #tpu.memory_space<hbm>> -> memref<640xi32, #tpu.memory_space<hbm>>
        %dma_wait3A_1142 = arith.constant 0 : i32
        %dma_wait3A_1143 = tpu.memref_slice %arg8[%run_scoped3A_992, %dma_wait3A_1142] : memref<2x640xi32, #tpu.memory_space<vmem>> -> memref<1x640xi32, #tpu.memory_space<vmem>>
        %dma_wait3A_1144 = tpu.memref_squeeze %dma_wait3A_1143 : memref<1x640xi32, #tpu.memory_space<vmem>> -> memref<640xi32, #tpu.memory_space<vmem>>
        %dma_wait3A_1145 = tpu.memref_slice %arg5[%add3A_990] : memref<409600xi32, #tpu.memory_space<hbm>> -> memref<640xi32, #tpu.memory_space<hbm>>
        tpu.wait_dma2 semaphore(%run_scoped3A_1129 : memref<!tpu.dma_semaphore, #tpu.memory_space<semaphore_mem>>) src(%dma_wait3A_1145 : memref<640xi32, #tpu.memory_space<hbm>>) dst(%dma_wait3A_1144 : memref<640xi32, #tpu.memory_space<vmem>>)
        tpu.yield
      }) : () -> ()
      %mul3A_993 = arith.constant 640 : i32
      %mul3A_994 = arith.muli %add3A_846, %mul3A_993 : i32
      %add3A_995 = arith.addi %mul3A_2, %mul3A_994 : i32
      %dma_wait3A_996 = arith.constant 1 : i32
      %dma_wait3A_997 = arith.constant 0 : i32
      %dma_wait3A_998 = arith.constant 0 : i32
      %dma_wait3A_999 = tpu.memref_slice %arg9[%dma_wait3A_996, %dma_wait3A_997, %dma_wait3A_998] : memref<2x640x32xf32, #tpu.memory_space<vmem>> -> memref<1x640x32xf32, #tpu.memory_space<vmem>>
      %dma_wait3A_1000 = tpu.memref_squeeze %dma_wait3A_999 : memref<1x640x32xf32, #tpu.memory_space<vmem>> -> memref<640x32xf32, #tpu.memory_space<vmem>>
      %dma_wait3A_1001 = arith.constant 0 : i32
      %dma_wait3A_1002 = tpu.memref_slice %arg6[%add3A_995, %dma_wait3A_1001] : memref<409600x32xf32, #tpu.memory_space<hbm>> -> memref<640x32xf32, #tpu.memory_space<hbm>>
      %dma_wait3A_1003 = arith.constant 0 : i32
      %dma_wait3A_1004 = tpu.memref_slice %arg6[%add3A_995, %dma_wait3A_1003] : memref<409600x32xf32, #tpu.memory_space<hbm>> -> memref<640x32xf32, #tpu.memory_space<hbm>>
      %dma_wait3A_1005 = arith.constant 0 : i32
      %dma_wait3A_1006 = arith.constant 0 : i32
      %dma_wait3A_1007 = tpu.memref_slice %arg9[%dma_wait3A_996, %dma_wait3A_1005, %dma_wait3A_1006] : memref<2x640x32xf32, #tpu.memory_space<vmem>> -> memref<1x640x32xf32, #tpu.memory_space<vmem>>
      %dma_wait3A_1008 = tpu.memref_squeeze %dma_wait3A_1007 : memref<1x640x32xf32, #tpu.memory_space<vmem>> -> memref<640x32xf32, #tpu.memory_space<vmem>>
      tpu.wait_dma2 semaphore(%arg13 : memref<!tpu.dma_semaphore, #tpu.memory_space<semaphore_mem>>) src(%dma_wait3A_1008 : memref<640x32xf32, #tpu.memory_space<vmem>>) dst(%dma_wait3A_1004 : memref<640x32xf32, #tpu.memory_space<hbm>>)
      %dma_start3A_1009 = arith.constant 1 : i32
      %dma_start3A_1010 = arith.constant 1 : i32
      %dma_start3A_1011 = arith.constant 0 : i32
      %dma_start3A_1012 = arith.constant 0 : i32
      %dma_start3A_1013 = tpu.memref_slice %arg9[%dma_start3A_1010, %dma_start3A_1011, %dma_start3A_1012] : memref<2x640x32xf32, #tpu.memory_space<vmem>> -> memref<1x128x32xf32, #tpu.memory_space<vmem>>
      %dma_start3A_1014 = tpu.memref_squeeze %dma_start3A_1013 : memref<1x128x32xf32, #tpu.memory_space<vmem>> -> memref<128x32xf32, #tpu.memory_space<vmem>>
      %dma_start3A_1015 = arith.constant 0 : i32
      %dma_start3A_1016 = tpu.memref_slice %arg7[%dma_start3A_1009, %dma_start3A_1015] : memref<2x640xi32, #tpu.memory_space<vmem>> -> memref<1x128xi32, #tpu.memory_space<vmem>>
      %dma_start3A_1017 = tpu.memref_squeeze %dma_start3A_1016 : memref<1x128xi32, #tpu.memory_space<vmem>> -> memref<128xi32, #tpu.memory_space<vmem>>
      %dma_start3A_1018 = arith.constant 0 : i32
      %dma_start3A_1019 = arith.constant 0 : i32
      %dma_start3A_1020 = tpu.memref_slice %arg2[%dma_start3A_1018, %dma_start3A_1019] : memref<12800x32xf32, #tpu.memory_space<hbm>> -> memref<12800x32xf32, #tpu.memory_space<hbm>>
      tpu.enqueue_indirect_dma source(%dma_start3A_1020 : memref<12800x32xf32, #tpu.memory_space<hbm>>) target(%dma_start3A_1014 : memref<128x32xf32, #tpu.memory_space<vmem>>) offsets(%dma_start3A_1017 : memref<128xi32, #tpu.memory_space<vmem>>) semaphore(%arg11 : memref<!tpu.dma_semaphore, #tpu.memory_space<semaphore_mem>>)
      %dma_start3A_1021 = arith.constant 1 : i32
      %dma_start3A_1022 = arith.constant 1 : i32
      %dma_start3A_1023 = arith.constant 0 : i32
      %dma_start3A_1024 = arith.constant 0 : i32
      %dma_start3A_1025 = tpu.memref_slice %arg10[%dma_start3A_1022, %dma_start3A_1023, %dma_start3A_1024] : memref<2x640x32xf32, #tpu.memory_space<vmem>> -> memref<1x128x32xf32, #tpu.memory_space<vmem>>
      %dma_start3A_1026 = tpu.memref_squeeze %dma_start3A_1025 : memref<1x128x32xf32, #tpu.memory_space<vmem>> -> memref<128x32xf32, #tpu.memory_space<vmem>>
      %dma_start3A_1027 = arith.constant 0 : i32
      %dma_start3A_1028 = tpu.memref_slice %arg8[%dma_start3A_1021, %dma_start3A_1027] : memref<2x640xi32, #tpu.memory_space<vmem>> -> memref<1x128xi32, #tpu.memory_space<vmem>>
      %dma_start3A_1029 = tpu.memref_squeeze %dma_start3A_1028 : memref<1x128xi32, #tpu.memory_space<vmem>> -> memref<128xi32, #tpu.memory_space<vmem>>
      %dma_start3A_1030 = arith.constant 0 : i32
      %dma_start3A_1031 = arith.constant 0 : i32
      %dma_start3A_1032 = tpu.memref_slice %arg4[%dma_start3A_1030, %dma_start3A_1031] : memref<51200x32xf32, #tpu.memory_space<hbm>> -> memref<51200x32xf32, #tpu.memory_space<hbm>>
      tpu.enqueue_indirect_dma source(%dma_start3A_1032 : memref<51200x32xf32, #tpu.memory_space<hbm>>) target(%dma_start3A_1026 : memref<128x32xf32, #tpu.memory_space<vmem>>) offsets(%dma_start3A_1029 : memref<128xi32, #tpu.memory_space<vmem>>) semaphore(%arg12 : memref<!tpu.dma_semaphore, #tpu.memory_space<semaphore_mem>>)
      %dma_start3A_1033 = arith.constant 1 : i32
      %dma_start3A_1034 = arith.constant 1 : i32
      %dma_start3A_1035 = arith.constant 128 : i32
      %dma_start3A_1036 = arith.constant 0 : i32
      %dma_start3A_1037 = tpu.memref_slice %arg9[%dma_start3A_1034, %dma_start3A_1035, %dma_start3A_1036] : memref<2x640x32xf32, #tpu.memory_space<vmem>> -> memref<1x128x32xf32, #tpu.memory_space<vmem>>
      %dma_start3A_1038 = tpu.memref_squeeze %dma_start3A_1037 : memref<1x128x32xf32, #tpu.memory_space<vmem>> -> memref<128x32xf32, #tpu.memory_space<vmem>>
      %dma_start3A_1039 = arith.constant 128 : i32
      %dma_start3A_1040 = tpu.memref_slice %arg7[%dma_start3A_1033, %dma_start3A_1039] : memref<2x640xi32, #tpu.memory_space<vmem>> -> memref<1x128xi32, #tpu.memory_space<vmem>>
      %dma_start3A_1041 = tpu.memref_squeeze %dma_start3A_1040 : memref<1x128xi32, #tpu.memory_space<vmem>> -> memref<128xi32, #tpu.memory_space<vmem>>
      %dma_start3A_1042 = arith.constant 0 : i32
      %dma_start3A_1043 = arith.constant 0 : i32
      %dma_start3A_1044 = tpu.memref_slice %arg2[%dma_start3A_1042, %dma_start3A_1043] : memref<12800x32xf32, #tpu.memory_space<hbm>> -> memref<12800x32xf32, #tpu.memory_space<hbm>>
      tpu.enqueue_indirect_dma source(%dma_start3A_1044 : memref<12800x32xf32, #tpu.memory_space<hbm>>) target(%dma_start3A_1038 : memref<128x32xf32, #tpu.memory_space<vmem>>) offsets(%dma_start3A_1041 : memref<128xi32, #tpu.memory_space<vmem>>) semaphore(%arg11 : memref<!tpu.dma_semaphore, #tpu.memory_space<semaphore_mem>>)
      %dma_start3A_1045 = arith.constant 1 : i32
      %dma_start3A_1046 = arith.constant 1 : i32
      %dma_start3A_1047 = arith.constant 128 : i32
      %dma_start3A_1048 = arith.constant 0 : i32
      %dma_start3A_1049 = tpu.memref_slice %arg10[%dma_start3A_1046, %dma_start3A_1047, %dma_start3A_1048] : memref<2x640x32xf32, #tpu.memory_space<vmem>> -> memref<1x128x32xf32, #tpu.memory_space<vmem>>
      %dma_start3A_1050 = tpu.memref_squeeze %dma_start3A_1049 : memref<1x128x32xf32, #tpu.memory_space<vmem>> -> memref<128x32xf32, #tpu.memory_space<vmem>>
      %dma_start3A_1051 = arith.constant 128 : i32
      %dma_start3A_1052 = tpu.memref_slice %arg8[%dma_start3A_1045, %dma_start3A_1051] : memref<2x640xi32, #tpu.memory_space<vmem>> -> memref<1x128xi32, #tpu.memory_space<vmem>>
      %dma_start3A_1053 = tpu.memref_squeeze %dma_start3A_1052 : memref<1x128xi32, #tpu.memory_space<vmem>> -> memref<128xi32, #tpu.memory_space<vmem>>
      %dma_start3A_1054 = arith.constant 0 : i32
      %dma_start3A_1055 = arith.constant 0 : i32
      %dma_start3A_1056 = tpu.memref_slice %arg4[%dma_start3A_1054, %dma_start3A_1055] : memref<51200x32xf32, #tpu.memory_space<hbm>> -> memref<51200x32xf32, #tpu.memory_space<hbm>>
      tpu.enqueue_indirect_dma source(%dma_start3A_1056 : memref<51200x32xf32, #tpu.memory_space<hbm>>) target(%dma_start3A_1050 : memref<128x32xf32, #tpu.memory_space<vmem>>) offsets(%dma_start3A_1053 : memref<128xi32, #tpu.memory_space<vmem>>) semaphore(%arg12 : memref<!tpu.dma_semaphore, #tpu.memory_space<semaphore_mem>>)
      %dma_start3A_1057 = arith.constant 1 : i32
      %dma_start3A_1058 = arith.constant 1 : i32
      %dma_start3A_1059 = arith.constant 256 : i32
      %dma_start3A_1060 = arith.constant 0 : i32
      %dma_start3A_1061 = tpu.memref_slice %arg9[%dma_start3A_1058, %dma_start3A_1059, %dma_start3A_1060] : memref<2x640x32xf32, #tpu.memory_space<vmem>> -> memref<1x128x32xf32, #tpu.memory_space<vmem>>
      %dma_start3A_1062 = tpu.memref_squeeze %dma_start3A_1061 : memref<1x128x32xf32, #tpu.memory_space<vmem>> -> memref<128x32xf32, #tpu.memory_space<vmem>>
      %dma_start3A_1063 = arith.constant 256 : i32
      %dma_start3A_1064 = tpu.memref_slice %arg7[%dma_start3A_1057, %dma_start3A_1063] : memref<2x640xi32, #tpu.memory_space<vmem>> -> memref<1x128xi32, #tpu.memory_space<vmem>>
      %dma_start3A_1065 = tpu.memref_squeeze %dma_start3A_1064 : memref<1x128xi32, #tpu.memory_space<vmem>> -> memref<128xi32, #tpu.memory_space<vmem>>
      %dma_start3A_1066 = arith.constant 0 : i32
      %dma_start3A_1067 = arith.constant 0 : i32
      %dma_start3A_1068 = tpu.memref_slice %arg2[%dma_start3A_1066, %dma_start3A_1067] : memref<12800x32xf32, #tpu.memory_space<hbm>> -> memref<12800x32xf32, #tpu.memory_space<hbm>>
      tpu.enqueue_indirect_dma source(%dma_start3A_1068 : memref<12800x32xf32, #tpu.memory_space<hbm>>) target(%dma_start3A_1062 : memref<128x32xf32, #tpu.memory_space<vmem>>) offsets(%dma_start3A_1065 : memref<128xi32, #tpu.memory_space<vmem>>) semaphore(%arg11 : memref<!tpu.dma_semaphore, #tpu.memory_space<semaphore_mem>>)
      %dma_start3A_1069 = arith.constant 1 : i32
      %dma_start3A_1070 = arith.constant 1 : i32
      %dma_start3A_1071 = arith.constant 256 : i32
      %dma_start3A_1072 = arith.constant 0 : i32
      %dma_start3A_1073 = tpu.memref_slice %arg10[%dma_start3A_1070, %dma_start3A_1071, %dma_start3A_1072] : memref<2x640x32xf32, #tpu.memory_space<vmem>> -> memref<1x128x32xf32, #tpu.memory_space<vmem>>
      %dma_start3A_1074 = tpu.memref_squeeze %dma_start3A_1073 : memref<1x128x32xf32, #tpu.memory_space<vmem>> -> memref<128x32xf32, #tpu.memory_space<vmem>>
      %dma_start3A_1075 = arith.constant 256 : i32
      %dma_start3A_1076 = tpu.memref_slice %arg8[%dma_start3A_1069, %dma_start3A_1075] : memref<2x640xi32, #tpu.memory_space<vmem>> -> memref<1x128xi32, #tpu.memory_space<vmem>>
      %dma_start3A_1077 = tpu.memref_squeeze %dma_start3A_1076 : memref<1x128xi32, #tpu.memory_space<vmem>> -> memref<128xi32, #tpu.memory_space<vmem>>
      %dma_start3A_1078 = arith.constant 0 : i32
      %dma_start3A_1079 = arith.constant 0 : i32
      %dma_start3A_1080 = tpu.memref_slice %arg4[%dma_start3A_1078, %dma_start3A_1079] : memref<51200x32xf32, #tpu.memory_space<hbm>> -> memref<51200x32xf32, #tpu.memory_space<hbm>>
      tpu.enqueue_indirect_dma source(%dma_start3A_1080 : memref<51200x32xf32, #tpu.memory_space<hbm>>) target(%dma_start3A_1074 : memref<128x32xf32, #tpu.memory_space<vmem>>) offsets(%dma_start3A_1077 : memref<128xi32, #tpu.memory_space<vmem>>) semaphore(%arg12 : memref<!tpu.dma_semaphore, #tpu.memory_space<semaphore_mem>>)
      %dma_start3A_1081 = arith.constant 1 : i32
      %dma_start3A_1082 = arith.constant 1 : i32
      %dma_start3A_1083 = arith.constant 384 : i32
      %dma_start3A_1084 = arith.constant 0 : i32
      %dma_start3A_1085 = tpu.memref_slice %arg9[%dma_start3A_1082, %dma_start3A_1083, %dma_start3A_1084] : memref<2x640x32xf32, #tpu.memory_space<vmem>> -> memref<1x128x32xf32, #tpu.memory_space<vmem>>
      %dma_start3A_1086 = tpu.memref_squeeze %dma_start3A_1085 : memref<1x128x32xf32, #tpu.memory_space<vmem>> -> memref<128x32xf32, #tpu.memory_space<vmem>>
      %dma_start3A_1087 = arith.constant 384 : i32
      %dma_start3A_1088 = tpu.memref_slice %arg7[%dma_start3A_1081, %dma_start3A_1087] : memref<2x640xi32, #tpu.memory_space<vmem>> -> memref<1x128xi32, #tpu.memory_space<vmem>>
      %dma_start3A_1089 = tpu.memref_squeeze %dma_start3A_1088 : memref<1x128xi32, #tpu.memory_space<vmem>> -> memref<128xi32, #tpu.memory_space<vmem>>
      %dma_start3A_1090 = arith.constant 0 : i32
      %dma_start3A_1091 = arith.constant 0 : i32
      %dma_start3A_1092 = tpu.memref_slice %arg2[%dma_start3A_1090, %dma_start3A_1091] : memref<12800x32xf32, #tpu.memory_space<hbm>> -> memref<12800x32xf32, #tpu.memory_space<hbm>>
      tpu.enqueue_indirect_dma source(%dma_start3A_1092 : memref<12800x32xf32, #tpu.memory_space<hbm>>) target(%dma_start3A_1086 : memref<128x32xf32, #tpu.memory_space<vmem>>) offsets(%dma_start3A_1089 : memref<128xi32, #tpu.memory_space<vmem>>) semaphore(%arg11 : memref<!tpu.dma_semaphore, #tpu.memory_space<semaphore_mem>>)
      %dma_start3A_1093 = arith.constant 1 : i32
      %dma_start3A_1094 = arith.constant 1 : i32
      %dma_start3A_1095 = arith.constant 384 : i32
      %dma_start3A_1096 = arith.constant 0 : i32
      %dma_start3A_1097 = tpu.memref_slice %arg10[%dma_start3A_1094, %dma_start3A_1095, %dma_start3A_1096] : memref<2x640x32xf32, #tpu.memory_space<vmem>> -> memref<1x128x32xf32, #tpu.memory_space<vmem>>
      %dma_start3A_1098 = tpu.memref_squeeze %dma_start3A_1097 : memref<1x128x32xf32, #tpu.memory_space<vmem>> -> memref<128x32xf32, #tpu.memory_space<vmem>>
      %dma_start3A_1099 = arith.constant 384 : i32
      %dma_start3A_1100 = tpu.memref_slice %arg8[%dma_start3A_1093, %dma_start3A_1099] : memref<2x640xi32, #tpu.memory_space<vmem>> -> memref<1x128xi32, #tpu.memory_space<vmem>>
      %dma_start3A_1101 = tpu.memref_squeeze %dma_start3A_1100 : memref<1x128xi32, #tpu.memory_space<vmem>> -> memref<128xi32, #tpu.memory_space<vmem>>
      %dma_start3A_1102 = arith.constant 0 : i32
      %dma_start3A_1103 = arith.constant 0 : i32
      %dma_start3A_1104 = tpu.memref_slice %arg4[%dma_start3A_1102, %dma_start3A_1103] : memref<51200x32xf32, #tpu.memory_space<hbm>> -> memref<51200x32xf32, #tpu.memory_space<hbm>>
      tpu.enqueue_indirect_dma source(%dma_start3A_1104 : memref<51200x32xf32, #tpu.memory_space<hbm>>) target(%dma_start3A_1098 : memref<128x32xf32, #tpu.memory_space<vmem>>) offsets(%dma_start3A_1101 : memref<128xi32, #tpu.memory_space<vmem>>) semaphore(%arg12 : memref<!tpu.dma_semaphore, #tpu.memory_space<semaphore_mem>>)
      %dma_start3A_1105 = arith.constant 1 : i32
      %dma_start3A_1106 = arith.constant 1 : i32
      %dma_start3A_1107 = arith.constant 512 : i32
      %dma_start3A_1108 = arith.constant 0 : i32
      %dma_start3A_1109 = tpu.memref_slice %arg9[%dma_start3A_1106, %dma_start3A_1107, %dma_start3A_1108] : memref<2x640x32xf32, #tpu.memory_space<vmem>> -> memref<1x128x32xf32, #tpu.memory_space<vmem>>
      %dma_start3A_1110 = tpu.memref_squeeze %dma_start3A_1109 : memref<1x128x32xf32, #tpu.memory_space<vmem>> -> memref<128x32xf32, #tpu.memory_space<vmem>>
      %dma_start3A_1111 = arith.constant 512 : i32
      %dma_start3A_1112 = tpu.memref_slice %arg7[%dma_start3A_1105, %dma_start3A_1111] : memref<2x640xi32, #tpu.memory_space<vmem>> -> memref<1x128xi32, #tpu.memory_space<vmem>>
      %dma_start3A_1113 = tpu.memref_squeeze %dma_start3A_1112 : memref<1x128xi32, #tpu.memory_space<vmem>> -> memref<128xi32, #tpu.memory_space<vmem>>
      %dma_start3A_1114 = arith.constant 0 : i32
      %dma_start3A_1115 = arith.constant 0 : i32
      %dma_start3A_1116 = tpu.memref_slice %arg2[%dma_start3A_1114, %dma_start3A_1115] : memref<12800x32xf32, #tpu.memory_space<hbm>> -> memref<12800x32xf32, #tpu.memory_space<hbm>>
      tpu.enqueue_indirect_dma source(%dma_start3A_1116 : memref<12800x32xf32, #tpu.memory_space<hbm>>) target(%dma_start3A_1110 : memref<128x32xf32, #tpu.memory_space<vmem>>) offsets(%dma_start3A_1113 : memref<128xi32, #tpu.memory_space<vmem>>) semaphore(%arg11 : memref<!tpu.dma_semaphore, #tpu.memory_space<semaphore_mem>>)
      %dma_start3A_1117 = arith.constant 1 : i32
      %dma_start3A_1118 = arith.constant 1 : i32
      %dma_start3A_1119 = arith.constant 512 : i32
      %dma_start3A_1120 = arith.constant 0 : i32
      %dma_start3A_1121 = tpu.memref_slice %arg10[%dma_start3A_1118, %dma_start3A_1119, %dma_start3A_1120] : memref<2x640x32xf32, #tpu.memory_space<vmem>> -> memref<1x128x32xf32, #tpu.memory_space<vmem>>
      %dma_start3A_1122 = tpu.memref_squeeze %dma_start3A_1121 : memref<1x128x32xf32, #tpu.memory_space<vmem>> -> memref<128x32xf32, #tpu.memory_space<vmem>>
      %dma_start3A_1123 = arith.constant 512 : i32
      %dma_start3A_1124 = tpu.memref_slice %arg8[%dma_start3A_1117, %dma_start3A_1123] : memref<2x640xi32, #tpu.memory_space<vmem>> -> memref<1x128xi32, #tpu.memory_space<vmem>>
      %dma_start3A_1125 = tpu.memref_squeeze %dma_start3A_1124 : memref<1x128xi32, #tpu.memory_space<vmem>> -> memref<128xi32, #tpu.memory_space<vmem>>
      %dma_start3A_1126 = arith.constant 0 : i32
      %dma_start3A_1127 = arith.constant 0 : i32
      %dma_start3A_1128 = tpu.memref_slice %arg4[%dma_start3A_1126, %dma_start3A_1127] : memref<51200x32xf32, #tpu.memory_space<hbm>> -> memref<51200x32xf32, #tpu.memory_space<hbm>>
      tpu.enqueue_indirect_dma source(%dma_start3A_1128 : memref<51200x32xf32, #tpu.memory_space<hbm>>) target(%dma_start3A_1122 : memref<128x32xf32, #tpu.memory_space<vmem>>) offsets(%dma_start3A_1125 : memref<128xi32, #tpu.memory_space<vmem>>) semaphore(%arg12 : memref<!tpu.dma_semaphore, #tpu.memory_space<semaphore_mem>>)
    }
    %scan3A_253 = arith.constant 9 : i32
    %dma_wait3A = arith.constant 0 : i32
    %dma_wait3A_254 = arith.constant 0 : i32
    %dma_wait3A_255 = arith.constant 0 : i32
    %dma_wait3A_256 = arith.constant 0 : i32
    %dma_wait3A_257 = tpu.memref_slice %arg9[%dma_wait3A_254, %dma_wait3A_255, %dma_wait3A_256] : memref<2x640x32xf32, #tpu.memory_space<vmem>> -> memref<1x128x32xf32, #tpu.memory_space<vmem>>
    %dma_wait3A_258 = tpu.memref_squeeze %dma_wait3A_257 : memref<1x128x32xf32, #tpu.memory_space<vmem>> -> memref<128x32xf32, #tpu.memory_space<vmem>>
    %dma_wait3A_259 = arith.constant 0 : i32
    %dma_wait3A_260 = tpu.memref_slice %arg7[%dma_wait3A, %dma_wait3A_259] : memref<2x640xi32, #tpu.memory_space<vmem>> -> memref<1x128xi32, #tpu.memory_space<vmem>>
    %dma_wait3A_261 = tpu.memref_squeeze %dma_wait3A_260 : memref<1x128xi32, #tpu.memory_space<vmem>> -> memref<128xi32, #tpu.memory_space<vmem>>
    %dma_wait3A_262 = arith.constant 0 : i32
    %dma_wait3A_263 = arith.constant 0 : i32
    %dma_wait3A_264 = tpu.memref_slice %arg2[%dma_wait3A_262, %dma_wait3A_263] : memref<12800x32xf32, #tpu.memory_space<hbm>> -> memref<12800x32xf32, #tpu.memory_space<hbm>>
    tpu.wait_indirect_dma semaphore(%arg11 : memref<!tpu.dma_semaphore, #tpu.memory_space<semaphore_mem>>) src(%dma_wait3A_264 : memref<12800x32xf32, #tpu.memory_space<hbm>>) dst(%dma_wait3A_258 : memref<128x32xf32, #tpu.memory_space<vmem>>)
    %dma_wait3A_265 = arith.constant 0 : i32
    %dma_wait3A_266 = arith.constant 0 : i32
    %dma_wait3A_267 = arith.constant 0 : i32
    %dma_wait3A_268 = arith.constant 0 : i32
    %dma_wait3A_269 = tpu.memref_slice %arg10[%dma_wait3A_266, %dma_wait3A_267, %dma_wait3A_268] : memref<2x640x32xf32, #tpu.memory_space<vmem>> -> memref<1x128x32xf32, #tpu.memory_space<vmem>>
    %dma_wait3A_270 = tpu.memref_squeeze %dma_wait3A_269 : memref<1x128x32xf32, #tpu.memory_space<vmem>> -> memref<128x32xf32, #tpu.memory_space<vmem>>
    %dma_wait3A_271 = arith.constant 0 : i32
    %dma_wait3A_272 = tpu.memref_slice %arg8[%dma_wait3A_265, %dma_wait3A_271] : memref<2x640xi32, #tpu.memory_space<vmem>> -> memref<1x128xi32, #tpu.memory_space<vmem>>
    %dma_wait3A_273 = tpu.memref_squeeze %dma_wait3A_272 : memref<1x128xi32, #tpu.memory_space<vmem>> -> memref<128xi32, #tpu.memory_space<vmem>>
    %dma_wait3A_274 = arith.constant 0 : i32
    %dma_wait3A_275 = arith.constant 0 : i32
    %dma_wait3A_276 = tpu.memref_slice %arg4[%dma_wait3A_274, %dma_wait3A_275] : memref<51200x32xf32, #tpu.memory_space<hbm>> -> memref<51200x32xf32, #tpu.memory_space<hbm>>
    tpu.wait_indirect_dma semaphore(%arg12 : memref<!tpu.dma_semaphore, #tpu.memory_space<semaphore_mem>>) src(%dma_wait3A_276 : memref<51200x32xf32, #tpu.memory_space<hbm>>) dst(%dma_wait3A_270 : memref<128x32xf32, #tpu.memory_space<vmem>>)
    %dma_wait3A_277 = arith.constant 0 : i32
    %dma_wait3A_278 = arith.constant 0 : i32
    %dma_wait3A_279 = arith.constant 128 : i32
    %dma_wait3A_280 = arith.constant 0 : i32
    %dma_wait3A_281 = tpu.memref_slice %arg9[%dma_wait3A_278, %dma_wait3A_279, %dma_wait3A_280] : memref<2x640x32xf32, #tpu.memory_space<vmem>> -> memref<1x128x32xf32, #tpu.memory_space<vmem>>
    %dma_wait3A_282 = tpu.memref_squeeze %dma_wait3A_281 : memref<1x128x32xf32, #tpu.memory_space<vmem>> -> memref<128x32xf32, #tpu.memory_space<vmem>>
    %dma_wait3A_283 = arith.constant 128 : i32
    %dma_wait3A_284 = tpu.memref_slice %arg7[%dma_wait3A_277, %dma_wait3A_283] : memref<2x640xi32, #tpu.memory_space<vmem>> -> memref<1x128xi32, #tpu.memory_space<vmem>>
    %dma_wait3A_285 = tpu.memref_squeeze %dma_wait3A_284 : memref<1x128xi32, #tpu.memory_space<vmem>> -> memref<128xi32, #tpu.memory_space<vmem>>
    %dma_wait3A_286 = arith.constant 0 : i32
    %dma_wait3A_287 = arith.constant 0 : i32
    %dma_wait3A_288 = tpu.memref_slice %arg2[%dma_wait3A_286, %dma_wait3A_287] : memref<12800x32xf32, #tpu.memory_space<hbm>> -> memref<12800x32xf32, #tpu.memory_space<hbm>>
    tpu.wait_indirect_dma semaphore(%arg11 : memref<!tpu.dma_semaphore, #tpu.memory_space<semaphore_mem>>) src(%dma_wait3A_288 : memref<12800x32xf32, #tpu.memory_space<hbm>>) dst(%dma_wait3A_282 : memref<128x32xf32, #tpu.memory_space<vmem>>)
    %dma_wait3A_289 = arith.constant 0 : i32
    %dma_wait3A_290 = arith.constant 0 : i32
    %dma_wait3A_291 = arith.constant 128 : i32
    %dma_wait3A_292 = arith.constant 0 : i32
    %dma_wait3A_293 = tpu.memref_slice %arg10[%dma_wait3A_290, %dma_wait3A_291, %dma_wait3A_292] : memref<2x640x32xf32, #tpu.memory_space<vmem>> -> memref<1x128x32xf32, #tpu.memory_space<vmem>>
    %dma_wait3A_294 = tpu.memref_squeeze %dma_wait3A_293 : memref<1x128x32xf32, #tpu.memory_space<vmem>> -> memref<128x32xf32, #tpu.memory_space<vmem>>
    %dma_wait3A_295 = arith.constant 128 : i32
    %dma_wait3A_296 = tpu.memref_slice %arg8[%dma_wait3A_289, %dma_wait3A_295] : memref<2x640xi32, #tpu.memory_space<vmem>> -> memref<1x128xi32, #tpu.memory_space<vmem>>
    %dma_wait3A_297 = tpu.memref_squeeze %dma_wait3A_296 : memref<1x128xi32, #tpu.memory_space<vmem>> -> memref<128xi32, #tpu.memory_space<vmem>>
    %dma_wait3A_298 = arith.constant 0 : i32
    %dma_wait3A_299 = arith.constant 0 : i32
    %dma_wait3A_300 = tpu.memref_slice %arg4[%dma_wait3A_298, %dma_wait3A_299] : memref<51200x32xf32, #tpu.memory_space<hbm>> -> memref<51200x32xf32, #tpu.memory_space<hbm>>
    tpu.wait_indirect_dma semaphore(%arg12 : memref<!tpu.dma_semaphore, #tpu.memory_space<semaphore_mem>>) src(%dma_wait3A_300 : memref<51200x32xf32, #tpu.memory_space<hbm>>) dst(%dma_wait3A_294 : memref<128x32xf32, #tpu.memory_space<vmem>>)
    %dma_wait3A_301 = arith.constant 0 : i32
    %dma_wait3A_302 = arith.constant 0 : i32
    %dma_wait3A_303 = arith.constant 256 : i32
    %dma_wait3A_304 = arith.constant 0 : i32
    %dma_wait3A_305 = tpu.memref_slice %arg9[%dma_wait3A_302, %dma_wait3A_303, %dma_wait3A_304] : memref<2x640x32xf32, #tpu.memory_space<vmem>> -> memref<1x128x32xf32, #tpu.memory_space<vmem>>
    %dma_wait3A_306 = tpu.memref_squeeze %dma_wait3A_305 : memref<1x128x32xf32, #tpu.memory_space<vmem>> -> memref<128x32xf32, #tpu.memory_space<vmem>>
    %dma_wait3A_307 = arith.constant 256 : i32
    %dma_wait3A_308 = tpu.memref_slice %arg7[%dma_wait3A_301, %dma_wait3A_307] : memref<2x640xi32, #tpu.memory_space<vmem>> -> memref<1x128xi32, #tpu.memory_space<vmem>>
    %dma_wait3A_309 = tpu.memref_squeeze %dma_wait3A_308 : memref<1x128xi32, #tpu.memory_space<vmem>> -> memref<128xi32, #tpu.memory_space<vmem>>
    %dma_wait3A_310 = arith.constant 0 : i32
    %dma_wait3A_311 = arith.constant 0 : i32
    %dma_wait3A_312 = tpu.memref_slice %arg2[%dma_wait3A_310, %dma_wait3A_311] : memref<12800x32xf32, #tpu.memory_space<hbm>> -> memref<12800x32xf32, #tpu.memory_space<hbm>>
    tpu.wait_indirect_dma semaphore(%arg11 : memref<!tpu.dma_semaphore, #tpu.memory_space<semaphore_mem>>) src(%dma_wait3A_312 : memref<12800x32xf32, #tpu.memory_space<hbm>>) dst(%dma_wait3A_306 : memref<128x32xf32, #tpu.memory_space<vmem>>)
    %dma_wait3A_313 = arith.constant 0 : i32
    %dma_wait3A_314 = arith.constant 0 : i32
    %dma_wait3A_315 = arith.constant 256 : i32
    %dma_wait3A_316 = arith.constant 0 : i32
    %dma_wait3A_317 = tpu.memref_slice %arg10[%dma_wait3A_314, %dma_wait3A_315, %dma_wait3A_316] : memref<2x640x32xf32, #tpu.memory_space<vmem>> -> memref<1x128x32xf32, #tpu.memory_space<vmem>>
    %dma_wait3A_318 = tpu.memref_squeeze %dma_wait3A_317 : memref<1x128x32xf32, #tpu.memory_space<vmem>> -> memref<128x32xf32, #tpu.memory_space<vmem>>
    %dma_wait3A_319 = arith.constant 256 : i32
    %dma_wait3A_320 = tpu.memref_slice %arg8[%dma_wait3A_313, %dma_wait3A_319] : memref<2x640xi32, #tpu.memory_space<vmem>> -> memref<1x128xi32, #tpu.memory_space<vmem>>
    %dma_wait3A_321 = tpu.memref_squeeze %dma_wait3A_320 : memref<1x128xi32, #tpu.memory_space<vmem>> -> memref<128xi32, #tpu.memory_space<vmem>>
    %dma_wait3A_322 = arith.constant 0 : i32
    %dma_wait3A_323 = arith.constant 0 : i32
    %dma_wait3A_324 = tpu.memref_slice %arg4[%dma_wait3A_322, %dma_wait3A_323] : memref<51200x32xf32, #tpu.memory_space<hbm>> -> memref<51200x32xf32, #tpu.memory_space<hbm>>
    tpu.wait_indirect_dma semaphore(%arg12 : memref<!tpu.dma_semaphore, #tpu.memory_space<semaphore_mem>>) src(%dma_wait3A_324 : memref<51200x32xf32, #tpu.memory_space<hbm>>) dst(%dma_wait3A_318 : memref<128x32xf32, #tpu.memory_space<vmem>>)
    %dma_wait3A_325 = arith.constant 0 : i32
    %dma_wait3A_326 = arith.constant 0 : i32
    %dma_wait3A_327 = arith.constant 384 : i32
    %dma_wait3A_328 = arith.constant 0 : i32
    %dma_wait3A_329 = tpu.memref_slice %arg9[%dma_wait3A_326, %dma_wait3A_327, %dma_wait3A_328] : memref<2x640x32xf32, #tpu.memory_space<vmem>> -> memref<1x128x32xf32, #tpu.memory_space<vmem>>
    %dma_wait3A_330 = tpu.memref_squeeze %dma_wait3A_329 : memref<1x128x32xf32, #tpu.memory_space<vmem>> -> memref<128x32xf32, #tpu.memory_space<vmem>>
    %dma_wait3A_331 = arith.constant 384 : i32
    %dma_wait3A_332 = tpu.memref_slice %arg7[%dma_wait3A_325, %dma_wait3A_331] : memref<2x640xi32, #tpu.memory_space<vmem>> -> memref<1x128xi32, #tpu.memory_space<vmem>>
    %dma_wait3A_333 = tpu.memref_squeeze %dma_wait3A_332 : memref<1x128xi32, #tpu.memory_space<vmem>> -> memref<128xi32, #tpu.memory_space<vmem>>
    %dma_wait3A_334 = arith.constant 0 : i32
    %dma_wait3A_335 = arith.constant 0 : i32
    %dma_wait3A_336 = tpu.memref_slice %arg2[%dma_wait3A_334, %dma_wait3A_335] : memref<12800x32xf32, #tpu.memory_space<hbm>> -> memref<12800x32xf32, #tpu.memory_space<hbm>>
    tpu.wait_indirect_dma semaphore(%arg11 : memref<!tpu.dma_semaphore, #tpu.memory_space<semaphore_mem>>) src(%dma_wait3A_336 : memref<12800x32xf32, #tpu.memory_space<hbm>>) dst(%dma_wait3A_330 : memref<128x32xf32, #tpu.memory_space<vmem>>)
    %dma_wait3A_337 = arith.constant 0 : i32
    %dma_wait3A_338 = arith.constant 0 : i32
    %dma_wait3A_339 = arith.constant 384 : i32
    %dma_wait3A_340 = arith.constant 0 : i32
    %dma_wait3A_341 = tpu.memref_slice %arg10[%dma_wait3A_338, %dma_wait3A_339, %dma_wait3A_340] : memref<2x640x32xf32, #tpu.memory_space<vmem>> -> memref<1x128x32xf32, #tpu.memory_space<vmem>>
    %dma_wait3A_342 = tpu.memref_squeeze %dma_wait3A_341 : memref<1x128x32xf32, #tpu.memory_space<vmem>> -> memref<128x32xf32, #tpu.memory_space<vmem>>
    %dma_wait3A_343 = arith.constant 384 : i32
    %dma_wait3A_344 = tpu.memref_slice %arg8[%dma_wait3A_337, %dma_wait3A_343] : memref<2x640xi32, #tpu.memory_space<vmem>> -> memref<1x128xi32, #tpu.memory_space<vmem>>
    %dma_wait3A_345 = tpu.memref_squeeze %dma_wait3A_344 : memref<1x128xi32, #tpu.memory_space<vmem>> -> memref<128xi32, #tpu.memory_space<vmem>>
    %dma_wait3A_346 = arith.constant 0 : i32
    %dma_wait3A_347 = arith.constant 0 : i32
    %dma_wait3A_348 = tpu.memref_slice %arg4[%dma_wait3A_346, %dma_wait3A_347] : memref<51200x32xf32, #tpu.memory_space<hbm>> -> memref<51200x32xf32, #tpu.memory_space<hbm>>
    tpu.wait_indirect_dma semaphore(%arg12 : memref<!tpu.dma_semaphore, #tpu.memory_space<semaphore_mem>>) src(%dma_wait3A_348 : memref<51200x32xf32, #tpu.memory_space<hbm>>) dst(%dma_wait3A_342 : memref<128x32xf32, #tpu.memory_space<vmem>>)
    %dma_wait3A_349 = arith.constant 0 : i32
    %dma_wait3A_350 = arith.constant 0 : i32
    %dma_wait3A_351 = arith.constant 512 : i32
    %dma_wait3A_352 = arith.constant 0 : i32
    %dma_wait3A_353 = tpu.memref_slice %arg9[%dma_wait3A_350, %dma_wait3A_351, %dma_wait3A_352] : memref<2x640x32xf32, #tpu.memory_space<vmem>> -> memref<1x128x32xf32, #tpu.memory_space<vmem>>
    %dma_wait3A_354 = tpu.memref_squeeze %dma_wait3A_353 : memref<1x128x32xf32, #tpu.memory_space<vmem>> -> memref<128x32xf32, #tpu.memory_space<vmem>>
    %dma_wait3A_355 = arith.constant 512 : i32
    %dma_wait3A_356 = tpu.memref_slice %arg7[%dma_wait3A_349, %dma_wait3A_355] : memref<2x640xi32, #tpu.memory_space<vmem>> -> memref<1x128xi32, #tpu.memory_space<vmem>>
    %dma_wait3A_357 = tpu.memref_squeeze %dma_wait3A_356 : memref<1x128xi32, #tpu.memory_space<vmem>> -> memref<128xi32, #tpu.memory_space<vmem>>
    %dma_wait3A_358 = arith.constant 0 : i32
    %dma_wait3A_359 = arith.constant 0 : i32
    %dma_wait3A_360 = tpu.memref_slice %arg2[%dma_wait3A_358, %dma_wait3A_359] : memref<12800x32xf32, #tpu.memory_space<hbm>> -> memref<12800x32xf32, #tpu.memory_space<hbm>>
    tpu.wait_indirect_dma semaphore(%arg11 : memref<!tpu.dma_semaphore, #tpu.memory_space<semaphore_mem>>) src(%dma_wait3A_360 : memref<12800x32xf32, #tpu.memory_space<hbm>>) dst(%dma_wait3A_354 : memref<128x32xf32, #tpu.memory_space<vmem>>)
    %dma_wait3A_361 = arith.constant 0 : i32
    %dma_wait3A_362 = arith.constant 0 : i32
    %dma_wait3A_363 = arith.constant 512 : i32
    %dma_wait3A_364 = arith.constant 0 : i32
    %dma_wait3A_365 = tpu.memref_slice %arg10[%dma_wait3A_362, %dma_wait3A_363, %dma_wait3A_364] : memref<2x640x32xf32, #tpu.memory_space<vmem>> -> memref<1x128x32xf32, #tpu.memory_space<vmem>>
    %dma_wait3A_366 = tpu.memref_squeeze %dma_wait3A_365 : memref<1x128x32xf32, #tpu.memory_space<vmem>> -> memref<128x32xf32, #tpu.memory_space<vmem>>
    %dma_wait3A_367 = arith.constant 512 : i32
    %dma_wait3A_368 = tpu.memref_slice %arg8[%dma_wait3A_361, %dma_wait3A_367] : memref<2x640xi32, #tpu.memory_space<vmem>> -> memref<1x128xi32, #tpu.memory_space<vmem>>
    %dma_wait3A_369 = tpu.memref_squeeze %dma_wait3A_368 : memref<1x128xi32, #tpu.memory_space<vmem>> -> memref<128xi32, #tpu.memory_space<vmem>>
    %dma_wait3A_370 = arith.constant 0 : i32
    %dma_wait3A_371 = arith.constant 0 : i32
    %dma_wait3A_372 = tpu.memref_slice %arg4[%dma_wait3A_370, %dma_wait3A_371] : memref<51200x32xf32, #tpu.memory_space<hbm>> -> memref<51200x32xf32, #tpu.memory_space<hbm>>
    tpu.wait_indirect_dma semaphore(%arg12 : memref<!tpu.dma_semaphore, #tpu.memory_space<semaphore_mem>>) src(%dma_wait3A_372 : memref<51200x32xf32, #tpu.memory_space<hbm>>) dst(%dma_wait3A_366 : memref<128x32xf32, #tpu.memory_space<vmem>>)
    %parallel_loop3A = arith.constant 0 : i32
    %parallel_loop3A_373 = arith.constant 640 : i32
    %parallel_loop3A_374 = arith.constant 1 : i32
    scf.for %parallel_loop3A_558 = %parallel_loop3A to %parallel_loop3A_373 step %parallel_loop3A_374  : i32 {
      %parallel_loop3A_559 = arith.constant 0 : i32
      %parallel_loop3A_560 = arith.index_cast %parallel_loop3A_559 : i32 to index
      %parallel_loop3A_561 = arith.index_cast %parallel_loop3A_558 : i32 to index
      %parallel_loop3A_562 = arith.constant 0 : index
      %parallel_loop3A_563 = tpu.vector_load %arg9[%parallel_loop3A_560, %parallel_loop3A_561, %parallel_loop3A_562] {strides = array<i32>} : memref<2x640x32xf32, #tpu.memory_space<vmem>>, vector<1x1x16xf32>,
      %parallel_loop3A_564 = vector.shape_cast %parallel_loop3A_563 : vector<1x1x16xf32> to vector<16xf32>
      %parallel_loop3A_565 = arith.constant 0 : i32
      %parallel_loop3A_566 = arith.index_cast %parallel_loop3A_565 : i32 to index
      %parallel_loop3A_567 = arith.index_cast %parallel_loop3A_558 : i32 to index
      %parallel_loop3A_568 = arith.constant 0 : index
      %parallel_loop3A_569 = tpu.vector_load %arg10[%parallel_loop3A_566, %parallel_loop3A_567, %parallel_loop3A_568] {strides = array<i32>} : memref<2x640x32xf32, #tpu.memory_space<vmem>>, vector<1x1x16xf32>,
      %parallel_loop3A_570 = vector.shape_cast %parallel_loop3A_569 : vector<1x1x16xf32> to vector<16xf32>
      %parallel_loop3A_571 = arith.addf %parallel_loop3A_564, %parallel_loop3A_570 : vector<16xf32>
      %parallel_loop3A_572 = arith.constant 0 : i32
      %parallel_loop3A_573 = arith.index_cast %parallel_loop3A_572 : i32 to index
      %parallel_loop3A_574 = arith.index_cast %parallel_loop3A_558 : i32 to index
      %parallel_loop3A_575 = arith.constant 0 : index
      %parallel_loop3A_576 = tpu.vector_load %arg9[%parallel_loop3A_573, %parallel_loop3A_574, %parallel_loop3A_575] {strides = array<i32>} : memref<2x640x32xf32, #tpu.memory_space<vmem>>, vector<1x1x16xf32>,
      %parallel_loop3A_577 = vector.shape_cast %parallel_loop3A_576 : vector<1x1x16xf32> to vector<16xf32>
      %parallel_loop3A_578 = vector.shape_cast %parallel_loop3A_571 : vector<16xf32> to vector<1x1x16xf32>
      tpu.vector_store %arg9[%parallel_loop3A_573, %parallel_loop3A_574, %parallel_loop3A_575], %parallel_loop3A_578 {strides = array<i32>} : memref<2x640x32xf32, #tpu.memory_space<vmem>>, vector<1x1x16xf32>,
      %parallel_loop3A_579 = arith.constant 0 : i32
      %parallel_loop3A_580 = arith.index_cast %parallel_loop3A_579 : i32 to index
      %parallel_loop3A_581 = arith.index_cast %parallel_loop3A_558 : i32 to index
      %parallel_loop3A_582 = arith.constant 16 : index
      %parallel_loop3A_583 = tpu.vector_load %arg9[%parallel_loop3A_580, %parallel_loop3A_581, %parallel_loop3A_582] {strides = array<i32>} : memref<2x640x32xf32, #tpu.memory_space<vmem>>, vector<1x1x16xf32>,
      %parallel_loop3A_584 = vector.shape_cast %parallel_loop3A_583 : vector<1x1x16xf32> to vector<16xf32>
      %parallel_loop3A_585 = arith.constant 0 : i32
      %parallel_loop3A_586 = arith.index_cast %parallel_loop3A_585 : i32 to index
      %parallel_loop3A_587 = arith.index_cast %parallel_loop3A_558 : i32 to index
      %parallel_loop3A_588 = arith.constant 16 : index
      %parallel_loop3A_589 = tpu.vector_load %arg10[%parallel_loop3A_586, %parallel_loop3A_587, %parallel_loop3A_588] {strides = array<i32>} : memref<2x640x32xf32, #tpu.memory_space<vmem>>, vector<1x1x16xf32>,
      %parallel_loop3A_590 = vector.shape_cast %parallel_loop3A_589 : vector<1x1x16xf32> to vector<16xf32>
      %parallel_loop3A_591 = arith.addf %parallel_loop3A_584, %parallel_loop3A_590 : vector<16xf32>
      %parallel_loop3A_592 = arith.constant 0 : i32
      %parallel_loop3A_593 = arith.index_cast %parallel_loop3A_592 : i32 to index
      %parallel_loop3A_594 = arith.index_cast %parallel_loop3A_558 : i32 to index
      %parallel_loop3A_595 = arith.constant 16 : index
      %parallel_loop3A_596 = tpu.vector_load %arg9[%parallel_loop3A_593, %parallel_loop3A_594, %parallel_loop3A_595] {strides = array<i32>} : memref<2x640x32xf32, #tpu.memory_space<vmem>>, vector<1x1x16xf32>,
      %parallel_loop3A_597 = vector.shape_cast %parallel_loop3A_596 : vector<1x1x16xf32> to vector<16xf32>
      %parallel_loop3A_598 = vector.shape_cast %parallel_loop3A_591 : vector<16xf32> to vector<1x1x16xf32>
      tpu.vector_store %arg9[%parallel_loop3A_593, %parallel_loop3A_594, %parallel_loop3A_595], %parallel_loop3A_598 {strides = array<i32>} : memref<2x640x32xf32, #tpu.memory_space<vmem>>, vector<1x1x16xf32>,
    } {sc.loop_unroll_factor = 8 : i64, sc.parallel_access}
    %add3A_375 = arith.constant 11520 : i32
    %add3A_376 = arith.addi %mul3A_2, %add3A_375 : i32
    %dma_start3A_377 = arith.constant 0 : i32
    %dma_start3A_378 = arith.constant 0 : i32
    %dma_start3A_379 = arith.constant 0 : i32
    %dma_start3A_380 = tpu.memref_slice %arg9[%dma_start3A_377, %dma_start3A_378, %dma_start3A_379] : memref<2x640x32xf32, #tpu.memory_space<vmem>> -> memref<1x640x32xf32, #tpu.memory_space<vmem>>
    %dma_start3A_381 = tpu.memref_squeeze %dma_start3A_380 : memref<1x640x32xf32, #tpu.memory_space<vmem>> -> memref<640x32xf32, #tpu.memory_space<vmem>>
    %dma_start3A_382 = arith.constant 0 : i32
    %dma_start3A_383 = tpu.memref_slice %arg6[%add3A_376, %dma_start3A_382] : memref<409600x32xf32, #tpu.memory_space<hbm>> -> memref<640x32xf32, #tpu.memory_space<hbm>>
    %dma_start3A_384 = arith.constant 0 : i32
    %dma_start3A_385 = tpu.memref_slice %arg6[%add3A_376, %dma_start3A_384] : memref<409600x32xf32, #tpu.memory_space<hbm>> -> memref<640x32xf32, #tpu.memory_space<hbm>>
    %dma_start3A_386 = arith.constant 0 : i32
    %dma_start3A_387 = arith.constant 0 : i32
    %dma_start3A_388 = tpu.memref_slice %arg9[%dma_start3A_377, %dma_start3A_386, %dma_start3A_387] : memref<2x640x32xf32, #tpu.memory_space<vmem>> -> memref<1x640x32xf32, #tpu.memory_space<vmem>>
    %dma_start3A_389 = tpu.memref_squeeze %dma_start3A_388 : memref<1x640x32xf32, #tpu.memory_space<vmem>> -> memref<640x32xf32, #tpu.memory_space<vmem>>
    tpu.enqueue_dma source(%dma_start3A_389 : memref<640x32xf32, #tpu.memory_space<vmem>>) target(%dma_start3A_385 : memref<640x32xf32, #tpu.memory_space<hbm>>) target_semaphore(%arg13 : memref<!tpu.dma_semaphore, #tpu.memory_space<semaphore_mem>>)
    %dma_wait3A_390 = arith.constant 1 : i32
    %dma_wait3A_391 = arith.constant 1 : i32
    %dma_wait3A_392 = arith.constant 0 : i32
    %dma_wait3A_393 = arith.constant 0 : i32
    %dma_wait3A_394 = tpu.memref_slice %arg9[%dma_wait3A_391, %dma_wait3A_392, %dma_wait3A_393] : memref<2x640x32xf32, #tpu.memory_space<vmem>> -> memref<1x128x32xf32, #tpu.memory_space<vmem>>
    %dma_wait3A_395 = tpu.memref_squeeze %dma_wait3A_394 : memref<1x128x32xf32, #tpu.memory_space<vmem>> -> memref<128x32xf32, #tpu.memory_space<vmem>>
    %dma_wait3A_396 = arith.constant 0 : i32
    %dma_wait3A_397 = tpu.memref_slice %arg7[%dma_wait3A_390, %dma_wait3A_396] : memref<2x640xi32, #tpu.memory_space<vmem>> -> memref<1x128xi32, #tpu.memory_space<vmem>>
    %dma_wait3A_398 = tpu.memref_squeeze %dma_wait3A_397 : memref<1x128xi32, #tpu.memory_space<vmem>> -> memref<128xi32, #tpu.memory_space<vmem>>
    %dma_wait3A_399 = arith.constant 0 : i32
    %dma_wait3A_400 = arith.constant 0 : i32
    %dma_wait3A_401 = tpu.memref_slice %arg2[%dma_wait3A_399, %dma_wait3A_400] : memref<12800x32xf32, #tpu.memory_space<hbm>> -> memref<12800x32xf32, #tpu.memory_space<hbm>>
    tpu.wait_indirect_dma semaphore(%arg11 : memref<!tpu.dma_semaphore, #tpu.memory_space<semaphore_mem>>) src(%dma_wait3A_401 : memref<12800x32xf32, #tpu.memory_space<hbm>>) dst(%dma_wait3A_395 : memref<128x32xf32, #tpu.memory_space<vmem>>)
    %dma_wait3A_402 = arith.constant 1 : i32
    %dma_wait3A_403 = arith.constant 1 : i32
    %dma_wait3A_404 = arith.constant 0 : i32
    %dma_wait3A_405 = arith.constant 0 : i32
    %dma_wait3A_406 = tpu.memref_slice %arg10[%dma_wait3A_403, %dma_wait3A_404, %dma_wait3A_405] : memref<2x640x32xf32, #tpu.memory_space<vmem>> -> memref<1x128x32xf32, #tpu.memory_space<vmem>>
    %dma_wait3A_407 = tpu.memref_squeeze %dma_wait3A_406 : memref<1x128x32xf32, #tpu.memory_space<vmem>> -> memref<128x32xf32, #tpu.memory_space<vmem>>
    %dma_wait3A_408 = arith.constant 0 : i32
    %dma_wait3A_409 = tpu.memref_slice %arg8[%dma_wait3A_402, %dma_wait3A_408] : memref<2x640xi32, #tpu.memory_space<vmem>> -> memref<1x128xi32, #tpu.memory_space<vmem>>
    %dma_wait3A_410 = tpu.memref_squeeze %dma_wait3A_409 : memref<1x128xi32, #tpu.memory_space<vmem>> -> memref<128xi32, #tpu.memory_space<vmem>>
    %dma_wait3A_411 = arith.constant 0 : i32
    %dma_wait3A_412 = arith.constant 0 : i32
    %dma_wait3A_413 = tpu.memref_slice %arg4[%dma_wait3A_411, %dma_wait3A_412] : memref<51200x32xf32, #tpu.memory_space<hbm>> -> memref<51200x32xf32, #tpu.memory_space<hbm>>
    tpu.wait_indirect_dma semaphore(%arg12 : memref<!tpu.dma_semaphore, #tpu.memory_space<semaphore_mem>>) src(%dma_wait3A_413 : memref<51200x32xf32, #tpu.memory_space<hbm>>) dst(%dma_wait3A_407 : memref<128x32xf32, #tpu.memory_space<vmem>>)
    %dma_wait3A_414 = arith.constant 1 : i32
    %dma_wait3A_415 = arith.constant 1 : i32
    %dma_wait3A_416 = arith.constant 128 : i32
    %dma_wait3A_417 = arith.constant 0 : i32
    %dma_wait3A_418 = tpu.memref_slice %arg9[%dma_wait3A_415, %dma_wait3A_416, %dma_wait3A_417] : memref<2x640x32xf32, #tpu.memory_space<vmem>> -> memref<1x128x32xf32, #tpu.memory_space<vmem>>
    %dma_wait3A_419 = tpu.memref_squeeze %dma_wait3A_418 : memref<1x128x32xf32, #tpu.memory_space<vmem>> -> memref<128x32xf32, #tpu.memory_space<vmem>>
    %dma_wait3A_420 = arith.constant 128 : i32
    %dma_wait3A_421 = tpu.memref_slice %arg7[%dma_wait3A_414, %dma_wait3A_420] : memref<2x640xi32, #tpu.memory_space<vmem>> -> memref<1x128xi32, #tpu.memory_space<vmem>>
    %dma_wait3A_422 = tpu.memref_squeeze %dma_wait3A_421 : memref<1x128xi32, #tpu.memory_space<vmem>> -> memref<128xi32, #tpu.memory_space<vmem>>
    %dma_wait3A_423 = arith.constant 0 : i32
    %dma_wait3A_424 = arith.constant 0 : i32
    %dma_wait3A_425 = tpu.memref_slice %arg2[%dma_wait3A_423, %dma_wait3A_424] : memref<12800x32xf32, #tpu.memory_space<hbm>> -> memref<12800x32xf32, #tpu.memory_space<hbm>>
    tpu.wait_indirect_dma semaphore(%arg11 : memref<!tpu.dma_semaphore, #tpu.memory_space<semaphore_mem>>) src(%dma_wait3A_425 : memref<12800x32xf32, #tpu.memory_space<hbm>>) dst(%dma_wait3A_419 : memref<128x32xf32, #tpu.memory_space<vmem>>)
    %dma_wait3A_426 = arith.constant 1 : i32
    %dma_wait3A_427 = arith.constant 1 : i32
    %dma_wait3A_428 = arith.constant 128 : i32
    %dma_wait3A_429 = arith.constant 0 : i32
    %dma_wait3A_430 = tpu.memref_slice %arg10[%dma_wait3A_427, %dma_wait3A_428, %dma_wait3A_429] : memref<2x640x32xf32, #tpu.memory_space<vmem>> -> memref<1x128x32xf32, #tpu.memory_space<vmem>>
    %dma_wait3A_431 = tpu.memref_squeeze %dma_wait3A_430 : memref<1x128x32xf32, #tpu.memory_space<vmem>> -> memref<128x32xf32, #tpu.memory_space<vmem>>
    %dma_wait3A_432 = arith.constant 128 : i32
    %dma_wait3A_433 = tpu.memref_slice %arg8[%dma_wait3A_426, %dma_wait3A_432] : memref<2x640xi32, #tpu.memory_space<vmem>> -> memref<1x128xi32, #tpu.memory_space<vmem>>
    %dma_wait3A_434 = tpu.memref_squeeze %dma_wait3A_433 : memref<1x128xi32, #tpu.memory_space<vmem>> -> memref<128xi32, #tpu.memory_space<vmem>>
    %dma_wait3A_435 = arith.constant 0 : i32
    %dma_wait3A_436 = arith.constant 0 : i32
    %dma_wait3A_437 = tpu.memref_slice %arg4[%dma_wait3A_435, %dma_wait3A_436] : memref<51200x32xf32, #tpu.memory_space<hbm>> -> memref<51200x32xf32, #tpu.memory_space<hbm>>
    tpu.wait_indirect_dma semaphore(%arg12 : memref<!tpu.dma_semaphore, #tpu.memory_space<semaphore_mem>>) src(%dma_wait3A_437 : memref<51200x32xf32, #tpu.memory_space<hbm>>) dst(%dma_wait3A_431 : memref<128x32xf32, #tpu.memory_space<vmem>>)
    %dma_wait3A_438 = arith.constant 1 : i32
    %dma_wait3A_439 = arith.constant 1 : i32
    %dma_wait3A_440 = arith.constant 256 : i32
    %dma_wait3A_441 = arith.constant 0 : i32
    %dma_wait3A_442 = tpu.memref_slice %arg9[%dma_wait3A_439, %dma_wait3A_440, %dma_wait3A_441] : memref<2x640x32xf32, #tpu.memory_space<vmem>> -> memref<1x128x32xf32, #tpu.memory_space<vmem>>
    %dma_wait3A_443 = tpu.memref_squeeze %dma_wait3A_442 : memref<1x128x32xf32, #tpu.memory_space<vmem>> -> memref<128x32xf32, #tpu.memory_space<vmem>>
    %dma_wait3A_444 = arith.constant 256 : i32
    %dma_wait3A_445 = tpu.memref_slice %arg7[%dma_wait3A_438, %dma_wait3A_444] : memref<2x640xi32, #tpu.memory_space<vmem>> -> memref<1x128xi32, #tpu.memory_space<vmem>>
    %dma_wait3A_446 = tpu.memref_squeeze %dma_wait3A_445 : memref<1x128xi32, #tpu.memory_space<vmem>> -> memref<128xi32, #tpu.memory_space<vmem>>
    %dma_wait3A_447 = arith.constant 0 : i32
    %dma_wait3A_448 = arith.constant 0 : i32
    %dma_wait3A_449 = tpu.memref_slice %arg2[%dma_wait3A_447, %dma_wait3A_448] : memref<12800x32xf32, #tpu.memory_space<hbm>> -> memref<12800x32xf32, #tpu.memory_space<hbm>>
    tpu.wait_indirect_dma semaphore(%arg11 : memref<!tpu.dma_semaphore, #tpu.memory_space<semaphore_mem>>) src(%dma_wait3A_449 : memref<12800x32xf32, #tpu.memory_space<hbm>>) dst(%dma_wait3A_443 : memref<128x32xf32, #tpu.memory_space<vmem>>)
    %dma_wait3A_450 = arith.constant 1 : i32
    %dma_wait3A_451 = arith.constant 1 : i32
    %dma_wait3A_452 = arith.constant 256 : i32
    %dma_wait3A_453 = arith.constant 0 : i32
    %dma_wait3A_454 = tpu.memref_slice %arg10[%dma_wait3A_451, %dma_wait3A_452, %dma_wait3A_453] : memref<2x640x32xf32, #tpu.memory_space<vmem>> -> memref<1x128x32xf32, #tpu.memory_space<vmem>>
    %dma_wait3A_455 = tpu.memref_squeeze %dma_wait3A_454 : memref<1x128x32xf32, #tpu.memory_space<vmem>> -> memref<128x32xf32, #tpu.memory_space<vmem>>
    %dma_wait3A_456 = arith.constant 256 : i32
    %dma_wait3A_457 = tpu.memref_slice %arg8[%dma_wait3A_450, %dma_wait3A_456] : memref<2x640xi32, #tpu.memory_space<vmem>> -> memref<1x128xi32, #tpu.memory_space<vmem>>
    %dma_wait3A_458 = tpu.memref_squeeze %dma_wait3A_457 : memref<1x128xi32, #tpu.memory_space<vmem>> -> memref<128xi32, #tpu.memory_space<vmem>>
    %dma_wait3A_459 = arith.constant 0 : i32
    %dma_wait3A_460 = arith.constant 0 : i32
    %dma_wait3A_461 = tpu.memref_slice %arg4[%dma_wait3A_459, %dma_wait3A_460] : memref<51200x32xf32, #tpu.memory_space<hbm>> -> memref<51200x32xf32, #tpu.memory_space<hbm>>
    tpu.wait_indirect_dma semaphore(%arg12 : memref<!tpu.dma_semaphore, #tpu.memory_space<semaphore_mem>>) src(%dma_wait3A_461 : memref<51200x32xf32, #tpu.memory_space<hbm>>) dst(%dma_wait3A_455 : memref<128x32xf32, #tpu.memory_space<vmem>>)
    %dma_wait3A_462 = arith.constant 1 : i32
    %dma_wait3A_463 = arith.constant 1 : i32
    %dma_wait3A_464 = arith.constant 384 : i32
    %dma_wait3A_465 = arith.constant 0 : i32
    %dma_wait3A_466 = tpu.memref_slice %arg9[%dma_wait3A_463, %dma_wait3A_464, %dma_wait3A_465] : memref<2x640x32xf32, #tpu.memory_space<vmem>> -> memref<1x128x32xf32, #tpu.memory_space<vmem>>
    %dma_wait3A_467 = tpu.memref_squeeze %dma_wait3A_466 : memref<1x128x32xf32, #tpu.memory_space<vmem>> -> memref<128x32xf32, #tpu.memory_space<vmem>>
    %dma_wait3A_468 = arith.constant 384 : i32
    %dma_wait3A_469 = tpu.memref_slice %arg7[%dma_wait3A_462, %dma_wait3A_468] : memref<2x640xi32, #tpu.memory_space<vmem>> -> memref<1x128xi32, #tpu.memory_space<vmem>>
    %dma_wait3A_470 = tpu.memref_squeeze %dma_wait3A_469 : memref<1x128xi32, #tpu.memory_space<vmem>> -> memref<128xi32, #tpu.memory_space<vmem>>
    %dma_wait3A_471 = arith.constant 0 : i32
    %dma_wait3A_472 = arith.constant 0 : i32
    %dma_wait3A_473 = tpu.memref_slice %arg2[%dma_wait3A_471, %dma_wait3A_472] : memref<12800x32xf32, #tpu.memory_space<hbm>> -> memref<12800x32xf32, #tpu.memory_space<hbm>>
    tpu.wait_indirect_dma semaphore(%arg11 : memref<!tpu.dma_semaphore, #tpu.memory_space<semaphore_mem>>) src(%dma_wait3A_473 : memref<12800x32xf32, #tpu.memory_space<hbm>>) dst(%dma_wait3A_467 : memref<128x32xf32, #tpu.memory_space<vmem>>)
    %dma_wait3A_474 = arith.constant 1 : i32
    %dma_wait3A_475 = arith.constant 1 : i32
    %dma_wait3A_476 = arith.constant 384 : i32
    %dma_wait3A_477 = arith.constant 0 : i32
    %dma_wait3A_478 = tpu.memref_slice %arg10[%dma_wait3A_475, %dma_wait3A_476, %dma_wait3A_477] : memref<2x640x32xf32, #tpu.memory_space<vmem>> -> memref<1x128x32xf32, #tpu.memory_space<vmem>>
    %dma_wait3A_479 = tpu.memref_squeeze %dma_wait3A_478 : memref<1x128x32xf32, #tpu.memory_space<vmem>> -> memref<128x32xf32, #tpu.memory_space<vmem>>
    %dma_wait3A_480 = arith.constant 384 : i32
    %dma_wait3A_481 = tpu.memref_slice %arg8[%dma_wait3A_474, %dma_wait3A_480] : memref<2x640xi32, #tpu.memory_space<vmem>> -> memref<1x128xi32, #tpu.memory_space<vmem>>
    %dma_wait3A_482 = tpu.memref_squeeze %dma_wait3A_481 : memref<1x128xi32, #tpu.memory_space<vmem>> -> memref<128xi32, #tpu.memory_space<vmem>>
    %dma_wait3A_483 = arith.constant 0 : i32
    %dma_wait3A_484 = arith.constant 0 : i32
    %dma_wait3A_485 = tpu.memref_slice %arg4[%dma_wait3A_483, %dma_wait3A_484] : memref<51200x32xf32, #tpu.memory_space<hbm>> -> memref<51200x32xf32, #tpu.memory_space<hbm>>
    tpu.wait_indirect_dma semaphore(%arg12 : memref<!tpu.dma_semaphore, #tpu.memory_space<semaphore_mem>>) src(%dma_wait3A_485 : memref<51200x32xf32, #tpu.memory_space<hbm>>) dst(%dma_wait3A_479 : memref<128x32xf32, #tpu.memory_space<vmem>>)
    %dma_wait3A_486 = arith.constant 1 : i32
    %dma_wait3A_487 = arith.constant 1 : i32
    %dma_wait3A_488 = arith.constant 512 : i32
    %dma_wait3A_489 = arith.constant 0 : i32
    %dma_wait3A_490 = tpu.memref_slice %arg9[%dma_wait3A_487, %dma_wait3A_488, %dma_wait3A_489] : memref<2x640x32xf32, #tpu.memory_space<vmem>> -> memref<1x128x32xf32, #tpu.memory_space<vmem>>
    %dma_wait3A_491 = tpu.memref_squeeze %dma_wait3A_490 : memref<1x128x32xf32, #tpu.memory_space<vmem>> -> memref<128x32xf32, #tpu.memory_space<vmem>>
    %dma_wait3A_492 = arith.constant 512 : i32
    %dma_wait3A_493 = tpu.memref_slice %arg7[%dma_wait3A_486, %dma_wait3A_492] : memref<2x640xi32, #tpu.memory_space<vmem>> -> memref<1x128xi32, #tpu.memory_space<vmem>>
    %dma_wait3A_494 = tpu.memref_squeeze %dma_wait3A_493 : memref<1x128xi32, #tpu.memory_space<vmem>> -> memref<128xi32, #tpu.memory_space<vmem>>
    %dma_wait3A_495 = arith.constant 0 : i32
    %dma_wait3A_496 = arith.constant 0 : i32
    %dma_wait3A_497 = tpu.memref_slice %arg2[%dma_wait3A_495, %dma_wait3A_496] : memref<12800x32xf32, #tpu.memory_space<hbm>> -> memref<12800x32xf32, #tpu.memory_space<hbm>>
    tpu.wait_indirect_dma semaphore(%arg11 : memref<!tpu.dma_semaphore, #tpu.memory_space<semaphore_mem>>) src(%dma_wait3A_497 : memref<12800x32xf32, #tpu.memory_space<hbm>>) dst(%dma_wait3A_491 : memref<128x32xf32, #tpu.memory_space<vmem>>)
    %dma_wait3A_498 = arith.constant 1 : i32
    %dma_wait3A_499 = arith.constant 1 : i32
    %dma_wait3A_500 = arith.constant 512 : i32
    %dma_wait3A_501 = arith.constant 0 : i32
    %dma_wait3A_502 = tpu.memref_slice %arg10[%dma_wait3A_499, %dma_wait3A_500, %dma_wait3A_501] : memref<2x640x32xf32, #tpu.memory_space<vmem>> -> memref<1x128x32xf32, #tpu.memory_space<vmem>>
    %dma_wait3A_503 = tpu.memref_squeeze %dma_wait3A_502 : memref<1x128x32xf32, #tpu.memory_space<vmem>> -> memref<128x32xf32, #tpu.memory_space<vmem>>
    %dma_wait3A_504 = arith.constant 512 : i32
    %dma_wait3A_505 = tpu.memref_slice %arg8[%dma_wait3A_498, %dma_wait3A_504] : memref<2x640xi32, #tpu.memory_space<vmem>> -> memref<1x128xi32, #tpu.memory_space<vmem>>
    %dma_wait3A_506 = tpu.memref_squeeze %dma_wait3A_505 : memref<1x128xi32, #tpu.memory_space<vmem>> -> memref<128xi32, #tpu.memory_space<vmem>>
    %dma_wait3A_507 = arith.constant 0 : i32
    %dma_wait3A_508 = arith.constant 0 : i32
    %dma_wait3A_509 = tpu.memref_slice %arg4[%dma_wait3A_507, %dma_wait3A_508] : memref<51200x32xf32, #tpu.memory_space<hbm>> -> memref<51200x32xf32, #tpu.memory_space<hbm>>
    tpu.wait_indirect_dma semaphore(%arg12 : memref<!tpu.dma_semaphore, #tpu.memory_space<semaphore_mem>>) src(%dma_wait3A_509 : memref<51200x32xf32, #tpu.memory_space<hbm>>) dst(%dma_wait3A_503 : memref<128x32xf32, #tpu.memory_space<vmem>>)
    %parallel_loop3A_510 = arith.constant 0 : i32
    %parallel_loop3A_511 = arith.constant 640 : i32
    %parallel_loop3A_512 = arith.constant 1 : i32
    scf.for %parallel_loop3A_558 = %parallel_loop3A_510 to %parallel_loop3A_511 step %parallel_loop3A_512  : i32 {
      %parallel_loop3A_559 = arith.constant 1 : i32
      %parallel_loop3A_560 = arith.index_cast %parallel_loop3A_559 : i32 to index
      %parallel_loop3A_561 = arith.index_cast %parallel_loop3A_558 : i32 to index
      %parallel_loop3A_562 = arith.constant 0 : index
      %parallel_loop3A_563 = tpu.vector_load %arg9[%parallel_loop3A_560, %parallel_loop3A_561, %parallel_loop3A_562] {strides = array<i32>} : memref<2x640x32xf32, #tpu.memory_space<vmem>>, vector<1x1x16xf32>,
      %parallel_loop3A_564 = vector.shape_cast %parallel_loop3A_563 : vector<1x1x16xf32> to vector<16xf32>
      %parallel_loop3A_565 = arith.constant 1 : i32
      %parallel_loop3A_566 = arith.index_cast %parallel_loop3A_565 : i32 to index
      %parallel_loop3A_567 = arith.index_cast %parallel_loop3A_558 : i32 to index
      %parallel_loop3A_568 = arith.constant 0 : index
      %parallel_loop3A_569 = tpu.vector_load %arg10[%parallel_loop3A_566, %parallel_loop3A_567, %parallel_loop3A_568] {strides = array<i32>} : memref<2x640x32xf32, #tpu.memory_space<vmem>>, vector<1x1x16xf32>,
      %parallel_loop3A_570 = vector.shape_cast %parallel_loop3A_569 : vector<1x1x16xf32> to vector<16xf32>
      %parallel_loop3A_571 = arith.addf %parallel_loop3A_564, %parallel_loop3A_570 : vector<16xf32>
      %parallel_loop3A_572 = arith.constant 1 : i32
      %parallel_loop3A_573 = arith.index_cast %parallel_loop3A_572 : i32 to index
      %parallel_loop3A_574 = arith.index_cast %parallel_loop3A_558 : i32 to index
      %parallel_loop3A_575 = arith.constant 0 : index
      %parallel_loop3A_576 = tpu.vector_load %arg9[%parallel_loop3A_573, %parallel_loop3A_574, %parallel_loop3A_575] {strides = array<i32>} : memref<2x640x32xf32, #tpu.memory_space<vmem>>, vector<1x1x16xf32>,
      %parallel_loop3A_577 = vector.shape_cast %parallel_loop3A_576 : vector<1x1x16xf32> to vector<16xf32>
      %parallel_loop3A_578 = vector.shape_cast %parallel_loop3A_571 : vector<16xf32> to vector<1x1x16xf32>
      tpu.vector_store %arg9[%parallel_loop3A_573, %parallel_loop3A_574, %parallel_loop3A_575], %parallel_loop3A_578 {strides = array<i32>} : memref<2x640x32xf32, #tpu.memory_space<vmem>>, vector<1x1x16xf32>,
      %parallel_loop3A_579 = arith.constant 1 : i32
      %parallel_loop3A_580 = arith.index_cast %parallel_loop3A_579 : i32 to index
      %parallel_loop3A_581 = arith.index_cast %parallel_loop3A_558 : i32 to index
      %parallel_loop3A_582 = arith.constant 16 : index
      %parallel_loop3A_583 = tpu.vector_load %arg9[%parallel_loop3A_580, %parallel_loop3A_581, %parallel_loop3A_582] {strides = array<i32>} : memref<2x640x32xf32, #tpu.memory_space<vmem>>, vector<1x1x16xf32>,
      %parallel_loop3A_584 = vector.shape_cast %parallel_loop3A_583 : vector<1x1x16xf32> to vector<16xf32>
      %parallel_loop3A_585 = arith.constant 1 : i32
      %parallel_loop3A_586 = arith.index_cast %parallel_loop3A_585 : i32 to index
      %parallel_loop3A_587 = arith.index_cast %parallel_loop3A_558 : i32 to index
      %parallel_loop3A_588 = arith.constant 16 : index
      %parallel_loop3A_589 = tpu.vector_load %arg10[%parallel_loop3A_586, %parallel_loop3A_587, %parallel_loop3A_588] {strides = array<i32>} : memref<2x640x32xf32, #tpu.memory_space<vmem>>, vector<1x1x16xf32>,
      %parallel_loop3A_590 = vector.shape_cast %parallel_loop3A_589 : vector<1x1x16xf32> to vector<16xf32>
      %parallel_loop3A_591 = arith.addf %parallel_loop3A_584, %parallel_loop3A_590 : vector<16xf32>
      %parallel_loop3A_592 = arith.constant 1 : i32
      %parallel_loop3A_593 = arith.index_cast %parallel_loop3A_592 : i32 to index
      %parallel_loop3A_594 = arith.index_cast %parallel_loop3A_558 : i32 to index
      %parallel_loop3A_595 = arith.constant 16 : index
      %parallel_loop3A_596 = tpu.vector_load %arg9[%parallel_loop3A_593, %parallel_loop3A_594, %parallel_loop3A_595] {strides = array<i32>} : memref<2x640x32xf32, #tpu.memory_space<vmem>>, vector<1x1x16xf32>,
      %parallel_loop3A_597 = vector.shape_cast %parallel_loop3A_596 : vector<1x1x16xf32> to vector<16xf32>
      %parallel_loop3A_598 = vector.shape_cast %parallel_loop3A_591 : vector<16xf32> to vector<1x1x16xf32>
      tpu.vector_store %arg9[%parallel_loop3A_593, %parallel_loop3A_594, %parallel_loop3A_595], %parallel_loop3A_598 {strides = array<i32>} : memref<2x640x32xf32, #tpu.memory_space<vmem>>, vector<1x1x16xf32>,
    } {sc.loop_unroll_factor = 8 : i64, sc.parallel_access}
    %add3A_513 = arith.constant 12160 : i32
    %add3A_514 = arith.addi %mul3A_2, %add3A_513 : i32
    %dma_start3A_515 = arith.constant 1 : i32
    %dma_start3A_516 = arith.constant 0 : i32
    %dma_start3A_517 = arith.constant 0 : i32
    %dma_start3A_518 = tpu.memref_slice %arg9[%dma_start3A_515, %dma_start3A_516, %dma_start3A_517] : memref<2x640x32xf32, #tpu.memory_space<vmem>> -> memref<1x640x32xf32, #tpu.memory_space<vmem>>
    %dma_start3A_519 = tpu.memref_squeeze %dma_start3A_518 : memref<1x640x32xf32, #tpu.memory_space<vmem>> -> memref<640x32xf32, #tpu.memory_space<vmem>>
    %dma_start3A_520 = arith.constant 0 : i32
    %dma_start3A_521 = tpu.memref_slice %arg6[%add3A_514, %dma_start3A_520] : memref<409600x32xf32, #tpu.memory_space<hbm>> -> memref<640x32xf32, #tpu.memory_space<hbm>>
    %dma_start3A_522 = arith.constant 0 : i32
    %dma_start3A_523 = tpu.memref_slice %arg6[%add3A_514, %dma_start3A_522] : memref<409600x32xf32, #tpu.memory_space<hbm>> -> memref<640x32xf32, #tpu.memory_space<hbm>>
    %dma_start3A_524 = arith.constant 0 : i32
    %dma_start3A_525 = arith.constant 0 : i32
    %dma_start3A_526 = tpu.memref_slice %arg9[%dma_start3A_515, %dma_start3A_524, %dma_start3A_525] : memref<2x640x32xf32, #tpu.memory_space<vmem>> -> memref<1x640x32xf32, #tpu.memory_space<vmem>>
    %dma_start3A_527 = tpu.memref_squeeze %dma_start3A_526 : memref<1x640x32xf32, #tpu.memory_space<vmem>> -> memref<640x32xf32, #tpu.memory_space<vmem>>
    tpu.enqueue_dma source(%dma_start3A_527 : memref<640x32xf32, #tpu.memory_space<vmem>>) target(%dma_start3A_523 : memref<640x32xf32, #tpu.memory_space<hbm>>) target_semaphore(%arg13 : memref<!tpu.dma_semaphore, #tpu.memory_space<semaphore_mem>>)
    %add3A_528 = arith.constant 11520 : i32
    %add3A_529 = arith.addi %mul3A_2, %add3A_528 : i32
    %dma_wait3A_530 = arith.constant 0 : i32
    %dma_wait3A_531 = arith.constant 0 : i32
    %dma_wait3A_532 = arith.constant 0 : i32
    %dma_wait3A_533 = tpu.memref_slice %arg9[%dma_wait3A_530, %dma_wait3A_531, %dma_wait3A_532] : memref<2x640x32xf32, #tpu.memory_space<vmem>> -> memref<1x640x32xf32, #tpu.memory_space<vmem>>
    %dma_wait3A_534 = tpu.memref_squeeze %dma_wait3A_533 : memref<1x640x32xf32, #tpu.memory_space<vmem>> -> memref<640x32xf32, #tpu.memory_space<vmem>>
    %dma_wait3A_535 = arith.constant 0 : i32
    %dma_wait3A_536 = tpu.memref_slice %arg6[%add3A_529, %dma_wait3A_535] : memref<409600x32xf32, #tpu.memory_space<hbm>> -> memref<640x32xf32, #tpu.memory_space<hbm>>
    %dma_wait3A_537 = arith.constant 0 : i32
    %dma_wait3A_538 = tpu.memref_slice %arg6[%add3A_529, %dma_wait3A_537] : memref<409600x32xf32, #tpu.memory_space<hbm>> -> memref<640x32xf32, #tpu.memory_space<hbm>>
    %dma_wait3A_539 = arith.constant 0 : i32
    %dma_wait3A_540 = arith.constant 0 : i32
    %dma_wait3A_541 = tpu.memref_slice %arg9[%dma_wait3A_530, %dma_wait3A_539, %dma_wait3A_540] : memref<2x640x32xf32, #tpu.memory_space<vmem>> -> memref<1x640x32xf32, #tpu.memory_space<vmem>>
    %dma_wait3A_542 = tpu.memref_squeeze %dma_wait3A_541 : memref<1x640x32xf32, #tpu.memory_space<vmem>> -> memref<640x32xf32, #tpu.memory_space<vmem>>
    tpu.wait_dma2 semaphore(%arg13 : memref<!tpu.dma_semaphore, #tpu.memory_space<semaphore_mem>>) src(%dma_wait3A_542 : memref<640x32xf32, #tpu.memory_space<vmem>>) dst(%dma_wait3A_538 : memref<640x32xf32, #tpu.memory_space<hbm>>)
    %add3A_543 = arith.constant 12160 : i32
    %add3A_544 = arith.addi %mul3A_2, %add3A_543 : i32
    %dma_wait3A_545 = arith.constant 1 : i32
    %dma_wait3A_546 = arith.constant 0 : i32
    %dma_wait3A_547 = arith.constant 0 : i32
    %dma_wait3A_548 = tpu.memref_slice %arg9[%dma_wait3A_545, %dma_wait3A_546, %dma_wait3A_547] : memref<2x640x32xf32, #tpu.memory_space<vmem>> -> memref<1x640x32xf32, #tpu.memory_space<vmem>>
    %dma_wait3A_549 = tpu.memref_squeeze %dma_wait3A_548 : memref<1x640x32xf32, #tpu.memory_space<vmem>> -> memref<640x32xf32, #tpu.memory_space<vmem>>
    %dma_wait3A_550 = arith.constant 0 : i32
    %dma_wait3A_551 = tpu.memref_slice %arg6[%add3A_544, %dma_wait3A_550] : memref<409600x32xf32, #tpu.memory_space<hbm>> -> memref<640x32xf32, #tpu.memory_space<hbm>>
    %dma_wait3A_552 = arith.constant 0 : i32
    %dma_wait3A_553 = tpu.memref_slice %arg6[%add3A_544, %dma_wait3A_552] : memref<409600x32xf32, #tpu.memory_space<hbm>> -> memref<640x32xf32, #tpu.memory_space<hbm>>
    %dma_wait3A_554 = arith.constant 0 : i32
    %dma_wait3A_555 = arith.constant 0 : i32
    %dma_wait3A_556 = tpu.memref_slice %arg9[%dma_wait3A_545, %dma_wait3A_554, %dma_wait3A_555] : memref<2x640x32xf32, #tpu.memory_space<vmem>> -> memref<1x640x32xf32, #tpu.memory_space<vmem>>
    %dma_wait3A_557 = tpu.memref_squeeze %dma_wait3A_556 : memref<1x640x32xf32, #tpu.memory_space<vmem>> -> memref<640x32xf32, #tpu.memory_space<vmem>>
    tpu.wait_dma2 semaphore(%arg13 : memref<!tpu.dma_semaphore, #tpu.memory_space<semaphore_mem>>) src(%dma_wait3A_557 : memref<640x32xf32, #tpu.memory_space<vmem>>) dst(%dma_wait3A_553 : memref<640x32xf32, #tpu.memory_space<hbm>>)
    return
  }
}

module attributes {stable_mosaic.version = 14 : i64} {
  func.func @_tc_body(%arg0: i32, %arg1: memref<512x1600xf32, #tpu.memory_space<vmem>>, %arg2: memref<512x768xf32, #tpu.memory_space<vmem>>, %arg3: memref<512x768xf32, #tpu.memory_space<vmem>>, %arg4: memref<2x768xf32, #tpu.memory_space<vmem>>, %arg5: memref<1600x3072xbf16, #tpu.memory_space<vmem>>, %arg6: memref<1x3072xf32, #tpu.memory_space<vmem>>, %arg7: memref<3072x768xbf16, #tpu.memory_space<vmem>>, %arg8: memref<1x768xf32, #tpu.memory_space<vmem>>, %arg9: memref<768x768xbf16, #tpu.memory_space<vmem>>, %arg10: memref<1x768xf32, #tpu.memory_space<vmem>>, %arg11: memref<768x768xbf16, #tpu.memory_space<vmem>>, %arg12: memref<1x768xf32, #tpu.memory_space<vmem>>, %arg13: memref<1x768xf32, #tpu.memory_space<vmem>>, %arg14: memref<1x768xf32, #tpu.memory_space<vmem>>, %arg15: memref<512x768xf32, #tpu.memory_space<vmem>>) attributes {dimension_semantics = [#tpu.dimension_semantics<arbitrary>], iteration_bounds = array<i64: 16>, scalar_prefetch = 0 : i64, scratch_operands = 0 : i64, tpu.core_type = #tpu.core_type<tc>, window_params = [{transform_indices = @transform_0, window_bounds = array<i64: 512, 1600>}, {transform_indices = @transform_1, window_bounds = array<i64: 512, 768>}, {transform_indices = @transform_2, window_bounds = array<i64: 512, 768>}, {pipeline_mode = #tpu.pipeline_mode<synchronous>, transform_indices = @transform_3, window_bounds = array<i64: 2, 768>}, {pipeline_mode = #tpu.pipeline_mode<synchronous>, transform_indices = @transform_4, window_bounds = array<i64: 1600, 3072>}, {pipeline_mode = #tpu.pipeline_mode<synchronous>, transform_indices = @transform_5, window_bounds = array<i64: 1, 3072>}, {pipeline_mode = #tpu.pipeline_mode<synchronous>, transform_indices = @transform_6, window_bounds = array<i64: 3072, 768>}, {pipeline_mode = #tpu.pipeline_mode<synchronous>, transform_indices = @transform_7, window_bounds = array<i64: 1, 768>}, {pipeline_mode = #tpu.pipeline_mode<synchronous>, transform_indices = @transform_8, window_bounds = array<i64: 768, 768>}, {pipeline_mode = #tpu.pipeline_mode<synchronous>, transform_indices = @transform_9, window_bounds = array<i64: 1, 768>}, {pipeline_mode = #tpu.pipeline_mode<synchronous>, transform_indices = @transform_10, window_bounds = array<i64: 768, 768>}, {pipeline_mode = #tpu.pipeline_mode<synchronous>, transform_indices = @transform_11, window_bounds = array<i64: 1, 768>}, {pipeline_mode = #tpu.pipeline_mode<synchronous>, transform_indices = @transform_12, window_bounds = array<i64: 1, 768>}, {pipeline_mode = #tpu.pipeline_mode<synchronous>, transform_indices = @transform_13, window_bounds = array<i64: 1, 768>}, {transform_indices = @transform_14, window_bounds = array<i64: 512, 768>}]} {
    %get3A = arith.constant 0 : index
    %get3A_0 = arith.constant 0 : index
    %get3A_1 = vector.load %arg1[%get3A, %get3A_0] : memref<512x1600xf32, #tpu.memory_space<vmem>>, vector<512x1600xf32>
    %get3A_2 = arith.constant 0 : index
    %get3A_3 = arith.constant 0 : index
    %get3A_4 = vector.load %arg5[%get3A_2, %get3A_3] : memref<1600x3072xbf16, #tpu.memory_space<vmem>>, vector<1600x3072xbf16>
    %dot_general3A = arith.constant dense<0.000000e+00> : vector<512x3072xf32>
    %dot_general3A_5 = tpu.matmul %get3A_1, %get3A_4, %dot_general3A {dimension_numbers = #tpu.dot_dimension_numbers<[1], [0], [0], [1], [0, 0, 1, 1], [], []>, transpose_lhs_hint = false} : vector<512x1600xf32>, vector<1600x3072xbf16>, vector<512x3072xf32> -> vector<512x3072xf32>
    %get3A_6 = arith.constant 0 : index
    %get3A_7 = arith.constant 0 : index
    %get3A_8 = vector.load %arg6[%get3A_6, %get3A_7] : memref<1x3072xf32, #tpu.memory_space<vmem>>, vector<1x3072xf32>
    %add3A = vector.broadcast %get3A_8 : vector<1x3072xf32> to vector<512x3072xf32>
    %add3A_9 = arith.addf %dot_general3A_5, %add3A : vector<512x3072xf32>
    %max3A = arith.constant 0.000000e+00 : f32
    %max3A_10 = vector.broadcast %max3A : f32 to vector<512x3072xf32>
    %max3A_11 = arith.maximumf %add3A_9, %max3A_10 : vector<512x3072xf32>
    %convert_element_type3A = arith.truncf %max3A_11 : vector<512x3072xf32> to vector<512x3072xbf16>
    %get3A_12 = arith.constant 0 : index
    %get3A_13 = arith.constant 0 : index
    %get3A_14 = vector.load %arg7[%get3A_12, %get3A_13] : memref<3072x768xbf16, #tpu.memory_space<vmem>>, vector<3072x768xbf16>
    %dot_general3A_15 = arith.constant dense<0.000000e+00> : vector<512x768xf32>
    %dot_general3A_16 = tpu.matmul %convert_element_type3A, %get3A_14, %dot_general3A_15 {dimension_numbers = #tpu.dot_dimension_numbers<[1], [0], [0], [1], [0, 0, 1, 1], [], []>, transpose_lhs_hint = false} : vector<512x3072xbf16>, vector<3072x768xbf16>, vector<512x768xf32> -> vector<512x768xf32>
    %get3A_17 = arith.constant 0 : index
    %get3A_18 = arith.constant 0 : index
    %get3A_19 = vector.load %arg8[%get3A_17, %get3A_18] : memref<1x768xf32, #tpu.memory_space<vmem>>, vector<1x768xf32>
    %add3A_20 = vector.broadcast %get3A_19 : vector<1x768xf32> to vector<512x768xf32>
    %add3A_21 = arith.addf %dot_general3A_16, %add3A_20 : vector<512x768xf32>
    %convert_element_type3A_22 = arith.truncf %add3A_21 : vector<512x768xf32> to vector<512x768xbf16>
    %get3A_23 = arith.constant 0 : index
    %get3A_24 = arith.constant 0 : index
    %get3A_25 = vector.load %arg9[%get3A_23, %get3A_24] : memref<768x768xbf16, #tpu.memory_space<vmem>>, vector<768x768xbf16>
    %dot_general3A_26 = arith.constant dense<0.000000e+00> : vector<512x768xf32>
    %dot_general3A_27 = tpu.matmul %convert_element_type3A_22, %get3A_25, %dot_general3A_26 {dimension_numbers = #tpu.dot_dimension_numbers<[1], [0], [0], [1], [0, 0, 1, 1], [], []>, transpose_lhs_hint = false} : vector<512x768xbf16>, vector<768x768xbf16>, vector<512x768xf32> -> vector<512x768xf32>
    %get3A_28 = arith.constant 0 : index
    %get3A_29 = arith.constant 0 : index
    %get3A_30 = vector.load %arg10[%get3A_28, %get3A_29] : memref<1x768xf32, #tpu.memory_space<vmem>>, vector<1x768xf32>
    %add3A_31 = vector.broadcast %get3A_30 : vector<1x768xf32> to vector<512x768xf32>
    %add3A_32 = arith.addf %dot_general3A_27, %add3A_31 : vector<512x768xf32>
    %max3A_33 = arith.constant 0.000000e+00 : f32
    %max3A_34 = vector.broadcast %max3A_33 : f32 to vector<512x768xf32>
    %max3A_35 = arith.maximumf %add3A_32, %max3A_34 : vector<512x768xf32>
    %convert_element_type3A_36 = arith.truncf %max3A_35 : vector<512x768xf32> to vector<512x768xbf16>
    %get3A_37 = arith.constant 0 : index
    %get3A_38 = arith.constant 0 : index
    %get3A_39 = vector.load %arg11[%get3A_37, %get3A_38] : memref<768x768xbf16, #tpu.memory_space<vmem>>, vector<768x768xbf16>
    %dot_general3A_40 = arith.constant dense<0.000000e+00> : vector<512x768xf32>
    %dot_general3A_41 = tpu.matmul %convert_element_type3A_36, %get3A_39, %dot_general3A_40 {dimension_numbers = #tpu.dot_dimension_numbers<[1], [0], [0], [1], [0, 0, 1, 1], [], []>, transpose_lhs_hint = false} : vector<512x768xbf16>, vector<768x768xbf16>, vector<512x768xf32> -> vector<512x768xf32>
    %get3A_42 = arith.constant 0 : index
    %get3A_43 = arith.constant 0 : index
    %get3A_44 = vector.load %arg12[%get3A_42, %get3A_43] : memref<1x768xf32, #tpu.memory_space<vmem>>, vector<1x768xf32>
    %add3A_45 = vector.broadcast %get3A_44 : vector<1x768xf32> to vector<512x768xf32>
    %add3A_46 = arith.addf %dot_general3A_41, %add3A_45 : vector<512x768xf32>
    %get3A_47 = arith.constant 0 : index
    %get3A_48 = arith.constant 0 : index
    %get3A_49 = vector.load %arg2[%get3A_47, %get3A_48] : memref<512x768xf32, #tpu.memory_space<vmem>>, vector<512x768xf32>
    %get3A_50 = arith.constant 0 : index
    %get3A_51 = arith.constant 0 : index
    %get3A_52 = vector.load %arg3[%get3A_50, %get3A_51] : memref<512x768xf32, #tpu.memory_space<vmem>>, vector<512x768xf32>
    %add3A_53 = arith.addf %get3A_49, %get3A_52 : vector<512x768xf32>
    %get3A_54 = arith.constant 0 : index
    %get3A_55 = arith.constant 0 : index
    %get3A_56 = vector.load %arg4[%get3A_54, %get3A_55] : memref<2x768xf32, #tpu.memory_space<vmem>>, vector<1x768xf32>
    %add3A_57 = vector.broadcast %get3A_56 : vector<1x768xf32> to vector<512x768xf32>
    %add3A_58 = arith.addf %add3A_53, %add3A_57 : vector<512x768xf32>
    %add3A_59 = arith.addf %add3A_58, %add3A_46 : vector<512x768xf32>
    %reduce_sum3A = arith.constant dense<0.000000e+00> : vector<512xf32>
    %reduce_sum3A_60 = vector.multi_reduction <add>, %add3A_59, %reduce_sum3A [1] : vector<512x768xf32> to vector<512xf32>
    %broadcast_in_dim3A = vector.shape_cast %reduce_sum3A_60 : vector<512xf32> to vector<512x1xf32>
    %div3A = arith.constant 7.680000e+02 : f32
    %div3A_61 = vector.broadcast %div3A : f32 to vector<512x1xf32>
    %div3A_62 = arith.divf %broadcast_in_dim3A, %div3A_61 : vector<512x1xf32>
    %sub3A = vector.broadcast %div3A_62 : vector<512x1xf32> to vector<512x768xf32>
    %sub3A_63 = arith.subf %add3A_59, %sub3A : vector<512x768xf32>
    %integer_pow3A = arith.mulf %sub3A_63, %sub3A_63 : vector<512x768xf32>
    %reduce_sum3A_64 = arith.constant dense<0.000000e+00> : vector<512xf32>
    %reduce_sum3A_65 = vector.multi_reduction <add>, %integer_pow3A, %reduce_sum3A_64 [1] : vector<512x768xf32> to vector<512xf32>
    %broadcast_in_dim3A_66 = vector.shape_cast %reduce_sum3A_65 : vector<512xf32> to vector<512x1xf32>
    %div3A_67 = arith.constant 7.680000e+02 : f32
    %div3A_68 = vector.broadcast %div3A_67 : f32 to vector<512x1xf32>
    %div3A_69 = arith.divf %broadcast_in_dim3A_66, %div3A_68 : vector<512x1xf32>
    %sub3A_70 = vector.broadcast %div3A_62 : vector<512x1xf32> to vector<512x768xf32>
    %sub3A_71 = arith.subf %add3A_59, %sub3A_70 : vector<512x768xf32>
    %add3A_72 = arith.constant 9.99999996E-13 : f32
    %add3A_73 = vector.broadcast %add3A_72 : f32 to vector<512x1xf32>
    %add3A_74 = arith.addf %div3A_69, %add3A_73 : vector<512x1xf32>
    %sqrt3A = math.sqrt %add3A_74 : vector<512x1xf32>
    %div3A_75 = vector.broadcast %sqrt3A : vector<512x1xf32> to vector<512x768xf32>
    %div3A_76 = arith.divf %sub3A_71, %div3A_75 : vector<512x768xf32>
    %get3A_77 = arith.constant 0 : index
    %get3A_78 = arith.constant 0 : index
    %get3A_79 = vector.load %arg13[%get3A_77, %get3A_78] : memref<1x768xf32, #tpu.memory_space<vmem>>, vector<1x768xf32>
    %mul3A = vector.broadcast %get3A_79 : vector<1x768xf32> to vector<512x768xf32>
    %mul3A_80 = arith.mulf %div3A_76, %mul3A : vector<512x768xf32>
    %get3A_81 = arith.constant 0 : index
    %get3A_82 = arith.constant 0 : index
    %get3A_83 = vector.load %arg14[%get3A_81, %get3A_82] : memref<1x768xf32, #tpu.memory_space<vmem>>, vector<1x768xf32>
    %add3A_84 = vector.broadcast %get3A_83 : vector<1x768xf32> to vector<512x768xf32>
    %add3A_85 = arith.addf %mul3A_80, %add3A_84 : vector<512x768xf32>
    %swap3A = arith.constant 0 : index
    %swap3A_86 = arith.constant 0 : index
    %swap3A_87 = vector.load %arg15[%swap3A, %swap3A_86] : memref<512x768xf32, #tpu.memory_space<vmem>>, vector<512x768xf32>
    tpu.vector_store %arg15[%swap3A, %swap3A_86], %add3A_85 {strides = array<i32>} : memref<512x768xf32, #tpu.memory_space<vmem>>, vector<512x768xf32>,
    return
  }
  func.func @transform_0(%arg0: i32) -> (i32, i32) {
    %c0_i32 = arith.constant 0 : i32
    %c0_i32_0 = arith.constant 0 : i32
    return %arg0, %c0_i32 : i32, i32
  }
  func.func @transform_1(%arg0: i32) -> (i32, i32) {
    %c0_i32 = arith.constant 0 : i32
    %c0_i32_0 = arith.constant 0 : i32
    return %arg0, %c0_i32 : i32, i32
  }
  func.func @transform_2(%arg0: i32) -> (i32, i32) {
    %jit3A = arith.constant 4 : i32
    %eq3A = arith.constant 0 : i32
    %eq3A_0 = arith.cmpi eq, %jit3A, %eq3A : i32
    %jit3A_1 = arith.constant 1 : i32
    %select_n3A = arith.select %eq3A_0, %jit3A_1, %jit3A : i32
    %rem3A = arith.remsi %arg0, %select_n3A : i32
    %ne3A = arith.constant 0 : i32
    %ne3A_2 = arith.cmpi ne, %rem3A, %ne3A : i32
    %lt3A = arith.constant 0 : i32
    %lt3A_3 = arith.cmpi slt, %rem3A, %lt3A : i32
    %lt3A_4 = arith.constant 0 : i32
    %lt3A_5 = arith.cmpi slt, %select_n3A, %lt3A_4 : i32
    %ne3A_6 = arith.xori %lt3A_3, %lt3A_5 : i1
    %and3A = arith.andi %ne3A_6, %ne3A_2 : i1
    %add3A = arith.addi %rem3A, %select_n3A : i32
    %select_n3A_7 = arith.select %and3A, %add3A, %rem3A : i32
    %c0_i32 = arith.constant 0 : i32
    %c0_i32_8 = arith.constant 0 : i32
    return %select_n3A_7, %c0_i32 : i32, i32
  }
  func.func @transform_3(%arg0: i32) -> (i32, i32) {
    %c0_i32 = arith.constant 0 : i32
    %c0_i32_0 = arith.constant 0 : i32
    %c0_i32_1 = arith.constant 0 : i32
    return %c0_i32, %c0_i32_0 : i32, i32
  }
  func.func @transform_4(%arg0: i32) -> (i32, i32) {
    %c0_i32 = arith.constant 0 : i32
    %c0_i32_0 = arith.constant 0 : i32
    %c0_i32_1 = arith.constant 0 : i32
    return %c0_i32, %c0_i32_0 : i32, i32
  }
  func.func @transform_5(%arg0: i32) -> (i32, i32) {
    %c0_i32 = arith.constant 0 : i32
    %c0_i32_0 = arith.constant 0 : i32
    %c0_i32_1 = arith.constant 0 : i32
    return %c0_i32, %c0_i32_0 : i32, i32
  }
  func.func @transform_6(%arg0: i32) -> (i32, i32) {
    %c0_i32 = arith.constant 0 : i32
    %c0_i32_0 = arith.constant 0 : i32
    %c0_i32_1 = arith.constant 0 : i32
    return %c0_i32, %c0_i32_0 : i32, i32
  }
  func.func @transform_7(%arg0: i32) -> (i32, i32) {
    %c0_i32 = arith.constant 0 : i32
    %c0_i32_0 = arith.constant 0 : i32
    %c0_i32_1 = arith.constant 0 : i32
    return %c0_i32, %c0_i32_0 : i32, i32
  }
  func.func @transform_8(%arg0: i32) -> (i32, i32) {
    %c0_i32 = arith.constant 0 : i32
    %c0_i32_0 = arith.constant 0 : i32
    %c0_i32_1 = arith.constant 0 : i32
    return %c0_i32, %c0_i32_0 : i32, i32
  }
  func.func @transform_9(%arg0: i32) -> (i32, i32) {
    %c0_i32 = arith.constant 0 : i32
    %c0_i32_0 = arith.constant 0 : i32
    %c0_i32_1 = arith.constant 0 : i32
    return %c0_i32, %c0_i32_0 : i32, i32
  }
  func.func @transform_10(%arg0: i32) -> (i32, i32) {
    %c0_i32 = arith.constant 0 : i32
    %c0_i32_0 = arith.constant 0 : i32
    %c0_i32_1 = arith.constant 0 : i32
    return %c0_i32, %c0_i32_0 : i32, i32
  }
  func.func @transform_11(%arg0: i32) -> (i32, i32) {
    %c0_i32 = arith.constant 0 : i32
    %c0_i32_0 = arith.constant 0 : i32
    %c0_i32_1 = arith.constant 0 : i32
    return %c0_i32, %c0_i32_0 : i32, i32
  }
  func.func @transform_12(%arg0: i32) -> (i32, i32) {
    %c0_i32 = arith.constant 0 : i32
    %c0_i32_0 = arith.constant 0 : i32
    %c0_i32_1 = arith.constant 0 : i32
    return %c0_i32, %c0_i32_0 : i32, i32
  }
  func.func @transform_13(%arg0: i32) -> (i32, i32) {
    %c0_i32 = arith.constant 0 : i32
    %c0_i32_0 = arith.constant 0 : i32
    %c0_i32_1 = arith.constant 0 : i32
    return %c0_i32, %c0_i32_0 : i32, i32
  }
  func.func @transform_14(%arg0: i32) -> (i32, i32) {
    %c0_i32 = arith.constant 0 : i32
    %c0_i32_0 = arith.constant 0 : i32
    return %arg0, %c0_i32 : i32, i32
  }
}

</mosaic_0001>

<sc_bundles>
// kernel: kernel.5.cloned.1.call-start
scs
__scs_entry_jumppad:
0x0: {  	(pc) =	sbr.rel $0x88, $3  }
0x1: {  	(tag) =	ssettag $0x0;
	lr =	simm.s32 $0x1  }
0x2: {  	[smem:$0x3F8F] =	sst lr;
	_ =	strace $0xD0000000  }
0x3: {  	_ = 	snop  }
0x4: {  	_ = 	snop  }
0x5: {  	_ = 	snop  }
0x6: {  	_ = 	snop  }
0x7: {  	_ = 	snop  }
__scs_overlays_trampoline_lowered:
0x8: {  	[smem:$0x3F9E] =	sst s0  }
0x9: {  	[smem:$0x3F9F] =	sst s1  }
0xa: {  	[smem:$0x3FA0] =	sst s2  }
0xb: {  	[smem:$0x3FA1] =	sst s3  }
0xc: {  	[smem:$0x3FA2] =	sst s4  }
0xd: {  	[smem:$0x3FA3] =	sst s5  }
0xe: {  	[smem:$0x3FA4] =	sst s6  }
0xf: {  	[smem:$0x3FA5] =	sst s7  }
0x10: {  	[smem:$0x3FA6] =	sst s8  }
0x11: {  	[smem:$0x3FA7] =	sst s9;
	s0 =	simm.s32 @!p0 $0x0  }
0x12: {  	s1 =	sld [smem:$0x3F8D];
	s0 =	simm.s32 @p0 $0x1  }
0x13: {  	[smem:$0x3FA8] =	sst s0;
	s0 =	simm.s32 @!p1 $0x0  }
0x14: {  	s2 =	sld [smem:$0x3F8C];
	s0 =	simm.s32 @p1 $0x1  }
0x15: {  	[smem:$0x3FA9] =	sst s0;
	s0 =	simm.s32 @!p2 $0x0  }
0x16: {  	s3 =	sld [smem:$0x3FDB];
	s0 =	simm.s32 @p2 $0x1  }
0x17: {  	s4 =	simm.s32 $0x1BF5;
	[smem:$0x3FAB] =	sst s0  }
0x18: {  	s0 =	sld [smem:$0x3F8E];
	_ =	swait.ge [sflag:s4], $0x0  }
0x19: {  	s7 =	sld [smem:$0x3F8F]  }
0x1a: {  	s8 =	sadd.s32 $0xFFFFE003, lr  }
0x1b: {  	s9 =	sadd.s32 $0xFFFFFEF7, lr;
	s5 =	simm.s32 $0xFFFFFFFF;
	p2 =	slt.u32 s8, $0xFFFFF086  }
0x1c: {  	p1 =	slt.u32 s9, $0xF7A;
	s5 =	simm.s32 @!p2 $0x0  }
0x1d: {  	s5 =	simm.s32 @p1 $0x1;
	p0 =	seq.s32 s7, s2  }
0x1e: {  	s7 =	smul.u32 @!p0 $0xF7A, s2;
	p2 =	seq.s32 @!p0 s5, $0x0  }
0x1f: {  	s9 =	smul.u32 $0xF7A, s1;
	s8 =	simm.s32 @!p0 $0x1BF5;
	p2 =	por !p2, p0  }
0x20: {  	[sflag:s8] =	ssyncset.s32 @!p0 $0xFFFFF086;
	s6 =	sadd.s32 @!p0 s3, s7;
	s7 =	simm.s32 @!p0 $0x108  }
0x21: {  	s3 =	sadd.s32 s3, s9;
	s6 =	sadd.s32 @!p0 $0x88, s6;
	s7 =	simm.s32 @p2 $0x1082  }
0x22: {  	[simem:s7], [sflag:s8] =	dma.local @!p0 [hbm:s6], $0xF7A  }
0x23: {  	s9 =	sor.u32 $0xD0000000, s2;
	s6 =	simm.s32 $0x108;
	_ =	swait.ge @!p0 [sflag:s8], $0x0  }
0x24: {  	s3 =	sadd.s32 $0x88, s3;
	s6 =	simm.s32 @!p1 $0x1082;
	[sflag:s4] =	ssyncset.s32 $0xFFFFF086  }
0x25: {  	[simem:s6], [sflag:s4] =	dma.local [hbm:s3], $0xF7A  }
0x26: {  	[smem:$0x3F8F] =	sst s1;
	(tag) =	ssettag s2;
	_ =	strace s9  }
0x27: {  	s1 =	sld [smem:$0x3F9F]  }
0x28: {  	s2 =	sld [smem:$0x3FA0]  }
0x29: {  	s4 =	sld [smem:$0x3FA2]  }
0x2a: {  	p0 =	seq.s32 s5, $0x0;
	s5 =	sld [smem:$0x3FA3]  }
0x2b: {  	s6 =	sld [smem:$0x3FA4]  }
0x2c: {  	s7 =	sld [smem:$0x3FA5]  }
0x2d: {  	s3 =	simm.s32 $0x108;
	s8 =	sld [smem:$0x3FA6]  }
0x2e: {  	s3 =	simm.s32 @!p0 $0x1082;
	s9 =	sld [smem:$0x3FA7]  }
0x2f: {  	lr =	sadd.s32 s0, s3;
	s0 =	sld [smem:$0x3F9E]  }
0x30: {  	s3 =	sld [smem:$0x3FA1]  }
0x31: {  	[smem:$0x3FAA] =	sst s10  }
0x32: {  	s10 =	sld [smem:$0x3FA8];
	_ =	sdelay $0x3  }
0x33: {  	p0 =	seq.s32 s10, $0x1;
	s10 =	sld [smem:$0x3FAA];
	_ =	sdelay $0x3  }
0x34: {  	[smem:$0x3FAA] =	sst s10  }
0x35: {  	s10 =	sld [smem:$0x3FA9];
	_ =	sdelay $0x3  }
0x36: {  	p1 =	seq.s32 s10, $0x1;
	s10 =	sld [smem:$0x3FAA];
	_ =	sdelay $0x3  }
0x37: {  	[smem:$0x3FAA] =	sst s10  }
0x38: {  	s10 =	sld [smem:$0x3FAB]  }
0x39: {  	_ = 	snop;
	(pc) =	sbr.ind lr, $3  }
0x3a: {  	_ = 	snop  }
0x3b: {  	_ = 	snop  }
0x3c: {  	p2 =	seq.s32 s10, $0x1;
	s10 =	sld [smem:$0x3FAA]  }
0x3d: {  	_ =	shalt  }
0x3e: {  	_ =	shalt  }
0x3f: {  	_ =	shalt  }
0x40: {  	_ =	shalt  }
0x41: {  	_ =	shalt  }
0x42: {  	_ =	shalt  }
0x43: {  	_ =	shalt  }
0x44: {  	_ =	shalt  }
0x45: {  	_ =	shalt  }
0x46: {  	_ =	shalt  }
0x47: {  	_ =	shalt  }
0x48: {  	_ =	shalt  }
0x49: {  	_ =	shalt  }
0x4a: {  	_ =	shalt  }
0x4b: {  	_ =	shalt  }
0x4c: {  	_ =	shalt  }
0x4d: {  	_ =	shalt  }
0x4e: {  	_ =	shalt  }
0x4f: {  	_ =	shalt  }
0x50: {  	_ =	shalt  }
0x51: {  	_ =	shalt  }
0x52: {  	_ =	shalt  }
0x53: {  	_ =	shalt  }
0x54: {  	_ =	shalt  }
0x55: {  	_ =	shalt  }
0x56: {  	_ =	shalt  }
0x57: {  	_ =	shalt  }
0x58: {  	_ =	shalt  }
0x59: {  	_ =	shalt  }
0x5a: {  	_ =	shalt  }
0x5b: {  	_ =	shalt  }
0x5c: {  	_ =	shalt  }
0x5d: {  	_ =	shalt  }
0x5e: {  	_ =	shalt  }
0x5f: {  	_ =	shalt  }
0x60: {  	_ =	shalt  }
0x61: {  	_ =	shalt  }
0x62: {  	_ =	shalt  }
0x63: {  	_ =	shalt  }
0x64: {  	_ =	shalt  }
0x65: {  	_ =	shalt  }
0x66: {  	_ =	shalt  }
0x67: {  	_ =	shalt  }
0x68: {  	_ =	shalt  }
0x69: {  	_ =	shalt  }
0x6a: {  	_ =	shalt  }
0x6b: {  	_ =	shalt  }
0x6c: {  	_ =	shalt  }
0x6d: {  	_ =	shalt  }
0x6e: {  	_ =	shalt  }
0x6f: {  	_ =	shalt  }
0x70: {  	_ =	shalt  }
0x71: {  	_ =	shalt  }
0x72: {  	_ =	shalt  }
0x73: {  	_ =	shalt  }
0x74: {  	_ =	shalt  }
0x75: {  	_ =	shalt  }
0x76: {  	_ =	shalt  }
0x77: {  	_ =	shalt  }
0x78: {  	_ =	shalt  }
0x79: {  	_ =	shalt  }
0x7a: {  	_ =	shalt  }
0x7b: {  	_ =	shalt  }
0x7c: {  	_ =	shalt  }
0x7d: {  	_ =	shalt  }
0x7e: {  	_ =	shalt  }
0x7f: {  	_ =	shalt  }
0x80: {  	_ =	shalt  }
0x81: {  	_ =	shalt  }
0x82: {  	_ =	shalt  }
0x83: {  	_ =	shalt  }
0x84: {  	_ =	shalt  }
0x85: {  	_ =	shalt  }
0x86: {  	_ =	shalt  }
0x87: {  	_ =	shalt  }
.Lfunc_end0:
.L_simem_size_0:
called_computation_lowered:
.L_overlay_start_0:
0x88: {  	s2 =	sld [smem:$0x3FD9]  }
0x89: {  	s3 =	sld [smem:$0x3FFE];
	_ =	sdelay $0x1  }
0x8a: {  	s1 =	srdreg.scid  }
0x8b: {  	s0 =	sand.u32 $0x1, s1  }
0x8c: {  	s17 =	sshll.u32 s0, $0xA;
	s2 =	sadd.s32 s3, s2  }
0x8d: {  	s2 =	sadd.s32 s2, s17  }
0x8e: {  	[smem:$0x3FB6] =	sst s2  }
0x8f: {  	_ = 	snop  }
0x90: {  	s18 =	sld [smem:$0x3FC6];
	(tm) =	ssettm $0x1  }
0x91: {  	s19 =	sld [smem:$0x3FFB];
	_ =	sdelay $0x3  }
0x92: {  	_ =	strace s19  }
0x93: {  	s2 =	sld [smem:$0x3FFC];
	_ =	sdelay $0x3  }
0x94: {  	_ =	strace s2  }
0x95: {  	s2 =	sld [smem:$0x3FFD];
	_ =	sdelay $0x3  }
0x96: {  	_ =	strace s2  }
0x97: {  	_ =	strace $0x8FFFFFFF  }
0x98: {  	s20 =	sld [smem:$0x3FDB];
	_ =	sdelay $0x1  }
0x99: {  	s4 =	simm.s32 $_scs_section_size  }
0x9a: {  	s5 =	simm.s32 $_size__tile_overlayer_lowered;
	s6 =	simm.s32 $_tile_overlayer_lowered  }
0x9b: {  	s7 =	simm.s32 $0x1BFF;
	s21 =	sshll.u32 s6, $0x1;
	s4 =	sadd.s32 s4, s20  }
0x9c: {  	s22 =	simm.s32 $0x0;
	s5 =	sshll.u32 s5, $0x1;
	s6 =	sadd.s32 s21, s4  }
0x9d: {  	[timem:s22], [sflag:s7] =	dma.local [hbm:s6], s5  }
0x9e: {  	_ =	swait.ge [sflag:s7], s5  }
0x9f: {  	s5 =	ssub.s32 $0x0, s5;
	[sflag:s7] =	ssyncset.done $0x0  }
0xa0: {  	[sflag:s7] =	ssyncadd.s32 s5;
	_ =	sdelay $0x1  }
0xa1: {  	s23 =	simm.s32 $0x1B8B  }
0xa2: {  	_ =	swait.ge [sflag:s23], $0x1  }
0xa3: {  	[sflag:s23] =	ssyncset.done $0x0  }
0xa4: {  	[sflag:s23] =	ssyncadd.s32 $0xFFFFFFFF  }
0xa5: {  	s5 =	sld [smem:$0x0]  }
0xa6: {  	s6 =	sand.u32 $0xFFFFFFFE, s1  }
0xa7: {  	p0 =	sne.s32 s1, s6  }
0xa8: {  	s6 =	sshll.u32 @p0 s6, $0xE  }
0xa9: {  	s6 =	sadd.s32 @p0 $0x11B8D, s6;
	s7 =	sshll.u32 @p0 s5, $0x11  }
0xaa: {  	s6 =	sor.u32 @p0 s7, s6  }
0xab: {  	[sflag:s6] =	ssyncadd.remote.s32 @p0 $0x1;
	_ =	sdelay $0x1  }
0xac: {  	s6 =	simm.s32 @p0 $0x1B8D  }
0xad: {  	_ =	swait.eq @p0 [sflag:s6], $0x1  }
0xae: {  	[sflag:s6] =	ssyncadd.s32 @p0 $0xFFFFFFFF  }
0xaf: {  	s7 =	sshll.u32 @!p0 s1, $0xE  }
0xb0: {  	s7 =	sor.u32 @!p0 $0x4000, s7;
	s6 =	simm.s32 @!p0 $0x1B8D  }
0xb1: {  	s5 =	sshll.u32 @!p0 s5, $0x11;
	s7 =	sadd.s32 @!p0 $0x11B8D, s7;
	_ =	swait.eq @!p0 [sflag:s6], $0x1  }
0xb2: {  	s5 =	sor.u32 @!p0 s5, s7;
	[sflag:s6] =	ssyncadd.s32 @!p0 $0xFFFFFFFF  }
0xb3: {  	s25 =	simm.s32 $0x1B8E;
	s24 =	sld [smem:$0x3FFE];
	[sflag:s5] =	ssyncadd.remote.s32 @!p0 $0x1  }
0xb4: {  	s26 =	simm.s32 $execute0_lowered;
	[smem:$0x3FD2] =	sst s25  }
0xb5: {  	s6 =	sshll.u32 s26, $0x1;
	_ =	strace $0x80000049;
	[dreg:$0x1] =	wrdreg $0xFFFFFFFF  }
0xb6: {  	s28 =	simm.s32 $_size_execute0_lowered;
	s4 =	sadd.s32 s4, s6;
	[dreg:$0x0] =	wrdreg $0x0  }
0xb7: {  	s6 =	sshll.u32 s28, $0x1;
	[dreg:$0x2] =	wrdreg s4  }
0xb8: {  	[dreg:$0x3] =	wrdreg s6  }
0xb9: {  	[dreg:$0x4] =	wrdreg $0xC0  }
0xba: {  	_ =	task [dreg:s22], $0x5FFFF  }
0xbb: {  	[dreg:$0x1] =	wrdreg $0xFFFFFFFF  }
0xbc: {  	[dreg:$0x0] =	wrdreg $0x60  }
0xbd: {  	[dreg:$0x2] =	wrdreg s18  }
0xbe: {  	[dreg:$0x3] =	wrdreg s24  }
0xbf: {  	[dreg:$0x4] =	wrdreg $0x9  }
0xc0: {  	_ =	task.clear_ibuf [dreg:s22], $0x5FFFF;
	_ =	strace $0x90000049  }
0xc1: {  	s29 =	simm.s32 $0x9;
	_ =	strace $0x8000004B  }
0xc2: {  	_ =	swait.ge [sflag:s29], $0x1  }
0xc3: {  	[sflag:s29] =	ssyncadd.s32 $0xFFFFFFFF  }
0xc4: {  	_ =	strace $0x9000004B  }
0xc5: {  	_ =	sfence  }
0xc6: {  	s30 =	sld [smem:$0x0];
	_ =	sdelay $0x2  }
0xc7: {  	s31 =	sshll.u32 s1, $0xD;
	s1 =	sshrl.u32 s1, $0x2  }
0xc8: {  	s4 =	sand.u32 $0x4000, s31;
	s1 =	sadd.s32 s1, s30  }
0xc9: {  	s0 =	sor.u32 s4, s0;
	s1 =	sshll.u32 s1, $0x11  }
0xca: {  	s0 =	sor.u32 s1, s0  }
0xcb: {  	s0 =	sadd.s32 $0x8F2B, s0  }
0xcc: {  	[sflag:s0] =	ssyncadd.remote.s32 $0x1  }
0xcd: {  	_ =	sfence.sel $0xFFFF  }
0xce: {  	[dreg:$0x0] =	wrdreg $0xFFFFFFFF;
	(pc) =	sbr.abs _section_cstart, $3  }
0xcf: {  	[dreg:$0x1] =	wrdreg $0xFFFFFFFF  }
0xd0: {  	_ =	task.clear_ibuf [dreg:s22], $0x2FFFF;
	_ =	strace $0x9FFFFFFF  }
0xd1: {  	(tm) =	ssettm $0x7FFFFFFF  }
tec
execute0_lowered:
.L_overlay_start_1:
0x0: {  	(tag) =	ssettag $0x1  }
0x1: {  	s1 =	rddreg [dreg:$0x0]  }
0x2: {  	s0 =	rddreg [dreg:$0x1]  }
0x3: {  	s3 =	simm.s32 $0x0;
	s2 =	srdreg.scid;
	s5 =	stileid.u32  }
0x4: {  	s10 =	simm.s32 $0x1;
	s11 =	simm.s32 $0x2;
	s14 =	simm.s32 $0x900  }
0x5: {  	s15 =	simm.s32 $0x1100;
	s16 =	simm.s32 $0x1900;
	s17 =	simm.s32 $0x2100  }
0x6: {  	s28 =	simm.s32 $0x7100;
	s29 =	simm.s32 $0x7900;
	s30 =	simm.s32 $0x8100  }
0x7: {  	s31 =	simm.s32 $0x8900;
	[smem:$0x7FF] =	sst s3;
	s2 =	sand.u32 $0x1, s2  }
0x8: {  	s4 =	sadd.s32 $0x1B8600, s0;
	s5 =	sshll.u32 s5, $0x6;
	s6 =	sshll.u32 s2, $0x5  }
0x9: {  	s0 =	sadd.s32 $0x1B8A00, s0;
	s2 =	ssub.s32 $0x2, s2;
	s5 =	sor.u32 s6, s5  }
0xa: {  	_ =	strace $0x8000004A;
	s9 =	sshrl.u32 s2, $0x1;
	s6 =	sadd.s32 s4, s5  }
0xb: {  	s7 =	sor.u32 $0x8, s5;
	s8 =	smul.u32 $0x300, s5;
	s20 =	sor.u32 $0x10, s5  }
0xc: {  	s2 =	ssub.s32 s2, s9;
	s5 =	sor.u32 $0x18, s5;
	s9 =	simm.s32 $0xA900  }
0xd: {  	[dreg:$0x3] =	wrdreg s6;
	s18 =	sadd.s32 s4, s7;
	s7 =	smul.u32 $0x300, s7  }
0xe: {  	s21 =	sadd.s32 s4, s20;
	s23 =	smul.u32 $0x300, s20;
	s24 =	sadd.s32 s4, s5  }
0xf: {  	s25 =	smul.u32 $0x300, s5;
	s4 =	sadd.s32 $0x100, s1;
	s5 =	sadd.s32 $0x200, s1  }
0x10: {  	s6 =	smax.u32 s2, $0x1;
	s20 =	simm.s32 $0x3900;
	[dreg:$0x4] =	wrdreg s18  }
0x11: {  	s2 =	simm.s32 $0xC100;
	s19 =	sadd.s32 s0, s8;
	[dreg:$0x6] =	wrdreg s21  }
0x12: {  	[dreg:$0x8] =	wrdreg s24;
	s18 =	simm.s32 $0x2900;
	s21 =	simm.s32 $0x4100  }
0x13: {  	s24 =	simm.s32 $0x5900;
	s8 =	simm.s32 $0xB900;
	[dreg:$0x5] =	wrdreg s19  }
0x14: {  	s22 =	sadd.s32 s0, s7;
	s26 =	sadd.s32 s0, s23;
	s0 =	sadd.s32 s0, s25  }
0x15: {  	v2 =	vlaneseq.u32;
	s7 =	simm.s32 $0x3;
	s19 =	simm.s32 $0x3100;
	[dreg:$0x7] =	wrdreg s22  }
0x16: {  	vm0 =	vmmov $0xffff;
	v1 =	vshrl.u32 v2, $0x3;
	s23 =	simm.s32 $0x5100;
	s25 =	simm.s32 $0x6100;
	[dreg:$0x9] =	wrdreg s26  }
0x17: {  	v0 =	vand.u32 $0x7, v2;
	v2 =	vor.u32 $0x8, v2;
	v1 =	vmul.u32 $0x8, v1;
	[dreg:$0xa] =	wrdreg s0;
	s22 =	simm.s32 $0x4900;
	s26 =	simm.s32 $0x6900  }
.LBB2_1:
0x18: {  	s12 =	rddreg [dreg:$0x3]  }
0x19: {  	[tilespmem:s3], [sflag:$0x3] =	stream.linear.gather [hbm4b:s12+s3], $0x40, $0x38;
	[tilespmem:$0x18100] =	vst v63  }
0x1a: {  	_ =	swait.ge [sflag:s7], $0x40  }
0x1b: {  	[sflag:s7] =	ssyncset.done $0x0  }
0x1c: {  	[sflag:s7] =	ssyncadd.s32 $0xFFFFFFC0  }
0x1d: {  	v3 =	vld [tilespmem:$0x0];
	_ =	sdelay $0x4  }
0x1e: {  	v4 =	vshrl.u32 v3, $0x3  }
0x1f: {  	v4 =	vmul.u32 $0x30, v4  }
0x20: {  	v3 =	vand.u32 $0x7, v3  }
0x21: {  	v3 =	vor.u32 v3, v4  }
0x22: {  	v4 =	vperm.xlane v3, v0;
	_ =	sdelay $0x1  }
0x23: {  	v4 =	vadd.s32 v1, v4;
	_ =	sdelay $0x3  }
0x24: {  	s0 =	simm.s32 $0x100;
	v3 =	vperm.xlane v3, v2  }
0x25: {  	[tilespmem:s0], [sflag:$0x1] =	stream.indirect_vreg.gather [hbm4b:s1+s3], $0x80, v4, vm0, $0xb8;
	[tilespmem:$0x18100] =	vst v63  }
0x26: {  	v3 =	vadd.s32 v1, v3  }
0x27: {  	[tilespmem:s14], [sflag:$0x1] =	stream.indirect_vreg.gather [hbm4b:s4+s3], $0x80, v4, vm0, $0xb8;
	[tilespmem:$0x18100] =	vst v63  }
0x28: {  	_ = 	snop  }
0x29: {  	[tilespmem:s15], [sflag:$0x1] =	stream.indirect_vreg.gather [hbm4b:s5+s3], $0x80, v4, vm0, $0xb8;
	[tilespmem:$0x18100] =	vst v63  }
0x2a: {  	_ = 	snop  }
0x2b: {  	[tilespmem:s16], [sflag:$0x1] =	stream.indirect_vreg.gather [hbm4b:s1+s3], $0x80, v3, vm0, $0xb8;
	[tilespmem:$0x18100] =	vst v63  }
0x2c: {  	_ = 	snop  }
0x2d: {  	[tilespmem:s17], [sflag:$0x1] =	stream.indirect_vreg.gather [hbm4b:s4+s3], $0x80, v3, vm0, $0xb8;
	[tilespmem:$0x18100] =	vst v63  }
0x2e: {  	_ = 	snop  }
0x2f: {  	[tilespmem:s18], [sflag:$0x1] =	stream.indirect_vreg.gather [hbm4b:s5+s3], $0x80, v3, vm0, $0xb8;
	[tilespmem:$0x18100] =	vst v63  }
0x30: {  	v3 =	vld [tilespmem:$0x10];
	_ =	sdelay $0x4  }
0x31: {  	v49 =	vshrl.u32 v3, $0x3  }
0x32: {  	v4 =	vmul.u32 $0x30, v49  }
0x33: {  	v3 =	vand.u32 $0x7, v3  }
0x34: {  	v3 =	vor.u32 v3, v4  }
0x35: {  	v4 =	vperm.xlane v3, v0;
	_ =	sdelay $0x1  }
0x36: {  	v4 =	vadd.s32 v1, v4;
	_ =	sdelay $0x3  }
0x37: {  	v3 =	vperm.xlane v3, v2  }
0x38: {  	[tilespmem:s19], [sflag:$0x1] =	stream.indirect_vreg.gather [hbm4b:s1+s3], $0x80, v4, vm0, $0xb8;
	[tilespmem:$0x18100] =	vst v63  }
0x39: {  	v3 =	vadd.s32 v1, v3  }
0x3a: {  	[tilespmem:s20], [sflag:$0x1] =	stream.indirect_vreg.gather [hbm4b:s4+s3], $0x80, v4, vm0, $0xb8;
	[tilespmem:$0x18100] =	vst v63  }
0x3b: {  	_ = 	snop  }
0x3c: {  	[tilespmem:s21], [sflag:$0x1] =	stream.indirect_vreg.gather [hbm4b:s5+s3], $0x80, v4, vm0, $0xb8;
	[tilespmem:$0x18100] =	vst v63  }
0x3d: {  	_ = 	snop  }
0x3e: {  	[tilespmem:s22], [sflag:$0x1] =	stream.indirect_vreg.gather [hbm4b:s1+s3], $0x80, v3, vm0, $0xb8;
	[tilespmem:$0x18100] =	vst v63  }
0x3f: {  	_ = 	snop  }
0x40: {  	[tilespmem:s23], [sflag:$0x1] =	stream.indirect_vreg.gather [hbm4b:s4+s3], $0x80, v3, vm0, $0xb8;
	[tilespmem:$0x18100] =	vst v63  }
0x41: {  	_ = 	snop  }
0x42: {  	[tilespmem:s24], [sflag:$0x1] =	stream.indirect_vreg.gather [hbm4b:s5+s3], $0x80, v3, vm0, $0xb8;
	[tilespmem:$0x18100] =	vst v63  }
0x43: {  	v3 =	vld [tilespmem:$0x20];
	_ =	sdelay $0x4  }
0x44: {  	v50 =	vshrl.u32 v3, $0x3  }
0x45: {  	v4 =	vmul.u32 $0x30, v50  }
0x46: {  	v3 =	vand.u32 $0x7, v3  }
0x47: {  	v3 =	vor.u32 v3, v4  }
0x48: {  	v4 =	vperm.xlane v3, v0;
	_ =	sdelay $0x1  }
0x49: {  	v4 =	vadd.s32 v1, v4;
	_ =	sdelay $0x3  }
0x4a: {  	v3 =	vperm.xlane v3, v2  }
0x4b: {  	[tilespmem:s25], [sflag:$0x1] =	stream.indirect_vreg.gather [hbm4b:s1+s3], $0x80, v4, vm0, $0xb8;
	[tilespmem:$0x18100] =	vst v63  }
0x4c: {  	v3 =	vadd.s32 v1, v3  }
0x4d: {  	[tilespmem:s26], [sflag:$0x1] =	stream.indirect_vreg.gather [hbm4b:s4+s3], $0x80, v4, vm0, $0xb8;
	[tilespmem:$0x18100] =	vst v63  }
0x4e: {  	_ = 	snop  }
0x4f: {  	[tilespmem:s28], [sflag:$0x1] =	stream.indirect_vreg.gather [hbm4b:s5+s3], $0x80, v4, vm0, $0xb8;
	[tilespmem:$0x18100] =	vst v63  }
0x50: {  	_ = 	snop  }
0x51: {  	[tilespmem:s29], [sflag:$0x1] =	stream.indirect_vreg.gather [hbm4b:s1+s3], $0x80, v3, vm0, $0xb8;
	[tilespmem:$0x18100] =	vst v63  }
0x52: {  	_ = 	snop  }
0x53: {  	[tilespmem:s30], [sflag:$0x1] =	stream.indirect_vreg.gather [hbm4b:s4+s3], $0x80, v3, vm0, $0xb8;
	[tilespmem:$0x18100] =	vst v63  }
0x54: {  	_ = 	snop  }
0x55: {  	[tilespmem:s31], [sflag:$0x1] =	stream.indirect_vreg.gather [hbm4b:s5+s3], $0x80, v3, vm0, $0xb8;
	[tilespmem:$0x18100] =	vst v63  }
0x56: {  	v3 =	vld [tilespmem:$0x30];
	_ =	sdelay $0x4  }
0x57: {  	v51 =	vshrl.u32 v3, $0x3  }
0x58: {  	v4 =	vmul.u32 $0x30, v51  }
0x59: {  	v3 =	vand.u32 $0x7, v3  }
0x5a: {  	v3 =	vor.u32 v3, v4  }
0x5b: {  	v4 =	vperm.xlane v3, v0;
	_ =	sdelay $0x1  }
0x5c: {  	v4 =	vadd.s32 v1, v4;
	_ =	sdelay $0x3  }
0x5d: {  	s12 =	simm.s32 $0x9100;
	v3 =	vperm.xlane v3, v2  }
0x5e: {  	[tilespmem:s12], [sflag:$0x1] =	stream.indirect_vreg.gather [hbm4b:s1+s3], $0x80, v4, vm0, $0xb8;
	[tilespmem:$0x18100] =	vst v63  }
0x5f: {  	s13 =	simm.s32 $0x9900;
	v3 =	vadd.s32 v1, v3  }
0x60: {  	[tilespmem:s13], [sflag:$0x1] =	stream.indirect_vreg.gather [hbm4b:s4+s3], $0x80, v4, vm0, $0xb8;
	[tilespmem:$0x18100] =	vst v63  }
0x61: {  	s12 =	simm.s32 $0xA100  }
0x62: {  	[tilespmem:s12], [sflag:$0x1] =	stream.indirect_vreg.gather [hbm4b:s5+s3], $0x80, v4, vm0, $0xb8;
	[tilespmem:$0x18100] =	vst v63  }
0x63: {  	_ = 	snop  }
0x64: {  	[tilespmem:s9], [sflag:$0x1] =	stream.indirect_vreg.gather [hbm4b:s1+s3], $0x80, v3, vm0, $0xb8;
	[tilespmem:$0x18100] =	vst v63  }
0x65: {  	s13 =	simm.s32 $0xB100  }
0x66: {  	[tilespmem:s13], [sflag:$0x1] =	stream.indirect_vreg.gather [hbm4b:s4+s3], $0x80, v3, vm0, $0xb8;
	[tilespmem:$0x18100] =	vst v63  }
0x67: {  	_ = 	snop  }
0x68: {  	[tilespmem:s8], [sflag:$0x1] =	stream.indirect_vreg.gather [hbm4b:s5+s3], $0x80, v3, vm0, $0xb8;
	[tilespmem:$0x18100] =	vst v63  }
0x69: {  	s0 =	rddreg [dreg:$0x4];
	s13 =	simm.s32 $0x80  }
0x6a: {  	[tilespmem:s13], [sflag:$0x3] =	stream.linear.gather [hbm4b:s0+s3], $0x40, $0x38;
	[tilespmem:$0x18100] =	vst v63  }
0x6b: {  	_ =	swait.ge [sflag:s7], $0x40  }
0x6c: {  	[sflag:s7] =	ssyncset.done $0x0  }
0x6d: {  	[sflag:s7] =	ssyncadd.s32 $0xFFFFFFC0  }
0x6e: {  	v3 =	vld [tilespmem:$0x80];
	_ =	sdelay $0x4  }
0x6f: {  	v52 =	vshrl.u32 v3, $0x3  }
0x70: {  	v4 =	vmul.u32 $0x30, v52  }
0x71: {  	v3 =	vand.u32 $0x7, v3  }
0x72: {  	v3 =	vor.u32 v3, v4  }
0x73: {  	v4 =	vperm.xlane v3, v0;
	_ =	sdelay $0x1  }
0x74: {  	v4 =	vadd.s32 v1, v4;
	_ =	sdelay $0x3  }
0x75: {  	v3 =	vperm.xlane v3, v2  }
0x76: {  	[tilespmem:s2], [sflag:$0x1] =	stream.indirect_vreg.gather [hbm4b:s1+s3], $0x80, v4, vm0, $0xb8;
	[tilespmem:$0x18100] =	vst v63  }
0x77: {  	s12 =	simm.s32 $0xC900;
	v3 =	vadd.s32 v1, v3  }
0x78: {  	[tilespmem:s12], [sflag:$0x1] =	stream.indirect_vreg.gather [hbm4b:s4+s3], $0x80, v4, vm0, $0xb8;
	[tilespmem:$0x18100] =	vst v63  }
0x79: {  	s13 =	simm.s32 $0xD100  }
0x7a: {  	[tilespmem:s13], [sflag:$0x1] =	stream.indirect_vreg.gather [hbm4b:s5+s3], $0x80, v4, vm0, $0xb8;
	[tilespmem:$0x18100] =	vst v63  }
0x7b: {  	s12 =	simm.s32 $0xD900  }
0x7c: {  	[tilespmem:s12], [sflag:$0x1] =	stream.indirect_vreg.gather [hbm4b:s1+s3], $0x80, v3, vm0, $0xb8;
	[tilespmem:$0x18100] =	vst v63  }
0x7d: {  	s13 =	simm.s32 $0xE100  }
0x7e: {  	[tilespmem:s13], [sflag:$0x1] =	stream.indirect_vreg.gather [hbm4b:s4+s3], $0x80, v3, vm0, $0xb8;
	[tilespmem:$0x18100] =	vst v63  }
0x7f: {  	s12 =	simm.s32 $0xE900  }
0x80: {  	[tilespmem:s12], [sflag:$0x1] =	stream.indirect_vreg.gather [hbm4b:s5+s3], $0x80, v3, vm0, $0xb8;
	[tilespmem:$0x18100] =	vst v63  }
0x81: {  	v3 =	vld [tilespmem:$0x90];
	_ =	sdelay $0x4  }
0x82: {  	v53 =	vshrl.u32 v3, $0x3  }
0x83: {  	v4 =	vmul.u32 $0x30, v53  }
0x84: {  	v3 =	vand.u32 $0x7, v3  }
0x85: {  	v3 =	vor.u32 v3, v4  }
0x86: {  	v4 =	vperm.xlane v3, v0;
	_ =	sdelay $0x1  }
0x87: {  	v4 =	vadd.s32 v1, v4;
	_ =	sdelay $0x3  }
0x88: {  	s13 =	simm.s32 $0xF100;
	v3 =	vperm.xlane v3, v2  }
0x89: {  	[tilespmem:s13], [sflag:$0x1] =	stream.indirect_vreg.gather [hbm4b:s1+s3], $0x80, v4, vm0, $0xb8;
	[tilespmem:$0x18100] =	vst v63  }
0x8a: {  	s12 =	simm.s32 $0xF900;
	v3 =	vadd.s32 v1, v3  }
0x8b: {  	[tilespmem:s12], [sflag:$0x1] =	stream.indirect_vreg.gather [hbm4b:s4+s3], $0x80, v4, vm0, $0xb8;
	[tilespmem:$0x18100] =	vst v63  }
0x8c: {  	s13 =	simm.s32 $0x10100  }
0x8d: {  	[tilespmem:s13], [sflag:$0x1] =	stream.indirect_vreg.gather [hbm4b:s5+s3], $0x80, v4, vm0, $0xb8;
	[tilespmem:$0x18100] =	vst v63  }
0x8e: {  	s12 =	simm.s32 $0x10900  }
0x8f: {  	[tilespmem:s12], [sflag:$0x1] =	stream.indirect_vreg.gather [hbm4b:s1+s3], $0x80, v3, vm0, $0xb8;
	[tilespmem:$0x18100] =	vst v63  }
0x90: {  	s13 =	simm.s32 $0x11100  }
0x91: {  	[tilespmem:s13], [sflag:$0x1] =	stream.indirect_vreg.gather [hbm4b:s4+s3], $0x80, v3, vm0, $0xb8;
	[tilespmem:$0x18100] =	vst v63  }
0x92: {  	s12 =	simm.s32 $0x11900  }
0x93: {  	[tilespmem:s12], [sflag:$0x1] =	stream.indirect_vreg.gather [hbm4b:s5+s3], $0x80, v3, vm0, $0xb8;
	[tilespmem:$0x18100] =	vst v63  }
0x94: {  	v3 =	vld [tilespmem:$0xA0];
	_ =	sdelay $0x4  }
0x95: {  	v54 =	vshrl.u32 v3, $0x3  }
0x96: {  	v4 =	vmul.u32 $0x30, v54  }
0x97: {  	v3 =	vand.u32 $0x7, v3  }
0x98: {  	v3 =	vor.u32 v3, v4  }
0x99: {  	v4 =	vperm.xlane v3, v0;
	_ =	sdelay $0x1  }
0x9a: {  	v4 =	vadd.s32 v1, v4;
	_ =	sdelay $0x3  }
0x9b: {  	s13 =	simm.s32 $0x12100;
	v3 =	vperm.xlane v3, v2  }
0x9c: {  	[tilespmem:s13], [sflag:$0x1] =	stream.indirect_vreg.gather [hbm4b:s1+s3], $0x80, v4, vm0, $0xb8;
	[tilespmem:$0x18100] =	vst v63  }
0x9d: {  	s12 =	simm.s32 $0x12900;
	v3 =	vadd.s32 v1, v3  }
0x9e: {  	[tilespmem:s12], [sflag:$0x1] =	stream.indirect_vreg.gather [hbm4b:s4+s3], $0x80, v4, vm0, $0xb8;
	[tilespmem:$0x18100] =	vst v63  }
0x9f: {  	s13 =	simm.s32 $0x13100  }
0xa0: {  	[tilespmem:s13], [sflag:$0x1] =	stream.indirect_vreg.gather [hbm4b:s5+s3], $0x80, v4, vm0, $0xb8;
	[tilespmem:$0x18100] =	vst v63  }
0xa1: {  	s12 =	simm.s32 $0x13900  }
0xa2: {  	[tilespmem:s12], [sflag:$0x1] =	stream.indirect_vreg.gather [hbm4b:s1+s3], $0x80, v3, vm0, $0xb8;
	[tilespmem:$0x18100] =	vst v63  }
0xa3: {  	s13 =	simm.s32 $0x14100  }
0xa4: {  	[tilespmem:s13], [sflag:$0x1] =	stream.indirect_vreg.gather [hbm4b:s4+s3], $0x80, v3, vm0, $0xb8;
	[tilespmem:$0x18100] =	vst v63  }
0xa5: {  	s12 =	simm.s32 $0x14900  }
0xa6: {  	[tilespmem:s12], [sflag:$0x1] =	stream.indirect_vreg.gather [hbm4b:s5+s3], $0x80, v3, vm0, $0xb8;
	[tilespmem:$0x18100] =	vst v63  }
0xa7: {  	v3 =	vld [tilespmem:$0xB0];
	_ =	sdelay $0x4  }
0xa8: {  	v55 =	vshrl.u32 v3, $0x3  }
0xa9: {  	v4 =	vmul.u32 $0x30, v55  }
0xaa: {  	v3 =	vand.u32 $0x7, v3  }
0xab: {  	v3 =	vor.u32 v3, v4  }
0xac: {  	v4 =	vperm.xlane v3, v0;
	_ =	sdelay $0x1  }
0xad: {  	v4 =	vadd.s32 v1, v4;
	_ =	sdelay $0x3  }
0xae: {  	s13 =	simm.s32 $0x15100;
	v3 =	vperm.xlane v3, v2  }
0xaf: {  	[tilespmem:s13], [sflag:$0x1] =	stream.indirect_vreg.gather [hbm4b:s1+s3], $0x80, v4, vm0, $0xb8;
	[tilespmem:$0x18100] =	vst v63  }
0xb0: {  	s12 =	simm.s32 $0x15900;
	v3 =	vadd.s32 v1, v3  }
0xb1: {  	[tilespmem:s12], [sflag:$0x1] =	stream.indirect_vreg.gather [hbm4b:s4+s3], $0x80, v4, vm0, $0xb8;
	[tilespmem:$0x18100] =	vst v63  }
0xb2: {  	s13 =	simm.s32 $0x16100  }
0xb3: {  	[tilespmem:s13], [sflag:$0x1] =	stream.indirect_vreg.gather [hbm4b:s5+s3], $0x80, v4, vm0, $0xb8;
	[tilespmem:$0x18100] =	vst v63  }
0xb4: {  	s12 =	simm.s32 $0x16900  }
0xb5: {  	[tilespmem:s12], [sflag:$0x1] =	stream.indirect_vreg.gather [hbm4b:s1+s3], $0x80, v3, vm0, $0xb8;
	[tilespmem:$0x18100] =	vst v63  }
0xb6: {  	s13 =	simm.s32 $0x17100  }
0xb7: {  	[tilespmem:s13], [sflag:$0x1] =	stream.indirect_vreg.gather [hbm4b:s4+s3], $0x80, v3, vm0, $0xb8;
	[tilespmem:$0x18100] =	vst v63  }
0xb8: {  	s12 =	simm.s32 $0x17900  }
0xb9: {  	[tilespmem:s12], [sflag:$0x1] =	stream.indirect_vreg.gather [hbm4b:s5+s3], $0x80, v3, vm0, $0xb8;
	[tilespmem:$0x18100] =	vst v63  }
0xba: {  	_ =	swait.ge [sflag:s10], $0xC000  }
0xbb: {  	[sflag:s10] =	ssyncset.done $0x0  }
0xbc: {  	s0 =	simm.s32 $0x100;
	s12 =	rddreg [dreg:$0x5];
	[sflag:s10] =	ssyncadd.s32 $0xFFFF4000  }
0xbd: {  	[hbm4b:s12+s3] =	stream.linear.scatter [tilespmem:s0], [sflag:$0x2], $0xC000, $0x38;
	[tilespmem:$0x18100] =	vst v63  }
0xbe: {  	s13 =	rddreg [dreg:$0x6]  }
0xbf: {  	[tilespmem:s3], [sflag:$0x3] =	stream.linear.gather [hbm4b:s13+s3], $0x40, $0x38;
	[tilespmem:$0x18100] =	vst v63  }
0xc0: {  	_ =	swait.ge [sflag:s7], $0x40  }
0xc1: {  	[sflag:s7] =	ssyncset.done $0x0  }
0xc2: {  	[sflag:s7] =	ssyncadd.s32 $0xFFFFFFC0  }
0xc3: {  	_ =	swait.ge [sflag:s11], $0xC000  }
0xc4: {  	[sflag:s11] =	ssyncset.done $0x0  }
0xc5: {  	[sflag:s11] =	ssyncadd.s32 $0xFFFF4000  }
0xc6: {  	v3 =	vld [tilespmem:$0x0];
	_ =	sdelay $0x4  }
0xc7: {  	v56 =	vshrl.u32 v3, $0x3  }
0xc8: {  	v4 =	vmul.u32 $0x30, v56  }
0xc9: {  	v3 =	vand.u32 $0x7, v3  }
0xca: {  	v3 =	vor.u32 v3, v4  }
0xcb: {  	v4 =	vperm.xlane v3, v0;
	_ =	sdelay $0x1  }
0xcc: {  	v4 =	vadd.s32 v1, v4;
	_ =	sdelay $0x3  }
0xcd: {  	v3 =	vperm.xlane v3, v2  }
0xce: {  	[tilespmem:s0], [sflag:$0x1] =	stream.indirect_vreg.gather [hbm4b:s1+s3], $0x80, v4, vm0, $0xb8;
	[tilespmem:$0x18100] =	vst v63  }
0xcf: {  	v3 =	vadd.s32 v1, v3  }
0xd0: {  	[tilespmem:s14], [sflag:$0x1] =	stream.indirect_vreg.gather [hbm4b:s4+s3], $0x80, v4, vm0, $0xb8;
	[tilespmem:$0x18100] =	vst v63  }
0xd1: {  	_ = 	snop  }
0xd2: {  	[tilespmem:s15], [sflag:$0x1] =	stream.indirect_vreg.gather [hbm4b:s5+s3], $0x80, v4, vm0, $0xb8;
	[tilespmem:$0x18100] =	vst v63  }
0xd3: {  	_ = 	snop  }
0xd4: {  	[tilespmem:s16], [sflag:$0x1] =	stream.indirect_vreg.gather [hbm4b:s1+s3], $0x80, v3, vm0, $0xb8;
	[tilespmem:$0x18100] =	vst v63  }
0xd5: {  	_ = 	snop  }
0xd6: {  	[tilespmem:s17], [sflag:$0x1] =	stream.indirect_vreg.gather [hbm4b:s4+s3], $0x80, v3, vm0, $0xb8;
	[tilespmem:$0x18100] =	vst v63  }
0xd7: {  	_ = 	snop  }
0xd8: {  	[tilespmem:s18], [sflag:$0x1] =	stream.indirect_vreg.gather [hbm4b:s5+s3], $0x80, v3, vm0, $0xb8;
	[tilespmem:$0x18100] =	vst v63  }
0xd9: {  	v3 =	vld [tilespmem:$0x10];
	_ =	sdelay $0x4  }
0xda: {  	v57 =	vshrl.u32 v3, $0x3  }
0xdb: {  	v4 =	vmul.u32 $0x30, v57  }
0xdc: {  	v3 =	vand.u32 $0x7, v3  }
0xdd: {  	v3 =	vor.u32 v3, v4  }
0xde: {  	v4 =	vperm.xlane v3, v0;
	_ =	sdelay $0x1  }
0xdf: {  	v4 =	vadd.s32 v1, v4;
	_ =	sdelay $0x3  }
0xe0: {  	v3 =	vperm.xlane v3, v2  }
0xe1: {  	[tilespmem:s19], [sflag:$0x1] =	stream.indirect_vreg.gather [hbm4b:s1+s3], $0x80, v4, vm0, $0xb8;
	[tilespmem:$0x18100] =	vst v63  }
0xe2: {  	v3 =	vadd.s32 v1, v3  }
0xe3: {  	[tilespmem:s20], [sflag:$0x1] =	stream.indirect_vreg.gather [hbm4b:s4+s3], $0x80, v4, vm0, $0xb8;
	[tilespmem:$0x18100] =	vst v63  }
0xe4: {  	_ = 	snop  }
0xe5: {  	[tilespmem:s21], [sflag:$0x1] =	stream.indirect_vreg.gather [hbm4b:s5+s3], $0x80, v4, vm0, $0xb8;
	[tilespmem:$0x18100] =	vst v63  }
0xe6: {  	_ = 	snop  }
0xe7: {  	[tilespmem:s22], [sflag:$0x1] =	stream.indirect_vreg.gather [hbm4b:s1+s3], $0x80, v3, vm0, $0xb8;
	[tilespmem:$0x18100] =	vst v63  }
0xe8: {  	_ = 	snop  }
0xe9: {  	[tilespmem:s23], [sflag:$0x1] =	stream.indirect_vreg.gather [hbm4b:s4+s3], $0x80, v3, vm0, $0xb8;
	[tilespmem:$0x18100] =	vst v63  }
0xea: {  	_ = 	snop  }
0xeb: {  	[tilespmem:s24], [sflag:$0x1] =	stream.indirect_vreg.gather [hbm4b:s5+s3], $0x80, v3, vm0, $0xb8;
	[tilespmem:$0x18100] =	vst v63  }
0xec: {  	v3 =	vld [tilespmem:$0x20];
	_ =	sdelay $0x4  }
0xed: {  	v58 =	vshrl.u32 v3, $0x3  }
0xee: {  	v4 =	vmul.u32 $0x30, v58  }
0xef: {  	v3 =	vand.u32 $0x7, v3  }
0xf0: {  	v3 =	vor.u32 v3, v4  }
0xf1: {  	v4 =	vperm.xlane v3, v0;
	_ =	sdelay $0x1  }
0xf2: {  	v4 =	vadd.s32 v1, v4;
	_ =	sdelay $0x3  }
0xf3: {  	v3 =	vperm.xlane v3, v2  }
0xf4: {  	[tilespmem:s25], [sflag:$0x1] =	stream.indirect_vreg.gather [hbm4b:s1+s3], $0x80, v4, vm0, $0xb8;
	[tilespmem:$0x18100] =	vst v63  }
0xf5: {  	v3 =	vadd.s32 v1, v3  }
0xf6: {  	[tilespmem:s26], [sflag:$0x1] =	stream.indirect_vreg.gather [hbm4b:s4+s3], $0x80, v4, vm0, $0xb8;
	[tilespmem:$0x18100] =	vst v63  }
0xf7: {  	_ = 	snop  }
0xf8: {  	[tilespmem:s28], [sflag:$0x1] =	stream.indirect_vreg.gather [hbm4b:s5+s3], $0x80, v4, vm0, $0xb8;
	[tilespmem:$0x18100] =	vst v63  }
0xf9: {  	_ = 	snop  }
0xfa: {  	[tilespmem:s29], [sflag:$0x1] =	stream.indirect_vreg.gather [hbm4b:s1+s3], $0x80, v3, vm0, $0xb8;
	[tilespmem:$0x18100] =	vst v63  }
0xfb: {  	_ = 	snop  }
0xfc: {  	[tilespmem:s30], [sflag:$0x1] =	stream.indirect_vreg.gather [hbm4b:s4+s3], $0x80, v3, vm0, $0xb8;
	[tilespmem:$0x18100] =	vst v63  }
0xfd: {  	_ = 	snop  }
0xfe: {  	[tilespmem:s31], [sflag:$0x1] =	stream.indirect_vreg.gather [hbm4b:s5+s3], $0x80, v3, vm0, $0xb8;
	[tilespmem:$0x18100] =	vst v63  }
0xff: {  	v3 =	vld [tilespmem:$0x30];
	_ =	sdelay $0x4  }
0x100: {  	v59 =	vshrl.u32 v3, $0x3  }
0x101: {  	v4 =	vmul.u32 $0x30, v59  }
0x102: {  	v3 =	vand.u32 $0x7, v3  }
0x103: {  	v3 =	vor.u32 v3, v4  }
0x104: {  	v4 =	vperm.xlane v3, v0;
	_ =	sdelay $0x1  }
0x105: {  	v4 =	vadd.s32 v1, v4;
	_ =	sdelay $0x3  }
0x106: {  	s13 =	simm.s32 $0x9100;
	v3 =	vperm.xlane v3, v2  }
0x107: {  	[tilespmem:s13], [sflag:$0x1] =	stream.indirect_vreg.gather [hbm4b:s1+s3], $0x80, v4, vm0, $0xb8;
	[tilespmem:$0x18100] =	vst v63  }
0x108: {  	s12 =	simm.s32 $0x9900;
	v3 =	vadd.s32 v1, v3  }
0x109: {  	[tilespmem:s12], [sflag:$0x1] =	stream.indirect_vreg.gather [hbm4b:s4+s3], $0x80, v4, vm0, $0xb8;
	[tilespmem:$0x18100] =	vst v63  }
0x10a: {  	s13 =	simm.s32 $0xA100  }
0x10b: {  	[tilespmem:s13], [sflag:$0x1] =	stream.indirect_vreg.gather [hbm4b:s5+s3], $0x80, v4, vm0, $0xb8;
	[tilespmem:$0x18100] =	vst v63  }
0x10c: {  	_ = 	snop  }
0x10d: {  	[tilespmem:s9], [sflag:$0x1] =	stream.indirect_vreg.gather [hbm4b:s1+s3], $0x80, v3, vm0, $0xb8;
	[tilespmem:$0x18100] =	vst v63  }
0x10e: {  	s12 =	simm.s32 $0xB100  }
0x10f: {  	[tilespmem:s12], [sflag:$0x1] =	stream.indirect_vreg.gather [hbm4b:s4+s3], $0x80, v3, vm0, $0xb8;
	[tilespmem:$0x18100] =	vst v63  }
0x110: {  	_ = 	snop  }
0x111: {  	[tilespmem:s8], [sflag:$0x1] =	stream.indirect_vreg.gather [hbm4b:s5+s3], $0x80, v3, vm0, $0xb8;
	[tilespmem:$0x18100] =	vst v63  }
0x112: {  	_ =	swait.ge [sflag:s10], $0xC000  }
0x113: {  	[sflag:s10] =	ssyncset.done $0x0  }
0x114: {  	s13 =	rddreg [dreg:$0x7];
	[sflag:s10] =	ssyncadd.s32 $0xFFFF4000  }
0x115: {  	[hbm4b:s13+s3] =	stream.linear.scatter [tilespmem:s2], [sflag:$0x2], $0xC000, $0x38;
	[tilespmem:$0x18100] =	vst v63  }
0x116: {  	s12 =	simm.s32 $0x80;
	s0 =	rddreg [dreg:$0x8]  }
0x117: {  	[tilespmem:s12], [sflag:$0x3] =	stream.linear.gather [hbm4b:s0+s3], $0x40, $0x38;
	[tilespmem:$0x18100] =	vst v63  }
0x118: {  	_ =	swait.ge [sflag:s7], $0x40  }
0x119: {  	[sflag:s7] =	ssyncset.done $0x0  }
0x11a: {  	[sflag:s7] =	ssyncadd.s32 $0xFFFFFFC0  }
0x11b: {  	_ =	swait.ge [sflag:s11], $0xC000  }
0x11c: {  	[sflag:s11] =	ssyncset.done $0x0  }
0x11d: {  	[sflag:s11] =	ssyncadd.s32 $0xFFFF4000  }
0x11e: {  	v3 =	vld [tilespmem:$0x80];
	_ =	sdelay $0x4  }
0x11f: {  	v60 =	vshrl.u32 v3, $0x3  }
0x120: {  	v4 =	vmul.u32 $0x30, v60  }
0x121: {  	v3 =	vand.u32 $0x7, v3  }
0x122: {  	v3 =	vor.u32 v3, v4  }
0x123: {  	v4 =	vperm.xlane v3, v0;
	_ =	sdelay $0x1  }
0x124: {  	v4 =	vadd.s32 v1, v4;
	_ =	sdelay $0x3  }
0x125: {  	v3 =	vperm.xlane v3, v2  }
0x126: {  	[tilespmem:s2], [sflag:$0x1] =	stream.indirect_vreg.gather [hbm4b:s1+s3], $0x80, v4, vm0, $0xb8;
	[tilespmem:$0x18100] =	vst v63  }
0x127: {  	s13 =	simm.s32 $0xC900;
	v3 =	vadd.s32 v1, v3  }
0x128: {  	[tilespmem:s13], [sflag:$0x1] =	stream.indirect_vreg.gather [hbm4b:s4+s3], $0x80, v4, vm0, $0xb8;
	[tilespmem:$0x18100] =	vst v63  }
0x129: {  	s12 =	simm.s32 $0xD100  }
0x12a: {  	[tilespmem:s12], [sflag:$0x1] =	stream.indirect_vreg.gather [hbm4b:s5+s3], $0x80, v4, vm0, $0xb8;
	[tilespmem:$0x18100] =	vst v63  }
0x12b: {  	s13 =	simm.s32 $0xD900  }
0x12c: {  	[tilespmem:s13], [sflag:$0x1] =	stream.indirect_vreg.gather [hbm4b:s1+s3], $0x80, v3, vm0, $0xb8;
	[tilespmem:$0x18100] =	vst v63  }
0x12d: {  	s12 =	simm.s32 $0xE100  }
0x12e: {  	[tilespmem:s12], [sflag:$0x1] =	stream.indirect_vreg.gather [hbm4b:s4+s3], $0x80, v3, vm0, $0xb8;
	[tilespmem:$0x18100] =	vst v63  }
0x12f: {  	s13 =	simm.s32 $0xE900  }
0x130: {  	[tilespmem:s13], [sflag:$0x1] =	stream.indirect_vreg.gather [hbm4b:s5+s3], $0x80, v3, vm0, $0xb8;
	[tilespmem:$0x18100] =	vst v63  }
0x131: {  	v3 =	vld [tilespmem:$0x90];
	_ =	sdelay $0x4  }
0x132: {  	v61 =	vshrl.u32 v3, $0x3  }
0x133: {  	v4 =	vmul.u32 $0x30, v61  }
0x134: {  	v3 =	vand.u32 $0x7, v3  }
0x135: {  	v3 =	vor.u32 v3, v4  }
0x136: {  	v4 =	vperm.xlane v3, v0;
	_ =	sdelay $0x1  }
0x137: {  	v4 =	vadd.s32 v1, v4;
	_ =	sdelay $0x3  }
0x138: {  	s12 =	simm.s32 $0xF100;
	v3 =	vperm.xlane v3, v2  }
0x139: {  	[tilespmem:s12], [sflag:$0x1] =	stream.indirect_vreg.gather [hbm4b:s1+s3], $0x80, v4, vm0, $0xb8;
	[tilespmem:$0x18100] =	vst v63  }
0x13a: {  	s13 =	simm.s32 $0xF900;
	v3 =	vadd.s32 v1, v3  }
0x13b: {  	[tilespmem:s13], [sflag:$0x1] =	stream.indirect_vreg.gather [hbm4b:s4+s3], $0x80, v4, vm0, $0xb8;
	[tilespmem:$0x18100] =	vst v63  }
0x13c: {  	s12 =	simm.s32 $0x10100  }
0x13d: {  	[tilespmem:s12], [sflag:$0x1] =	stream.indirect_vreg.gather [hbm4b:s5+s3], $0x80, v4, vm0, $0xb8;
	[tilespmem:$0x18100] =	vst v63  }
0x13e: {  	s13 =	simm.s32 $0x10900  }
0x13f: {  	[tilespmem:s13], [sflag:$0x1] =	stream.indirect_vreg.gather [hbm4b:s1+s3], $0x80, v3, vm0, $0xb8;
	[tilespmem:$0x18100] =	vst v63  }
0x140: {  	s12 =	simm.s32 $0x11100  }
0x141: {  	[tilespmem:s12], [sflag:$0x1] =	stream.indirect_vreg.gather [hbm4b:s4+s3], $0x80, v3, vm0, $0xb8;
	[tilespmem:$0x18100] =	vst v63  }
0x142: {  	s13 =	simm.s32 $0x11900  }
0x143: {  	[tilespmem:s13], [sflag:$0x1] =	stream.indirect_vreg.gather [hbm4b:s5+s3], $0x80, v3, vm0, $0xb8;
	[tilespmem:$0x18100] =	vst v63  }
0x144: {  	v3 =	vld [tilespmem:$0xA0];
	_ =	sdelay $0x4  }
0x145: {  	v62 =	vshrl.u32 v3, $0x3  }
0x146: {  	v4 =	vmul.u32 $0x30, v62  }
0x147: {  	v3 =	vand.u32 $0x7, v3  }
0x148: {  	v3 =	vor.u32 v3, v4  }
0x149: {  	v4 =	vperm.xlane v3, v0;
	_ =	sdelay $0x1  }
0x14a: {  	v4 =	vadd.s32 v1, v4;
	_ =	sdelay $0x3  }
0x14b: {  	s12 =	simm.s32 $0x12100;
	v3 =	vperm.xlane v3, v2  }
0x14c: {  	[tilespmem:s12], [sflag:$0x1] =	stream.indirect_vreg.gather [hbm4b:s1+s3], $0x80, v4, vm0, $0xb8;
	[tilespmem:$0x18100] =	vst v63  }
0x14d: {  	s13 =	simm.s32 $0x12900;
	v3 =	vadd.s32 v1, v3  }
0x14e: {  	[tilespmem:s13], [sflag:$0x1] =	stream.indirect_vreg.gather [hbm4b:s4+s3], $0x80, v4, vm0, $0xb8;
	[tilespmem:$0x18100] =	vst v63  }
0x14f: {  	s12 =	simm.s32 $0x13100  }
0x150: {  	[tilespmem:s12], [sflag:$0x1] =	stream.indirect_vreg.gather [hbm4b:s5+s3], $0x80, v4, vm0, $0xb8;
	[tilespmem:$0x18100] =	vst v63  }
0x151: {  	s13 =	simm.s32 $0x13900  }
0x152: {  	[tilespmem:s13], [sflag:$0x1] =	stream.indirect_vreg.gather [hbm4b:s1+s3], $0x80, v3, vm0, $0xb8;
	[tilespmem:$0x18100] =	vst v63  }
0x153: {  	s12 =	simm.s32 $0x14100  }
0x154: {  	[tilespmem:s12], [sflag:$0x1] =	stream.indirect_vreg.gather [hbm4b:s4+s3], $0x80, v3, vm0, $0xb8;
	[tilespmem:$0x18100] =	vst v63  }
0x155: {  	s13 =	simm.s32 $0x14900  }
0x156: {  	[tilespmem:s13], [sflag:$0x1] =	stream.indirect_vreg.gather [hbm4b:s5+s3], $0x80, v3, vm0, $0xb8;
	[tilespmem:$0x18100] =	vst v63  }
0x157: {  	v3 =	vld [tilespmem:$0xB0];
	_ =	sdelay $0x4  }
0x158: {  	v63 =	vshrl.u32 v3, $0x3  }
0x159: {  	v4 =	vmul.u32 $0x30, v63  }
0x15a: {  	v3 =	vand.u32 $0x7, v3  }
0x15b: {  	v3 =	vor.u32 v3, v4  }
0x15c: {  	v4 =	vperm.xlane v3, v0;
	_ =	sdelay $0x1  }
0x15d: {  	v4 =	vadd.s32 v1, v4;
	_ =	sdelay $0x3  }
0x15e: {  	s12 =	simm.s32 $0x15100;
	v3 =	vperm.xlane v3, v2  }
0x15f: {  	[tilespmem:s12], [sflag:$0x1] =	stream.indirect_vreg.gather [hbm4b:s1+s3], $0x80, v4, vm0, $0xb8;
	[tilespmem:$0x18100] =	vst v63  }
0x160: {  	s13 =	simm.s32 $0x15900;
	v3 =	vadd.s32 v1, v3  }
0x161: {  	[tilespmem:s13], [sflag:$0x1] =	stream.indirect_vreg.gather [hbm4b:s4+s3], $0x80, v4, vm0, $0xb8;
	[tilespmem:$0x18100] =	vst v63  }
0x162: {  	s12 =	simm.s32 $0x16100  }
0x163: {  	[tilespmem:s12], [sflag:$0x1] =	stream.indirect_vreg.gather [hbm4b:s5+s3], $0x80, v4, vm0, $0xb8;
	[tilespmem:$0x18100] =	vst v63  }
0x164: {  	s13 =	simm.s32 $0x16900  }
0x165: {  	[tilespmem:s13], [sflag:$0x1] =	stream.indirect_vreg.gather [hbm4b:s1+s3], $0x80, v3, vm0, $0xb8;
	[tilespmem:$0x18100] =	vst v63  }
0x166: {  	s12 =	simm.s32 $0x17100  }
0x167: {  	[tilespmem:s12], [sflag:$0x1] =	stream.indirect_vreg.gather [hbm4b:s4+s3], $0x80, v3, vm0, $0xb8;
	[tilespmem:$0x18100] =	vst v63  }
0x168: {  	s13 =	simm.s32 $0x17900  }
0x169: {  	[tilespmem:s13], [sflag:$0x1] =	stream.indirect_vreg.gather [hbm4b:s5+s3], $0x80, v3, vm0, $0xb8;
	[tilespmem:$0x18100] =	vst v63  }
0x16a: {  	_ =	swait.ge [sflag:s10], $0xC000  }
0x16b: {  	[sflag:s10] =	ssyncset.done $0x0  }
0x16c: {  	s13 =	simm.s32 $0x100;
	s0 =	rddreg [dreg:$0x9];
	[sflag:s10] =	ssyncadd.s32 $0xFFFF4000  }
0x16d: {  	[hbm4b:s0+s3] =	stream.linear.scatter [tilespmem:s13], [sflag:$0x2], $0xC000, $0x38;
	[tilespmem:$0x18100] =	vst v63  }
0x16e: {  	_ =	swait.ge [sflag:s10], $0xC000  }
0x16f: {  	[sflag:s10] =	ssyncset.done $0x0  }
0x170: {  	s13 =	rddreg [dreg:$0xa];
	[sflag:s10] =	ssyncadd.s32 $0xFFFF4000  }
0x171: {  	[hbm4b:s13+s3] =	stream.linear.scatter [tilespmem:s2], [sflag:$0x2], $0xC000, $0x38;
	[tilespmem:$0x18100] =	vst v63  }
0x172: {  	p0 =	sne.s32 s6, $0x1;
	_ =	swait.ge [sflag:s11], $0xC000  }
.Ltmp0:
0x173: {  	[sflag:s11] =	ssyncset.done $0x0;
	(pc) =	sbr.rel @p0 .LBB2_1-.Ltmp0, $4  }
0x174: {  	[sflag:s11] =	ssyncadd.s32 $0xFFFF4000  }
0x175: {  	_ =	swait.ge [sflag:s11], $0xC000  }
0x176: {  	[sflag:s11] =	ssyncset.done $0x0  }
0x177: {  	s6 =	sadd.s32 $0xFFFFFFFF, s6;
	[sflag:s11] =	ssyncadd.s32 $0xFFFF4000  }
0x178: {  	_ =	sfence.sel $0x180000  }
0x179: {  	[bflag:$0x0] =	sbarrier.arrive $0xFFFF  }
0x17a: {  	_ =	strace $0x9000004A  }
0x17b: {  	s0 =	stileid.u32;
	[bflag:$0x2] =	sbarrier.arrive $0xFFFF  }
0x17c: {  	p0 =	sne.s32 s0, $0x0;
	s0 =	rddreg [dreg:$0x2]  }
0x17d: {  	s0 =	sadd.s32 @!p0 $0x100000, s0  }
0x17e: {  	[sflag:s0] =	ssyncadd.tile.s32 @!p0 $0x1;
	_ =	shalt  }
.Lfunc_end2:
_tile_overlayer_lowered:
.L_overlay_start_2:
0x17f: {  	(tag) =	ssettag $0x2  }
0x180: {  	s0 =	rddreg [dreg:$0x0];
	s2 =	stileid.u32  }
0x181: {  	s1 =	rddreg [dreg:$0x1];
	p0 =	sne.s32 s2, $0x0  }
0x182: {  	s3 =	rddreg [dreg:$0x2];
	[bflag:$0x3] =	sbarrier.arrive $0xFFFF;
	s2 =	simm.s32 @!p0 $0x1C03  }
0x183: {  	[timem:s3], [sflag:s2] =	dma.local @!p0 [hbm:s0], s1  }
0x184: {  	s0 =	simm.s32 @!p0 $0x3  }
0x185: {  	_ =	swait.ge @!p0 [sflag:s0], s1  }
0x186: {  	s1 =	ssub.s32 @!p0 $0x0, s1;
	[sflag:s0] =	ssyncset.done @!p0 $0x0  }
0x187: {  	[sflag:s0] =	ssyncadd.s32 @!p0 s1  }
0x188: {  	[bflag:$0x3] =	sbarrier.arrive $0xFFFF  }
0x189: {  	_ =	shalt  }

// kernel: kernel.8.cloned.1.call-start
scs
__scs_entry_jumppad:
0x0: {  	(pc) =	sbr.rel $0x88, $3  }
0x1: {  	(tag) =	ssettag $0x0;
	lr =	simm.s32 $0x1  }
0x2: {  	[smem:$0x3F8F] =	sst lr;
	_ =	strace $0xD0000000  }
0x3: {  	_ = 	snop  }
0x4: {  	_ = 	snop  }
0x5: {  	_ = 	snop  }
0x6: {  	_ = 	snop  }
0x7: {  	_ = 	snop  }
__scs_overlays_trampoline_lowered:
0x8: {  	[smem:$0x3F9E] =	sst s0  }
0x9: {  	[smem:$0x3F9F] =	sst s1  }
0xa: {  	[smem:$0x3FA0] =	sst s2  }
0xb: {  	[smem:$0x3FA1] =	sst s3  }
0xc: {  	[smem:$0x3FA2] =	sst s4  }
0xd: {  	[smem:$0x3FA3] =	sst s5  }
0xe: {  	[smem:$0x3FA4] =	sst s6  }
0xf: {  	[smem:$0x3FA5] =	sst s7  }
0x10: {  	[smem:$0x3FA6] =	sst s8  }
0x11: {  	[smem:$0x3FA7] =	sst s9;
	s0 =	simm.s32 @!p0 $0x0  }
0x12: {  	s1 =	sld [smem:$0x3F8D];
	s0 =	simm.s32 @p0 $0x1  }
0x13: {  	[smem:$0x3FA8] =	sst s0;
	s0 =	simm.s32 @!p1 $0x0  }
0x14: {  	s2 =	sld [smem:$0x3F8C];
	s0 =	simm.s32 @p1 $0x1  }
0x15: {  	[smem:$0x3FA9] =	sst s0;
	s0 =	simm.s32 @!p2 $0x0  }
0x16: {  	s3 =	sld [smem:$0x3FDB];
	s0 =	simm.s32 @p2 $0x1  }
0x17: {  	s4 =	simm.s32 $0x1BF5;
	[smem:$0x3FAB] =	sst s0  }
0x18: {  	s0 =	sld [smem:$0x3F8E];
	_ =	swait.ge [sflag:s4], $0x0  }
0x19: {  	s7 =	sld [smem:$0x3F8F]  }
0x1a: {  	s8 =	sadd.s32 $0xFFFFE003, lr  }
0x1b: {  	s9 =	sadd.s32 $0xFFFFFEF7, lr;
	s5 =	simm.s32 $0xFFFFFFFF;
	p2 =	slt.u32 s8, $0xFFFFF086  }
0x1c: {  	p1 =	slt.u32 s9, $0xF7A;
	s5 =	simm.s32 @!p2 $0x0  }
0x1d: {  	s5 =	simm.s32 @p1 $0x1;
	p0 =	seq.s32 s7, s2  }
0x1e: {  	s7 =	smul.u32 @!p0 $0xF7A, s2;
	p2 =	seq.s32 @!p0 s5, $0x0  }
0x1f: {  	s9 =	smul.u32 $0xF7A, s1;
	s8 =	simm.s32 @!p0 $0x1BF5;
	p2 =	por !p2, p0  }
0x20: {  	[sflag:s8] =	ssyncset.s32 @!p0 $0xFFFFF086;
	s6 =	sadd.s32 @!p0 s3, s7;
	s7 =	simm.s32 @!p0 $0x108  }
0x21: {  	s3 =	sadd.s32 s3, s9;
	s6 =	sadd.s32 @!p0 $0x88, s6;
	s7 =	simm.s32 @p2 $0x1082  }
0x22: {  	[simem:s7], [sflag:s8] =	dma.local @!p0 [hbm:s6], $0xF7A  }
0x23: {  	s9 =	sor.u32 $0xD0000000, s2;
	s6 =	simm.s32 $0x108;
	_ =	swait.ge @!p0 [sflag:s8], $0x0  }
0x24: {  	s3 =	sadd.s32 $0x88, s3;
	s6 =	simm.s32 @!p1 $0x1082;
	[sflag:s4] =	ssyncset.s32 $0xFFFFF086  }
0x25: {  	[simem:s6], [sflag:s4] =	dma.local [hbm:s3], $0xF7A  }
0x26: {  	[smem:$0x3F8F] =	sst s1;
	(tag) =	ssettag s2;
	_ =	strace s9  }
0x27: {  	s1 =	sld [smem:$0x3F9F]  }
0x28: {  	s2 =	sld [smem:$0x3FA0]  }
0x29: {  	s4 =	sld [smem:$0x3FA2]  }
0x2a: {  	p0 =	seq.s32 s5, $0x0;
	s5 =	sld [smem:$0x3FA3]  }
0x2b: {  	s6 =	sld [smem:$0x3FA4]  }
0x2c: {  	s7 =	sld [smem:$0x3FA5]  }
0x2d: {  	s3 =	simm.s32 $0x108;
	s8 =	sld [smem:$0x3FA6]  }
0x2e: {  	s3 =	simm.s32 @!p0 $0x1082;
	s9 =	sld [smem:$0x3FA7]  }
0x2f: {  	lr =	sadd.s32 s0, s3;
	s0 =	sld [smem:$0x3F9E]  }
0x30: {  	s3 =	sld [smem:$0x3FA1]  }
0x31: {  	[smem:$0x3FAA] =	sst s10  }
0x32: {  	s10 =	sld [smem:$0x3FA8];
	_ =	sdelay $0x3  }
0x33: {  	p0 =	seq.s32 s10, $0x1;
	s10 =	sld [smem:$0x3FAA];
	_ =	sdelay $0x3  }
0x34: {  	[smem:$0x3FAA] =	sst s10  }
0x35: {  	s10 =	sld [smem:$0x3FA9];
	_ =	sdelay $0x3  }
0x36: {  	p1 =	seq.s32 s10, $0x1;
	s10 =	sld [smem:$0x3FAA];
	_ =	sdelay $0x3  }
0x37: {  	[smem:$0x3FAA] =	sst s10  }
0x38: {  	s10 =	sld [smem:$0x3FAB]  }
0x39: {  	_ = 	snop;
	(pc) =	sbr.ind lr, $3  }
0x3a: {  	_ = 	snop  }
0x3b: {  	_ = 	snop  }
0x3c: {  	p2 =	seq.s32 s10, $0x1;
	s10 =	sld [smem:$0x3FAA]  }
0x3d: {  	_ =	shalt  }
0x3e: {  	_ =	shalt  }
0x3f: {  	_ =	shalt  }
0x40: {  	_ =	shalt  }
0x41: {  	_ =	shalt  }
0x42: {  	_ =	shalt  }
0x43: {  	_ =	shalt  }
0x44: {  	_ =	shalt  }
0x45: {  	_ =	shalt  }
0x46: {  	_ =	shalt  }
0x47: {  	_ =	shalt  }
0x48: {  	_ =	shalt  }
0x49: {  	_ =	shalt  }
0x4a: {  	_ =	shalt  }
0x4b: {  	_ =	shalt  }
0x4c: {  	_ =	shalt  }
0x4d: {  	_ =	shalt  }
0x4e: {  	_ =	shalt  }
0x4f: {  	_ =	shalt  }
0x50: {  	_ =	shalt  }
0x51: {  	_ =	shalt  }
0x52: {  	_ =	shalt  }
0x53: {  	_ =	shalt  }
0x54: {  	_ =	shalt  }
0x55: {  	_ =	shalt  }
0x56: {  	_ =	shalt  }
0x57: {  	_ =	shalt  }
0x58: {  	_ =	shalt  }
0x59: {  	_ =	shalt  }
0x5a: {  	_ =	shalt  }
0x5b: {  	_ =	shalt  }
0x5c: {  	_ =	shalt  }
0x5d: {  	_ =	shalt  }
0x5e: {  	_ =	shalt  }
0x5f: {  	_ =	shalt  }
0x60: {  	_ =	shalt  }
0x61: {  	_ =	shalt  }
0x62: {  	_ =	shalt  }
0x63: {  	_ =	shalt  }
0x64: {  	_ =	shalt  }
0x65: {  	_ =	shalt  }
0x66: {  	_ =	shalt  }
0x67: {  	_ =	shalt  }
0x68: {  	_ =	shalt  }
0x69: {  	_ =	shalt  }
0x6a: {  	_ =	shalt  }
0x6b: {  	_ =	shalt  }
0x6c: {  	_ =	shalt  }
0x6d: {  	_ =	shalt  }
0x6e: {  	_ =	shalt  }
0x6f: {  	_ =	shalt  }
0x70: {  	_ =	shalt  }
0x71: {  	_ =	shalt  }
0x72: {  	_ =	shalt  }
0x73: {  	_ =	shalt  }
0x74: {  	_ =	shalt  }
0x75: {  	_ =	shalt  }
0x76: {  	_ =	shalt  }
0x77: {  	_ =	shalt  }
0x78: {  	_ =	shalt  }
0x79: {  	_ =	shalt  }
0x7a: {  	_ =	shalt  }
0x7b: {  	_ =	shalt  }
0x7c: {  	_ =	shalt  }
0x7d: {  	_ =	shalt  }
0x7e: {  	_ =	shalt  }
0x7f: {  	_ =	shalt  }
0x80: {  	_ =	shalt  }
0x81: {  	_ =	shalt  }
0x82: {  	_ =	shalt  }
0x83: {  	_ =	shalt  }
0x84: {  	_ =	shalt  }
0x85: {  	_ =	shalt  }
0x86: {  	_ =	shalt  }
0x87: {  	_ =	shalt  }
.Lfunc_end0:
.L_simem_size_0:
called_computation.1_lowered:
.L_overlay_start_0:
0x88: {  	s2 =	sld [smem:$0x3FD9]  }
0x89: {  	s3 =	sld [smem:$0x3FFE];
	_ =	sdelay $0x1  }
0x8a: {  	s1 =	srdreg.scid  }
0x8b: {  	s0 =	sand.u32 $0x1, s1  }
0x8c: {  	s17 =	sshll.u32 s0, $0xA;
	s2 =	sadd.s32 s3, s2  }
0x8d: {  	s2 =	sadd.s32 s2, s17  }
0x8e: {  	[smem:$0x3FB6] =	sst s2  }
0x8f: {  	_ = 	snop  }
0x90: {  	s2 =	sld [smem:$0x3FD0];
	(tm) =	ssettm $0x1  }
0x91: {  	s18 =	sld [smem:$0x3FFB];
	_ =	sdelay $0x3  }
0x92: {  	_ =	strace s18  }
0x93: {  	s3 =	sld [smem:$0x3FFC];
	_ =	sdelay $0x3  }
0x94: {  	_ =	strace s3  }
0x95: {  	s3 =	sld [smem:$0x3FFD];
	_ =	sdelay $0x3  }
0x96: {  	_ =	strace s3  }
0x97: {  	_ =	strace $0x8FFFFFFF  }
0x98: {  	s19 =	sld [smem:$0x3FDB];
	_ =	sdelay $0x1  }
0x99: {  	s4 =	simm.s32 $_scs_section_size  }
0x9a: {  	s5 =	simm.s32 $_size__tile_overlayer_lowered;
	s6 =	simm.s32 $_tile_overlayer_lowered  }
0x9b: {  	s22 =	simm.s32 $0x1BFF;
	s21 =	sshll.u32 s6, $0x1;
	s3 =	sadd.s32 s4, s19  }
0x9c: {  	s7 =	simm.s32 $0x0;
	s20 =	sshll.u32 s5, $0x1;
	s5 =	sadd.s32 s21, s3  }
0x9d: {  	[timem:s7], [sflag:s22] =	dma.local [hbm:s5], s20  }
0x9e: {  	_ =	swait.ge [sflag:s22], s20  }
0x9f: {  	s4 =	ssub.s32 $0x0, s20;
	[sflag:s22] =	ssyncset.done $0x0  }
0xa0: {  	[sflag:s22] =	ssyncadd.s32 s4;
	_ =	sdelay $0x1  }
0xa1: {  	s23 =	simm.s32 $0x1B8B  }
0xa2: {  	_ =	swait.ge [sflag:s23], $0x1  }
0xa3: {  	[sflag:s23] =	ssyncset.done $0x0  }
0xa4: {  	s25 =	simm.s32 $0x1B8E;
	s24 =	sld [smem:$0x3FFE];
	[sflag:s23] =	ssyncadd.s32 $0xFFFFFFFF  }
0xa5: {  	s26 =	simm.s32 $execute0_lowered;
	[smem:$0x3FD2] =	sst s25  }
0xa6: {  	s5 =	sshll.u32 s26, $0x1;
	_ =	strace $0x80000046;
	[dreg:$0x1] =	wrdreg $0xFFFFFFFF  }
0xa7: {  	s28 =	simm.s32 $_size_execute0_lowered;
	s3 =	sadd.s32 s3, s5;
	[dreg:$0x0] =	wrdreg $0x0  }
0xa8: {  	s5 =	sshll.u32 s28, $0x1;
	[dreg:$0x2] =	wrdreg s3  }
0xa9: {  	[dreg:$0x3] =	wrdreg s5  }
0xaa: {  	[dreg:$0x4] =	wrdreg $0xC0  }
0xab: {  	_ =	task [dreg:s7], $0x5FFFF  }
0xac: {  	[dreg:$0x1] =	wrdreg $0xFFFFFFFF  }
0xad: {  	[dreg:$0x0] =	wrdreg $0x60  }
0xae: {  	[dreg:$0x2] =	wrdreg s24  }
0xaf: {  	[dreg:$0x3] =	wrdreg s2  }
0xb0: {  	[dreg:$0x4] =	wrdreg $0xA  }
0xb1: {  	_ =	task.clear_ibuf [dreg:s7], $0x5FFFF;
	_ =	strace $0x90000046  }
0xb2: {  	s29 =	simm.s32 $0xA;
	_ =	strace $0x80000048  }
0xb3: {  	_ =	swait.ge [sflag:s29], $0x1  }
0xb4: {  	[sflag:s29] =	ssyncadd.s32 $0xFFFFFFFF  }
0xb5: {  	_ =	strace $0x90000048  }
0xb6: {  	_ =	sfence  }
0xb7: {  	s30 =	sld [smem:$0x0];
	_ =	sdelay $0x2  }
0xb8: {  	s31 =	sshll.u32 s1, $0xD;
	s1 =	sshrl.u32 s1, $0x2  }
0xb9: {  	s3 =	sand.u32 $0x4000, s31;
	s1 =	sadd.s32 s1, s30  }
0xba: {  	s0 =	sor.u32 s3, s0;
	s1 =	sshll.u32 s1, $0x11  }
0xbb: {  	s0 =	sor.u32 s1, s0  }
0xbc: {  	s0 =	sadd.s32 $0x8F2B, s0  }
0xbd: {  	[sflag:s0] =	ssyncadd.remote.s32 $0x1  }
0xbe: {  	_ =	sfence.sel $0xFFFF  }
0xbf: {  	[dreg:$0x0] =	wrdreg $0xFFFFFFFF;
	(pc) =	sbr.abs _section_cstart, $3  }
0xc0: {  	[dreg:$0x1] =	wrdreg $0xFFFFFFFF  }
0xc1: {  	_ =	task.clear_ibuf [dreg:s7], $0x2FFFF;
	_ =	strace $0x9FFFFFFF  }
0xc2: {  	(tm) =	ssettm $0x7FFFFFFF  }
0xc3: {  	_ =	shalt  }
tec
execute0_lowered:
.L_overlay_start_1:
0x0: {  	(tag) =	ssettag $0x1  }
0x1: {  	s0 =	rddreg [dreg:$0x0]  }
0x2: {  	s2 =	rddreg [dreg:$0x1]  }
0x3: {  	s3 =	simm.s32 $0x0;
	s1 =	srdreg.scid;
	s4 =	stileid.u32  }
0x4: {  	s19 =	simm.s32 $0x4;
	s20 =	simm.s32 $0x500;
	s21 =	simm.s32 $0x80  }
0x5: {  	s18 =	simm.s32 $0x280;
	s16 =	simm.s32 $0x12A00;
	s17 =	simm.s32 $0x480  }
0x6: {  	s28 =	simm.s32 $0x13A00;
	s29 =	simm.s32 $0x1;
	s30 =	simm.s32 $0x2  }
0x7: {  	s31 =	simm.s32 $0x3;
	[smem:$0x7FF] =	sst s3;
	s1 =	sand.u32 $0x1, s1  }
0x8: {  	s5 =	sshll.u32 s4, $0x1;
	s4 =	sadd.s32 $0x2E00, s0;
	s7 =	sadd.s32 $0xF600, s0  }
0x9: {  	s8 =	sadd.s32 $0x28600, s0;
	s10 =	sor.u32 s1, s5;
	s1 =	ssub.s32 $0x2, s1  }
0xa: {  	_ =	strace $0x80000047;
	s6 =	smul.u32 $0x3200, s10;
	s22 =	sshrl.u32 s1, $0x1  }
0xb: {  	s5 =	sadd.s32 $0x1BE00, s0;
	s10 =	smul.u32 $0x64000, s10;
	s0 =	ssub.s32 s1, s22  }
0xc: {  	s22 =	simm.s32 $0xA00;
	s11 =	sshrl.u32 s6, $0x3;
	s9 =	sadd.s32 $0x280, s6  }
0xd: {  	s10 =	sshrl.u32 s10, $0x3;
	s14 =	sadd.s32 $0x500, s6;
	s0 =	smax.u32 s0, $0x1  }
0xe: {  	s15 =	sadd.s32 $0x780, s6;
	s23 =	sadd.s32 s5, s11;
	[dreg:$0x9] =	wrdreg s0  }
0xf: {  	s24 =	sshrl.u32 s9, $0x3;
	s11 =	sadd.s32 s7, s11;
	[dreg:$0x3] =	wrdreg s23  }
0x10: {  	s26 =	sadd.s32 s8, s10;
	[dreg:$0x4] =	wrdreg s11;
	s25 =	sadd.s32 s5, s24  }
0x11: {  	s1 =	sadd.s32 s7, s24;
	s10 =	sadd.s32 $0xB400, s26;
	[dreg:$0x5] =	wrdreg s25  }
0x12: {  	s23 =	simm.s32 $0x780;
	s24 =	simm.s32 $0x5A00;
	[dreg:$0x6] =	wrdreg s1  }
0x13: {  	[dreg:$0x7] =	wrdreg s10;
	s1 =	sadd.s32 $0xBE00, s26;
	s25 =	simm.s32 $0x9A00  }
0x14: {  	s26 =	simm.s32 $0x980;
	[dreg:$0x8] =	wrdreg s1;
	s1 =	simm.s32 $0x0  }
.LBB2_1:
0x15: {  	[dreg:$0xa] =	wrdreg s1  }
0x16: {  	s0 =	rddreg [dreg:$0x3]  }
0x17: {  	[tilespmem:s3], [sflag:$0x4] =	stream.linear.gather [hbm4b:s0+s3], $0x280, $0x38;
	[tilespmem:$0x14A00] =	vst v63  }
0x18: {  	_ =	swait.ge [sflag:s19], $0x280  }
0x19: {  	[sflag:s19] =	ssyncset.done $0x0  }
0x1a: {  	s1 =	rddreg [dreg:$0x4];
	[sflag:s19] =	ssyncadd.s32 $0xFFFFFD80  }
0x1b: {  	[tilespmem:s20], [sflag:$0x4] =	stream.linear.gather [hbm4b:s1+s3], $0x280, $0x38;
	[tilespmem:$0x14A00] =	vst v63  }
0x1c: {  	_ =	swait.ge [sflag:s19], $0x280  }
0x1d: {  	[sflag:s19] =	ssyncset.done $0x0  }
0x1e: {  	[sflag:s19] =	ssyncadd.s32 $0xFFFFFD80  }
0x1f: {  	[tilespmem:s22], [sflag:$0x1] =	stream.indirect.gather [hbm4b:s4+s21], $0x20, s3, s21, $0xb8;
	[tilespmem:$0x14A00] =	vst v63  }
0x20: {  	s10 =	simm.s32 $0xAA00  }
0x21: {  	[tilespmem:s10], [sflag:$0x2] =	stream.indirect.gather [hbm4b:s2+s21], $0x20, s20, s21, $0xb8;
	[tilespmem:$0x14A00] =	vst v63  }
0x22: {  	s11 =	simm.s32 $0x1A00  }
0x23: {  	[tilespmem:s11], [sflag:$0x1] =	stream.indirect.gather [hbm4b:s4+s21], $0x20, s21, s21, $0xb8;
	[tilespmem:$0x14A00] =	vst v63  }
0x24: {  	s12 =	simm.s32 $0x580;
	s13 =	simm.s32 $0xBA00  }
0x25: {  	[tilespmem:s13], [sflag:$0x2] =	stream.indirect.gather [hbm4b:s2+s21], $0x20, s12, s21, $0xb8;
	[tilespmem:$0x14A00] =	vst v63  }
0x26: {  	s10 =	simm.s32 $0x100;
	s11 =	simm.s32 $0x2A00  }
0x27: {  	[tilespmem:s11], [sflag:$0x1] =	stream.indirect.gather [hbm4b:s4+s21], $0x20, s10, s21, $0xb8;
	[tilespmem:$0x14A00] =	vst v63  }
0x28: {  	s12 =	simm.s32 $0x600;
	s13 =	simm.s32 $0xCA00  }
0x29: {  	[tilespmem:s13], [sflag:$0x2] =	stream.indirect.gather [hbm4b:s2+s21], $0x20, s12, s21, $0xb8;
	[tilespmem:$0x14A00] =	vst v63  }
0x2a: {  	s10 =	simm.s32 $0x180;
	s11 =	simm.s32 $0x3A00  }
0x2b: {  	[tilespmem:s11], [sflag:$0x1] =	stream.indirect.gather [hbm4b:s4+s21], $0x20, s10, s21, $0xb8;
	[tilespmem:$0x14A00] =	vst v63  }
0x2c: {  	s12 =	simm.s32 $0x680;
	s13 =	simm.s32 $0xDA00  }
0x2d: {  	[tilespmem:s13], [sflag:$0x2] =	stream.indirect.gather [hbm4b:s2+s21], $0x20, s12, s21, $0xb8;
	[tilespmem:$0x14A00] =	vst v63  }
0x2e: {  	s10 =	simm.s32 $0x200;
	s11 =	simm.s32 $0x4A00  }
0x2f: {  	[tilespmem:s11], [sflag:$0x1] =	stream.indirect.gather [hbm4b:s4+s21], $0x20, s10, s21, $0xb8;
	[tilespmem:$0x14A00] =	vst v63  }
0x30: {  	s12 =	simm.s32 $0x700;
	s13 =	simm.s32 $0xEA00  }
0x31: {  	[tilespmem:s13], [sflag:$0x2] =	stream.indirect.gather [hbm4b:s2+s21], $0x20, s12, s21, $0xb8;
	[tilespmem:$0x14A00] =	vst v63  }
0x32: {  	s1 =	rddreg [dreg:$0x5]  }
0x33: {  	[tilespmem:s18], [sflag:$0x4] =	stream.linear.gather [hbm4b:s1+s3], $0x280, $0x38;
	[tilespmem:$0x14A00] =	vst v63  }
0x34: {  	_ =	swait.ge [sflag:s19], $0x280  }
0x35: {  	[sflag:s19] =	ssyncset.done $0x0  }
0x36: {  	s10 =	rddreg [dreg:$0x6];
	[sflag:s19] =	ssyncadd.s32 $0xFFFFFD80  }
0x37: {  	[tilespmem:s23], [sflag:$0x4] =	stream.linear.gather [hbm4b:s10+s3], $0x280, $0x38;
	[tilespmem:$0x14A00] =	vst v63  }
0x38: {  	_ =	swait.ge [sflag:s19], $0x280  }
0x39: {  	[sflag:s19] =	ssyncset.done $0x0  }
0x3a: {  	[sflag:s19] =	ssyncadd.s32 $0xFFFFFD80  }
0x3b: {  	[tilespmem:s24], [sflag:$0x1] =	stream.indirect.gather [hbm4b:s4+s21], $0x20, s18, s21, $0xb8;
	[tilespmem:$0x14A00] =	vst v63  }
0x3c: {  	s11 =	simm.s32 $0xFA00  }
0x3d: {  	[tilespmem:s11], [sflag:$0x2] =	stream.indirect.gather [hbm4b:s2+s21], $0x20, s23, s21, $0xb8;
	[tilespmem:$0x14A00] =	vst v63  }
0x3e: {  	s12 =	simm.s32 $0x300;
	s13 =	simm.s32 $0x6A00  }
0x3f: {  	[tilespmem:s13], [sflag:$0x1] =	stream.indirect.gather [hbm4b:s4+s21], $0x20, s12, s21, $0xb8;
	[tilespmem:$0x14A00] =	vst v63  }
0x40: {  	s10 =	simm.s32 $0x800;
	s11 =	simm.s32 $0x10A00  }
0x41: {  	[tilespmem:s11], [sflag:$0x2] =	stream.indirect.gather [hbm4b:s2+s21], $0x20, s10, s21, $0xb8;
	[tilespmem:$0x14A00] =	vst v63  }
0x42: {  	s12 =	simm.s32 $0x380;
	s13 =	simm.s32 $0x7A00  }
0x43: {  	[tilespmem:s13], [sflag:$0x1] =	stream.indirect.gather [hbm4b:s4+s21], $0x20, s12, s21, $0xb8;
	[tilespmem:$0x14A00] =	vst v63  }
0x44: {  	s1 =	simm.s32 $0x880;
	s10 =	simm.s32 $0x11A00  }
0x45: {  	[tilespmem:s10], [sflag:$0x2] =	stream.indirect.gather [hbm4b:s2+s21], $0x20, s1, s21, $0xb8;
	[tilespmem:$0x14A00] =	vst v63  }
0x46: {  	s11 =	simm.s32 $0x400;
	s12 =	simm.s32 $0x8A00  }
0x47: {  	[tilespmem:s12], [sflag:$0x1] =	stream.indirect.gather [hbm4b:s4+s21], $0x20, s11, s21, $0xb8;
	[tilespmem:$0x14A00] =	vst v63  }
0x48: {  	s13 =	simm.s32 $0x900  }
0x49: {  	[tilespmem:s16], [sflag:$0x2] =	stream.indirect.gather [hbm4b:s2+s21], $0x20, s13, s21, $0xb8;
	[tilespmem:$0x14A00] =	vst v63  }
0x4a: {  	_ = 	snop  }
0x4b: {  	[tilespmem:s25], [sflag:$0x1] =	stream.indirect.gather [hbm4b:s4+s21], $0x20, s17, s21, $0xb8;
	[tilespmem:$0x14A00] =	vst v63  }
0x4c: {  	s0 =	simm.s32 $0x0  }
0x4d: {  	[tilespmem:s28], [sflag:$0x2] =	stream.indirect.gather [hbm4b:s2+s21], $0x20, s26, s21, $0xb8;
	[tilespmem:$0x14A00] =	vst v63  }
.LBB2_2:
0x4e: {  	_ =	swait.ge [sflag:s29], $0x1000  }
0x4f: {  	[sflag:s29] =	ssyncset.done $0x0  }
0x50: {  	[sflag:s29] =	ssyncadd.s32 $0xFFFFF000  }
0x51: {  	_ =	swait.ge [sflag:s30], $0x1000  }
0x52: {  	[sflag:s30] =	ssyncset.done $0x0  }
0x53: {  	[sflag:s30] =	ssyncadd.s32 $0xFFFFF000  }
0x54: {  	_ =	swait.ge [sflag:s29], $0x1000  }
0x55: {  	[sflag:s29] =	ssyncset.done $0x0  }
0x56: {  	[sflag:s29] =	ssyncadd.s32 $0xFFFFF000  }
0x57: {  	_ =	swait.ge [sflag:s30], $0x1000  }
0x58: {  	[sflag:s30] =	ssyncset.done $0x0  }
0x59: {  	[sflag:s30] =	ssyncadd.s32 $0xFFFFF000  }
0x5a: {  	_ =	swait.ge [sflag:s29], $0x1000  }
0x5b: {  	[sflag:s29] =	ssyncset.done $0x0  }
0x5c: {  	[sflag:s29] =	ssyncadd.s32 $0xFFFFF000  }
0x5d: {  	_ =	swait.ge [sflag:s30], $0x1000  }
0x5e: {  	[sflag:s30] =	ssyncset.done $0x0  }
0x5f: {  	[sflag:s30] =	ssyncadd.s32 $0xFFFFF000  }
0x60: {  	_ =	swait.ge [sflag:s29], $0x1000  }
0x61: {  	[sflag:s29] =	ssyncset.done $0x0  }
0x62: {  	[sflag:s29] =	ssyncadd.s32 $0xFFFFF000  }
0x63: {  	_ =	swait.ge [sflag:s30], $0x1000  }
0x64: {  	[sflag:s30] =	ssyncset.done $0x0  }
0x65: {  	[sflag:s30] =	ssyncadd.s32 $0xFFFFF000  }
0x66: {  	_ =	swait.ge [sflag:s29], $0x1000  }
0x67: {  	[sflag:s29] =	ssyncset.done $0x0  }
0x68: {  	[sflag:s29] =	ssyncadd.s32 $0xFFFFF000  }
0x69: {  	_ =	swait.ge [sflag:s30], $0x1000  }
0x6a: {  	[sflag:s30] =	ssyncset.done $0x0  }
0x6b: {  	s10 =	simm.s32 $0xA80;
	[sflag:s30] =	ssyncadd.s32 $0xFFFFF000  }
0x6c: {  	s1 =	simm.s32 $0xAA80;
	v0 =	vld [tilespmem:s10+$0x60]  }
0x6d: {  	v1 =	vld [tilespmem:s1+$0x60]  }
0x6e: {  	v4 =	vld [tilespmem:s1+$0xFFFFFF80]  }
0x6f: {  	v2 =	vld [tilespmem:s10+$0xFFFFFFA0]  }
0x70: {  	v3 =	vld [tilespmem:s1+$0xFFFFFFA0]  }
0x71: {  	v5 =	vld [tilespmem:s10+$0xFFFFFFC0]  }
0x72: {  	v6 =	vld [tilespmem:s10+$0xFFFFFFE0]  }
0x73: {  	v7 =	vld [tilespmem:s10+$0x70]  }
0x74: {  	v8 =	vld [tilespmem:s10+$0x0]  }
0x75: {  	v9 =	vld [tilespmem:s1+$0x0]  }
0x76: {  	v11 =	vld [tilespmem:s10+$0x20];
	v0 =	vadd.f32 v1, v0  }
0x77: {  	v12 =	vld [tilespmem:s1+$0x20]  }
0x78: {  	[tilespmem:s10+$0x60] =	vst v0;
	v0 =	vld [tilespmem:s1+$0xFFFFFFE0]  }
0x79: {  	v1 =	vld [tilespmem:s1+$0xFFFFFFC0]  }
0x7a: {  	v13 =	vld [tilespmem:s10+$0x40]  }
0x7b: {  	v63 =	vld [tilespmem:s10+$0xFFFFFFB0];
	v2 =	vadd.f32 v3, v2  }
0x7c: {  	v10 =	vld [tilespmem:s1+$0x70]  }
0x7d: {  	[tilespmem:s10+$0xFFFFFFA0] =	vst v2;
	v0 =	vadd.f32 v0, v6;
	v6 =	vld [tilespmem:s10+$0xFFFFFF80]  }
0x7e: {  	v14 =	vld [tilespmem:s1+$0xFFFFFFB0];
	v1 =	vadd.f32 v1, v5  }
0x7f: {  	v5 =	vld [tilespmem:s1+$0x40]  }
0x80: {  	[tilespmem:s10+$0xFFFFFFC0] =	vst v1;
	v1 =	vadd.f32 v9, v8;
	v9 =	vld [tilespmem:s10+$0xFFFFFFD0]  }
0x81: {  	v8 =	vadd.f32 v12, v11;
	v3 =	vld [tilespmem:s1+$0xFFFFFFD0]  }
0x82: {  	v10 =	vadd.f32 v10, v7;
	v7 =	vld [tilespmem:s10+$0x10];
	v4 =	vadd.f32 v4, v6  }
0x83: {  	[tilespmem:s10+$0x20] =	vst v8;
	v8 =	vld [tilespmem:s10+$0xFFFFFFF0]  }
0x84: {  	v6 =	vld [tilespmem:s10+$0xFFFFFF90];
	[tilespmem:s10+$0xFFFFFF80] =	vst v4  }
0x85: {  	[tilespmem:s10+$0xFFFFFFE0] =	vst v0;
	v11 =	vld [tilespmem:s1+$0xFFFFFF90]  }
0x86: {  	[tilespmem:s10+$0x0] =	vst v1;
	v2 =	vld [tilespmem:s1+$0xFFFFFFF0]  }
0x87: {  	v0 =	vld [tilespmem:s1+$0x10];
	v5 =	vadd.f32 v5, v13  }
0x88: {  	v1 =	vld [tilespmem:s1+$0x30]  }
0x89: {  	[tilespmem:s10+$0x40] =	vst v5;
	v5 =	vld [tilespmem:s10+$0x30]  }
0x8a: {  	v4 =	vld [tilespmem:s1+$0x50];
	v11 =	vadd.f32 v11, v6  }
0x8b: {  	s11 =	simm.s32 $0x0;
	s12 =	simm.s32 $0xB80;
	[tilespmem:s10+$0x70] =	vst v10;
	v10 =	vadd.f32 v14, v63;
	v6 =	vld [tilespmem:s10+$0x50]  }
.LBB2_3:
0x8c: {  	v12 =	vld [tilespmem:s12+$0x60];
	[tilespmem:s10+$0xFFFFFF90] =	vst v11;
	v3 =	vadd.f32 v3, v9;
	s1 =	sadd.s32 $0x100, s1  }
0x8d: {  	s11 =	sadd.s32 $0x8, s11;
	v9 =	vld [tilespmem:s1+$0x60];
	[tilespmem:s10+$0xFFFFFFB0] =	vst v10;
	v2 =	vadd.f32 v2, v8  }
0x8e: {  	p0 =	slt.u32 s11, $0x278;
	v8 =	vld [tilespmem:s1+$0xFFFFFF80];
	[tilespmem:s10+$0xFFFFFFD0] =	vst v3;
	v0 =	vadd.f32 v0, v7  }
0x8f: {  	v3 =	vld [tilespmem:s12+$0xFFFFFFA0];
	[tilespmem:s10+$0xFFFFFFF0] =	vst v2;
	v1 =	vadd.f32 v1, v5  }
0x90: {  	v2 =	vld [tilespmem:s1+$0xFFFFFFA0];
	[tilespmem:s10+$0x10] =	vst v0;
	v0 =	vadd.f32 v4, v6  }
0x91: {  	v4 =	vld [tilespmem:s12+$0xFFFFFFC0];
	[tilespmem:s10+$0x30] =	vst v1  }
0x92: {  	v1 =	vld [tilespmem:s1+$0xFFFFFFC0];
	v5 =	vadd.f32 v9, v12;
	[tilespmem:s10+$0x50] =	vst v0;
	s10 =	smov.u32 s12  }
0x93: {  	v0 =	vld [tilespmem:s12+$0xFFFFFFE0]  }
0x94: {  	[tilespmem:s12+$0x60] =	vst v5;
	v5 =	vld [tilespmem:s12+$0x70]  }
0x95: {  	v2 =	vadd.f32 v2, v3;
	v3 =	vld [tilespmem:s1+$0x70]  }
0x96: {  	v6 =	vld [tilespmem:s1+$0xFFFFFFE0]  }
0x97: {  	[tilespmem:s12+$0xFFFFFFA0] =	vst v2;
	v1 =	vadd.f32 v1, v4;
	v2 =	vld [tilespmem:s12+$0x0]  }
0x98: {  	v4 =	vld [tilespmem:s1+$0x0]  }
0x99: {  	[tilespmem:s12+$0xFFFFFFC0] =	vst v1;
	v1 =	vld [tilespmem:s12+$0x20]  }
0x9a: {  	v7 =	vld [tilespmem:s1+$0x20];
	v3 =	vadd.f32 v3, v5  }
0x9b: {  	v0 =	vadd.f32 v6, v0;
	v5 =	vld [tilespmem:s12+$0x40]  }
0x9c: {  	v6 =	vld [tilespmem:s1+$0x40];
	[tilespmem:s12+$0x70] =	vst v3  }
0x9d: {  	v9 =	vld [tilespmem:s12+$0xFFFFFF80];
	[tilespmem:s12+$0xFFFFFFE0] =	vst v0;
	v0 =	vadd.f32 v4, v2  }
0x9e: {  	v10 =	vld [tilespmem:s1+$0xFFFFFFB0]  }
0x9f: {  	v3 =	vld [tilespmem:s1+$0xFFFFFFD0];
	[tilespmem:s12+$0x0] =	vst v0;
	v1 =	vadd.f32 v7, v1  }
0xa0: {  	v2 =	vld [tilespmem:s1+$0xFFFFFFF0]  }
0xa1: {  	v0 =	vld [tilespmem:s1+$0x10];
	[tilespmem:s12+$0x20] =	vst v1;
	v4 =	vadd.f32 v6, v5  }
0xa2: {  	v5 =	vadd.f32 v8, v9;
	v1 =	vld [tilespmem:s1+$0x30]  }
0xa3: {  	v6 =	vld [tilespmem:s12+$0xFFFFFF90];
	[tilespmem:s12+$0x40] =	vst v4  }
0xa4: {  	[tilespmem:s12+$0xFFFFFF80] =	vst v5;
	v4 =	vld [tilespmem:s1+$0x50]  }
0xa5: {  	v5 =	vld [tilespmem:s1+$0xFFFFFF90]  }
0xa6: {  	v12 =	vld [tilespmem:s12+$0xFFFFFFB0]  }
.Ltmp0:
0xa7: {  	v9 =	vld [tilespmem:s12+$0xFFFFFFD0];
	(pc) =	sbr.rel @p0 .LBB2_3-.Ltmp0, $4  }
0xa8: {  	v8 =	vld [tilespmem:s12+$0xFFFFFFF0]  }
0xa9: {  	v7 =	vld [tilespmem:s12+$0x10]  }
0xaa: {  	v11 =	vadd.f32 v5, v6;
	v5 =	vld [tilespmem:s12+$0x30]  }
0xab: {  	s12 =	sadd.s32 $0x100, s12;
	v10 =	vadd.f32 v10, v12;
	v6 =	vld [tilespmem:s10+$0x50]  }
0xac: {  	[tilespmem:s10+$0xFFFFFF90] =	vst v11;
	v3 =	vadd.f32 v3, v9  }
0xad: {  	[tilespmem:s10+$0xFFFFFFB0] =	vst v10;
	v2 =	vadd.f32 v2, v8  }
0xae: {  	s1 =	smul.u32 $0x500, s0;
	[tilespmem:s10+$0xFFFFFFD0] =	vst v3;
	v0 =	vadd.f32 v0, v7  }
0xaf: {  	[tilespmem:s10+$0xFFFFFFF0] =	vst v2;
	v1 =	vadd.f32 v1, v5  }
0xb0: {  	s11 =	sadd.s32 s6, s1;
	[tilespmem:s10+$0x10] =	vst v0;
	v0 =	vadd.f32 v4, v6  }
0xb1: {  	s11 =	sshll.u32 s11, $0x2;
	[tilespmem:s10+$0x30] =	vst v1  }
0xb2: {  	s13 =	simm.s32 $0x0;
	s12 =	sadd.s32 s8, s11;
	[tilespmem:s10+$0x50] =	vst v0  }
0xb3: {  	[hbm4b:s12+s13] =	stream.linear.scatter [tilespmem:s22], [sflag:$0x3], $0x5000, $0x38;
	[tilespmem:$0x14A00] =	vst v63  }
0xb4: {  	s12 =	sadd.s32 s1, s14  }
0xb5: {  	s10 =	sshrl.u32 s12, $0x3  }
0xb6: {  	s12 =	sadd.s32 s5, s10  }
0xb7: {  	[tilespmem:s13], [sflag:$0x4] =	stream.linear.gather [hbm4b:s12+s13], $0x280, $0x38;
	[tilespmem:$0x14A00] =	vst v63  }
0xb8: {  	_ =	swait.ge [sflag:s19], $0x280  }
0xb9: {  	[sflag:s19] =	ssyncset.done $0x0  }
0xba: {  	s10 =	sadd.s32 s7, s10;
	[sflag:s19] =	ssyncadd.s32 $0xFFFFFD80  }
0xbb: {  	[tilespmem:s20], [sflag:$0x4] =	stream.linear.gather [hbm4b:s10+s13], $0x280, $0x38;
	[tilespmem:$0x14A00] =	vst v63  }
0xbc: {  	_ =	swait.ge [sflag:s19], $0x280  }
0xbd: {  	[sflag:s19] =	ssyncset.done $0x0  }
0xbe: {  	[sflag:s19] =	ssyncadd.s32 $0xFFFFFD80  }
0xbf: {  	_ =	swait.ge [sflag:s31], $0x5000  }
0xc0: {  	[sflag:s31] =	ssyncset.done $0x0  }
0xc1: {  	[sflag:s31] =	ssyncadd.s32 $0xFFFFB000  }
0xc2: {  	[tilespmem:s22], [sflag:$0x1] =	stream.indirect.gather [hbm4b:s4+s21], $0x20, s13, s21, $0xb8;
	[tilespmem:$0x14A00] =	vst v63  }
0xc3: {  	s13 =	simm.s32 $0xAA00  }
0xc4: {  	[tilespmem:s13], [sflag:$0x2] =	stream.indirect.gather [hbm4b:s2+s21], $0x20, s20, s21, $0xb8;
	[tilespmem:$0x14A00] =	vst v63  }
0xc5: {  	s11 =	simm.s32 $0x1A00  }
0xc6: {  	[tilespmem:s11], [sflag:$0x1] =	stream.indirect.gather [hbm4b:s4+s21], $0x20, s21, s21, $0xb8;
	[tilespmem:$0x14A00] =	vst v63  }
0xc7: {  	s12 =	simm.s32 $0x580;
	s13 =	simm.s32 $0xBA00  }
0xc8: {  	[tilespmem:s13], [sflag:$0x2] =	stream.indirect.gather [hbm4b:s2+s21], $0x20, s12, s21, $0xb8;
	[tilespmem:$0x14A00] =	vst v63  }
0xc9: {  	s12 =	simm.s32 $0x100;
	s13 =	simm.s32 $0x2A00  }
0xca: {  	[tilespmem:s13], [sflag:$0x1] =	stream.indirect.gather [hbm4b:s4+s21], $0x20, s12, s21, $0xb8;
	[tilespmem:$0x14A00] =	vst v63  }
0xcb: {  	s12 =	simm.s32 $0x600;
	s13 =	simm.s32 $0xCA00  }
0xcc: {  	[tilespmem:s13], [sflag:$0x2] =	stream.indirect.gather [hbm4b:s2+s21], $0x20, s12, s21, $0xb8;
	[tilespmem:$0x14A00] =	vst v63  }
0xcd: {  	s12 =	simm.s32 $0x180;
	s13 =	simm.s32 $0x3A00  }
0xce: {  	[tilespmem:s13], [sflag:$0x1] =	stream.indirect.gather [hbm4b:s4+s21], $0x20, s12, s21, $0xb8;
	[tilespmem:$0x14A00] =	vst v63  }
0xcf: {  	s12 =	simm.s32 $0x680;
	s13 =	simm.s32 $0xDA00  }
0xd0: {  	[tilespmem:s13], [sflag:$0x2] =	stream.indirect.gather [hbm4b:s2+s21], $0x20, s12, s21, $0xb8;
	[tilespmem:$0x14A00] =	vst v63  }
0xd1: {  	s12 =	simm.s32 $0x200;
	s13 =	simm.s32 $0x4A00  }
0xd2: {  	[tilespmem:s13], [sflag:$0x1] =	stream.indirect.gather [hbm4b:s4+s21], $0x20, s12, s21, $0xb8;
	[tilespmem:$0x14A00] =	vst v63  }
0xd3: {  	s12 =	simm.s32 $0x700;
	s13 =	simm.s32 $0xEA00  }
0xd4: {  	[tilespmem:s13], [sflag:$0x2] =	stream.indirect.gather [hbm4b:s2+s21], $0x20, s12, s21, $0xb8;
	[tilespmem:$0x14A00] =	vst v63  }
0xd5: {  	_ =	swait.ge [sflag:s29], $0x1000  }
0xd6: {  	[sflag:s29] =	ssyncset.done $0x0  }
0xd7: {  	[sflag:s29] =	ssyncadd.s32 $0xFFFFF000  }
0xd8: {  	_ =	swait.ge [sflag:s30], $0x1000  }
0xd9: {  	[sflag:s30] =	ssyncset.done $0x0  }
0xda: {  	[sflag:s30] =	ssyncadd.s32 $0xFFFFF000  }
0xdb: {  	_ =	swait.ge [sflag:s29], $0x1000  }
0xdc: {  	[sflag:s29] =	ssyncset.done $0x0  }
0xdd: {  	[sflag:s29] =	ssyncadd.s32 $0xFFFFF000  }
0xde: {  	_ =	swait.ge [sflag:s30], $0x1000  }
0xdf: {  	[sflag:s30] =	ssyncset.done $0x0  }
0xe0: {  	[sflag:s30] =	ssyncadd.s32 $0xFFFFF000  }
0xe1: {  	_ =	swait.ge [sflag:s29], $0x1000  }
0xe2: {  	[sflag:s29] =	ssyncset.done $0x0  }
0xe3: {  	[sflag:s29] =	ssyncadd.s32 $0xFFFFF000  }
0xe4: {  	_ =	swait.ge [sflag:s30], $0x1000  }
0xe5: {  	[sflag:s30] =	ssyncset.done $0x0  }
0xe6: {  	[sflag:s30] =	ssyncadd.s32 $0xFFFFF000  }
0xe7: {  	_ =	swait.ge [sflag:s29], $0x1000  }
0xe8: {  	[sflag:s29] =	ssyncset.done $0x0  }
0xe9: {  	[sflag:s29] =	ssyncadd.s32 $0xFFFFF000  }
0xea: {  	_ =	swait.ge [sflag:s30], $0x1000  }
0xeb: {  	[sflag:s30] =	ssyncset.done $0x0  }
0xec: {  	[sflag:s30] =	ssyncadd.s32 $0xFFFFF000  }
0xed: {  	_ =	swait.ge [sflag:s29], $0x1000  }
0xee: {  	[sflag:s29] =	ssyncset.done $0x0  }
0xef: {  	[sflag:s29] =	ssyncadd.s32 $0xFFFFF000  }
0xf0: {  	_ =	swait.ge [sflag:s30], $0x1000  }
0xf1: {  	[sflag:s30] =	ssyncset.done $0x0  }
0xf2: {  	s10 =	simm.s32 $0x0;
	[sflag:s30] =	ssyncadd.s32 $0xFFFFF000  }
0xf3: {  	v0 =	vld [tilespmem:s10+$0x5AF0]  }
0xf4: {  	v1 =	vld [tilespmem:s10+$0xFAF0]  }
0xf5: {  	v2 =	vld [tilespmem:s10+$0x5A00]  }
0xf6: {  	v3 =	vld [tilespmem:s10+$0xFA00]  }
0xf7: {  	v4 =	vld [tilespmem:s10+$0x5A10]  }
0xf8: {  	v5 =	vld [tilespmem:s10+$0xFA10]  }
0xf9: {  	v6 =	vld [tilespmem:s10+$0x5A20]  }
0xfa: {  	v7 =	vld [tilespmem:s10+$0xFA20]  }
0xfb: {  	v57 =	vld [tilespmem:s10+$0x5A30]  }
0xfc: {  	v58 =	vld [tilespmem:s10+$0xFA30]  }
0xfd: {  	v59 =	vld [tilespmem:s10+$0x5A40]  }
0xfe: {  	v60 =	vld [tilespmem:s10+$0xFA40]  }
0xff: {  	v12 =	vld [tilespmem:s10+$0x5A50]  }
0x100: {  	v13 =	vld [tilespmem:s10+$0xFA50]  }
0x101: {  	v14 =	vld [tilespmem:s10+$0x5A60]  }
0x102: {  	v15 =	vld [tilespmem:s10+$0xFA60]  }
0x103: {  	v16 =	vld [tilespmem:s10+$0x5A70]  }
0x104: {  	v61 =	vld [tilespmem:s10+$0xFAA0];
	v0 =	vadd.f32 v1, v0  }
0x105: {  	v1 =	vld [tilespmem:s10+$0xFA70];
	v2 =	vadd.f32 v3, v2  }
0x106: {  	v3 =	vld [tilespmem:s10+$0x5A80];
	[tilespmem:s10+$0x5AF0] =	vst v0;
	v0 =	vadd.f32 v5, v4  }
0x107: {  	v4 =	vld [tilespmem:s10+$0xFA80];
	[tilespmem:s10+$0x5A00] =	vst v2;
	v2 =	vadd.f32 v7, v6  }
0x108: {  	v5 =	vld [tilespmem:s10+$0x5A90];
	[tilespmem:s10+$0x5A10] =	vst v0;
	v0 =	vadd.f32 v58, v57  }
0x109: {  	v6 =	vld [tilespmem:s10+$0xFA90];
	[tilespmem:s10+$0x5A20] =	vst v2;
	v2 =	vadd.f32 v60, v59  }
0x10a: {  	v7 =	vld [tilespmem:s10+$0x5AA0];
	v1 =	vadd.f32 v1, v16;
	[tilespmem:s10+$0x5A30] =	vst v0  }
0x10b: {  	v62 =	vld [tilespmem:s10+$0x5AB0];
	v0 =	vadd.f32 v13, v12;
	[tilespmem:s10+$0x5A40] =	vst v2  }
0x10c: {  	v63 =	vld [tilespmem:s10+$0xFAB0];
	v2 =	vadd.f32 v15, v14;
	[tilespmem:s10+$0x5A70] =	vst v1  }
0x10d: {  	v3 =	vadd.f32 v4, v3;
	[tilespmem:s10+$0x5A50] =	vst v0;
	v0 =	vld [tilespmem:s10+$0x5AC0]  }
0x10e: {  	v4 =	vadd.f32 v6, v5;
	[tilespmem:s10+$0x5A60] =	vst v2;
	v2 =	vld [tilespmem:s10+$0xFAC0]  }
0x10f: {  	v1 =	vld [tilespmem:s10+$0x5AD0];
	[tilespmem:s10+$0x5A80] =	vst v3;
	v3 =	vadd.f32 v61, v7  }
0x110: {  	[tilespmem:s10+$0x5A90] =	vst v4;
	v4 =	vld [tilespmem:s10+$0xFAD0]  }
0x111: {  	s11 =	simm.s32 $0x0;
	s12 =	simm.s32 $0x400;
	v5 =	vadd.f32 v63, v62;
	[tilespmem:s10+$0x5AA0] =	vst v3;
	v3 =	vld [tilespmem:s10+$0x5AE0]  }
.LBB2_5:
0x112: {  	s13 =	sshra.s32 s12, $0x2;
	v6 =	vld [tilespmem:s10+$0xFAE0]  }
0x113: {  	s11 =	sadd.s32 $0x8, s11;
	v7 =	vld [tilespmem:s13+$0x5AF0];
	[tilespmem:s10+$0x5AB0] =	vst v5;
	v0 =	vadd.f32 v2, v0  }
0x114: {  	p0 =	slt.u32 s11, $0x278;
	v2 =	vld [tilespmem:s13+$0xFAF0]  }
0x115: {  	v5 =	vld [tilespmem:s13+$0x5A00];
	[tilespmem:s10+$0x5AC0] =	vst v0;
	v0 =	vadd.f32 v4, v1  }
0x116: {  	v1 =	vld [tilespmem:s13+$0xFA00]  }
0x117: {  	v4 =	vld [tilespmem:s13+$0x5A10];
	[tilespmem:s10+$0x5AD0] =	vst v0;
	v0 =	vadd.f32 v6, v3  }
0x118: {  	v3 =	vld [tilespmem:s13+$0xFA10]  }
0x119: {  	v6 =	vld [tilespmem:s13+$0x5A20];
	v2 =	vadd.f32 v2, v7;
	[tilespmem:s10+$0x5AE0] =	vst v0;
	s10 =	smov.u32 s13  }
0x11a: {  	v0 =	vld [tilespmem:s10+$0xFA20]  }
0x11b: {  	v1 =	vadd.f32 v1, v5;
	v5 =	vld [tilespmem:s10+$0x5A30];
	[tilespmem:s10+$0x5AF0] =	vst v2  }
0x11c: {  	v2 =	vld [tilespmem:s10+$0xFA30]  }
0x11d: {  	[tilespmem:s10+$0x5A00] =	vst v1;
	v1 =	vadd.f32 v3, v4;
	v3 =	vld [tilespmem:s10+$0x5A40]  }
0x11e: {  	v4 =	vld [tilespmem:s10+$0xFA40]  }
0x11f: {  	[tilespmem:s10+$0x5A10] =	vst v1;
	v0 =	vadd.f32 v0, v6;
	v1 =	vld [tilespmem:s10+$0x5A50]  }
0x120: {  	v6 =	vld [tilespmem:s10+$0xFA50]  }
0x121: {  	[tilespmem:s10+$0x5A20] =	vst v0;
	v0 =	vadd.f32 v2, v5;
	v2 =	vld [tilespmem:s10+$0x5A60]  }
0x122: {  	v5 =	vld [tilespmem:s10+$0xFA60]  }
0x123: {  	[tilespmem:s10+$0x5A30] =	vst v0;
	v0 =	vadd.f32 v4, v3;
	v3 =	vld [tilespmem:s10+$0x5A70]  }
0x124: {  	v4 =	vld [tilespmem:s10+$0xFA70]  }
0x125: {  	[tilespmem:s10+$0x5A40] =	vst v0;
	v0 =	vadd.f32 v6, v1;
	v1 =	vld [tilespmem:s10+$0x5A80]  }
0x126: {  	v6 =	vld [tilespmem:s10+$0xFA80]  }
0x127: {  	[tilespmem:s10+$0x5A50] =	vst v0;
	v0 =	vadd.f32 v5, v2;
	v2 =	vld [tilespmem:s10+$0x5A90]  }
0x128: {  	v5 =	vld [tilespmem:s10+$0xFA90]  }
0x129: {  	[tilespmem:s10+$0x5A60] =	vst v0;
	v0 =	vadd.f32 v4, v3;
	v3 =	vld [tilespmem:s10+$0x5AA0]  }
0x12a: {  	v4 =	vld [tilespmem:s10+$0xFAA0]  }
0x12b: {  	[tilespmem:s10+$0x5A70] =	vst v0;
	v0 =	vadd.f32 v6, v1;
	v6 =	vld [tilespmem:s10+$0x5AB0]  }
0x12c: {  	v7 =	vld [tilespmem:s10+$0xFAB0]  }
.Ltmp1:
0x12d: {  	[tilespmem:s10+$0x5A80] =	vst v0;
	v1 =	vadd.f32 v5, v2;
	v0 =	vld [tilespmem:s10+$0x5AC0];
	(pc) =	sbr.rel @p0 .LBB2_5-.Ltmp1, $4  }
0x12e: {  	v2 =	vld [tilespmem:s10+$0xFAC0]  }
0x12f: {  	[tilespmem:s10+$0x5A90] =	vst v1;
	v3 =	vadd.f32 v4, v3;
	v1 =	vld [tilespmem:s10+$0x5AD0]  }
0x130: {  	v4 =	vld [tilespmem:s10+$0xFAD0]  }
0x131: {  	s12 =	sadd.s32 $0x400, s12;
	[tilespmem:s10+$0x5AA0] =	vst v3;
	v5 =	vadd.f32 v7, v6;
	v3 =	vld [tilespmem:s10+$0x5AE0]  }
0x132: {  	v6 =	vld [tilespmem:s10+$0xFAE0];
	_ =	sdelay $0x2  }
0x133: {  	s11 =	sadd.s32 s1, s9;
	v0 =	vadd.f32 v2, v0  }
0x134: {  	[tilespmem:s10+$0x5AB0] =	vst v5;
	s11 =	sshll.u32 s11, $0x2;
	v1 =	vadd.f32 v4, v1  }
0x135: {  	s11 =	sand.u32 $0x1FFFFE00, s11;
	[tilespmem:s10+$0x5AC0] =	vst v0;
	v63 =	vadd.f32 v6, v3  }
0x136: {  	s13 =	sadd.s32 s8, s11;
	s11 =	sadd.s32 s1, s15;
	[tilespmem:s10+$0x5AD0] =	vst v1  }
0x137: {  	s1 =	sshrl.u32 s11, $0x3;
	[tilespmem:s10+$0x5AE0] =	vst v63  }
0x138: {  	[hbm4b:s13+s3] =	stream.linear.scatter [tilespmem:s24], [sflag:$0x3], $0x5000, $0x38;
	[tilespmem:$0x14A00] =	vst v63  }
0x139: {  	s12 =	sadd.s32 s5, s1  }
0x13a: {  	[tilespmem:s18], [sflag:$0x4] =	stream.linear.gather [hbm4b:s12+s3], $0x280, $0x38;
	[tilespmem:$0x14A00] =	vst v63  }
0x13b: {  	_ =	swait.ge [sflag:s19], $0x280  }
0x13c: {  	[sflag:s19] =	ssyncset.done $0x0  }
0x13d: {  	s1 =	sadd.s32 s7, s1;
	[sflag:s19] =	ssyncadd.s32 $0xFFFFFD80  }
0x13e: {  	[tilespmem:s23], [sflag:$0x4] =	stream.linear.gather [hbm4b:s1+s3], $0x280, $0x38;
	[tilespmem:$0x14A00] =	vst v63  }
0x13f: {  	_ =	swait.ge [sflag:s19], $0x280  }
0x140: {  	[sflag:s19] =	ssyncset.done $0x0  }
0x141: {  	[sflag:s19] =	ssyncadd.s32 $0xFFFFFD80  }
0x142: {  	_ =	swait.ge [sflag:s31], $0x5000  }
0x143: {  	[sflag:s31] =	ssyncset.done $0x0  }
0x144: {  	[sflag:s31] =	ssyncadd.s32 $0xFFFFB000  }
0x145: {  	[tilespmem:s24], [sflag:$0x1] =	stream.indirect.gather [hbm4b:s4+s21], $0x20, s18, s21, $0xb8;
	[tilespmem:$0x14A00] =	vst v63  }
0x146: {  	s13 =	simm.s32 $0xFA00  }
0x147: {  	[tilespmem:s13], [sflag:$0x2] =	stream.indirect.gather [hbm4b:s2+s21], $0x20, s23, s21, $0xb8;
	[tilespmem:$0x14A00] =	vst v63  }
0x148: {  	s11 =	simm.s32 $0x6A00;
	s10 =	simm.s32 $0x300  }
0x149: {  	[tilespmem:s11], [sflag:$0x1] =	stream.indirect.gather [hbm4b:s4+s21], $0x20, s10, s21, $0xb8;
	[tilespmem:$0x14A00] =	vst v63  }
0x14a: {  	s12 =	simm.s32 $0x800;
	s13 =	simm.s32 $0x10A00  }
0x14b: {  	[tilespmem:s13], [sflag:$0x2] =	stream.indirect.gather [hbm4b:s2+s21], $0x20, s12, s21, $0xb8;
	[tilespmem:$0x14A00] =	vst v63  }
0x14c: {  	s10 =	simm.s32 $0x380;
	s11 =	simm.s32 $0x7A00  }
0x14d: {  	[tilespmem:s11], [sflag:$0x1] =	stream.indirect.gather [hbm4b:s4+s21], $0x20, s10, s21, $0xb8;
	[tilespmem:$0x14A00] =	vst v63  }
0x14e: {  	s12 =	simm.s32 $0x880;
	s13 =	simm.s32 $0x11A00  }
0x14f: {  	[tilespmem:s13], [sflag:$0x2] =	stream.indirect.gather [hbm4b:s2+s21], $0x20, s12, s21, $0xb8;
	[tilespmem:$0x14A00] =	vst v63  }
0x150: {  	s0 =	sadd.s32 $0x1, s0;
	s11 =	simm.s32 $0x400;
	s12 =	simm.s32 $0x8A00  }
0x151: {  	[tilespmem:s12], [sflag:$0x1] =	stream.indirect.gather [hbm4b:s4+s21], $0x20, s11, s21, $0xb8;
	[tilespmem:$0x14A00] =	vst v63  }
0x152: {  	p0 =	sne.s32 s0, $0x9;
	s13 =	simm.s32 $0x900  }
0x153: {  	[tilespmem:s16], [sflag:$0x2] =	stream.indirect.gather [hbm4b:s2+s21], $0x20, s13, s21, $0xb8;
	[tilespmem:$0x14A00] =	vst v63  }
.Ltmp2:
0x154: {  	_ = 	snop;
	(pc) =	sbr.rel @p0 .LBB2_2-.Ltmp2, $4  }
0x155: {  	_ = 	snop  }
0x156: {  	[tilespmem:s25], [sflag:$0x1] =	stream.indirect.gather [hbm4b:s4+s21], $0x20, s17, s21, $0xb8;
	[tilespmem:$0x14A00] =	vst v63  }
0x157: {  	_ = 	snop  }
0x158: {  	[tilespmem:s28], [sflag:$0x2] =	stream.indirect.gather [hbm4b:s2+s21], $0x20, s26, s21, $0xb8;
	[tilespmem:$0x14A00] =	vst v63  }
0x159: {  	_ =	swait.ge [sflag:s29], $0x1000  }
0x15a: {  	[sflag:s29] =	ssyncset.done $0x0  }
0x15b: {  	[sflag:s29] =	ssyncadd.s32 $0xFFFFF000  }
0x15c: {  	_ =	swait.ge [sflag:s30], $0x1000  }
0x15d: {  	[sflag:s30] =	ssyncset.done $0x0  }
0x15e: {  	[sflag:s30] =	ssyncadd.s32 $0xFFFFF000  }
0x15f: {  	_ =	swait.ge [sflag:s29], $0x1000  }
0x160: {  	[sflag:s29] =	ssyncset.done $0x0  }
0x161: {  	[sflag:s29] =	ssyncadd.s32 $0xFFFFF000  }
0x162: {  	_ =	swait.ge [sflag:s30], $0x1000  }
0x163: {  	[sflag:s30] =	ssyncset.done $0x0  }
0x164: {  	[sflag:s30] =	ssyncadd.s32 $0xFFFFF000  }
0x165: {  	_ =	swait.ge [sflag:s29], $0x1000  }
0x166: {  	[sflag:s29] =	ssyncset.done $0x0  }
0x167: {  	[sflag:s29] =	ssyncadd.s32 $0xFFFFF000  }
0x168: {  	_ =	swait.ge [sflag:s30], $0x1000  }
0x169: {  	[sflag:s30] =	ssyncset.done $0x0  }
0x16a: {  	[sflag:s30] =	ssyncadd.s32 $0xFFFFF000  }
0x16b: {  	_ =	swait.ge [sflag:s29], $0x1000  }
0x16c: {  	[sflag:s29] =	ssyncset.done $0x0  }
0x16d: {  	[sflag:s29] =	ssyncadd.s32 $0xFFFFF000  }
0x16e: {  	_ =	swait.ge [sflag:s30], $0x1000  }
0x16f: {  	[sflag:s30] =	ssyncset.done $0x0  }
0x170: {  	[sflag:s30] =	ssyncadd.s32 $0xFFFFF000  }
0x171: {  	_ =	swait.ge [sflag:s29], $0x1000  }
0x172: {  	[sflag:s29] =	ssyncset.done $0x0  }
0x173: {  	[sflag:s29] =	ssyncadd.s32 $0xFFFFF000  }
0x174: {  	_ =	swait.ge [sflag:s30], $0x1000  }
0x175: {  	[sflag:s30] =	ssyncset.done $0x0  }
0x176: {  	s0 =	simm.s32 $0xA80;
	[sflag:s30] =	ssyncadd.s32 $0xFFFFF000  }
0x177: {  	s1 =	simm.s32 $0xAA80;
	v0 =	vld [tilespmem:s0+$0x60]  }
0x178: {  	v1 =	vld [tilespmem:s1+$0x60]  }
0x179: {  	v4 =	vld [tilespmem:s1+$0xFFFFFF80]  }
0x17a: {  	v2 =	vld [tilespmem:s0+$0xFFFFFFA0]  }
0x17b: {  	v3 =	vld [tilespmem:s1+$0xFFFFFFA0]  }
0x17c: {  	v5 =	vld [tilespmem:s0+$0xFFFFFFC0]  }
0x17d: {  	v6 =	vld [tilespmem:s0+$0xFFFFFFE0]  }
0x17e: {  	v7 =	vld [tilespmem:s0+$0x70]  }
0x17f: {  	v8 =	vld [tilespmem:s0+$0x0]  }
0x180: {  	v9 =	vld [tilespmem:s1+$0x0]  }
0x181: {  	v11 =	vld [tilespmem:s0+$0x20];
	v0 =	vadd.f32 v1, v0  }
0x182: {  	v12 =	vld [tilespmem:s1+$0x20]  }
0x183: {  	[tilespmem:s0+$0x60] =	vst v0;
	v0 =	vld [tilespmem:s1+$0xFFFFFFE0]  }
0x184: {  	v1 =	vld [tilespmem:s1+$0xFFFFFFC0]  }
0x185: {  	v13 =	vld [tilespmem:s0+$0x40]  }
0x186: {  	v63 =	vld [tilespmem:s0+$0xFFFFFFB0];
	v2 =	vadd.f32 v3, v2  }
0x187: {  	v10 =	vld [tilespmem:s1+$0x70]  }
0x188: {  	[tilespmem:s0+$0xFFFFFFA0] =	vst v2;
	v0 =	vadd.f32 v0, v6;
	v6 =	vld [tilespmem:s0+$0xFFFFFF80]  }
0x189: {  	v14 =	vld [tilespmem:s1+$0xFFFFFFB0];
	v1 =	vadd.f32 v1, v5  }
0x18a: {  	v5 =	vld [tilespmem:s1+$0x40]  }
0x18b: {  	[tilespmem:s0+$0xFFFFFFC0] =	vst v1;
	v1 =	vadd.f32 v9, v8;
	v8 =	vadd.f32 v12, v11;
	v11 =	vld [tilespmem:s0+$0xFFFFFF90]  }
0x18c: {  	v9 =	vld [tilespmem:s0+$0xFFFFFFD0]  }
0x18d: {  	v3 =	vld [tilespmem:s1+$0xFFFFFFD0];
	[tilespmem:s0+$0xFFFFFFE0] =	vst v0;
	v4 =	vadd.f32 v4, v6  }
0x18e: {  	[tilespmem:s0+$0x20] =	vst v8;
	v8 =	vld [tilespmem:s0+$0xFFFFFFF0]  }
0x18f: {  	v2 =	vld [tilespmem:s1+$0xFFFFFFF0];
	[tilespmem:s0+$0xFFFFFF80] =	vst v4  }
0x190: {  	[tilespmem:s0+$0x0] =	vst v1;
	v62 =	vld [tilespmem:s1+$0xFFFFFF90]  }
0x191: {  	v7 =	vadd.f32 v10, v7;
	v0 =	vld [tilespmem:s1+$0x10]  }
0x192: {  	v1 =	vld [tilespmem:s1+$0x30]  }
0x193: {  	v5 =	vadd.f32 v5, v13;
	[tilespmem:s0+$0x70] =	vst v7;
	v7 =	vld [tilespmem:s0+$0x50]  }
0x194: {  	v6 =	vld [tilespmem:s0+$0x10]  }
0x195: {  	[tilespmem:s0+$0x40] =	vst v5;
	v5 =	vld [tilespmem:s0+$0x30];
	v11 =	vadd.f32 v62, v11  }
0x196: {  	s10 =	simm.s32 $0x0;
	s11 =	simm.s32 $0xB80;
	v10 =	vadd.f32 v14, v63;
	v4 =	vld [tilespmem:s1+$0x50]  }
.LBB2_8:
0x197: {  	v12 =	vld [tilespmem:s11+$0x60];
	[tilespmem:s0+$0xFFFFFF90] =	vst v11;
	v3 =	vadd.f32 v3, v9;
	s1 =	sadd.s32 $0x100, s1  }
0x198: {  	s10 =	sadd.s32 $0x8, s10;
	v9 =	vld [tilespmem:s1+$0x60];
	[tilespmem:s0+$0xFFFFFFB0] =	vst v10;
	v2 =	vadd.f32 v2, v8  }
0x199: {  	p0 =	slt.u32 s10, $0x278;
	v8 =	vld [tilespmem:s1+$0xFFFFFF80];
	[tilespmem:s0+$0xFFFFFFD0] =	vst v3;
	v0 =	vadd.f32 v0, v6  }
0x19a: {  	v3 =	vld [tilespmem:s11+$0xFFFFFFA0];
	[tilespmem:s0+$0xFFFFFFF0] =	vst v2;
	v1 =	vadd.f32 v1, v5  }
0x19b: {  	v2 =	vld [tilespmem:s1+$0xFFFFFFA0];
	[tilespmem:s0+$0x10] =	vst v0;
	v0 =	vadd.f32 v4, v7  }
0x19c: {  	v4 =	vld [tilespmem:s11+$0xFFFFFFC0];
	[tilespmem:s0+$0x30] =	vst v1  }
0x19d: {  	v1 =	vld [tilespmem:s1+$0xFFFFFFC0];
	v5 =	vadd.f32 v9, v12;
	[tilespmem:s0+$0x50] =	vst v0;
	s0 =	smov.u32 s11  }
0x19e: {  	v0 =	vld [tilespmem:s11+$0xFFFFFFE0]  }
0x19f: {  	[tilespmem:s11+$0x60] =	vst v5;
	v5 =	vld [tilespmem:s11+$0x70]  }
0x1a0: {  	v2 =	vadd.f32 v2, v3;
	v3 =	vld [tilespmem:s1+$0x70]  }
0x1a1: {  	v6 =	vld [tilespmem:s1+$0xFFFFFFE0]  }
0x1a2: {  	[tilespmem:s11+$0xFFFFFFA0] =	vst v2;
	v1 =	vadd.f32 v1, v4;
	v2 =	vld [tilespmem:s11+$0x0]  }
0x1a3: {  	v4 =	vld [tilespmem:s1+$0x0]  }
0x1a4: {  	[tilespmem:s11+$0xFFFFFFC0] =	vst v1;
	v1 =	vld [tilespmem:s11+$0x20]  }
0x1a5: {  	v7 =	vld [tilespmem:s1+$0x20];
	v3 =	vadd.f32 v3, v5  }
0x1a6: {  	v0 =	vadd.f32 v6, v0;
	v5 =	vld [tilespmem:s11+$0x40]  }
0x1a7: {  	v6 =	vld [tilespmem:s1+$0x40];
	[tilespmem:s11+$0x70] =	vst v3  }
0x1a8: {  	v9 =	vld [tilespmem:s11+$0xFFFFFF80];
	[tilespmem:s11+$0xFFFFFFE0] =	vst v0;
	v0 =	vadd.f32 v4, v2  }
0x1a9: {  	v10 =	vld [tilespmem:s1+$0xFFFFFFB0]  }
0x1aa: {  	v3 =	vld [tilespmem:s1+$0xFFFFFFD0];
	[tilespmem:s11+$0x0] =	vst v0;
	v1 =	vadd.f32 v7, v1  }
0x1ab: {  	v2 =	vld [tilespmem:s1+$0xFFFFFFF0]  }
0x1ac: {  	v0 =	vld [tilespmem:s1+$0x10];
	[tilespmem:s11+$0x20] =	vst v1;
	v4 =	vadd.f32 v6, v5  }
0x1ad: {  	v5 =	vadd.f32 v8, v9;
	v1 =	vld [tilespmem:s1+$0x30]  }
0x1ae: {  	v7 =	vld [tilespmem:s11+$0xFFFFFF90];
	[tilespmem:s11+$0x40] =	vst v4  }
0x1af: {  	[tilespmem:s11+$0xFFFFFF80] =	vst v5;
	v4 =	vld [tilespmem:s1+$0x50]  }
0x1b0: {  	v5 =	vld [tilespmem:s1+$0xFFFFFF90]  }
0x1b1: {  	v12 =	vld [tilespmem:s11+$0xFFFFFFB0]  }
.Ltmp3:
0x1b2: {  	v9 =	vld [tilespmem:s11+$0xFFFFFFD0];
	(pc) =	sbr.rel @p0 .LBB2_8-.Ltmp3, $4  }
0x1b3: {  	v8 =	vld [tilespmem:s11+$0xFFFFFFF0]  }
0x1b4: {  	v6 =	vld [tilespmem:s11+$0x10]  }
0x1b5: {  	v11 =	vadd.f32 v5, v7;
	v5 =	vld [tilespmem:s11+$0x30]  }
0x1b6: {  	s11 =	sadd.s32 $0x100, s11;
	v10 =	vadd.f32 v10, v12;
	v7 =	vld [tilespmem:s0+$0x50]  }
0x1b7: {  	[tilespmem:s0+$0xFFFFFF90] =	vst v11;
	v3 =	vadd.f32 v3, v9  }
0x1b8: {  	[tilespmem:s0+$0xFFFFFFB0] =	vst v10;
	v2 =	vadd.f32 v2, v8  }
0x1b9: {  	[tilespmem:s0+$0xFFFFFFD0] =	vst v3;
	v0 =	vadd.f32 v0, v6  }
0x1ba: {  	[tilespmem:s0+$0xFFFFFFF0] =	vst v2;
	v1 =	vadd.f32 v1, v5  }
0x1bb: {  	[tilespmem:s0+$0x10] =	vst v0;
	v0 =	vadd.f32 v4, v7  }
0x1bc: {  	[tilespmem:s0+$0x30] =	vst v1  }
0x1bd: {  	[tilespmem:s0+$0x50] =	vst v0  }
0x1be: {  	s13 =	simm.s32 $0x0;
	s1 =	rddreg [dreg:$0x7]  }
0x1bf: {  	[hbm4b:s1+s13] =	stream.linear.scatter [tilespmem:s22], [sflag:$0x3], $0x5000, $0x38;
	[tilespmem:$0x14A00] =	vst v63  }
0x1c0: {  	_ =	swait.ge [sflag:s29], $0x1000  }
0x1c1: {  	[sflag:s29] =	ssyncset.done $0x0  }
0x1c2: {  	[sflag:s29] =	ssyncadd.s32 $0xFFFFF000  }
0x1c3: {  	_ =	swait.ge [sflag:s30], $0x1000  }
0x1c4: {  	[sflag:s30] =	ssyncset.done $0x0  }
0x1c5: {  	[sflag:s30] =	ssyncadd.s32 $0xFFFFF000  }
0x1c6: {  	_ =	swait.ge [sflag:s29], $0x1000  }
0x1c7: {  	[sflag:s29] =	ssyncset.done $0x0  }
0x1c8: {  	[sflag:s29] =	ssyncadd.s32 $0xFFFFF000  }
0x1c9: {  	_ =	swait.ge [sflag:s30], $0x1000  }
0x1ca: {  	[sflag:s30] =	ssyncset.done $0x0  }
0x1cb: {  	[sflag:s30] =	ssyncadd.s32 $0xFFFFF000  }
0x1cc: {  	_ =	swait.ge [sflag:s29], $0x1000  }
0x1cd: {  	[sflag:s29] =	ssyncset.done $0x0  }
0x1ce: {  	[sflag:s29] =	ssyncadd.s32 $0xFFFFF000  }
0x1cf: {  	_ =	swait.ge [sflag:s30], $0x1000  }
0x1d0: {  	[sflag:s30] =	ssyncset.done $0x0  }
0x1d1: {  	[sflag:s30] =	ssyncadd.s32 $0xFFFFF000  }
0x1d2: {  	_ =	swait.ge [sflag:s29], $0x1000  }
0x1d3: {  	[sflag:s29] =	ssyncset.done $0x0  }
0x1d4: {  	[sflag:s29] =	ssyncadd.s32 $0xFFFFF000  }
0x1d5: {  	_ =	swait.ge [sflag:s30], $0x1000  }
0x1d6: {  	[sflag:s30] =	ssyncset.done $0x0  }
0x1d7: {  	[sflag:s30] =	ssyncadd.s32 $0xFFFFF000  }
0x1d8: {  	_ =	swait.ge [sflag:s29], $0x1000  }
0x1d9: {  	[sflag:s29] =	ssyncset.done $0x0  }
0x1da: {  	[sflag:s29] =	ssyncadd.s32 $0xFFFFF000  }
0x1db: {  	_ =	swait.ge [sflag:s30], $0x1000  }
0x1dc: {  	[sflag:s30] =	ssyncset.done $0x0  }
0x1dd: {  	s0 =	simm.s32 $0x0;
	[sflag:s30] =	ssyncadd.s32 $0xFFFFF000  }
0x1de: {  	v0 =	vld [tilespmem:s0+$0x5AF0]  }
0x1df: {  	v1 =	vld [tilespmem:s0+$0xFAF0]  }
0x1e0: {  	v2 =	vld [tilespmem:s0+$0x5A00]  }
0x1e1: {  	v3 =	vld [tilespmem:s0+$0xFA00]  }
0x1e2: {  	v4 =	vld [tilespmem:s0+$0x5A10]  }
0x1e3: {  	v5 =	vld [tilespmem:s0+$0xFA10]  }
0x1e4: {  	v6 =	vld [tilespmem:s0+$0x5A20]  }
0x1e5: {  	v7 =	vld [tilespmem:s0+$0xFA20]  }
0x1e6: {  	v57 =	vld [tilespmem:s0+$0x5A30]  }
0x1e7: {  	v58 =	vld [tilespmem:s0+$0xFA30]  }
0x1e8: {  	v59 =	vld [tilespmem:s0+$0x5A40]  }
0x1e9: {  	v60 =	vld [tilespmem:s0+$0xFA40]  }
0x1ea: {  	v12 =	vld [tilespmem:s0+$0x5A50]  }
0x1eb: {  	v13 =	vld [tilespmem:s0+$0xFA50]  }
0x1ec: {  	v14 =	vld [tilespmem:s0+$0x5A60]  }
0x1ed: {  	v15 =	vld [tilespmem:s0+$0xFA60]  }
0x1ee: {  	v16 =	vld [tilespmem:s0+$0x5A70]  }
0x1ef: {  	v61 =	vld [tilespmem:s0+$0xFAA0];
	v0 =	vadd.f32 v1, v0  }
0x1f0: {  	v1 =	vld [tilespmem:s0+$0xFA70];
	v2 =	vadd.f32 v3, v2  }
0x1f1: {  	v3 =	vld [tilespmem:s0+$0x5A80];
	[tilespmem:s0+$0x5AF0] =	vst v0;
	v0 =	vadd.f32 v5, v4  }
0x1f2: {  	v4 =	vld [tilespmem:s0+$0xFA80];
	[tilespmem:s0+$0x5A00] =	vst v2;
	v2 =	vadd.f32 v7, v6  }
0x1f3: {  	v5 =	vld [tilespmem:s0+$0x5A90];
	[tilespmem:s0+$0x5A10] =	vst v0;
	v0 =	vadd.f32 v58, v57  }
0x1f4: {  	v6 =	vld [tilespmem:s0+$0xFA90];
	[tilespmem:s0+$0x5A20] =	vst v2;
	v2 =	vadd.f32 v60, v59  }
0x1f5: {  	v7 =	vld [tilespmem:s0+$0x5AA0];
	v1 =	vadd.f32 v1, v16;
	[tilespmem:s0+$0x5A30] =	vst v0  }
0x1f6: {  	v62 =	vld [tilespmem:s0+$0x5AB0];
	v0 =	vadd.f32 v13, v12;
	[tilespmem:s0+$0x5A40] =	vst v2  }
0x1f7: {  	v63 =	vld [tilespmem:s0+$0xFAB0];
	v2 =	vadd.f32 v15, v14;
	[tilespmem:s0+$0x5A70] =	vst v1  }
0x1f8: {  	v3 =	vadd.f32 v4, v3;
	[tilespmem:s0+$0x5A50] =	vst v0;
	v0 =	vld [tilespmem:s0+$0x5AC0]  }
0x1f9: {  	v4 =	vadd.f32 v6, v5;
	[tilespmem:s0+$0x5A60] =	vst v2;
	v2 =	vld [tilespmem:s0+$0xFAC0]  }
0x1fa: {  	v5 =	vadd.f32 v61, v7;
	v1 =	vld [tilespmem:s0+$0x5AD0];
	[tilespmem:s0+$0x5A80] =	vst v3  }
0x1fb: {  	[tilespmem:s0+$0x5A90] =	vst v4;
	v3 =	vld [tilespmem:s0+$0xFAD0]  }
0x1fc: {  	s10 =	simm.s32 $0x400;
	s1 =	simm.s32 $0x0;
	[tilespmem:s0+$0x5AA0] =	vst v5;
	v5 =	vadd.f32 v63, v62;
	v4 =	vld [tilespmem:s0+$0x5AE0]  }
.LBB2_10:
0x1fd: {  	s11 =	sshra.s32 s10, $0x2;
	v6 =	vld [tilespmem:s0+$0xFAE0]  }
0x1fe: {  	s1 =	sadd.s32 $0x8, s1;
	v7 =	vld [tilespmem:s11+$0x5AF0];
	[tilespmem:s0+$0x5AB0] =	vst v5;
	v0 =	vadd.f32 v2, v0  }
0x1ff: {  	p0 =	slt.u32 s1, $0x278;
	v2 =	vld [tilespmem:s11+$0xFAF0]  }
0x200: {  	v5 =	vld [tilespmem:s11+$0x5A00];
	[tilespmem:s0+$0x5AC0] =	vst v0;
	v0 =	vadd.f32 v3, v1  }
0x201: {  	v1 =	vld [tilespmem:s11+$0xFA00]  }
0x202: {  	v3 =	vld [tilespmem:s11+$0x5A10];
	[tilespmem:s0+$0x5AD0] =	vst v0;
	v0 =	vadd.f32 v6, v4  }
0x203: {  	v4 =	vld [tilespmem:s11+$0xFA10]  }
0x204: {  	v6 =	vld [tilespmem:s11+$0x5A20];
	v2 =	vadd.f32 v2, v7;
	[tilespmem:s0+$0x5AE0] =	vst v0;
	s0 =	smov.u32 s11  }
0x205: {  	v0 =	vld [tilespmem:s0+$0xFA20]  }
0x206: {  	v1 =	vadd.f32 v1, v5;
	v5 =	vld [tilespmem:s0+$0x5A30];
	[tilespmem:s0+$0x5AF0] =	vst v2  }
0x207: {  	v2 =	vld [tilespmem:s0+$0xFA30]  }
0x208: {  	[tilespmem:s0+$0x5A00] =	vst v1;
	v1 =	vadd.f32 v4, v3;
	v3 =	vld [tilespmem:s0+$0x5A40]  }
0x209: {  	v4 =	vld [tilespmem:s0+$0xFA40]  }
0x20a: {  	[tilespmem:s0+$0x5A10] =	vst v1;
	v0 =	vadd.f32 v0, v6;
	v1 =	vld [tilespmem:s0+$0x5A50]  }
0x20b: {  	v6 =	vld [tilespmem:s0+$0xFA50]  }
0x20c: {  	[tilespmem:s0+$0x5A20] =	vst v0;
	v0 =	vadd.f32 v2, v5;
	v2 =	vld [tilespmem:s0+$0x5A60]  }
0x20d: {  	v5 =	vld [tilespmem:s0+$0xFA60]  }
0x20e: {  	[tilespmem:s0+$0x5A30] =	vst v0;
	v0 =	vadd.f32 v4, v3;
	v3 =	vld [tilespmem:s0+$0x5A70]  }
0x20f: {  	v4 =	vld [tilespmem:s0+$0xFA70]  }
0x210: {  	[tilespmem:s0+$0x5A40] =	vst v0;
	v0 =	vadd.f32 v6, v1;
	v1 =	vld [tilespmem:s0+$0x5A80]  }
0x211: {  	v6 =	vld [tilespmem:s0+$0xFA80]  }
0x212: {  	[tilespmem:s0+$0x5A50] =	vst v0;
	v0 =	vadd.f32 v5, v2;
	v2 =	vld [tilespmem:s0+$0x5A90]  }
0x213: {  	v5 =	vld [tilespmem:s0+$0xFA90]  }
0x214: {  	[tilespmem:s0+$0x5A60] =	vst v0;
	v0 =	vadd.f32 v4, v3;
	v3 =	vld [tilespmem:s0+$0x5AA0]  }
0x215: {  	v4 =	vld [tilespmem:s0+$0xFAA0]  }
0x216: {  	[tilespmem:s0+$0x5A70] =	vst v0;
	v0 =	vadd.f32 v6, v1;
	v6 =	vld [tilespmem:s0+$0x5AB0]  }
0x217: {  	v7 =	vld [tilespmem:s0+$0xFAB0]  }
.Ltmp4:
0x218: {  	[tilespmem:s0+$0x5A80] =	vst v0;
	v1 =	vadd.f32 v5, v2;
	v0 =	vld [tilespmem:s0+$0x5AC0];
	(pc) =	sbr.rel @p0 .LBB2_10-.Ltmp4, $4  }
0x219: {  	v2 =	vld [tilespmem:s0+$0xFAC0]  }
0x21a: {  	[tilespmem:s0+$0x5A90] =	vst v1;
	v4 =	vadd.f32 v4, v3;
	v1 =	vld [tilespmem:s0+$0x5AD0]  }
0x21b: {  	v3 =	vld [tilespmem:s0+$0xFAD0]  }
0x21c: {  	s10 =	sadd.s32 $0x400, s10;
	[tilespmem:s0+$0x5AA0] =	vst v4;
	v5 =	vadd.f32 v7, v6;
	v4 =	vld [tilespmem:s0+$0x5AE0]  }
0x21d: {  	v6 =	vld [tilespmem:s0+$0xFAE0];
	_ =	sdelay $0x2  }
0x21e: {  	v0 =	vadd.f32 v2, v0  }
0x21f: {  	[tilespmem:s0+$0x5AB0] =	vst v5;
	v1 =	vadd.f32 v3, v1  }
0x220: {  	[tilespmem:s0+$0x5AC0] =	vst v0;
	v63 =	vadd.f32 v6, v4  }
0x221: {  	[tilespmem:s0+$0x5AD0] =	vst v1  }
0x222: {  	[tilespmem:s0+$0x5AE0] =	vst v63  }
0x223: {  	s0 =	rddreg [dreg:$0x8]  }
0x224: {  	[hbm4b:s0+s3] =	stream.linear.scatter [tilespmem:s24], [sflag:$0x3], $0x5000, $0x38;
	[tilespmem:$0x14A00] =	vst v63  }
0x225: {  	_ =	swait.ge [sflag:s31], $0x5000  }
0x226: {  	[sflag:s31] =	ssyncset.done $0x0  }
0x227: {  	[sflag:s31] =	ssyncadd.s32 $0xFFFFB000  }
0x228: {  	_ =	swait.ge [sflag:s31], $0x5000  }
0x229: {  	s1 =	rddreg [dreg:$0xa]  }
0x22a: {  	s13 =	rddreg [dreg:$0x9];
	s1 =	sadd.s32 $0x1, s1  }
0x22b: {  	p0 =	sne.s32 s1, s13  }
.Ltmp5:
0x22c: {  	_ = 	snop;
	(pc) =	sbr.rel @p0 .LBB2_1-.Ltmp5, $3  }
0x22d: {  	_ =	sdelay $0x1  }
0x22e: {  	[sflag:s31] =	ssyncset.done $0x0  }
0x22f: {  	[sflag:s31] =	ssyncadd.s32 $0xFFFFB000  }
0x230: {  	_ =	sfence.sel $0x180000  }
0x231: {  	[bflag:$0x0] =	sbarrier.arrive $0xFFFF  }
0x232: {  	_ =	strace $0x90000047  }
0x233: {  	s0 =	stileid.u32;
	[bflag:$0x2] =	sbarrier.arrive $0xFFFF  }
0x234: {  	p0 =	sne.s32 s0, $0x0;
	s0 =	rddreg [dreg:$0x2]  }
0x235: {  	s0 =	sadd.s32 @!p0 $0x100000, s0  }
0x236: {  	[sflag:s0] =	ssyncadd.tile.s32 @!p0 $0x1;
	_ =	shalt  }
.Lfunc_end2:
_tile_overlayer_lowered:
.L_overlay_start_2:
0x237: {  	(tag) =	ssettag $0x2  }
0x238: {  	s0 =	rddreg [dreg:$0x0];
	s2 =	stileid.u32  }
0x239: {  	s1 =	rddreg [dreg:$0x1];
	p0 =	sne.s32 s2, $0x0  }
0x23a: {  	s3 =	rddreg [dreg:$0x2];
	[bflag:$0x3] =	sbarrier.arrive $0xFFFF;
	s2 =	simm.s32 @!p0 $0x1C04  }
0x23b: {  	[timem:s3], [sflag:s2] =	dma.local @!p0 [hbm:s0], s1  }
0x23c: {  	s0 =	simm.s32 @!p0 $0x4  }
0x23d: {  	_ =	swait.ge @!p0 [sflag:s0], s1  }
0x23e: {  	s1 =	ssub.s32 @!p0 $0x0, s1;
	[sflag:s0] =	ssyncset.done @!p0 $0x0  }
0x23f: {  	[sflag:s0] =	ssyncadd.s32 @!p0 s1  }
0x240: {  	[bflag:$0x3] =	sbarrier.arrive $0xFFFF  }
0x241: {  	_ =	shalt  }

</sc_bundles>
